<compile_context>
chip_gen: v7x
topology: tpu7x:2x2x1
jax: 0.10.2.dev20260603
libtpu: 0.0.44.dev20260713+nightly
codegen_flags: <defaults>
</compile_context>

<pallas_src>
import jax
import jax.numpy as jnp
from jax import lax
from jax.experimental import pallas as pl
from jax.experimental.pallas import tpu as pltpu
from jax.experimental.pallas import tpu_sc as plsc

B = 1024
NF = 26
V = 1000
D = 16
S = NF * V

NCORE = 2
NSUB = 16
D_PER_CORE = D // NCORE
PAIRS_PER_CORE = NF * D_PER_CORE
PAIRS_PER_W = PAIRS_PER_CORE // NSUB
CHUNKS = B // 16
COLS_PER_W = B // NSUB

_sc_mesh = plsc.VectorSubcoreMesh(core_axis_name="c", subcore_axis_name="s")


def _sc_body(xt_hbm, tbl_hbm, emb_hbm, fmp_hbm,
             trows_v, xrows_v, embuf_v, vs_v, vq_v,
             accs_v, accq_v, tmp_v, shs_v, shq_v, sem):
    cid = lax.axis_index("c")
    sid = lax.axis_index("s")
    zero16 = jnp.zeros((16,), jnp.float32)

    copies = []
    for j in range(PAIRS_PER_W):
        p_local = sid * PAIRS_PER_W + j
        f = p_local // D_PER_CORE
        dl = p_local % D_PER_CORE
        prow = f * D + cid * D_PER_CORE + dl
        copies.append(pltpu.async_copy(tbl_hbm.at[prow], trows_v.at[j], sem))
        copies.append(pltpu.async_copy(xt_hbm.at[f], xrows_v.at[j], sem))

    def z_body(k, _):
        o = k * 16
        for r in range(D_PER_CORE):
            vs_v[r, pl.ds(o, 16)] = zero16
            vq_v[r, pl.ds(o, 16)] = zero16
        return 0

    lax.fori_loop(0, CHUNKS, z_body, 0, unroll=4)
    for c in copies:
        c.wait()

    def pair_body(j, _):
        p_local = sid * PAIRS_PER_W + j
        dl = p_local % D_PER_CORE

        def chunk_body(k, _):
            o = k * 16
            idx = xrows_v[j, pl.ds(o, 16)]
            e = plsc.load_gather(trows_v.at[j], [idx])
            embuf_v[j, pl.ds(o, 16)] = e
            vs_v[dl, pl.ds(o, 16)] = vs_v[dl, pl.ds(o, 16)] + e
            vq_v[dl, pl.ds(o, 16)] = vq_v[dl, pl.ds(o, 16)] + e * e
            return 0

        lax.fori_loop(0, CHUNKS, chunk_body, 0, unroll=4)
        return 0

    lax.fori_loop(0, PAIRS_PER_W, pair_body, 0)

    wcopies = []
    for j in range(PAIRS_PER_W):
        p_local = sid * PAIRS_PER_W + j
        f = p_local // D_PER_CORE
        dl = p_local % D_PER_CORE
        prow = f * D + cid * D_PER_CORE + dl
        wcopies.append(pltpu.async_copy(embuf_v.at[j], emb_hbm.at[prow], sem))

    pltpu.sync_copy(vs_v, shs_v.at[sid])
    pltpu.sync_copy(vq_v, shq_v.at[sid])
    plsc.subcore_barrier()

    def za_body(k, _):
        o = k * 16
        for r in range(D_PER_CORE):
            accs_v[r, pl.ds(o, 16)] = zero16
            accq_v[r, pl.ds(o, 16)] = zero16
        return 0

    lax.fori_loop(0, COLS_PER_W // 16, za_body, 0, unroll=4)

    col0 = sid * COLS_PER_W

    def red_body(t, _):
        pltpu.sync_copy(shs_v.at[t, :, pl.ds(col0, COLS_PER_W)], tmp_v)
        for r in range(D_PER_CORE):
            for k2 in range(COLS_PER_W // 16):
                o = k2 * 16
                accs_v[r, pl.ds(o, 16)] = (
                    accs_v[r, pl.ds(o, 16)] + tmp_v[r, pl.ds(o, 16)])
        pltpu.sync_copy(shq_v.at[t, :, pl.ds(col0, COLS_PER_W)], tmp_v)
        for r in range(D_PER_CORE):
            for k2 in range(COLS_PER_W // 16):
                o = k2 * 16
                accq_v[r, pl.ds(o, 16)] = (
                    accq_v[r, pl.ds(o, 16)] + tmp_v[r, pl.ds(o, 16)])
        return 0

    lax.fori_loop(0, NSUB, red_body, 0)

    for r in range(D_PER_CORE):
        for k2 in range(COLS_PER_W // 16):
            o = k2 * 16
            sv = accs_v[r, pl.ds(o, 16)]
            qv = accq_v[r, pl.ds(o, 16)]
            tmp_v[r, pl.ds(o, 16)] = sv * sv - qv
    for r in range(D_PER_CORE):
        pltpu.sync_copy(tmp_v.at[r], fmp_hbm.at[cid * D_PER_CORE + r,
                                                pl.ds(col0, COLS_PER_W)])
    for c in wcopies:
        c.wait()


def _make_sc_call():
    return pl.kernel(
        _sc_body,
        out_type=[
            jax.ShapeDtypeStruct((NF * D, B), jnp.float32),
            jax.ShapeDtypeStruct((D, B), jnp.float32),
        ],
        mesh=_sc_mesh,
        compiler_params=pltpu.CompilerParams(
            use_tc_tiling_on_sc=False, needs_layout_passes=False),
        scratch_types=[
            pltpu.VMEM((PAIRS_PER_W, V), jnp.float32),
            pltpu.VMEM((PAIRS_PER_W, B), jnp.int32),
            pltpu.VMEM((PAIRS_PER_W, B), jnp.float32),
            pltpu.VMEM((D_PER_CORE, B), jnp.float32),
            pltpu.VMEM((D_PER_CORE, B), jnp.float32),
            pltpu.VMEM((D_PER_CORE, COLS_PER_W), jnp.float32),
            pltpu.VMEM((D_PER_CORE, COLS_PER_W), jnp.float32),
            pltpu.VMEM((D_PER_CORE, COLS_PER_W), jnp.float32),
            pltpu.VMEM_SHARED((NSUB, D_PER_CORE, B), jnp.float32),
            pltpu.VMEM_SHARED((NSUB, D_PER_CORE, B), jnp.float32),
            pltpu.SemaphoreType.DMA,
        ],
    )


_sc_gather_fm = _make_sc_call()


S_BLK = 2000
N_S_BLKS = S // S_BLK


def _lin_body(x_ref, w_ref, out_ref):
    i = pl.program_id(0)
    xf = x_ref[...].astype(jnp.float32)
    wcol = lax.transpose(w_ref[0], (1, 0))
    p = jnp.sum(xf * wcol, axis=0)[None, :]

    @pl.when(i == 0)
    def _():
        out_ref[...] = p

    @pl.when(i != 0)
    def _():
        out_ref[...] += p


_lin_call = pl.pallas_call(
    _lin_body,
    grid=(N_S_BLKS,),
    in_specs=[
        pl.BlockSpec((S_BLK, B), lambda i: (i, 0)),
        pl.BlockSpec((1, 1, S_BLK), lambda i: (i, 0, 0)),
    ],
    out_specs=pl.BlockSpec((1, B), lambda i: (0, 0)),
    out_shape=jax.ShapeDtypeStruct((1, B), jnp.float32),
)


def _comb_body(lin_ref, fmp_ref, b_ref, out_ref):
    fm = 0.5 * jnp.sum(fmp_ref[...], axis=0, keepdims=True)
    out_ref[...] = lin_ref[...] + fm + b_ref[0, 0]


_comb_call = pl.pallas_call(
    _comb_body,
    in_specs=[
        pl.BlockSpec(memory_space=pltpu.VMEM),
        pl.BlockSpec(memory_space=pltpu.VMEM),
        pl.BlockSpec(memory_space=pltpu.SMEM),
    ],
    out_specs=pl.BlockSpec(memory_space=pltpu.VMEM),
    out_shape=jax.ShapeDtypeStruct((1, B), jnp.float32),
)


def kernel(x, tables, linear_W, linear_b):
    xt26 = x[:, :NF].T
    tbl = tables.transpose(0, 2, 1).reshape(NF * D, V)

    emb_t, fmp_t = _sc_gather_fm(xt26, tbl)

    lin_t = _lin_call(x.T, linear_W.T.reshape(N_S_BLKS, 1, S_BLK))

    out1 = _comb_call(lin_t, fmp_t, linear_b.reshape(1, 1)).reshape(B, 1)
    embeds = emb_t.reshape(NF, D, B).transpose(2, 0, 1)
    return (out1, embeds)

# --- scband reference (transcript-rebuilt; emitter-appended) ---
"""Pipeline reference for scband-fm-59811714564263 (READ-ONLY COPY).

The authoritative reference and input builder live on the scoring server;
editing this copy changes nothing except your own understanding.
"""

import jax, jax.numpy as jnp
import numpy as np

B = 1024
NF = 26
V = 1000
D = 16
S = NF * V  # 26000 = sum(field_dims)


def setup_inputs(seed: int = 0) -> dict:
    key = jax.random.key(seed)
    k1, k2, k3, k4 = jax.random.split(key, 4)
    x = jax.random.randint(k1, (B, S), 0, V, dtype=jnp.int32)
    # 26 embedding tables, each [V, D]; stacked since all field dims are equal
    tables = jax.random.normal(k2, (NF, V, D), dtype=jnp.float32) * 0.02
    linear_W = jax.random.normal(k3, (S, 1), dtype=jnp.float32) * 0.02
    linear_b = jnp.zeros((1,), dtype=jnp.float32)
    return {"x": x, "tables": tables, "linear_W": linear_W, "linear_b": linear_b}


def reference(x, tables, linear_W, linear_b):
    # linear part over the full (dense-ified) input
    xf = x.astype(jnp.float32)
    linear_part = xf @ linear_W + linear_b  # [B, 1]
    # embedding lookups: field i uses column i of x as index into table i
    field_ids = jnp.arange(NF)[None, :]            # [1, NF]
    embeds = tables[field_ids, x[:, :NF]]          # gather -> [B, NF, D]
    s = embeds.sum(axis=1)                         # [B, D]
    square_of_sum = s * s                          # [B, D]
    sum_of_square = (embeds * embeds).sum(axis=1)  # [B, D]
    fm_part = 0.5 * (square_of_sum - sum_of_square).sum(axis=1, keepdims=True)  # [B, 1]
    return (linear_part + fm_part, embeds)

if __name__ == "__main__":
    import jax
    _d = setup_inputs()
    print(jax.jit(kernel)(*tuple(_d.values())))

</pallas_src>

<mosaic_0001>
#map = affine_map<(d0, d1) -> (0, 0)>
module attributes {stable_mosaic.version = 14 : i64} {
  func.func @_sc_body(%arg0: i32, %arg1: i32, %arg2: memref<26x1024xi32, #tpu.memory_space<hbm>>, %arg3: memref<416x1000xf32, #tpu.memory_space<hbm>>, %arg4: memref<416x1024xf32, #tpu.memory_space<hbm>>, %arg5: memref<16x1024xf32, #tpu.memory_space<hbm>>, %arg6: memref<13x1000xf32, #tpu.memory_space<vmem>>, %arg7: memref<13x1024xi32, #tpu.memory_space<vmem>>, %arg8: memref<13x1024xf32, #tpu.memory_space<vmem>>, %arg9: memref<8x1024xf32, #tpu.memory_space<vmem>>, %arg10: memref<8x1024xf32, #tpu.memory_space<vmem>>, %arg11: memref<8x64xf32, #tpu.memory_space<vmem>>, %arg12: memref<8x64xf32, #tpu.memory_space<vmem>>, %arg13: memref<8x64xf32, #tpu.memory_space<vmem>>, %arg14: memref<16x8x1024xf32, #tpu.memory_space<vmem_shared>>, %arg15: memref<16x8x1024xf32, #tpu.memory_space<vmem_shared>>, %arg16: memref<!tpu.dma_semaphore, #tpu.memory_space<semaphore_mem>>) attributes {dimension_semantics = [#tpu.dimension_semantics<core_parallel>, #tpu.dimension_semantics<subcore_parallel>], iteration_bounds = array<i64: 2, 16>, scalar_prefetch = 0 : i64, scratch_operands = 11 : i64, tpu.core_type = #tpu.core_type<sc_vector_subcore>, window_params = [{transform_indices = #map}, {transform_indices = #map}, {transform_indices = #map}, {transform_indices = #map}]} {
    %broadcast_in_dim3A = arith.constant 0.000000e+00 : f32
    %broadcast_in_dim3A_0 = vector.broadcast %broadcast_in_dim3A : f32 to vector<16xf32>
    %mul3A = arith.constant 13 : i32
    %mul3A_1 = arith.muli %arg1, %mul3A : i32
    %add3A = arith.constant 0 : i32
    %add3A_2 = arith.addi %mul3A_1, %add3A : i32
    %jit3A = arith.constant 8 : i32
    %div3A = arith.divsi %add3A_2, %jit3A : i32
    %sign3A = arith.constant 0 : i32
    %sign3A_3 = arith.cmpi sgt, %add3A_2, %sign3A : i32
    %sign3A_4 = arith.extui %sign3A_3 : i1 to i32
    %sign3A_5 = arith.constant 0 : i32
    %sign3A_6 = arith.cmpi slt, %add3A_2, %sign3A_5 : i32
    %sign3A_7 = arith.extui %sign3A_6 : i1 to i32
    %sign3A_8 = arith.subi %sign3A_4, %sign3A_7 : i32
    %sign3A_9 = arith.constant 0 : i32
    %sign3A_10 = arith.cmpi sgt, %jit3A, %sign3A_9 : i32
    %sign3A_11 = arith.extui %sign3A_10 : i1 to i32
    %sign3A_12 = arith.constant 0 : i32
    %sign3A_13 = arith.cmpi slt, %jit3A, %sign3A_12 : i32
    %sign3A_14 = arith.extui %sign3A_13 : i1 to i32
    %sign3A_15 = arith.subi %sign3A_11, %sign3A_14 : i32
    %ne3A = arith.cmpi ne, %sign3A_8, %sign3A_15 : i32
    %rem3A = arith.remsi %add3A_2, %jit3A : i32
    %ne3A_16 = arith.constant 0 : i32
    %ne3A_17 = arith.cmpi ne, %rem3A, %ne3A_16 : i32
    %and3A = arith.andi %ne3A, %ne3A_17 : i1
    %sub3A = arith.constant 1 : i32
    %sub3A_18 = arith.subi %div3A, %sub3A : i32
    %select_n3A = arith.select %and3A, %sub3A_18, %div3A : i32
    %jit3A_19 = arith.constant 8 : i32
    %eq3A = arith.constant 0 : i32
    %eq3A_20 = arith.cmpi eq, %jit3A_19, %eq3A : i32
    %jit3A_21 = arith.constant 1 : i32
    %select_n3A_22 = arith.select %eq3A_20, %jit3A_21, %jit3A_19 : i32
    %rem3A_23 = arith.remsi %add3A_2, %select_n3A_22 : i32
    %ne3A_24 = arith.constant 0 : i32
    %ne3A_25 = arith.cmpi ne, %rem3A_23, %ne3A_24 : i32
    %lt3A = arith.constant 0 : i32
    %lt3A_26 = arith.cmpi slt, %rem3A_23, %lt3A : i32
    %lt3A_27 = arith.constant 0 : i32
    %lt3A_28 = arith.cmpi slt, %select_n3A_22, %lt3A_27 : i32
    %ne3A_29 = arith.xori %lt3A_26, %lt3A_28 : i1
    %and3A_30 = arith.andi %ne3A_29, %ne3A_25 : i1
    %add3A_31 = arith.addi %rem3A_23, %select_n3A_22 : i32
    %select_n3A_32 = arith.select %and3A_30, %add3A_31, %rem3A_23 : i32
    %mul3A_33 = arith.constant 16 : i32
    %mul3A_34 = arith.muli %select_n3A, %mul3A_33 : i32
    %mul3A_35 = arith.constant 8 : i32
    %mul3A_36 = arith.muli %arg0, %mul3A_35 : i32
    %add3A_37 = arith.addi %mul3A_34, %mul3A_36 : i32
    %add3A_38 = arith.addi %add3A_37, %select_n3A_32 : i32
    %dma_start3A = arith.constant 0 : i32
    %dma_start3A_39 = arith.constant 0 : i32
    %dma_start3A_40 = tpu.memref_slice %arg6[%dma_start3A, %dma_start3A_39] : memref<13x1000xf32, #tpu.memory_space<vmem>> -> memref<1x1000xf32, #tpu.memory_space<vmem>>
    %dma_start3A_41 = tpu.memref_squeeze %dma_start3A_40 : memref<1x1000xf32, #tpu.memory_space<vmem>> -> memref<1000xf32, #tpu.memory_space<vmem>>
    %dma_start3A_42 = arith.constant 0 : i32
    %dma_start3A_43 = tpu.memref_slice %arg3[%add3A_38, %dma_start3A_42] : memref<416x1000xf32, #tpu.memory_space<hbm>> -> memref<1x1000xf32, #tpu.memory_space<hbm>>
    %dma_start3A_44 = tpu.memref_squeeze %dma_start3A_43 : memref<1x1000xf32, #tpu.memory_space<hbm>> -> memref<1000xf32, #tpu.memory_space<hbm>>
    %dma_start3A_45 = arith.constant 0 : i32
    %dma_start3A_46 = tpu.memref_slice %arg6[%dma_start3A, %dma_start3A_45] : memref<13x1000xf32, #tpu.memory_space<vmem>> -> memref<1x1000xf32, #tpu.memory_space<vmem>>
    %dma_start3A_47 = tpu.memref_squeeze %dma_start3A_46 : memref<1x1000xf32, #tpu.memory_space<vmem>> -> memref<1000xf32, #tpu.memory_space<vmem>>
    %dma_start3A_48 = arith.constant 0 : i32
    %dma_start3A_49 = tpu.memref_slice %arg3[%add3A_38, %dma_start3A_48] : memref<416x1000xf32, #tpu.memory_space<hbm>> -> memref<1x1000xf32, #tpu.memory_space<hbm>>
    %dma_start3A_50 = tpu.memref_squeeze %dma_start3A_49 : memref<1x1000xf32, #tpu.memory_space<hbm>> -> memref<1000xf32, #tpu.memory_space<hbm>>
    tpu.enqueue_dma source(%dma_start3A_50 : memref<1000xf32, #tpu.memory_space<hbm>>) target(%dma_start3A_47 : memref<1000xf32, #tpu.memory_space<vmem>>) target_semaphore(%arg16 : memref<!tpu.dma_semaphore, #tpu.memory_space<semaphore_mem>>)
    %dma_start3A_51 = arith.constant 0 : i32
    %dma_start3A_52 = arith.constant 0 : i32
    %dma_start3A_53 = tpu.memref_slice %arg7[%dma_start3A_51, %dma_start3A_52] : memref<13x1024xi32, #tpu.memory_space<vmem>> -> memref<1x1024xi32, #tpu.memory_space<vmem>>
    %dma_start3A_54 = tpu.memref_squeeze %dma_start3A_53 : memref<1x1024xi32, #tpu.memory_space<vmem>> -> memref<1024xi32, #tpu.memory_space<vmem>>
    %dma_start3A_55 = arith.constant 0 : i32
    %dma_start3A_56 = tpu.memref_slice %arg2[%select_n3A, %dma_start3A_55] : memref<26x1024xi32, #tpu.memory_space<hbm>> -> memref<1x1024xi32, #tpu.memory_space<hbm>>
    %dma_start3A_57 = tpu.memref_squeeze %dma_start3A_56 : memref<1x1024xi32, #tpu.memory_space<hbm>> -> memref<1024xi32, #tpu.memory_space<hbm>>
    %dma_start3A_58 = arith.constant 0 : i32
    %dma_start3A_59 = tpu.memref_slice %arg7[%dma_start3A_51, %dma_start3A_58] : memref<13x1024xi32, #tpu.memory_space<vmem>> -> memref<1x1024xi32, #tpu.memory_space<vmem>>
    %dma_start3A_60 = tpu.memref_squeeze %dma_start3A_59 : memref<1x1024xi32, #tpu.memory_space<vmem>> -> memref<1024xi32, #tpu.memory_space<vmem>>
    %dma_start3A_61 = arith.constant 0 : i32
    %dma_start3A_62 = tpu.memref_slice %arg2[%select_n3A, %dma_start3A_61] : memref<26x1024xi32, #tpu.memory_space<hbm>> -> memref<1x1024xi32, #tpu.memory_space<hbm>>
    %dma_start3A_63 = tpu.memref_squeeze %dma_start3A_62 : memref<1x1024xi32, #tpu.memory_space<hbm>> -> memref<1024xi32, #tpu.memory_space<hbm>>
    tpu.enqueue_dma source(%dma_start3A_63 : memref<1024xi32, #tpu.memory_space<hbm>>) target(%dma_start3A_60 : memref<1024xi32, #tpu.memory_space<vmem>>) target_semaphore(%arg16 : memref<!tpu.dma_semaphore, #tpu.memory_space<semaphore_mem>>)
    %mul3A_64 = arith.constant 13 : i32
    %mul3A_65 = arith.muli %arg1, %mul3A_64 : i32
    %add3A_66 = arith.constant 1 : i32
    %add3A_67 = arith.addi %mul3A_65, %add3A_66 : i32
    %jit3A_68 = arith.constant 8 : i32
    %div3A_69 = arith.divsi %add3A_67, %jit3A_68 : i32
    %sign3A_70 = arith.constant 0 : i32
    %sign3A_71 = arith.cmpi sgt, %add3A_67, %sign3A_70 : i32
    %sign3A_72 = arith.extui %sign3A_71 : i1 to i32
    %sign3A_73 = arith.constant 0 : i32
    %sign3A_74 = arith.cmpi slt, %add3A_67, %sign3A_73 : i32
    %sign3A_75 = arith.extui %sign3A_74 : i1 to i32
    %sign3A_76 = arith.subi %sign3A_72, %sign3A_75 : i32
    %sign3A_77 = arith.constant 0 : i32
    %sign3A_78 = arith.cmpi sgt, %jit3A_68, %sign3A_77 : i32
    %sign3A_79 = arith.extui %sign3A_78 : i1 to i32
    %sign3A_80 = arith.constant 0 : i32
    %sign3A_81 = arith.cmpi slt, %jit3A_68, %sign3A_80 : i32
    %sign3A_82 = arith.extui %sign3A_81 : i1 to i32
    %sign3A_83 = arith.subi %sign3A_79, %sign3A_82 : i32
    %ne3A_84 = arith.cmpi ne, %sign3A_76, %sign3A_83 : i32
    %rem3A_85 = arith.remsi %add3A_67, %jit3A_68 : i32
    %ne3A_86 = arith.constant 0 : i32
    %ne3A_87 = arith.cmpi ne, %rem3A_85, %ne3A_86 : i32
    %and3A_88 = arith.andi %ne3A_84, %ne3A_87 : i1
    %sub3A_89 = arith.constant 1 : i32
    %sub3A_90 = arith.subi %div3A_69, %sub3A_89 : i32
    %select_n3A_91 = arith.select %and3A_88, %sub3A_90, %div3A_69 : i32
    %jit3A_92 = arith.constant 8 : i32
    %eq3A_93 = arith.constant 0 : i32
    %eq3A_94 = arith.cmpi eq, %jit3A_92, %eq3A_93 : i32
    %jit3A_95 = arith.constant 1 : i32
    %select_n3A_96 = arith.select %eq3A_94, %jit3A_95, %jit3A_92 : i32
    %rem3A_97 = arith.remsi %add3A_67, %select_n3A_96 : i32
    %ne3A_98 = arith.constant 0 : i32
    %ne3A_99 = arith.cmpi ne, %rem3A_97, %ne3A_98 : i32
    %lt3A_100 = arith.constant 0 : i32
    %lt3A_101 = arith.cmpi slt, %rem3A_97, %lt3A_100 : i32
    %lt3A_102 = arith.constant 0 : i32
    %lt3A_103 = arith.cmpi slt, %select_n3A_96, %lt3A_102 : i32
    %ne3A_104 = arith.xori %lt3A_101, %lt3A_103 : i1
    %and3A_105 = arith.andi %ne3A_104, %ne3A_99 : i1
    %add3A_106 = arith.addi %rem3A_97, %select_n3A_96 : i32
    %select_n3A_107 = arith.select %and3A_105, %add3A_106, %rem3A_97 : i32
    %mul3A_108 = arith.constant 16 : i32
    %mul3A_109 = arith.muli %select_n3A_91, %mul3A_108 : i32
    %mul3A_110 = arith.constant 8 : i32
    %mul3A_111 = arith.muli %arg0, %mul3A_110 : i32
    %add3A_112 = arith.addi %mul3A_109, %mul3A_111 : i32
    %add3A_113 = arith.addi %add3A_112, %select_n3A_107 : i32
    %dma_start3A_114 = arith.constant 1 : i32
    %dma_start3A_115 = arith.constant 0 : i32
    %dma_start3A_116 = tpu.memref_slice %arg6[%dma_start3A_114, %dma_start3A_115] : memref<13x1000xf32, #tpu.memory_space<vmem>> -> memref<1x1000xf32, #tpu.memory_space<vmem>>
    %dma_start3A_117 = tpu.memref_squeeze %dma_start3A_116 : memref<1x1000xf32, #tpu.memory_space<vmem>> -> memref<1000xf32, #tpu.memory_space<vmem>>
    %dma_start3A_118 = arith.constant 0 : i32
    %dma_start3A_119 = tpu.memref_slice %arg3[%add3A_113, %dma_start3A_118] : memref<416x1000xf32, #tpu.memory_space<hbm>> -> memref<1x1000xf32, #tpu.memory_space<hbm>>
    %dma_start3A_120 = tpu.memref_squeeze %dma_start3A_119 : memref<1x1000xf32, #tpu.memory_space<hbm>> -> memref<1000xf32, #tpu.memory_space<hbm>>
    %dma_start3A_121 = arith.constant 0 : i32
    %dma_start3A_122 = tpu.memref_slice %arg6[%dma_start3A_114, %dma_start3A_121] : memref<13x1000xf32, #tpu.memory_space<vmem>> -> memref<1x1000xf32, #tpu.memory_space<vmem>>
    %dma_start3A_123 = tpu.memref_squeeze %dma_start3A_122 : memref<1x1000xf32, #tpu.memory_space<vmem>> -> memref<1000xf32, #tpu.memory_space<vmem>>
    %dma_start3A_124 = arith.constant 0 : i32
    %dma_start3A_125 = tpu.memref_slice %arg3[%add3A_113, %dma_start3A_124] : memref<416x1000xf32, #tpu.memory_space<hbm>> -> memref<1x1000xf32, #tpu.memory_space<hbm>>
    %dma_start3A_126 = tpu.memref_squeeze %dma_start3A_125 : memref<1x1000xf32, #tpu.memory_space<hbm>> -> memref<1000xf32, #tpu.memory_space<hbm>>
    tpu.enqueue_dma source(%dma_start3A_126 : memref<1000xf32, #tpu.memory_space<hbm>>) target(%dma_start3A_123 : memref<1000xf32, #tpu.memory_space<vmem>>) target_semaphore(%arg16 : memref<!tpu.dma_semaphore, #tpu.memory_space<semaphore_mem>>)
    %dma_start3A_127 = arith.constant 1 : i32
    %dma_start3A_128 = arith.constant 0 : i32
    %dma_start3A_129 = tpu.memref_slice %arg7[%dma_start3A_127, %dma_start3A_128] : memref<13x1024xi32, #tpu.memory_space<vmem>> -> memref<1x1024xi32, #tpu.memory_space<vmem>>
    %dma_start3A_130 = tpu.memref_squeeze %dma_start3A_129 : memref<1x1024xi32, #tpu.memory_space<vmem>> -> memref<1024xi32, #tpu.memory_space<vmem>>
    %dma_start3A_131 = arith.constant 0 : i32
    %dma_start3A_132 = tpu.memref_slice %arg2[%select_n3A_91, %dma_start3A_131] : memref<26x1024xi32, #tpu.memory_space<hbm>> -> memref<1x1024xi32, #tpu.memory_space<hbm>>
    %dma_start3A_133 = tpu.memref_squeeze %dma_start3A_132 : memref<1x1024xi32, #tpu.memory_space<hbm>> -> memref<1024xi32, #tpu.memory_space<hbm>>
    %dma_start3A_134 = arith.constant 0 : i32
    %dma_start3A_135 = tpu.memref_slice %arg7[%dma_start3A_127, %dma_start3A_134] : memref<13x1024xi32, #tpu.memory_space<vmem>> -> memref<1x1024xi32, #tpu.memory_space<vmem>>
    %dma_start3A_136 = tpu.memref_squeeze %dma_start3A_135 : memref<1x1024xi32, #tpu.memory_space<vmem>> -> memref<1024xi32, #tpu.memory_space<vmem>>
    %dma_start3A_137 = arith.constant 0 : i32
    %dma_start3A_138 = tpu.memref_slice %arg2[%select_n3A_91, %dma_start3A_137] : memref<26x1024xi32, #tpu.memory_space<hbm>> -> memref<1x1024xi32, #tpu.memory_space<hbm>>
    %dma_start3A_139 = tpu.memref_squeeze %dma_start3A_138 : memref<1x1024xi32, #tpu.memory_space<hbm>> -> memref<1024xi32, #tpu.memory_space<hbm>>
    tpu.enqueue_dma source(%dma_start3A_139 : memref<1024xi32, #tpu.memory_space<hbm>>) target(%dma_start3A_136 : memref<1024xi32, #tpu.memory_space<vmem>>) target_semaphore(%arg16 : memref<!tpu.dma_semaphore, #tpu.memory_space<semaphore_mem>>)
    %mul3A_140 = arith.constant 13 : i32
    %mul3A_141 = arith.muli %arg1, %mul3A_140 : i32
    %add3A_142 = arith.constant 2 : i32
    %add3A_143 = arith.addi %mul3A_141, %add3A_142 : i32
    %jit3A_144 = arith.constant 8 : i32
    %div3A_145 = arith.divsi %add3A_143, %jit3A_144 : i32
    %sign3A_146 = arith.constant 0 : i32
    %sign3A_147 = arith.cmpi sgt, %add3A_143, %sign3A_146 : i32
    %sign3A_148 = arith.extui %sign3A_147 : i1 to i32
    %sign3A_149 = arith.constant 0 : i32
    %sign3A_150 = arith.cmpi slt, %add3A_143, %sign3A_149 : i32
    %sign3A_151 = arith.extui %sign3A_150 : i1 to i32
    %sign3A_152 = arith.subi %sign3A_148, %sign3A_151 : i32
    %sign3A_153 = arith.constant 0 : i32
    %sign3A_154 = arith.cmpi sgt, %jit3A_144, %sign3A_153 : i32
    %sign3A_155 = arith.extui %sign3A_154 : i1 to i32
    %sign3A_156 = arith.constant 0 : i32
    %sign3A_157 = arith.cmpi slt, %jit3A_144, %sign3A_156 : i32
    %sign3A_158 = arith.extui %sign3A_157 : i1 to i32
    %sign3A_159 = arith.subi %sign3A_155, %sign3A_158 : i32
    %ne3A_160 = arith.cmpi ne, %sign3A_152, %sign3A_159 : i32
    %rem3A_161 = arith.remsi %add3A_143, %jit3A_144 : i32
    %ne3A_162 = arith.constant 0 : i32
    %ne3A_163 = arith.cmpi ne, %rem3A_161, %ne3A_162 : i32
    %and3A_164 = arith.andi %ne3A_160, %ne3A_163 : i1
    %sub3A_165 = arith.constant 1 : i32
    %sub3A_166 = arith.subi %div3A_145, %sub3A_165 : i32
    %select_n3A_167 = arith.select %and3A_164, %sub3A_166, %div3A_145 : i32
    %jit3A_168 = arith.constant 8 : i32
    %eq3A_169 = arith.constant 0 : i32
    %eq3A_170 = arith.cmpi eq, %jit3A_168, %eq3A_169 : i32
    %jit3A_171 = arith.constant 1 : i32
    %select_n3A_172 = arith.select %eq3A_170, %jit3A_171, %jit3A_168 : i32
    %rem3A_173 = arith.remsi %add3A_143, %select_n3A_172 : i32
    %ne3A_174 = arith.constant 0 : i32
    %ne3A_175 = arith.cmpi ne, %rem3A_173, %ne3A_174 : i32
    %lt3A_176 = arith.constant 0 : i32
    %lt3A_177 = arith.cmpi slt, %rem3A_173, %lt3A_176 : i32
    %lt3A_178 = arith.constant 0 : i32
    %lt3A_179 = arith.cmpi slt, %select_n3A_172, %lt3A_178 : i32
    %ne3A_180 = arith.xori %lt3A_177, %lt3A_179 : i1
    %and3A_181 = arith.andi %ne3A_180, %ne3A_175 : i1
    %add3A_182 = arith.addi %rem3A_173, %select_n3A_172 : i32
    %select_n3A_183 = arith.select %and3A_181, %add3A_182, %rem3A_173 : i32
    %mul3A_184 = arith.constant 16 : i32
    %mul3A_185 = arith.muli %select_n3A_167, %mul3A_184 : i32
    %mul3A_186 = arith.constant 8 : i32
    %mul3A_187 = arith.muli %arg0, %mul3A_186 : i32
    %add3A_188 = arith.addi %mul3A_185, %mul3A_187 : i32
    %add3A_189 = arith.addi %add3A_188, %select_n3A_183 : i32
    %dma_start3A_190 = arith.constant 2 : i32
    %dma_start3A_191 = arith.constant 0 : i32
    %dma_start3A_192 = tpu.memref_slice %arg6[%dma_start3A_190, %dma_start3A_191] : memref<13x1000xf32, #tpu.memory_space<vmem>> -> memref<1x1000xf32, #tpu.memory_space<vmem>>
    %dma_start3A_193 = tpu.memref_squeeze %dma_start3A_192 : memref<1x1000xf32, #tpu.memory_space<vmem>> -> memref<1000xf32, #tpu.memory_space<vmem>>
    %dma_start3A_194 = arith.constant 0 : i32
    %dma_start3A_195 = tpu.memref_slice %arg3[%add3A_189, %dma_start3A_194] : memref<416x1000xf32, #tpu.memory_space<hbm>> -> memref<1x1000xf32, #tpu.memory_space<hbm>>
    %dma_start3A_196 = tpu.memref_squeeze %dma_start3A_195 : memref<1x1000xf32, #tpu.memory_space<hbm>> -> memref<1000xf32, #tpu.memory_space<hbm>>
    %dma_start3A_197 = arith.constant 0 : i32
    %dma_start3A_198 = tpu.memref_slice %arg6[%dma_start3A_190, %dma_start3A_197] : memref<13x1000xf32, #tpu.memory_space<vmem>> -> memref<1x1000xf32, #tpu.memory_space<vmem>>
    %dma_start3A_199 = tpu.memref_squeeze %dma_start3A_198 : memref<1x1000xf32, #tpu.memory_space<vmem>> -> memref<1000xf32, #tpu.memory_space<vmem>>
    %dma_start3A_200 = arith.constant 0 : i32
    %dma_start3A_201 = tpu.memref_slice %arg3[%add3A_189, %dma_start3A_200] : memref<416x1000xf32, #tpu.memory_space<hbm>> -> memref<1x1000xf32, #tpu.memory_space<hbm>>
    %dma_start3A_202 = tpu.memref_squeeze %dma_start3A_201 : memref<1x1000xf32, #tpu.memory_space<hbm>> -> memref<1000xf32, #tpu.memory_space<hbm>>
    tpu.enqueue_dma source(%dma_start3A_202 : memref<1000xf32, #tpu.memory_space<hbm>>) target(%dma_start3A_199 : memref<1000xf32, #tpu.memory_space<vmem>>) target_semaphore(%arg16 : memref<!tpu.dma_semaphore, #tpu.memory_space<semaphore_mem>>)
    %dma_start3A_203 = arith.constant 2 : i32
    %dma_start3A_204 = arith.constant 0 : i32
    %dma_start3A_205 = tpu.memref_slice %arg7[%dma_start3A_203, %dma_start3A_204] : memref<13x1024xi32, #tpu.memory_space<vmem>> -> memref<1x1024xi32, #tpu.memory_space<vmem>>
    %dma_start3A_206 = tpu.memref_squeeze %dma_start3A_205 : memref<1x1024xi32, #tpu.memory_space<vmem>> -> memref<1024xi32, #tpu.memory_space<vmem>>
    %dma_start3A_207 = arith.constant 0 : i32
    %dma_start3A_208 = tpu.memref_slice %arg2[%select_n3A_167, %dma_start3A_207] : memref<26x1024xi32, #tpu.memory_space<hbm>> -> memref<1x1024xi32, #tpu.memory_space<hbm>>
    %dma_start3A_209 = tpu.memref_squeeze %dma_start3A_208 : memref<1x1024xi32, #tpu.memory_space<hbm>> -> memref<1024xi32, #tpu.memory_space<hbm>>
    %dma_start3A_210 = arith.constant 0 : i32
    %dma_start3A_211 = tpu.memref_slice %arg7[%dma_start3A_203, %dma_start3A_210] : memref<13x1024xi32, #tpu.memory_space<vmem>> -> memref<1x1024xi32, #tpu.memory_space<vmem>>
    %dma_start3A_212 = tpu.memref_squeeze %dma_start3A_211 : memref<1x1024xi32, #tpu.memory_space<vmem>> -> memref<1024xi32, #tpu.memory_space<vmem>>
    %dma_start3A_213 = arith.constant 0 : i32
    %dma_start3A_214 = tpu.memref_slice %arg2[%select_n3A_167, %dma_start3A_213] : memref<26x1024xi32, #tpu.memory_space<hbm>> -> memref<1x1024xi32, #tpu.memory_space<hbm>>
    %dma_start3A_215 = tpu.memref_squeeze %dma_start3A_214 : memref<1x1024xi32, #tpu.memory_space<hbm>> -> memref<1024xi32, #tpu.memory_space<hbm>>
    tpu.enqueue_dma source(%dma_start3A_215 : memref<1024xi32, #tpu.memory_space<hbm>>) target(%dma_start3A_212 : memref<1024xi32, #tpu.memory_space<vmem>>) target_semaphore(%arg16 : memref<!tpu.dma_semaphore, #tpu.memory_space<semaphore_mem>>)
    %mul3A_216 = arith.constant 13 : i32
    %mul3A_217 = arith.muli %arg1, %mul3A_216 : i32
    %add3A_218 = arith.constant 3 : i32
    %add3A_219 = arith.addi %mul3A_217, %add3A_218 : i32
    %jit3A_220 = arith.constant 8 : i32
    %div3A_221 = arith.divsi %add3A_219, %jit3A_220 : i32
    %sign3A_222 = arith.constant 0 : i32
    %sign3A_223 = arith.cmpi sgt, %add3A_219, %sign3A_222 : i32
    %sign3A_224 = arith.extui %sign3A_223 : i1 to i32
    %sign3A_225 = arith.constant 0 : i32
    %sign3A_226 = arith.cmpi slt, %add3A_219, %sign3A_225 : i32
    %sign3A_227 = arith.extui %sign3A_226 : i1 to i32
    %sign3A_228 = arith.subi %sign3A_224, %sign3A_227 : i32
    %sign3A_229 = arith.constant 0 : i32
    %sign3A_230 = arith.cmpi sgt, %jit3A_220, %sign3A_229 : i32
    %sign3A_231 = arith.extui %sign3A_230 : i1 to i32
    %sign3A_232 = arith.constant 0 : i32
    %sign3A_233 = arith.cmpi slt, %jit3A_220, %sign3A_232 : i32
    %sign3A_234 = arith.extui %sign3A_233 : i1 to i32
    %sign3A_235 = arith.subi %sign3A_231, %sign3A_234 : i32
    %ne3A_236 = arith.cmpi ne, %sign3A_228, %sign3A_235 : i32
    %rem3A_237 = arith.remsi %add3A_219, %jit3A_220 : i32
    %ne3A_238 = arith.constant 0 : i32
    %ne3A_239 = arith.cmpi ne, %rem3A_237, %ne3A_238 : i32
    %and3A_240 = arith.andi %ne3A_236, %ne3A_239 : i1
    %sub3A_241 = arith.constant 1 : i32
    %sub3A_242 = arith.subi %div3A_221, %sub3A_241 : i32
    %select_n3A_243 = arith.select %and3A_240, %sub3A_242, %div3A_221 : i32
    %jit3A_244 = arith.constant 8 : i32
    %eq3A_245 = arith.constant 0 : i32
    %eq3A_246 = arith.cmpi eq, %jit3A_244, %eq3A_245 : i32
    %jit3A_247 = arith.constant 1 : i32
    %select_n3A_248 = arith.select %eq3A_246, %jit3A_247, %jit3A_244 : i32
    %rem3A_249 = arith.remsi %add3A_219, %select_n3A_248 : i32
    %ne3A_250 = arith.constant 0 : i32
    %ne3A_251 = arith.cmpi ne, %rem3A_249, %ne3A_250 : i32
    %lt3A_252 = arith.constant 0 : i32
    %lt3A_253 = arith.cmpi slt, %rem3A_249, %lt3A_252 : i32
    %lt3A_254 = arith.constant 0 : i32
    %lt3A_255 = arith.cmpi slt, %select_n3A_248, %lt3A_254 : i32
    %ne3A_256 = arith.xori %lt3A_253, %lt3A_255 : i1
    %and3A_257 = arith.andi %ne3A_256, %ne3A_251 : i1
    %add3A_258 = arith.addi %rem3A_249, %select_n3A_248 : i32
    %select_n3A_259 = arith.select %and3A_257, %add3A_258, %rem3A_249 : i32
    %mul3A_260 = arith.constant 16 : i32
    %mul3A_261 = arith.muli %select_n3A_243, %mul3A_260 : i32
    %mul3A_262 = arith.constant 8 : i32
    %mul3A_263 = arith.muli %arg0, %mul3A_262 : i32
    %add3A_264 = arith.addi %mul3A_261, %mul3A_263 : i32
    %add3A_265 = arith.addi %add3A_264, %select_n3A_259 : i32
    %dma_start3A_266 = arith.constant 3 : i32
    %dma_start3A_267 = arith.constant 0 : i32
    %dma_start3A_268 = tpu.memref_slice %arg6[%dma_start3A_266, %dma_start3A_267] : memref<13x1000xf32, #tpu.memory_space<vmem>> -> memref<1x1000xf32, #tpu.memory_space<vmem>>
    %dma_start3A_269 = tpu.memref_squeeze %dma_start3A_268 : memref<1x1000xf32, #tpu.memory_space<vmem>> -> memref<1000xf32, #tpu.memory_space<vmem>>
    %dma_start3A_270 = arith.constant 0 : i32
    %dma_start3A_271 = tpu.memref_slice %arg3[%add3A_265, %dma_start3A_270] : memref<416x1000xf32, #tpu.memory_space<hbm>> -> memref<1x1000xf32, #tpu.memory_space<hbm>>
    %dma_start3A_272 = tpu.memref_squeeze %dma_start3A_271 : memref<1x1000xf32, #tpu.memory_space<hbm>> -> memref<1000xf32, #tpu.memory_space<hbm>>
    %dma_start3A_273 = arith.constant 0 : i32
    %dma_start3A_274 = tpu.memref_slice %arg6[%dma_start3A_266, %dma_start3A_273] : memref<13x1000xf32, #tpu.memory_space<vmem>> -> memref<1x1000xf32, #tpu.memory_space<vmem>>
    %dma_start3A_275 = tpu.memref_squeeze %dma_start3A_274 : memref<1x1000xf32, #tpu.memory_space<vmem>> -> memref<1000xf32, #tpu.memory_space<vmem>>
    %dma_start3A_276 = arith.constant 0 : i32
    %dma_start3A_277 = tpu.memref_slice %arg3[%add3A_265, %dma_start3A_276] : memref<416x1000xf32, #tpu.memory_space<hbm>> -> memref<1x1000xf32, #tpu.memory_space<hbm>>
    %dma_start3A_278 = tpu.memref_squeeze %dma_start3A_277 : memref<1x1000xf32, #tpu.memory_space<hbm>> -> memref<1000xf32, #tpu.memory_space<hbm>>
    tpu.enqueue_dma source(%dma_start3A_278 : memref<1000xf32, #tpu.memory_space<hbm>>) target(%dma_start3A_275 : memref<1000xf32, #tpu.memory_space<vmem>>) target_semaphore(%arg16 : memref<!tpu.dma_semaphore, #tpu.memory_space<semaphore_mem>>)
    %dma_start3A_279 = arith.constant 3 : i32
    %dma_start3A_280 = arith.constant 0 : i32
    %dma_start3A_281 = tpu.memref_slice %arg7[%dma_start3A_279, %dma_start3A_280] : memref<13x1024xi32, #tpu.memory_space<vmem>> -> memref<1x1024xi32, #tpu.memory_space<vmem>>
    %dma_start3A_282 = tpu.memref_squeeze %dma_start3A_281 : memref<1x1024xi32, #tpu.memory_space<vmem>> -> memref<1024xi32, #tpu.memory_space<vmem>>
    %dma_start3A_283 = arith.constant 0 : i32
    %dma_start3A_284 = tpu.memref_slice %arg2[%select_n3A_243, %dma_start3A_283] : memref<26x1024xi32, #tpu.memory_space<hbm>> -> memref<1x1024xi32, #tpu.memory_space<hbm>>
    %dma_start3A_285 = tpu.memref_squeeze %dma_start3A_284 : memref<1x1024xi32, #tpu.memory_space<hbm>> -> memref<1024xi32, #tpu.memory_space<hbm>>
    %dma_start3A_286 = arith.constant 0 : i32
    %dma_start3A_287 = tpu.memref_slice %arg7[%dma_start3A_279, %dma_start3A_286] : memref<13x1024xi32, #tpu.memory_space<vmem>> -> memref<1x1024xi32, #tpu.memory_space<vmem>>
    %dma_start3A_288 = tpu.memref_squeeze %dma_start3A_287 : memref<1x1024xi32, #tpu.memory_space<vmem>> -> memref<1024xi32, #tpu.memory_space<vmem>>
    %dma_start3A_289 = arith.constant 0 : i32
    %dma_start3A_290 = tpu.memref_slice %arg2[%select_n3A_243, %dma_start3A_289] : memref<26x1024xi32, #tpu.memory_space<hbm>> -> memref<1x1024xi32, #tpu.memory_space<hbm>>
    %dma_start3A_291 = tpu.memref_squeeze %dma_start3A_290 : memref<1x1024xi32, #tpu.memory_space<hbm>> -> memref<1024xi32, #tpu.memory_space<hbm>>
    tpu.enqueue_dma source(%dma_start3A_291 : memref<1024xi32, #tpu.memory_space<hbm>>) target(%dma_start3A_288 : memref<1024xi32, #tpu.memory_space<vmem>>) target_semaphore(%arg16 : memref<!tpu.dma_semaphore, #tpu.memory_space<semaphore_mem>>)
    %mul3A_292 = arith.constant 13 : i32
    %mul3A_293 = arith.muli %arg1, %mul3A_292 : i32
    %add3A_294 = arith.constant 4 : i32
    %add3A_295 = arith.addi %mul3A_293, %add3A_294 : i32
    %jit3A_296 = arith.constant 8 : i32
    %div3A_297 = arith.divsi %add3A_295, %jit3A_296 : i32
    %sign3A_298 = arith.constant 0 : i32
    %sign3A_299 = arith.cmpi sgt, %add3A_295, %sign3A_298 : i32
    %sign3A_300 = arith.extui %sign3A_299 : i1 to i32
    %sign3A_301 = arith.constant 0 : i32
    %sign3A_302 = arith.cmpi slt, %add3A_295, %sign3A_301 : i32
    %sign3A_303 = arith.extui %sign3A_302 : i1 to i32
    %sign3A_304 = arith.subi %sign3A_300, %sign3A_303 : i32
    %sign3A_305 = arith.constant 0 : i32
    %sign3A_306 = arith.cmpi sgt, %jit3A_296, %sign3A_305 : i32
    %sign3A_307 = arith.extui %sign3A_306 : i1 to i32
    %sign3A_308 = arith.constant 0 : i32
    %sign3A_309 = arith.cmpi slt, %jit3A_296, %sign3A_308 : i32
    %sign3A_310 = arith.extui %sign3A_309 : i1 to i32
    %sign3A_311 = arith.subi %sign3A_307, %sign3A_310 : i32
    %ne3A_312 = arith.cmpi ne, %sign3A_304, %sign3A_311 : i32
    %rem3A_313 = arith.remsi %add3A_295, %jit3A_296 : i32
    %ne3A_314 = arith.constant 0 : i32
    %ne3A_315 = arith.cmpi ne, %rem3A_313, %ne3A_314 : i32
    %and3A_316 = arith.andi %ne3A_312, %ne3A_315 : i1
    %sub3A_317 = arith.constant 1 : i32
    %sub3A_318 = arith.subi %div3A_297, %sub3A_317 : i32
    %select_n3A_319 = arith.select %and3A_316, %sub3A_318, %div3A_297 : i32
    %jit3A_320 = arith.constant 8 : i32
    %eq3A_321 = arith.constant 0 : i32
    %eq3A_322 = arith.cmpi eq, %jit3A_320, %eq3A_321 : i32
    %jit3A_323 = arith.constant 1 : i32
    %select_n3A_324 = arith.select %eq3A_322, %jit3A_323, %jit3A_320 : i32
    %rem3A_325 = arith.remsi %add3A_295, %select_n3A_324 : i32
    %ne3A_326 = arith.constant 0 : i32
    %ne3A_327 = arith.cmpi ne, %rem3A_325, %ne3A_326 : i32
    %lt3A_328 = arith.constant 0 : i32
    %lt3A_329 = arith.cmpi slt, %rem3A_325, %lt3A_328 : i32
    %lt3A_330 = arith.constant 0 : i32
    %lt3A_331 = arith.cmpi slt, %select_n3A_324, %lt3A_330 : i32
    %ne3A_332 = arith.xori %lt3A_329, %lt3A_331 : i1
    %and3A_333 = arith.andi %ne3A_332, %ne3A_327 : i1
    %add3A_334 = arith.addi %rem3A_325, %select_n3A_324 : i32
    %select_n3A_335 = arith.select %and3A_333, %add3A_334, %rem3A_325 : i32
    %mul3A_336 = arith.constant 16 : i32
    %mul3A_337 = arith.muli %select_n3A_319, %mul3A_336 : i32
    %mul3A_338 = arith.constant 8 : i32
    %mul3A_339 = arith.muli %arg0, %mul3A_338 : i32
    %add3A_340 = arith.addi %mul3A_337, %mul3A_339 : i32
    %add3A_341 = arith.addi %add3A_340, %select_n3A_335 : i32
    %dma_start3A_342 = arith.constant 4 : i32
    %dma_start3A_343 = arith.constant 0 : i32
    %dma_start3A_344 = tpu.memref_slice %arg6[%dma_start3A_342, %dma_start3A_343] : memref<13x1000xf32, #tpu.memory_space<vmem>> -> memref<1x1000xf32, #tpu.memory_space<vmem>>
    %dma_start3A_345 = tpu.memref_squeeze %dma_start3A_344 : memref<1x1000xf32, #tpu.memory_space<vmem>> -> memref<1000xf32, #tpu.memory_space<vmem>>
    %dma_start3A_346 = arith.constant 0 : i32
    %dma_start3A_347 = tpu.memref_slice %arg3[%add3A_341, %dma_start3A_346] : memref<416x1000xf32, #tpu.memory_space<hbm>> -> memref<1x1000xf32, #tpu.memory_space<hbm>>
    %dma_start3A_348 = tpu.memref_squeeze %dma_start3A_347 : memref<1x1000xf32, #tpu.memory_space<hbm>> -> memref<1000xf32, #tpu.memory_space<hbm>>
    %dma_start3A_349 = arith.constant 0 : i32
    %dma_start3A_350 = tpu.memref_slice %arg6[%dma_start3A_342, %dma_start3A_349] : memref<13x1000xf32, #tpu.memory_space<vmem>> -> memref<1x1000xf32, #tpu.memory_space<vmem>>
    %dma_start3A_351 = tpu.memref_squeeze %dma_start3A_350 : memref<1x1000xf32, #tpu.memory_space<vmem>> -> memref<1000xf32, #tpu.memory_space<vmem>>
    %dma_start3A_352 = arith.constant 0 : i32
    %dma_start3A_353 = tpu.memref_slice %arg3[%add3A_341, %dma_start3A_352] : memref<416x1000xf32, #tpu.memory_space<hbm>> -> memref<1x1000xf32, #tpu.memory_space<hbm>>
    %dma_start3A_354 = tpu.memref_squeeze %dma_start3A_353 : memref<1x1000xf32, #tpu.memory_space<hbm>> -> memref<1000xf32, #tpu.memory_space<hbm>>
    tpu.enqueue_dma source(%dma_start3A_354 : memref<1000xf32, #tpu.memory_space<hbm>>) target(%dma_start3A_351 : memref<1000xf32, #tpu.memory_space<vmem>>) target_semaphore(%arg16 : memref<!tpu.dma_semaphore, #tpu.memory_space<semaphore_mem>>)
    %dma_start3A_355 = arith.constant 4 : i32
    %dma_start3A_356 = arith.constant 0 : i32
    %dma_start3A_357 = tpu.memref_slice %arg7[%dma_start3A_355, %dma_start3A_356] : memref<13x1024xi32, #tpu.memory_space<vmem>> -> memref<1x1024xi32, #tpu.memory_space<vmem>>
    %dma_start3A_358 = tpu.memref_squeeze %dma_start3A_357 : memref<1x1024xi32, #tpu.memory_space<vmem>> -> memref<1024xi32, #tpu.memory_space<vmem>>
    %dma_start3A_359 = arith.constant 0 : i32
    %dma_start3A_360 = tpu.memref_slice %arg2[%select_n3A_319, %dma_start3A_359] : memref<26x1024xi32, #tpu.memory_space<hbm>> -> memref<1x1024xi32, #tpu.memory_space<hbm>>
    %dma_start3A_361 = tpu.memref_squeeze %dma_start3A_360 : memref<1x1024xi32, #tpu.memory_space<hbm>> -> memref<1024xi32, #tpu.memory_space<hbm>>
    %dma_start3A_362 = arith.constant 0 : i32
    %dma_start3A_363 = tpu.memref_slice %arg7[%dma_start3A_355, %dma_start3A_362] : memref<13x1024xi32, #tpu.memory_space<vmem>> -> memref<1x1024xi32, #tpu.memory_space<vmem>>
    %dma_start3A_364 = tpu.memref_squeeze %dma_start3A_363 : memref<1x1024xi32, #tpu.memory_space<vmem>> -> memref<1024xi32, #tpu.memory_space<vmem>>
    %dma_start3A_365 = arith.constant 0 : i32
    %dma_start3A_366 = tpu.memref_slice %arg2[%select_n3A_319, %dma_start3A_365] : memref<26x1024xi32, #tpu.memory_space<hbm>> -> memref<1x1024xi32, #tpu.memory_space<hbm>>
    %dma_start3A_367 = tpu.memref_squeeze %dma_start3A_366 : memref<1x1024xi32, #tpu.memory_space<hbm>> -> memref<1024xi32, #tpu.memory_space<hbm>>
    tpu.enqueue_dma source(%dma_start3A_367 : memref<1024xi32, #tpu.memory_space<hbm>>) target(%dma_start3A_364 : memref<1024xi32, #tpu.memory_space<vmem>>) target_semaphore(%arg16 : memref<!tpu.dma_semaphore, #tpu.memory_space<semaphore_mem>>)
    %mul3A_368 = arith.constant 13 : i32
    %mul3A_369 = arith.muli %arg1, %mul3A_368 : i32
    %add3A_370 = arith.constant 5 : i32
    %add3A_371 = arith.addi %mul3A_369, %add3A_370 : i32
    %jit3A_372 = arith.constant 8 : i32
    %div3A_373 = arith.divsi %add3A_371, %jit3A_372 : i32
    %sign3A_374 = arith.constant 0 : i32
    %sign3A_375 = arith.cmpi sgt, %add3A_371, %sign3A_374 : i32
    %sign3A_376 = arith.extui %sign3A_375 : i1 to i32
    %sign3A_377 = arith.constant 0 : i32
    %sign3A_378 = arith.cmpi slt, %add3A_371, %sign3A_377 : i32
    %sign3A_379 = arith.extui %sign3A_378 : i1 to i32
    %sign3A_380 = arith.subi %sign3A_376, %sign3A_379 : i32
    %sign3A_381 = arith.constant 0 : i32
    %sign3A_382 = arith.cmpi sgt, %jit3A_372, %sign3A_381 : i32
    %sign3A_383 = arith.extui %sign3A_382 : i1 to i32
    %sign3A_384 = arith.constant 0 : i32
    %sign3A_385 = arith.cmpi slt, %jit3A_372, %sign3A_384 : i32
    %sign3A_386 = arith.extui %sign3A_385 : i1 to i32
    %sign3A_387 = arith.subi %sign3A_383, %sign3A_386 : i32
    %ne3A_388 = arith.cmpi ne, %sign3A_380, %sign3A_387 : i32
    %rem3A_389 = arith.remsi %add3A_371, %jit3A_372 : i32
    %ne3A_390 = arith.constant 0 : i32
    %ne3A_391 = arith.cmpi ne, %rem3A_389, %ne3A_390 : i32
    %and3A_392 = arith.andi %ne3A_388, %ne3A_391 : i1
    %sub3A_393 = arith.constant 1 : i32
    %sub3A_394 = arith.subi %div3A_373, %sub3A_393 : i32
    %select_n3A_395 = arith.select %and3A_392, %sub3A_394, %div3A_373 : i32
    %jit3A_396 = arith.constant 8 : i32
    %eq3A_397 = arith.constant 0 : i32
    %eq3A_398 = arith.cmpi eq, %jit3A_396, %eq3A_397 : i32
    %jit3A_399 = arith.constant 1 : i32
    %select_n3A_400 = arith.select %eq3A_398, %jit3A_399, %jit3A_396 : i32
    %rem3A_401 = arith.remsi %add3A_371, %select_n3A_400 : i32
    %ne3A_402 = arith.constant 0 : i32
    %ne3A_403 = arith.cmpi ne, %rem3A_401, %ne3A_402 : i32
    %lt3A_404 = arith.constant 0 : i32
    %lt3A_405 = arith.cmpi slt, %rem3A_401, %lt3A_404 : i32
    %lt3A_406 = arith.constant 0 : i32
    %lt3A_407 = arith.cmpi slt, %select_n3A_400, %lt3A_406 : i32
    %ne3A_408 = arith.xori %lt3A_405, %lt3A_407 : i1
    %and3A_409 = arith.andi %ne3A_408, %ne3A_403 : i1
    %add3A_410 = arith.addi %rem3A_401, %select_n3A_400 : i32
    %select_n3A_411 = arith.select %and3A_409, %add3A_410, %rem3A_401 : i32
    %mul3A_412 = arith.constant 16 : i32
    %mul3A_413 = arith.muli %select_n3A_395, %mul3A_412 : i32
    %mul3A_414 = arith.constant 8 : i32
    %mul3A_415 = arith.muli %arg0, %mul3A_414 : i32
    %add3A_416 = arith.addi %mul3A_413, %mul3A_415 : i32
    %add3A_417 = arith.addi %add3A_416, %select_n3A_411 : i32
    %dma_start3A_418 = arith.constant 5 : i32
    %dma_start3A_419 = arith.constant 0 : i32
    %dma_start3A_420 = tpu.memref_slice %arg6[%dma_start3A_418, %dma_start3A_419] : memref<13x1000xf32, #tpu.memory_space<vmem>> -> memref<1x1000xf32, #tpu.memory_space<vmem>>
    %dma_start3A_421 = tpu.memref_squeeze %dma_start3A_420 : memref<1x1000xf32, #tpu.memory_space<vmem>> -> memref<1000xf32, #tpu.memory_space<vmem>>
    %dma_start3A_422 = arith.constant 0 : i32
    %dma_start3A_423 = tpu.memref_slice %arg3[%add3A_417, %dma_start3A_422] : memref<416x1000xf32, #tpu.memory_space<hbm>> -> memref<1x1000xf32, #tpu.memory_space<hbm>>
    %dma_start3A_424 = tpu.memref_squeeze %dma_start3A_423 : memref<1x1000xf32, #tpu.memory_space<hbm>> -> memref<1000xf32, #tpu.memory_space<hbm>>
    %dma_start3A_425 = arith.constant 0 : i32
    %dma_start3A_426 = tpu.memref_slice %arg6[%dma_start3A_418, %dma_start3A_425] : memref<13x1000xf32, #tpu.memory_space<vmem>> -> memref<1x1000xf32, #tpu.memory_space<vmem>>
    %dma_start3A_427 = tpu.memref_squeeze %dma_start3A_426 : memref<1x1000xf32, #tpu.memory_space<vmem>> -> memref<1000xf32, #tpu.memory_space<vmem>>
    %dma_start3A_428 = arith.constant 0 : i32
    %dma_start3A_429 = tpu.memref_slice %arg3[%add3A_417, %dma_start3A_428] : memref<416x1000xf32, #tpu.memory_space<hbm>> -> memref<1x1000xf32, #tpu.memory_space<hbm>>
    %dma_start3A_430 = tpu.memref_squeeze %dma_start3A_429 : memref<1x1000xf32, #tpu.memory_space<hbm>> -> memref<1000xf32, #tpu.memory_space<hbm>>
    tpu.enqueue_dma source(%dma_start3A_430 : memref<1000xf32, #tpu.memory_space<hbm>>) target(%dma_start3A_427 : memref<1000xf32, #tpu.memory_space<vmem>>) target_semaphore(%arg16 : memref<!tpu.dma_semaphore, #tpu.memory_space<semaphore_mem>>)
    %dma_start3A_431 = arith.constant 5 : i32
    %dma_start3A_432 = arith.constant 0 : i32
    %dma_start3A_433 = tpu.memref_slice %arg7[%dma_start3A_431, %dma_start3A_432] : memref<13x1024xi32, #tpu.memory_space<vmem>> -> memref<1x1024xi32, #tpu.memory_space<vmem>>
    %dma_start3A_434 = tpu.memref_squeeze %dma_start3A_433 : memref<1x1024xi32, #tpu.memory_space<vmem>> -> memref<1024xi32, #tpu.memory_space<vmem>>
    %dma_start3A_435 = arith.constant 0 : i32
    %dma_start3A_436 = tpu.memref_slice %arg2[%select_n3A_395, %dma_start3A_435] : memref<26x1024xi32, #tpu.memory_space<hbm>> -> memref<1x1024xi32, #tpu.memory_space<hbm>>
    %dma_start3A_437 = tpu.memref_squeeze %dma_start3A_436 : memref<1x1024xi32, #tpu.memory_space<hbm>> -> memref<1024xi32, #tpu.memory_space<hbm>>
    %dma_start3A_438 = arith.constant 0 : i32
    %dma_start3A_439 = tpu.memref_slice %arg7[%dma_start3A_431, %dma_start3A_438] : memref<13x1024xi32, #tpu.memory_space<vmem>> -> memref<1x1024xi32, #tpu.memory_space<vmem>>
    %dma_start3A_440 = tpu.memref_squeeze %dma_start3A_439 : memref<1x1024xi32, #tpu.memory_space<vmem>> -> memref<1024xi32, #tpu.memory_space<vmem>>
    %dma_start3A_441 = arith.constant 0 : i32
    %dma_start3A_442 = tpu.memref_slice %arg2[%select_n3A_395, %dma_start3A_441] : memref<26x1024xi32, #tpu.memory_space<hbm>> -> memref<1x1024xi32, #tpu.memory_space<hbm>>
    %dma_start3A_443 = tpu.memref_squeeze %dma_start3A_442 : memref<1x1024xi32, #tpu.memory_space<hbm>> -> memref<1024xi32, #tpu.memory_space<hbm>>
    tpu.enqueue_dma source(%dma_start3A_443 : memref<1024xi32, #tpu.memory_space<hbm>>) target(%dma_start3A_440 : memref<1024xi32, #tpu.memory_space<vmem>>) target_semaphore(%arg16 : memref<!tpu.dma_semaphore, #tpu.memory_space<semaphore_mem>>)
    %mul3A_444 = arith.constant 13 : i32
    %mul3A_445 = arith.muli %arg1, %mul3A_444 : i32
    %add3A_446 = arith.constant 6 : i32
    %add3A_447 = arith.addi %mul3A_445, %add3A_446 : i32
    %jit3A_448 = arith.constant 8 : i32
    %div3A_449 = arith.divsi %add3A_447, %jit3A_448 : i32
    %sign3A_450 = arith.constant 0 : i32
    %sign3A_451 = arith.cmpi sgt, %add3A_447, %sign3A_450 : i32
    %sign3A_452 = arith.extui %sign3A_451 : i1 to i32
    %sign3A_453 = arith.constant 0 : i32
    %sign3A_454 = arith.cmpi slt, %add3A_447, %sign3A_453 : i32
    %sign3A_455 = arith.extui %sign3A_454 : i1 to i32
    %sign3A_456 = arith.subi %sign3A_452, %sign3A_455 : i32
    %sign3A_457 = arith.constant 0 : i32
    %sign3A_458 = arith.cmpi sgt, %jit3A_448, %sign3A_457 : i32
    %sign3A_459 = arith.extui %sign3A_458 : i1 to i32
    %sign3A_460 = arith.constant 0 : i32
    %sign3A_461 = arith.cmpi slt, %jit3A_448, %sign3A_460 : i32
    %sign3A_462 = arith.extui %sign3A_461 : i1 to i32
    %sign3A_463 = arith.subi %sign3A_459, %sign3A_462 : i32
    %ne3A_464 = arith.cmpi ne, %sign3A_456, %sign3A_463 : i32
    %rem3A_465 = arith.remsi %add3A_447, %jit3A_448 : i32
    %ne3A_466 = arith.constant 0 : i32
    %ne3A_467 = arith.cmpi ne, %rem3A_465, %ne3A_466 : i32
    %and3A_468 = arith.andi %ne3A_464, %ne3A_467 : i1
    %sub3A_469 = arith.constant 1 : i32
    %sub3A_470 = arith.subi %div3A_449, %sub3A_469 : i32
    %select_n3A_471 = arith.select %and3A_468, %sub3A_470, %div3A_449 : i32
    %jit3A_472 = arith.constant 8 : i32
    %eq3A_473 = arith.constant 0 : i32
    %eq3A_474 = arith.cmpi eq, %jit3A_472, %eq3A_473 : i32
    %jit3A_475 = arith.constant 1 : i32
    %select_n3A_476 = arith.select %eq3A_474, %jit3A_475, %jit3A_472 : i32
    %rem3A_477 = arith.remsi %add3A_447, %select_n3A_476 : i32
    %ne3A_478 = arith.constant 0 : i32
    %ne3A_479 = arith.cmpi ne, %rem3A_477, %ne3A_478 : i32
    %lt3A_480 = arith.constant 0 : i32
    %lt3A_481 = arith.cmpi slt, %rem3A_477, %lt3A_480 : i32
    %lt3A_482 = arith.constant 0 : i32
    %lt3A_483 = arith.cmpi slt, %select_n3A_476, %lt3A_482 : i32
    %ne3A_484 = arith.xori %lt3A_481, %lt3A_483 : i1
    %and3A_485 = arith.andi %ne3A_484, %ne3A_479 : i1
    %add3A_486 = arith.addi %rem3A_477, %select_n3A_476 : i32
    %select_n3A_487 = arith.select %and3A_485, %add3A_486, %rem3A_477 : i32
    %mul3A_488 = arith.constant 16 : i32
    %mul3A_489 = arith.muli %select_n3A_471, %mul3A_488 : i32
    %mul3A_490 = arith.constant 8 : i32
    %mul3A_491 = arith.muli %arg0, %mul3A_490 : i32
    %add3A_492 = arith.addi %mul3A_489, %mul3A_491 : i32
    %add3A_493 = arith.addi %add3A_492, %select_n3A_487 : i32
    %dma_start3A_494 = arith.constant 6 : i32
    %dma_start3A_495 = arith.constant 0 : i32
    %dma_start3A_496 = tpu.memref_slice %arg6[%dma_start3A_494, %dma_start3A_495] : memref<13x1000xf32, #tpu.memory_space<vmem>> -> memref<1x1000xf32, #tpu.memory_space<vmem>>
    %dma_start3A_497 = tpu.memref_squeeze %dma_start3A_496 : memref<1x1000xf32, #tpu.memory_space<vmem>> -> memref<1000xf32, #tpu.memory_space<vmem>>
    %dma_start3A_498 = arith.constant 0 : i32
    %dma_start3A_499 = tpu.memref_slice %arg3[%add3A_493, %dma_start3A_498] : memref<416x1000xf32, #tpu.memory_space<hbm>> -> memref<1x1000xf32, #tpu.memory_space<hbm>>
    %dma_start3A_500 = tpu.memref_squeeze %dma_start3A_499 : memref<1x1000xf32, #tpu.memory_space<hbm>> -> memref<1000xf32, #tpu.memory_space<hbm>>
    %dma_start3A_501 = arith.constant 0 : i32
    %dma_start3A_502 = tpu.memref_slice %arg6[%dma_start3A_494, %dma_start3A_501] : memref<13x1000xf32, #tpu.memory_space<vmem>> -> memref<1x1000xf32, #tpu.memory_space<vmem>>
    %dma_start3A_503 = tpu.memref_squeeze %dma_start3A_502 : memref<1x1000xf32, #tpu.memory_space<vmem>> -> memref<1000xf32, #tpu.memory_space<vmem>>
    %dma_start3A_504 = arith.constant 0 : i32
    %dma_start3A_505 = tpu.memref_slice %arg3[%add3A_493, %dma_start3A_504] : memref<416x1000xf32, #tpu.memory_space<hbm>> -> memref<1x1000xf32, #tpu.memory_space<hbm>>
    %dma_start3A_506 = tpu.memref_squeeze %dma_start3A_505 : memref<1x1000xf32, #tpu.memory_space<hbm>> -> memref<1000xf32, #tpu.memory_space<hbm>>
    tpu.enqueue_dma source(%dma_start3A_506 : memref<1000xf32, #tpu.memory_space<hbm>>) target(%dma_start3A_503 : memref<1000xf32, #tpu.memory_space<vmem>>) target_semaphore(%arg16 : memref<!tpu.dma_semaphore, #tpu.memory_space<semaphore_mem>>)
    %dma_start3A_507 = arith.constant 6 : i32
    %dma_start3A_508 = arith.constant 0 : i32
    %dma_start3A_509 = tpu.memref_slice %arg7[%dma_start3A_507, %dma_start3A_508] : memref<13x1024xi32, #tpu.memory_space<vmem>> -> memref<1x1024xi32, #tpu.memory_space<vmem>>
    %dma_start3A_510 = tpu.memref_squeeze %dma_start3A_509 : memref<1x1024xi32, #tpu.memory_space<vmem>> -> memref<1024xi32, #tpu.memory_space<vmem>>
    %dma_start3A_511 = arith.constant 0 : i32
    %dma_start3A_512 = tpu.memref_slice %arg2[%select_n3A_471, %dma_start3A_511] : memref<26x1024xi32, #tpu.memory_space<hbm>> -> memref<1x1024xi32, #tpu.memory_space<hbm>>
    %dma_start3A_513 = tpu.memref_squeeze %dma_start3A_512 : memref<1x1024xi32, #tpu.memory_space<hbm>> -> memref<1024xi32, #tpu.memory_space<hbm>>
    %dma_start3A_514 = arith.constant 0 : i32
    %dma_start3A_515 = tpu.memref_slice %arg7[%dma_start3A_507, %dma_start3A_514] : memref<13x1024xi32, #tpu.memory_space<vmem>> -> memref<1x1024xi32, #tpu.memory_space<vmem>>
    %dma_start3A_516 = tpu.memref_squeeze %dma_start3A_515 : memref<1x1024xi32, #tpu.memory_space<vmem>> -> memref<1024xi32, #tpu.memory_space<vmem>>
    %dma_start3A_517 = arith.constant 0 : i32
    %dma_start3A_518 = tpu.memref_slice %arg2[%select_n3A_471, %dma_start3A_517] : memref<26x1024xi32, #tpu.memory_space<hbm>> -> memref<1x1024xi32, #tpu.memory_space<hbm>>
    %dma_start3A_519 = tpu.memref_squeeze %dma_start3A_518 : memref<1x1024xi32, #tpu.memory_space<hbm>> -> memref<1024xi32, #tpu.memory_space<hbm>>
    tpu.enqueue_dma source(%dma_start3A_519 : memref<1024xi32, #tpu.memory_space<hbm>>) target(%dma_start3A_516 : memref<1024xi32, #tpu.memory_space<vmem>>) target_semaphore(%arg16 : memref<!tpu.dma_semaphore, #tpu.memory_space<semaphore_mem>>)
    %mul3A_520 = arith.constant 13 : i32
    %mul3A_521 = arith.muli %arg1, %mul3A_520 : i32
    %add3A_522 = arith.constant 7 : i32
    %add3A_523 = arith.addi %mul3A_521, %add3A_522 : i32
    %jit3A_524 = arith.constant 8 : i32
    %div3A_525 = arith.divsi %add3A_523, %jit3A_524 : i32
    %sign3A_526 = arith.constant 0 : i32
    %sign3A_527 = arith.cmpi sgt, %add3A_523, %sign3A_526 : i32
    %sign3A_528 = arith.extui %sign3A_527 : i1 to i32
    %sign3A_529 = arith.constant 0 : i32
    %sign3A_530 = arith.cmpi slt, %add3A_523, %sign3A_529 : i32
    %sign3A_531 = arith.extui %sign3A_530 : i1 to i32
    %sign3A_532 = arith.subi %sign3A_528, %sign3A_531 : i32
    %sign3A_533 = arith.constant 0 : i32
    %sign3A_534 = arith.cmpi sgt, %jit3A_524, %sign3A_533 : i32
    %sign3A_535 = arith.extui %sign3A_534 : i1 to i32
    %sign3A_536 = arith.constant 0 : i32
    %sign3A_537 = arith.cmpi slt, %jit3A_524, %sign3A_536 : i32
    %sign3A_538 = arith.extui %sign3A_537 : i1 to i32
    %sign3A_539 = arith.subi %sign3A_535, %sign3A_538 : i32
    %ne3A_540 = arith.cmpi ne, %sign3A_532, %sign3A_539 : i32
    %rem3A_541 = arith.remsi %add3A_523, %jit3A_524 : i32
    %ne3A_542 = arith.constant 0 : i32
    %ne3A_543 = arith.cmpi ne, %rem3A_541, %ne3A_542 : i32
    %and3A_544 = arith.andi %ne3A_540, %ne3A_543 : i1
    %sub3A_545 = arith.constant 1 : i32
    %sub3A_546 = arith.subi %div3A_525, %sub3A_545 : i32
    %select_n3A_547 = arith.select %and3A_544, %sub3A_546, %div3A_525 : i32
    %jit3A_548 = arith.constant 8 : i32
    %eq3A_549 = arith.constant 0 : i32
    %eq3A_550 = arith.cmpi eq, %jit3A_548, %eq3A_549 : i32
    %jit3A_551 = arith.constant 1 : i32
    %select_n3A_552 = arith.select %eq3A_550, %jit3A_551, %jit3A_548 : i32
    %rem3A_553 = arith.remsi %add3A_523, %select_n3A_552 : i32
    %ne3A_554 = arith.constant 0 : i32
    %ne3A_555 = arith.cmpi ne, %rem3A_553, %ne3A_554 : i32
    %lt3A_556 = arith.constant 0 : i32
    %lt3A_557 = arith.cmpi slt, %rem3A_553, %lt3A_556 : i32
    %lt3A_558 = arith.constant 0 : i32
    %lt3A_559 = arith.cmpi slt, %select_n3A_552, %lt3A_558 : i32
    %ne3A_560 = arith.xori %lt3A_557, %lt3A_559 : i1
    %and3A_561 = arith.andi %ne3A_560, %ne3A_555 : i1
    %add3A_562 = arith.addi %rem3A_553, %select_n3A_552 : i32
    %select_n3A_563 = arith.select %and3A_561, %add3A_562, %rem3A_553 : i32
    %mul3A_564 = arith.constant 16 : i32
    %mul3A_565 = arith.muli %select_n3A_547, %mul3A_564 : i32
    %mul3A_566 = arith.constant 8 : i32
    %mul3A_567 = arith.muli %arg0, %mul3A_566 : i32
    %add3A_568 = arith.addi %mul3A_565, %mul3A_567 : i32
    %add3A_569 = arith.addi %add3A_568, %select_n3A_563 : i32
    %dma_start3A_570 = arith.constant 7 : i32
    %dma_start3A_571 = arith.constant 0 : i32
    %dma_start3A_572 = tpu.memref_slice %arg6[%dma_start3A_570, %dma_start3A_571] : memref<13x1000xf32, #tpu.memory_space<vmem>> -> memref<1x1000xf32, #tpu.memory_space<vmem>>
    %dma_start3A_573 = tpu.memref_squeeze %dma_start3A_572 : memref<1x1000xf32, #tpu.memory_space<vmem>> -> memref<1000xf32, #tpu.memory_space<vmem>>
    %dma_start3A_574 = arith.constant 0 : i32
    %dma_start3A_575 = tpu.memref_slice %arg3[%add3A_569, %dma_start3A_574] : memref<416x1000xf32, #tpu.memory_space<hbm>> -> memref<1x1000xf32, #tpu.memory_space<hbm>>
    %dma_start3A_576 = tpu.memref_squeeze %dma_start3A_575 : memref<1x1000xf32, #tpu.memory_space<hbm>> -> memref<1000xf32, #tpu.memory_space<hbm>>
    %dma_start3A_577 = arith.constant 0 : i32
    %dma_start3A_578 = tpu.memref_slice %arg6[%dma_start3A_570, %dma_start3A_577] : memref<13x1000xf32, #tpu.memory_space<vmem>> -> memref<1x1000xf32, #tpu.memory_space<vmem>>
    %dma_start3A_579 = tpu.memref_squeeze %dma_start3A_578 : memref<1x1000xf32, #tpu.memory_space<vmem>> -> memref<1000xf32, #tpu.memory_space<vmem>>
    %dma_start3A_580 = arith.constant 0 : i32
    %dma_start3A_581 = tpu.memref_slice %arg3[%add3A_569, %dma_start3A_580] : memref<416x1000xf32, #tpu.memory_space<hbm>> -> memref<1x1000xf32, #tpu.memory_space<hbm>>
    %dma_start3A_582 = tpu.memref_squeeze %dma_start3A_581 : memref<1x1000xf32, #tpu.memory_space<hbm>> -> memref<1000xf32, #tpu.memory_space<hbm>>
    tpu.enqueue_dma source(%dma_start3A_582 : memref<1000xf32, #tpu.memory_space<hbm>>) target(%dma_start3A_579 : memref<1000xf32, #tpu.memory_space<vmem>>) target_semaphore(%arg16 : memref<!tpu.dma_semaphore, #tpu.memory_space<semaphore_mem>>)
    %dma_start3A_583 = arith.constant 7 : i32
    %dma_start3A_584 = arith.constant 0 : i32
    %dma_start3A_585 = tpu.memref_slice %arg7[%dma_start3A_583, %dma_start3A_584] : memref<13x1024xi32, #tpu.memory_space<vmem>> -> memref<1x1024xi32, #tpu.memory_space<vmem>>
    %dma_start3A_586 = tpu.memref_squeeze %dma_start3A_585 : memref<1x1024xi32, #tpu.memory_space<vmem>> -> memref<1024xi32, #tpu.memory_space<vmem>>
    %dma_start3A_587 = arith.constant 0 : i32
    %dma_start3A_588 = tpu.memref_slice %arg2[%select_n3A_547, %dma_start3A_587] : memref<26x1024xi32, #tpu.memory_space<hbm>> -> memref<1x1024xi32, #tpu.memory_space<hbm>>
    %dma_start3A_589 = tpu.memref_squeeze %dma_start3A_588 : memref<1x1024xi32, #tpu.memory_space<hbm>> -> memref<1024xi32, #tpu.memory_space<hbm>>
    %dma_start3A_590 = arith.constant 0 : i32
    %dma_start3A_591 = tpu.memref_slice %arg7[%dma_start3A_583, %dma_start3A_590] : memref<13x1024xi32, #tpu.memory_space<vmem>> -> memref<1x1024xi32, #tpu.memory_space<vmem>>
    %dma_start3A_592 = tpu.memref_squeeze %dma_start3A_591 : memref<1x1024xi32, #tpu.memory_space<vmem>> -> memref<1024xi32, #tpu.memory_space<vmem>>
    %dma_start3A_593 = arith.constant 0 : i32
    %dma_start3A_594 = tpu.memref_slice %arg2[%select_n3A_547, %dma_start3A_593] : memref<26x1024xi32, #tpu.memory_space<hbm>> -> memref<1x1024xi32, #tpu.memory_space<hbm>>
    %dma_start3A_595 = tpu.memref_squeeze %dma_start3A_594 : memref<1x1024xi32, #tpu.memory_space<hbm>> -> memref<1024xi32, #tpu.memory_space<hbm>>
    tpu.enqueue_dma source(%dma_start3A_595 : memref<1024xi32, #tpu.memory_space<hbm>>) target(%dma_start3A_592 : memref<1024xi32, #tpu.memory_space<vmem>>) target_semaphore(%arg16 : memref<!tpu.dma_semaphore, #tpu.memory_space<semaphore_mem>>)
    %mul3A_596 = arith.constant 13 : i32
    %mul3A_597 = arith.muli %arg1, %mul3A_596 : i32
    %add3A_598 = arith.constant 8 : i32
    %add3A_599 = arith.addi %mul3A_597, %add3A_598 : i32
    %jit3A_600 = arith.constant 8 : i32
    %div3A_601 = arith.divsi %add3A_599, %jit3A_600 : i32
    %sign3A_602 = arith.constant 0 : i32
    %sign3A_603 = arith.cmpi sgt, %add3A_599, %sign3A_602 : i32
    %sign3A_604 = arith.extui %sign3A_603 : i1 to i32
    %sign3A_605 = arith.constant 0 : i32
    %sign3A_606 = arith.cmpi slt, %add3A_599, %sign3A_605 : i32
    %sign3A_607 = arith.extui %sign3A_606 : i1 to i32
    %sign3A_608 = arith.subi %sign3A_604, %sign3A_607 : i32
    %sign3A_609 = arith.constant 0 : i32
    %sign3A_610 = arith.cmpi sgt, %jit3A_600, %sign3A_609 : i32
    %sign3A_611 = arith.extui %sign3A_610 : i1 to i32
    %sign3A_612 = arith.constant 0 : i32
    %sign3A_613 = arith.cmpi slt, %jit3A_600, %sign3A_612 : i32
    %sign3A_614 = arith.extui %sign3A_613 : i1 to i32
    %sign3A_615 = arith.subi %sign3A_611, %sign3A_614 : i32
    %ne3A_616 = arith.cmpi ne, %sign3A_608, %sign3A_615 : i32
    %rem3A_617 = arith.remsi %add3A_599, %jit3A_600 : i32
    %ne3A_618 = arith.constant 0 : i32
    %ne3A_619 = arith.cmpi ne, %rem3A_617, %ne3A_618 : i32
    %and3A_620 = arith.andi %ne3A_616, %ne3A_619 : i1
    %sub3A_621 = arith.constant 1 : i32
    %sub3A_622 = arith.subi %div3A_601, %sub3A_621 : i32
    %select_n3A_623 = arith.select %and3A_620, %sub3A_622, %div3A_601 : i32
    %jit3A_624 = arith.constant 8 : i32
    %eq3A_625 = arith.constant 0 : i32
    %eq3A_626 = arith.cmpi eq, %jit3A_624, %eq3A_625 : i32
    %jit3A_627 = arith.constant 1 : i32
    %select_n3A_628 = arith.select %eq3A_626, %jit3A_627, %jit3A_624 : i32
    %rem3A_629 = arith.remsi %add3A_599, %select_n3A_628 : i32
    %ne3A_630 = arith.constant 0 : i32
    %ne3A_631 = arith.cmpi ne, %rem3A_629, %ne3A_630 : i32
    %lt3A_632 = arith.constant 0 : i32
    %lt3A_633 = arith.cmpi slt, %rem3A_629, %lt3A_632 : i32
    %lt3A_634 = arith.constant 0 : i32
    %lt3A_635 = arith.cmpi slt, %select_n3A_628, %lt3A_634 : i32
    %ne3A_636 = arith.xori %lt3A_633, %lt3A_635 : i1
    %and3A_637 = arith.andi %ne3A_636, %ne3A_631 : i1
    %add3A_638 = arith.addi %rem3A_629, %select_n3A_628 : i32
    %select_n3A_639 = arith.select %and3A_637, %add3A_638, %rem3A_629 : i32
    %mul3A_640 = arith.constant 16 : i32
    %mul3A_641 = arith.muli %select_n3A_623, %mul3A_640 : i32
    %mul3A_642 = arith.constant 8 : i32
    %mul3A_643 = arith.muli %arg0, %mul3A_642 : i32
    %add3A_644 = arith.addi %mul3A_641, %mul3A_643 : i32
    %add3A_645 = arith.addi %add3A_644, %select_n3A_639 : i32
    %dma_start3A_646 = arith.constant 8 : i32
    %dma_start3A_647 = arith.constant 0 : i32
    %dma_start3A_648 = tpu.memref_slice %arg6[%dma_start3A_646, %dma_start3A_647] : memref<13x1000xf32, #tpu.memory_space<vmem>> -> memref<1x1000xf32, #tpu.memory_space<vmem>>
    %dma_start3A_649 = tpu.memref_squeeze %dma_start3A_648 : memref<1x1000xf32, #tpu.memory_space<vmem>> -> memref<1000xf32, #tpu.memory_space<vmem>>
    %dma_start3A_650 = arith.constant 0 : i32
    %dma_start3A_651 = tpu.memref_slice %arg3[%add3A_645, %dma_start3A_650] : memref<416x1000xf32, #tpu.memory_space<hbm>> -> memref<1x1000xf32, #tpu.memory_space<hbm>>
    %dma_start3A_652 = tpu.memref_squeeze %dma_start3A_651 : memref<1x1000xf32, #tpu.memory_space<hbm>> -> memref<1000xf32, #tpu.memory_space<hbm>>
    %dma_start3A_653 = arith.constant 0 : i32
    %dma_start3A_654 = tpu.memref_slice %arg6[%dma_start3A_646, %dma_start3A_653] : memref<13x1000xf32, #tpu.memory_space<vmem>> -> memref<1x1000xf32, #tpu.memory_space<vmem>>
    %dma_start3A_655 = tpu.memref_squeeze %dma_start3A_654 : memref<1x1000xf32, #tpu.memory_space<vmem>> -> memref<1000xf32, #tpu.memory_space<vmem>>
    %dma_start3A_656 = arith.constant 0 : i32
    %dma_start3A_657 = tpu.memref_slice %arg3[%add3A_645, %dma_start3A_656] : memref<416x1000xf32, #tpu.memory_space<hbm>> -> memref<1x1000xf32, #tpu.memory_space<hbm>>
    %dma_start3A_658 = tpu.memref_squeeze %dma_start3A_657 : memref<1x1000xf32, #tpu.memory_space<hbm>> -> memref<1000xf32, #tpu.memory_space<hbm>>
    tpu.enqueue_dma source(%dma_start3A_658 : memref<1000xf32, #tpu.memory_space<hbm>>) target(%dma_start3A_655 : memref<1000xf32, #tpu.memory_space<vmem>>) target_semaphore(%arg16 : memref<!tpu.dma_semaphore, #tpu.memory_space<semaphore_mem>>)
    %dma_start3A_659 = arith.constant 8 : i32
    %dma_start3A_660 = arith.constant 0 : i32
    %dma_start3A_661 = tpu.memref_slice %arg7[%dma_start3A_659, %dma_start3A_660] : memref<13x1024xi32, #tpu.memory_space<vmem>> -> memref<1x1024xi32, #tpu.memory_space<vmem>>
    %dma_start3A_662 = tpu.memref_squeeze %dma_start3A_661 : memref<1x1024xi32, #tpu.memory_space<vmem>> -> memref<1024xi32, #tpu.memory_space<vmem>>
    %dma_start3A_663 = arith.constant 0 : i32
    %dma_start3A_664 = tpu.memref_slice %arg2[%select_n3A_623, %dma_start3A_663] : memref<26x1024xi32, #tpu.memory_space<hbm>> -> memref<1x1024xi32, #tpu.memory_space<hbm>>
    %dma_start3A_665 = tpu.memref_squeeze %dma_start3A_664 : memref<1x1024xi32, #tpu.memory_space<hbm>> -> memref<1024xi32, #tpu.memory_space<hbm>>
    %dma_start3A_666 = arith.constant 0 : i32
    %dma_start3A_667 = tpu.memref_slice %arg7[%dma_start3A_659, %dma_start3A_666] : memref<13x1024xi32, #tpu.memory_space<vmem>> -> memref<1x1024xi32, #tpu.memory_space<vmem>>
    %dma_start3A_668 = tpu.memref_squeeze %dma_start3A_667 : memref<1x1024xi32, #tpu.memory_space<vmem>> -> memref<1024xi32, #tpu.memory_space<vmem>>
    %dma_start3A_669 = arith.constant 0 : i32
    %dma_start3A_670 = tpu.memref_slice %arg2[%select_n3A_623, %dma_start3A_669] : memref<26x1024xi32, #tpu.memory_space<hbm>> -> memref<1x1024xi32, #tpu.memory_space<hbm>>
    %dma_start3A_671 = tpu.memref_squeeze %dma_start3A_670 : memref<1x1024xi32, #tpu.memory_space<hbm>> -> memref<1024xi32, #tpu.memory_space<hbm>>
    tpu.enqueue_dma source(%dma_start3A_671 : memref<1024xi32, #tpu.memory_space<hbm>>) target(%dma_start3A_668 : memref<1024xi32, #tpu.memory_space<vmem>>) target_semaphore(%arg16 : memref<!tpu.dma_semaphore, #tpu.memory_space<semaphore_mem>>)
    %mul3A_672 = arith.constant 13 : i32
    %mul3A_673 = arith.muli %arg1, %mul3A_672 : i32
    %add3A_674 = arith.constant 9 : i32
    %add3A_675 = arith.addi %mul3A_673, %add3A_674 : i32
    %jit3A_676 = arith.constant 8 : i32
    %div3A_677 = arith.divsi %add3A_675, %jit3A_676 : i32
    %sign3A_678 = arith.constant 0 : i32
    %sign3A_679 = arith.cmpi sgt, %add3A_675, %sign3A_678 : i32
    %sign3A_680 = arith.extui %sign3A_679 : i1 to i32
    %sign3A_681 = arith.constant 0 : i32
    %sign3A_682 = arith.cmpi slt, %add3A_675, %sign3A_681 : i32
    %sign3A_683 = arith.extui %sign3A_682 : i1 to i32
    %sign3A_684 = arith.subi %sign3A_680, %sign3A_683 : i32
    %sign3A_685 = arith.constant 0 : i32
    %sign3A_686 = arith.cmpi sgt, %jit3A_676, %sign3A_685 : i32
    %sign3A_687 = arith.extui %sign3A_686 : i1 to i32
    %sign3A_688 = arith.constant 0 : i32
    %sign3A_689 = arith.cmpi slt, %jit3A_676, %sign3A_688 : i32
    %sign3A_690 = arith.extui %sign3A_689 : i1 to i32
    %sign3A_691 = arith.subi %sign3A_687, %sign3A_690 : i32
    %ne3A_692 = arith.cmpi ne, %sign3A_684, %sign3A_691 : i32
    %rem3A_693 = arith.remsi %add3A_675, %jit3A_676 : i32
    %ne3A_694 = arith.constant 0 : i32
    %ne3A_695 = arith.cmpi ne, %rem3A_693, %ne3A_694 : i32
    %and3A_696 = arith.andi %ne3A_692, %ne3A_695 : i1
    %sub3A_697 = arith.constant 1 : i32
    %sub3A_698 = arith.subi %div3A_677, %sub3A_697 : i32
    %select_n3A_699 = arith.select %and3A_696, %sub3A_698, %div3A_677 : i32
    %jit3A_700 = arith.constant 8 : i32
    %eq3A_701 = arith.constant 0 : i32
    %eq3A_702 = arith.cmpi eq, %jit3A_700, %eq3A_701 : i32
    %jit3A_703 = arith.constant 1 : i32
    %select_n3A_704 = arith.select %eq3A_702, %jit3A_703, %jit3A_700 : i32
    %rem3A_705 = arith.remsi %add3A_675, %select_n3A_704 : i32
    %ne3A_706 = arith.constant 0 : i32
    %ne3A_707 = arith.cmpi ne, %rem3A_705, %ne3A_706 : i32
    %lt3A_708 = arith.constant 0 : i32
    %lt3A_709 = arith.cmpi slt, %rem3A_705, %lt3A_708 : i32
    %lt3A_710 = arith.constant 0 : i32
    %lt3A_711 = arith.cmpi slt, %select_n3A_704, %lt3A_710 : i32
    %ne3A_712 = arith.xori %lt3A_709, %lt3A_711 : i1
    %and3A_713 = arith.andi %ne3A_712, %ne3A_707 : i1
    %add3A_714 = arith.addi %rem3A_705, %select_n3A_704 : i32
    %select_n3A_715 = arith.select %and3A_713, %add3A_714, %rem3A_705 : i32
    %mul3A_716 = arith.constant 16 : i32
    %mul3A_717 = arith.muli %select_n3A_699, %mul3A_716 : i32
    %mul3A_718 = arith.constant 8 : i32
    %mul3A_719 = arith.muli %arg0, %mul3A_718 : i32
    %add3A_720 = arith.addi %mul3A_717, %mul3A_719 : i32
    %add3A_721 = arith.addi %add3A_720, %select_n3A_715 : i32
    %dma_start3A_722 = arith.constant 9 : i32
    %dma_start3A_723 = arith.constant 0 : i32
    %dma_start3A_724 = tpu.memref_slice %arg6[%dma_start3A_722, %dma_start3A_723] : memref<13x1000xf32, #tpu.memory_space<vmem>> -> memref<1x1000xf32, #tpu.memory_space<vmem>>
    %dma_start3A_725 = tpu.memref_squeeze %dma_start3A_724 : memref<1x1000xf32, #tpu.memory_space<vmem>> -> memref<1000xf32, #tpu.memory_space<vmem>>
    %dma_start3A_726 = arith.constant 0 : i32
    %dma_start3A_727 = tpu.memref_slice %arg3[%add3A_721, %dma_start3A_726] : memref<416x1000xf32, #tpu.memory_space<hbm>> -> memref<1x1000xf32, #tpu.memory_space<hbm>>
    %dma_start3A_728 = tpu.memref_squeeze %dma_start3A_727 : memref<1x1000xf32, #tpu.memory_space<hbm>> -> memref<1000xf32, #tpu.memory_space<hbm>>
    %dma_start3A_729 = arith.constant 0 : i32
    %dma_start3A_730 = tpu.memref_slice %arg6[%dma_start3A_722, %dma_start3A_729] : memref<13x1000xf32, #tpu.memory_space<vmem>> -> memref<1x1000xf32, #tpu.memory_space<vmem>>
    %dma_start3A_731 = tpu.memref_squeeze %dma_start3A_730 : memref<1x1000xf32, #tpu.memory_space<vmem>> -> memref<1000xf32, #tpu.memory_space<vmem>>
    %dma_start3A_732 = arith.constant 0 : i32
    %dma_start3A_733 = tpu.memref_slice %arg3[%add3A_721, %dma_start3A_732] : memref<416x1000xf32, #tpu.memory_space<hbm>> -> memref<1x1000xf32, #tpu.memory_space<hbm>>
    %dma_start3A_734 = tpu.memref_squeeze %dma_start3A_733 : memref<1x1000xf32, #tpu.memory_space<hbm>> -> memref<1000xf32, #tpu.memory_space<hbm>>
    tpu.enqueue_dma source(%dma_start3A_734 : memref<1000xf32, #tpu.memory_space<hbm>>) target(%dma_start3A_731 : memref<1000xf32, #tpu.memory_space<vmem>>) target_semaphore(%arg16 : memref<!tpu.dma_semaphore, #tpu.memory_space<semaphore_mem>>)
    %dma_start3A_735 = arith.constant 9 : i32
    %dma_start3A_736 = arith.constant 0 : i32
    %dma_start3A_737 = tpu.memref_slice %arg7[%dma_start3A_735, %dma_start3A_736] : memref<13x1024xi32, #tpu.memory_space<vmem>> -> memref<1x1024xi32, #tpu.memory_space<vmem>>
    %dma_start3A_738 = tpu.memref_squeeze %dma_start3A_737 : memref<1x1024xi32, #tpu.memory_space<vmem>> -> memref<1024xi32, #tpu.memory_space<vmem>>
    %dma_start3A_739 = arith.constant 0 : i32
    %dma_start3A_740 = tpu.memref_slice %arg2[%select_n3A_699, %dma_start3A_739] : memref<26x1024xi32, #tpu.memory_space<hbm>> -> memref<1x1024xi32, #tpu.memory_space<hbm>>
    %dma_start3A_741 = tpu.memref_squeeze %dma_start3A_740 : memref<1x1024xi32, #tpu.memory_space<hbm>> -> memref<1024xi32, #tpu.memory_space<hbm>>
    %dma_start3A_742 = arith.constant 0 : i32
    %dma_start3A_743 = tpu.memref_slice %arg7[%dma_start3A_735, %dma_start3A_742] : memref<13x1024xi32, #tpu.memory_space<vmem>> -> memref<1x1024xi32, #tpu.memory_space<vmem>>
    %dma_start3A_744 = tpu.memref_squeeze %dma_start3A_743 : memref<1x1024xi32, #tpu.memory_space<vmem>> -> memref<1024xi32, #tpu.memory_space<vmem>>
    %dma_start3A_745 = arith.constant 0 : i32
    %dma_start3A_746 = tpu.memref_slice %arg2[%select_n3A_699, %dma_start3A_745] : memref<26x1024xi32, #tpu.memory_space<hbm>> -> memref<1x1024xi32, #tpu.memory_space<hbm>>
    %dma_start3A_747 = tpu.memref_squeeze %dma_start3A_746 : memref<1x1024xi32, #tpu.memory_space<hbm>> -> memref<1024xi32, #tpu.memory_space<hbm>>
    tpu.enqueue_dma source(%dma_start3A_747 : memref<1024xi32, #tpu.memory_space<hbm>>) target(%dma_start3A_744 : memref<1024xi32, #tpu.memory_space<vmem>>) target_semaphore(%arg16 : memref<!tpu.dma_semaphore, #tpu.memory_space<semaphore_mem>>)
    %mul3A_748 = arith.constant 13 : i32
    %mul3A_749 = arith.muli %arg1, %mul3A_748 : i32
    %add3A_750 = arith.constant 10 : i32
    %add3A_751 = arith.addi %mul3A_749, %add3A_750 : i32
    %jit3A_752 = arith.constant 8 : i32
    %div3A_753 = arith.divsi %add3A_751, %jit3A_752 : i32
    %sign3A_754 = arith.constant 0 : i32
    %sign3A_755 = arith.cmpi sgt, %add3A_751, %sign3A_754 : i32
    %sign3A_756 = arith.extui %sign3A_755 : i1 to i32
    %sign3A_757 = arith.constant 0 : i32
    %sign3A_758 = arith.cmpi slt, %add3A_751, %sign3A_757 : i32
    %sign3A_759 = arith.extui %sign3A_758 : i1 to i32
    %sign3A_760 = arith.subi %sign3A_756, %sign3A_759 : i32
    %sign3A_761 = arith.constant 0 : i32
    %sign3A_762 = arith.cmpi sgt, %jit3A_752, %sign3A_761 : i32
    %sign3A_763 = arith.extui %sign3A_762 : i1 to i32
    %sign3A_764 = arith.constant 0 : i32
    %sign3A_765 = arith.cmpi slt, %jit3A_752, %sign3A_764 : i32
    %sign3A_766 = arith.extui %sign3A_765 : i1 to i32
    %sign3A_767 = arith.subi %sign3A_763, %sign3A_766 : i32
    %ne3A_768 = arith.cmpi ne, %sign3A_760, %sign3A_767 : i32
    %rem3A_769 = arith.remsi %add3A_751, %jit3A_752 : i32
    %ne3A_770 = arith.constant 0 : i32
    %ne3A_771 = arith.cmpi ne, %rem3A_769, %ne3A_770 : i32
    %and3A_772 = arith.andi %ne3A_768, %ne3A_771 : i1
    %sub3A_773 = arith.constant 1 : i32
    %sub3A_774 = arith.subi %div3A_753, %sub3A_773 : i32
    %select_n3A_775 = arith.select %and3A_772, %sub3A_774, %div3A_753 : i32
    %jit3A_776 = arith.constant 8 : i32
    %eq3A_777 = arith.constant 0 : i32
    %eq3A_778 = arith.cmpi eq, %jit3A_776, %eq3A_777 : i32
    %jit3A_779 = arith.constant 1 : i32
    %select_n3A_780 = arith.select %eq3A_778, %jit3A_779, %jit3A_776 : i32
    %rem3A_781 = arith.remsi %add3A_751, %select_n3A_780 : i32
    %ne3A_782 = arith.constant 0 : i32
    %ne3A_783 = arith.cmpi ne, %rem3A_781, %ne3A_782 : i32
    %lt3A_784 = arith.constant 0 : i32
    %lt3A_785 = arith.cmpi slt, %rem3A_781, %lt3A_784 : i32
    %lt3A_786 = arith.constant 0 : i32
    %lt3A_787 = arith.cmpi slt, %select_n3A_780, %lt3A_786 : i32
    %ne3A_788 = arith.xori %lt3A_785, %lt3A_787 : i1
    %and3A_789 = arith.andi %ne3A_788, %ne3A_783 : i1
    %add3A_790 = arith.addi %rem3A_781, %select_n3A_780 : i32
    %select_n3A_791 = arith.select %and3A_789, %add3A_790, %rem3A_781 : i32
    %mul3A_792 = arith.constant 16 : i32
    %mul3A_793 = arith.muli %select_n3A_775, %mul3A_792 : i32
    %mul3A_794 = arith.constant 8 : i32
    %mul3A_795 = arith.muli %arg0, %mul3A_794 : i32
    %add3A_796 = arith.addi %mul3A_793, %mul3A_795 : i32
    %add3A_797 = arith.addi %add3A_796, %select_n3A_791 : i32
    %dma_start3A_798 = arith.constant 10 : i32
    %dma_start3A_799 = arith.constant 0 : i32
    %dma_start3A_800 = tpu.memref_slice %arg6[%dma_start3A_798, %dma_start3A_799] : memref<13x1000xf32, #tpu.memory_space<vmem>> -> memref<1x1000xf32, #tpu.memory_space<vmem>>
    %dma_start3A_801 = tpu.memref_squeeze %dma_start3A_800 : memref<1x1000xf32, #tpu.memory_space<vmem>> -> memref<1000xf32, #tpu.memory_space<vmem>>
    %dma_start3A_802 = arith.constant 0 : i32
    %dma_start3A_803 = tpu.memref_slice %arg3[%add3A_797, %dma_start3A_802] : memref<416x1000xf32, #tpu.memory_space<hbm>> -> memref<1x1000xf32, #tpu.memory_space<hbm>>
    %dma_start3A_804 = tpu.memref_squeeze %dma_start3A_803 : memref<1x1000xf32, #tpu.memory_space<hbm>> -> memref<1000xf32, #tpu.memory_space<hbm>>
    %dma_start3A_805 = arith.constant 0 : i32
    %dma_start3A_806 = tpu.memref_slice %arg6[%dma_start3A_798, %dma_start3A_805] : memref<13x1000xf32, #tpu.memory_space<vmem>> -> memref<1x1000xf32, #tpu.memory_space<vmem>>
    %dma_start3A_807 = tpu.memref_squeeze %dma_start3A_806 : memref<1x1000xf32, #tpu.memory_space<vmem>> -> memref<1000xf32, #tpu.memory_space<vmem>>
    %dma_start3A_808 = arith.constant 0 : i32
    %dma_start3A_809 = tpu.memref_slice %arg3[%add3A_797, %dma_start3A_808] : memref<416x1000xf32, #tpu.memory_space<hbm>> -> memref<1x1000xf32, #tpu.memory_space<hbm>>
    %dma_start3A_810 = tpu.memref_squeeze %dma_start3A_809 : memref<1x1000xf32, #tpu.memory_space<hbm>> -> memref<1000xf32, #tpu.memory_space<hbm>>
    tpu.enqueue_dma source(%dma_start3A_810 : memref<1000xf32, #tpu.memory_space<hbm>>) target(%dma_start3A_807 : memref<1000xf32, #tpu.memory_space<vmem>>) target_semaphore(%arg16 : memref<!tpu.dma_semaphore, #tpu.memory_space<semaphore_mem>>)
    %dma_start3A_811 = arith.constant 10 : i32
    %dma_start3A_812 = arith.constant 0 : i32
    %dma_start3A_813 = tpu.memref_slice %arg7[%dma_start3A_811, %dma_start3A_812] : memref<13x1024xi32, #tpu.memory_space<vmem>> -> memref<1x1024xi32, #tpu.memory_space<vmem>>
    %dma_start3A_814 = tpu.memref_squeeze %dma_start3A_813 : memref<1x1024xi32, #tpu.memory_space<vmem>> -> memref<1024xi32, #tpu.memory_space<vmem>>
    %dma_start3A_815 = arith.constant 0 : i32
    %dma_start3A_816 = tpu.memref_slice %arg2[%select_n3A_775, %dma_start3A_815] : memref<26x1024xi32, #tpu.memory_space<hbm>> -> memref<1x1024xi32, #tpu.memory_space<hbm>>
    %dma_start3A_817 = tpu.memref_squeeze %dma_start3A_816 : memref<1x1024xi32, #tpu.memory_space<hbm>> -> memref<1024xi32, #tpu.memory_space<hbm>>
    %dma_start3A_818 = arith.constant 0 : i32
    %dma_start3A_819 = tpu.memref_slice %arg7[%dma_start3A_811, %dma_start3A_818] : memref<13x1024xi32, #tpu.memory_space<vmem>> -> memref<1x1024xi32, #tpu.memory_space<vmem>>
    %dma_start3A_820 = tpu.memref_squeeze %dma_start3A_819 : memref<1x1024xi32, #tpu.memory_space<vmem>> -> memref<1024xi32, #tpu.memory_space<vmem>>
    %dma_start3A_821 = arith.constant 0 : i32
    %dma_start3A_822 = tpu.memref_slice %arg2[%select_n3A_775, %dma_start3A_821] : memref<26x1024xi32, #tpu.memory_space<hbm>> -> memref<1x1024xi32, #tpu.memory_space<hbm>>
    %dma_start3A_823 = tpu.memref_squeeze %dma_start3A_822 : memref<1x1024xi32, #tpu.memory_space<hbm>> -> memref<1024xi32, #tpu.memory_space<hbm>>
    tpu.enqueue_dma source(%dma_start3A_823 : memref<1024xi32, #tpu.memory_space<hbm>>) target(%dma_start3A_820 : memref<1024xi32, #tpu.memory_space<vmem>>) target_semaphore(%arg16 : memref<!tpu.dma_semaphore, #tpu.memory_space<semaphore_mem>>)
    %mul3A_824 = arith.constant 13 : i32
    %mul3A_825 = arith.muli %arg1, %mul3A_824 : i32
    %add3A_826 = arith.constant 11 : i32
    %add3A_827 = arith.addi %mul3A_825, %add3A_826 : i32
    %jit3A_828 = arith.constant 8 : i32
    %div3A_829 = arith.divsi %add3A_827, %jit3A_828 : i32
    %sign3A_830 = arith.constant 0 : i32
    %sign3A_831 = arith.cmpi sgt, %add3A_827, %sign3A_830 : i32
    %sign3A_832 = arith.extui %sign3A_831 : i1 to i32
    %sign3A_833 = arith.constant 0 : i32
    %sign3A_834 = arith.cmpi slt, %add3A_827, %sign3A_833 : i32
    %sign3A_835 = arith.extui %sign3A_834 : i1 to i32
    %sign3A_836 = arith.subi %sign3A_832, %sign3A_835 : i32
    %sign3A_837 = arith.constant 0 : i32
    %sign3A_838 = arith.cmpi sgt, %jit3A_828, %sign3A_837 : i32
    %sign3A_839 = arith.extui %sign3A_838 : i1 to i32
    %sign3A_840 = arith.constant 0 : i32
    %sign3A_841 = arith.cmpi slt, %jit3A_828, %sign3A_840 : i32
    %sign3A_842 = arith.extui %sign3A_841 : i1 to i32
    %sign3A_843 = arith.subi %sign3A_839, %sign3A_842 : i32
    %ne3A_844 = arith.cmpi ne, %sign3A_836, %sign3A_843 : i32
    %rem3A_845 = arith.remsi %add3A_827, %jit3A_828 : i32
    %ne3A_846 = arith.constant 0 : i32
    %ne3A_847 = arith.cmpi ne, %rem3A_845, %ne3A_846 : i32
    %and3A_848 = arith.andi %ne3A_844, %ne3A_847 : i1
    %sub3A_849 = arith.constant 1 : i32
    %sub3A_850 = arith.subi %div3A_829, %sub3A_849 : i32
    %select_n3A_851 = arith.select %and3A_848, %sub3A_850, %div3A_829 : i32
    %jit3A_852 = arith.constant 8 : i32
    %eq3A_853 = arith.constant 0 : i32
    %eq3A_854 = arith.cmpi eq, %jit3A_852, %eq3A_853 : i32
    %jit3A_855 = arith.constant 1 : i32
    %select_n3A_856 = arith.select %eq3A_854, %jit3A_855, %jit3A_852 : i32
    %rem3A_857 = arith.remsi %add3A_827, %select_n3A_856 : i32
    %ne3A_858 = arith.constant 0 : i32
    %ne3A_859 = arith.cmpi ne, %rem3A_857, %ne3A_858 : i32
    %lt3A_860 = arith.constant 0 : i32
    %lt3A_861 = arith.cmpi slt, %rem3A_857, %lt3A_860 : i32
    %lt3A_862 = arith.constant 0 : i32
    %lt3A_863 = arith.cmpi slt, %select_n3A_856, %lt3A_862 : i32
    %ne3A_864 = arith.xori %lt3A_861, %lt3A_863 : i1
    %and3A_865 = arith.andi %ne3A_864, %ne3A_859 : i1
    %add3A_866 = arith.addi %rem3A_857, %select_n3A_856 : i32
    %select_n3A_867 = arith.select %and3A_865, %add3A_866, %rem3A_857 : i32
    %mul3A_868 = arith.constant 16 : i32
    %mul3A_869 = arith.muli %select_n3A_851, %mul3A_868 : i32
    %mul3A_870 = arith.constant 8 : i32
    %mul3A_871 = arith.muli %arg0, %mul3A_870 : i32
    %add3A_872 = arith.addi %mul3A_869, %mul3A_871 : i32
    %add3A_873 = arith.addi %add3A_872, %select_n3A_867 : i32
    %dma_start3A_874 = arith.constant 11 : i32
    %dma_start3A_875 = arith.constant 0 : i32
    %dma_start3A_876 = tpu.memref_slice %arg6[%dma_start3A_874, %dma_start3A_875] : memref<13x1000xf32, #tpu.memory_space<vmem>> -> memref<1x1000xf32, #tpu.memory_space<vmem>>
    %dma_start3A_877 = tpu.memref_squeeze %dma_start3A_876 : memref<1x1000xf32, #tpu.memory_space<vmem>> -> memref<1000xf32, #tpu.memory_space<vmem>>
    %dma_start3A_878 = arith.constant 0 : i32
    %dma_start3A_879 = tpu.memref_slice %arg3[%add3A_873, %dma_start3A_878] : memref<416x1000xf32, #tpu.memory_space<hbm>> -> memref<1x1000xf32, #tpu.memory_space<hbm>>
    %dma_start3A_880 = tpu.memref_squeeze %dma_start3A_879 : memref<1x1000xf32, #tpu.memory_space<hbm>> -> memref<1000xf32, #tpu.memory_space<hbm>>
    %dma_start3A_881 = arith.constant 0 : i32
    %dma_start3A_882 = tpu.memref_slice %arg6[%dma_start3A_874, %dma_start3A_881] : memref<13x1000xf32, #tpu.memory_space<vmem>> -> memref<1x1000xf32, #tpu.memory_space<vmem>>
    %dma_start3A_883 = tpu.memref_squeeze %dma_start3A_882 : memref<1x1000xf32, #tpu.memory_space<vmem>> -> memref<1000xf32, #tpu.memory_space<vmem>>
    %dma_start3A_884 = arith.constant 0 : i32
    %dma_start3A_885 = tpu.memref_slice %arg3[%add3A_873, %dma_start3A_884] : memref<416x1000xf32, #tpu.memory_space<hbm>> -> memref<1x1000xf32, #tpu.memory_space<hbm>>
    %dma_start3A_886 = tpu.memref_squeeze %dma_start3A_885 : memref<1x1000xf32, #tpu.memory_space<hbm>> -> memref<1000xf32, #tpu.memory_space<hbm>>
    tpu.enqueue_dma source(%dma_start3A_886 : memref<1000xf32, #tpu.memory_space<hbm>>) target(%dma_start3A_883 : memref<1000xf32, #tpu.memory_space<vmem>>) target_semaphore(%arg16 : memref<!tpu.dma_semaphore, #tpu.memory_space<semaphore_mem>>)
    %dma_start3A_887 = arith.constant 11 : i32
    %dma_start3A_888 = arith.constant 0 : i32
    %dma_start3A_889 = tpu.memref_slice %arg7[%dma_start3A_887, %dma_start3A_888] : memref<13x1024xi32, #tpu.memory_space<vmem>> -> memref<1x1024xi32, #tpu.memory_space<vmem>>
    %dma_start3A_890 = tpu.memref_squeeze %dma_start3A_889 : memref<1x1024xi32, #tpu.memory_space<vmem>> -> memref<1024xi32, #tpu.memory_space<vmem>>
    %dma_start3A_891 = arith.constant 0 : i32
    %dma_start3A_892 = tpu.memref_slice %arg2[%select_n3A_851, %dma_start3A_891] : memref<26x1024xi32, #tpu.memory_space<hbm>> -> memref<1x1024xi32, #tpu.memory_space<hbm>>
    %dma_start3A_893 = tpu.memref_squeeze %dma_start3A_892 : memref<1x1024xi32, #tpu.memory_space<hbm>> -> memref<1024xi32, #tpu.memory_space<hbm>>
    %dma_start3A_894 = arith.constant 0 : i32
    %dma_start3A_895 = tpu.memref_slice %arg7[%dma_start3A_887, %dma_start3A_894] : memref<13x1024xi32, #tpu.memory_space<vmem>> -> memref<1x1024xi32, #tpu.memory_space<vmem>>
    %dma_start3A_896 = tpu.memref_squeeze %dma_start3A_895 : memref<1x1024xi32, #tpu.memory_space<vmem>> -> memref<1024xi32, #tpu.memory_space<vmem>>
    %dma_start3A_897 = arith.constant 0 : i32
    %dma_start3A_898 = tpu.memref_slice %arg2[%select_n3A_851, %dma_start3A_897] : memref<26x1024xi32, #tpu.memory_space<hbm>> -> memref<1x1024xi32, #tpu.memory_space<hbm>>
    %dma_start3A_899 = tpu.memref_squeeze %dma_start3A_898 : memref<1x1024xi32, #tpu.memory_space<hbm>> -> memref<1024xi32, #tpu.memory_space<hbm>>
    tpu.enqueue_dma source(%dma_start3A_899 : memref<1024xi32, #tpu.memory_space<hbm>>) target(%dma_start3A_896 : memref<1024xi32, #tpu.memory_space<vmem>>) target_semaphore(%arg16 : memref<!tpu.dma_semaphore, #tpu.memory_space<semaphore_mem>>)
    %mul3A_900 = arith.constant 13 : i32
    %mul3A_901 = arith.muli %arg1, %mul3A_900 : i32
    %add3A_902 = arith.constant 12 : i32
    %add3A_903 = arith.addi %mul3A_901, %add3A_902 : i32
    %jit3A_904 = arith.constant 8 : i32
    %div3A_905 = arith.divsi %add3A_903, %jit3A_904 : i32
    %sign3A_906 = arith.constant 0 : i32
    %sign3A_907 = arith.cmpi sgt, %add3A_903, %sign3A_906 : i32
    %sign3A_908 = arith.extui %sign3A_907 : i1 to i32
    %sign3A_909 = arith.constant 0 : i32
    %sign3A_910 = arith.cmpi slt, %add3A_903, %sign3A_909 : i32
    %sign3A_911 = arith.extui %sign3A_910 : i1 to i32
    %sign3A_912 = arith.subi %sign3A_908, %sign3A_911 : i32
    %sign3A_913 = arith.constant 0 : i32
    %sign3A_914 = arith.cmpi sgt, %jit3A_904, %sign3A_913 : i32
    %sign3A_915 = arith.extui %sign3A_914 : i1 to i32
    %sign3A_916 = arith.constant 0 : i32
    %sign3A_917 = arith.cmpi slt, %jit3A_904, %sign3A_916 : i32
    %sign3A_918 = arith.extui %sign3A_917 : i1 to i32
    %sign3A_919 = arith.subi %sign3A_915, %sign3A_918 : i32
    %ne3A_920 = arith.cmpi ne, %sign3A_912, %sign3A_919 : i32
    %rem3A_921 = arith.remsi %add3A_903, %jit3A_904 : i32
    %ne3A_922 = arith.constant 0 : i32
    %ne3A_923 = arith.cmpi ne, %rem3A_921, %ne3A_922 : i32
    %and3A_924 = arith.andi %ne3A_920, %ne3A_923 : i1
    %sub3A_925 = arith.constant 1 : i32
    %sub3A_926 = arith.subi %div3A_905, %sub3A_925 : i32
    %select_n3A_927 = arith.select %and3A_924, %sub3A_926, %div3A_905 : i32
    %jit3A_928 = arith.constant 8 : i32
    %eq3A_929 = arith.constant 0 : i32
    %eq3A_930 = arith.cmpi eq, %jit3A_928, %eq3A_929 : i32
    %jit3A_931 = arith.constant 1 : i32
    %select_n3A_932 = arith.select %eq3A_930, %jit3A_931, %jit3A_928 : i32
    %rem3A_933 = arith.remsi %add3A_903, %select_n3A_932 : i32
    %ne3A_934 = arith.constant 0 : i32
    %ne3A_935 = arith.cmpi ne, %rem3A_933, %ne3A_934 : i32
    %lt3A_936 = arith.constant 0 : i32
    %lt3A_937 = arith.cmpi slt, %rem3A_933, %lt3A_936 : i32
    %lt3A_938 = arith.constant 0 : i32
    %lt3A_939 = arith.cmpi slt, %select_n3A_932, %lt3A_938 : i32
    %ne3A_940 = arith.xori %lt3A_937, %lt3A_939 : i1
    %and3A_941 = arith.andi %ne3A_940, %ne3A_935 : i1
    %add3A_942 = arith.addi %rem3A_933, %select_n3A_932 : i32
    %select_n3A_943 = arith.select %and3A_941, %add3A_942, %rem3A_933 : i32
    %mul3A_944 = arith.constant 16 : i32
    %mul3A_945 = arith.muli %select_n3A_927, %mul3A_944 : i32
    %mul3A_946 = arith.constant 8 : i32
    %mul3A_947 = arith.muli %arg0, %mul3A_946 : i32
    %add3A_948 = arith.addi %mul3A_945, %mul3A_947 : i32
    %add3A_949 = arith.addi %add3A_948, %select_n3A_943 : i32
    %dma_start3A_950 = arith.constant 12 : i32
    %dma_start3A_951 = arith.constant 0 : i32
    %dma_start3A_952 = tpu.memref_slice %arg6[%dma_start3A_950, %dma_start3A_951] : memref<13x1000xf32, #tpu.memory_space<vmem>> -> memref<1x1000xf32, #tpu.memory_space<vmem>>
    %dma_start3A_953 = tpu.memref_squeeze %dma_start3A_952 : memref<1x1000xf32, #tpu.memory_space<vmem>> -> memref<1000xf32, #tpu.memory_space<vmem>>
    %dma_start3A_954 = arith.constant 0 : i32
    %dma_start3A_955 = tpu.memref_slice %arg3[%add3A_949, %dma_start3A_954] : memref<416x1000xf32, #tpu.memory_space<hbm>> -> memref<1x1000xf32, #tpu.memory_space<hbm>>
    %dma_start3A_956 = tpu.memref_squeeze %dma_start3A_955 : memref<1x1000xf32, #tpu.memory_space<hbm>> -> memref<1000xf32, #tpu.memory_space<hbm>>
    %dma_start3A_957 = arith.constant 0 : i32
    %dma_start3A_958 = tpu.memref_slice %arg6[%dma_start3A_950, %dma_start3A_957] : memref<13x1000xf32, #tpu.memory_space<vmem>> -> memref<1x1000xf32, #tpu.memory_space<vmem>>
    %dma_start3A_959 = tpu.memref_squeeze %dma_start3A_958 : memref<1x1000xf32, #tpu.memory_space<vmem>> -> memref<1000xf32, #tpu.memory_space<vmem>>
    %dma_start3A_960 = arith.constant 0 : i32
    %dma_start3A_961 = tpu.memref_slice %arg3[%add3A_949, %dma_start3A_960] : memref<416x1000xf32, #tpu.memory_space<hbm>> -> memref<1x1000xf32, #tpu.memory_space<hbm>>
    %dma_start3A_962 = tpu.memref_squeeze %dma_start3A_961 : memref<1x1000xf32, #tpu.memory_space<hbm>> -> memref<1000xf32, #tpu.memory_space<hbm>>
    tpu.enqueue_dma source(%dma_start3A_962 : memref<1000xf32, #tpu.memory_space<hbm>>) target(%dma_start3A_959 : memref<1000xf32, #tpu.memory_space<vmem>>) target_semaphore(%arg16 : memref<!tpu.dma_semaphore, #tpu.memory_space<semaphore_mem>>)
    %dma_start3A_963 = arith.constant 12 : i32
    %dma_start3A_964 = arith.constant 0 : i32
    %dma_start3A_965 = tpu.memref_slice %arg7[%dma_start3A_963, %dma_start3A_964] : memref<13x1024xi32, #tpu.memory_space<vmem>> -> memref<1x1024xi32, #tpu.memory_space<vmem>>
    %dma_start3A_966 = tpu.memref_squeeze %dma_start3A_965 : memref<1x1024xi32, #tpu.memory_space<vmem>> -> memref<1024xi32, #tpu.memory_space<vmem>>
    %dma_start3A_967 = arith.constant 0 : i32
    %dma_start3A_968 = tpu.memref_slice %arg2[%select_n3A_927, %dma_start3A_967] : memref<26x1024xi32, #tpu.memory_space<hbm>> -> memref<1x1024xi32, #tpu.memory_space<hbm>>
    %dma_start3A_969 = tpu.memref_squeeze %dma_start3A_968 : memref<1x1024xi32, #tpu.memory_space<hbm>> -> memref<1024xi32, #tpu.memory_space<hbm>>
    %dma_start3A_970 = arith.constant 0 : i32
    %dma_start3A_971 = tpu.memref_slice %arg7[%dma_start3A_963, %dma_start3A_970] : memref<13x1024xi32, #tpu.memory_space<vmem>> -> memref<1x1024xi32, #tpu.memory_space<vmem>>
    %dma_start3A_972 = tpu.memref_squeeze %dma_start3A_971 : memref<1x1024xi32, #tpu.memory_space<vmem>> -> memref<1024xi32, #tpu.memory_space<vmem>>
    %dma_start3A_973 = arith.constant 0 : i32
    %dma_start3A_974 = tpu.memref_slice %arg2[%select_n3A_927, %dma_start3A_973] : memref<26x1024xi32, #tpu.memory_space<hbm>> -> memref<1x1024xi32, #tpu.memory_space<hbm>>
    %dma_start3A_975 = tpu.memref_squeeze %dma_start3A_974 : memref<1x1024xi32, #tpu.memory_space<hbm>> -> memref<1024xi32, #tpu.memory_space<hbm>>
    tpu.enqueue_dma source(%dma_start3A_975 : memref<1024xi32, #tpu.memory_space<hbm>>) target(%dma_start3A_972 : memref<1024xi32, #tpu.memory_space<vmem>>) target_semaphore(%arg16 : memref<!tpu.dma_semaphore, #tpu.memory_space<semaphore_mem>>)
    %scan3A = arith.constant 0 : i32
    %scan3A_976 = arith.constant 0 : i32
    %scan3A_977 = arith.constant 64 : i32
    %scan3A_978 = arith.addi %scan3A_976, %scan3A_977 : i32
    %scan3A_979 = arith.constant 4 : i32
    %scan3A_980 = scf.for %scan3A_3082 = %scan3A_976 to %scan3A_978 step %scan3A_979 iter_args(%scan3A_3083 = %scan3A) -> (i32)  : i32 {
      %mul3A_3084 = arith.constant 16 : i32
      %mul3A_3085 = arith.muli %scan3A_3082, %mul3A_3084 : i32
      %swap3A_3086 = arith.constant 0 : i32
      %swap3A_3087 = arith.index_cast %swap3A_3086 : i32 to index
      %swap3A_3088 = arith.index_cast %mul3A_3085 : i32 to index
      %swap3A_3089 = tpu.vector_load %arg9[%swap3A_3087, %swap3A_3088] {strides = array<i32>} : memref<8x1024xf32, #tpu.memory_space<vmem>>, vector<16xf32>,
      tpu.vector_store %arg9[%swap3A_3087, %swap3A_3088], %broadcast_in_dim3A_0 {strides = array<i32>} : memref<8x1024xf32, #tpu.memory_space<vmem>>, vector<16xf32>,
      %swap3A_3090 = arith.constant 0 : i32
      %swap3A_3091 = arith.index_cast %swap3A_3090 : i32 to index
      %swap3A_3092 = arith.index_cast %mul3A_3085 : i32 to index
      %swap3A_3093 = tpu.vector_load %arg10[%swap3A_3091, %swap3A_3092] {strides = array<i32>} : memref<8x1024xf32, #tpu.memory_space<vmem>>, vector<16xf32>,
      tpu.vector_store %arg10[%swap3A_3091, %swap3A_3092], %broadcast_in_dim3A_0 {strides = array<i32>} : memref<8x1024xf32, #tpu.memory_space<vmem>>, vector<16xf32>,
      %swap3A_3094 = arith.constant 1 : i32
      %swap3A_3095 = arith.index_cast %swap3A_3094 : i32 to index
      %swap3A_3096 = arith.index_cast %mul3A_3085 : i32 to index
      %swap3A_3097 = tpu.vector_load %arg9[%swap3A_3095, %swap3A_3096] {strides = array<i32>} : memref<8x1024xf32, #tpu.memory_space<vmem>>, vector<16xf32>,
      tpu.vector_store %arg9[%swap3A_3095, %swap3A_3096], %broadcast_in_dim3A_0 {strides = array<i32>} : memref<8x1024xf32, #tpu.memory_space<vmem>>, vector<16xf32>,
      %swap3A_3098 = arith.constant 1 : i32
      %swap3A_3099 = arith.index_cast %swap3A_3098 : i32 to index
      %swap3A_3100 = arith.index_cast %mul3A_3085 : i32 to index
      %swap3A_3101 = tpu.vector_load %arg10[%swap3A_3099, %swap3A_3100] {strides = array<i32>} : memref<8x1024xf32, #tpu.memory_space<vmem>>, vector<16xf32>,
      tpu.vector_store %arg10[%swap3A_3099, %swap3A_3100], %broadcast_in_dim3A_0 {strides = array<i32>} : memref<8x1024xf32, #tpu.memory_space<vmem>>, vector<16xf32>,
      %swap3A_3102 = arith.constant 2 : i32
      %swap3A_3103 = arith.index_cast %swap3A_3102 : i32 to index
      %swap3A_3104 = arith.index_cast %mul3A_3085 : i32 to index
      %swap3A_3105 = tpu.vector_load %arg9[%swap3A_3103, %swap3A_3104] {strides = array<i32>} : memref<8x1024xf32, #tpu.memory_space<vmem>>, vector<16xf32>,
      tpu.vector_store %arg9[%swap3A_3103, %swap3A_3104], %broadcast_in_dim3A_0 {strides = array<i32>} : memref<8x1024xf32, #tpu.memory_space<vmem>>, vector<16xf32>,
      %swap3A_3106 = arith.constant 2 : i32
      %swap3A_3107 = arith.index_cast %swap3A_3106 : i32 to index
      %swap3A_3108 = arith.index_cast %mul3A_3085 : i32 to index
      %swap3A_3109 = tpu.vector_load %arg10[%swap3A_3107, %swap3A_3108] {strides = array<i32>} : memref<8x1024xf32, #tpu.memory_space<vmem>>, vector<16xf32>,
      tpu.vector_store %arg10[%swap3A_3107, %swap3A_3108], %broadcast_in_dim3A_0 {strides = array<i32>} : memref<8x1024xf32, #tpu.memory_space<vmem>>, vector<16xf32>,
      %swap3A_3110 = arith.constant 3 : i32
      %swap3A_3111 = arith.index_cast %swap3A_3110 : i32 to index
      %swap3A_3112 = arith.index_cast %mul3A_3085 : i32 to index
      %swap3A_3113 = tpu.vector_load %arg9[%swap3A_3111, %swap3A_3112] {strides = array<i32>} : memref<8x1024xf32, #tpu.memory_space<vmem>>, vector<16xf32>,
      tpu.vector_store %arg9[%swap3A_3111, %swap3A_3112], %broadcast_in_dim3A_0 {strides = array<i32>} : memref<8x1024xf32, #tpu.memory_space<vmem>>, vector<16xf32>,
      %swap3A_3114 = arith.constant 3 : i32
      %swap3A_3115 = arith.index_cast %swap3A_3114 : i32 to index
      %swap3A_3116 = arith.index_cast %mul3A_3085 : i32 to index
      %swap3A_3117 = tpu.vector_load %arg10[%swap3A_3115, %swap3A_3116] {strides = array<i32>} : memref<8x1024xf32, #tpu.memory_space<vmem>>, vector<16xf32>,
      tpu.vector_store %arg10[%swap3A_3115, %swap3A_3116], %broadcast_in_dim3A_0 {strides = array<i32>} : memref<8x1024xf32, #tpu.memory_space<vmem>>, vector<16xf32>,
      %swap3A_3118 = arith.constant 4 : i32
      %swap3A_3119 = arith.index_cast %swap3A_3118 : i32 to index
      %swap3A_3120 = arith.index_cast %mul3A_3085 : i32 to index
      %swap3A_3121 = tpu.vector_load %arg9[%swap3A_3119, %swap3A_3120] {strides = array<i32>} : memref<8x1024xf32, #tpu.memory_space<vmem>>, vector<16xf32>,
      tpu.vector_store %arg9[%swap3A_3119, %swap3A_3120], %broadcast_in_dim3A_0 {strides = array<i32>} : memref<8x1024xf32, #tpu.memory_space<vmem>>, vector<16xf32>,
      %swap3A_3122 = arith.constant 4 : i32
      %swap3A_3123 = arith.index_cast %swap3A_3122 : i32 to index
      %swap3A_3124 = arith.index_cast %mul3A_3085 : i32 to index
      %swap3A_3125 = tpu.vector_load %arg10[%swap3A_3123, %swap3A_3124] {strides = array<i32>} : memref<8x1024xf32, #tpu.memory_space<vmem>>, vector<16xf32>,
      tpu.vector_store %arg10[%swap3A_3123, %swap3A_3124], %broadcast_in_dim3A_0 {strides = array<i32>} : memref<8x1024xf32, #tpu.memory_space<vmem>>, vector<16xf32>,
      %swap3A_3126 = arith.constant 5 : i32
      %swap3A_3127 = arith.index_cast %swap3A_3126 : i32 to index
      %swap3A_3128 = arith.index_cast %mul3A_3085 : i32 to index
      %swap3A_3129 = tpu.vector_load %arg9[%swap3A_3127, %swap3A_3128] {strides = array<i32>} : memref<8x1024xf32, #tpu.memory_space<vmem>>, vector<16xf32>,
      tpu.vector_store %arg9[%swap3A_3127, %swap3A_3128], %broadcast_in_dim3A_0 {strides = array<i32>} : memref<8x1024xf32, #tpu.memory_space<vmem>>, vector<16xf32>,
      %swap3A_3130 = arith.constant 5 : i32
      %swap3A_3131 = arith.index_cast %swap3A_3130 : i32 to index
      %swap3A_3132 = arith.index_cast %mul3A_3085 : i32 to index
      %swap3A_3133 = tpu.vector_load %arg10[%swap3A_3131, %swap3A_3132] {strides = array<i32>} : memref<8x1024xf32, #tpu.memory_space<vmem>>, vector<16xf32>,
      tpu.vector_store %arg10[%swap3A_3131, %swap3A_3132], %broadcast_in_dim3A_0 {strides = array<i32>} : memref<8x1024xf32, #tpu.memory_space<vmem>>, vector<16xf32>,
      %swap3A_3134 = arith.constant 6 : i32
      %swap3A_3135 = arith.index_cast %swap3A_3134 : i32 to index
      %swap3A_3136 = arith.index_cast %mul3A_3085 : i32 to index
      %swap3A_3137 = tpu.vector_load %arg9[%swap3A_3135, %swap3A_3136] {strides = array<i32>} : memref<8x1024xf32, #tpu.memory_space<vmem>>, vector<16xf32>,
      tpu.vector_store %arg9[%swap3A_3135, %swap3A_3136], %broadcast_in_dim3A_0 {strides = array<i32>} : memref<8x1024xf32, #tpu.memory_space<vmem>>, vector<16xf32>,
      %swap3A_3138 = arith.constant 6 : i32
      %swap3A_3139 = arith.index_cast %swap3A_3138 : i32 to index
      %swap3A_3140 = arith.index_cast %mul3A_3085 : i32 to index
      %swap3A_3141 = tpu.vector_load %arg10[%swap3A_3139, %swap3A_3140] {strides = array<i32>} : memref<8x1024xf32, #tpu.memory_space<vmem>>, vector<16xf32>,
      tpu.vector_store %arg10[%swap3A_3139, %swap3A_3140], %broadcast_in_dim3A_0 {strides = array<i32>} : memref<8x1024xf32, #tpu.memory_space<vmem>>, vector<16xf32>,
      %swap3A_3142 = arith.constant 7 : i32
      %swap3A_3143 = arith.index_cast %swap3A_3142 : i32 to index
      %swap3A_3144 = arith.index_cast %mul3A_3085 : i32 to index
      %swap3A_3145 = tpu.vector_load %arg9[%swap3A_3143, %swap3A_3144] {strides = array<i32>} : memref<8x1024xf32, #tpu.memory_space<vmem>>, vector<16xf32>,
      tpu.vector_store %arg9[%swap3A_3143, %swap3A_3144], %broadcast_in_dim3A_0 {strides = array<i32>} : memref<8x1024xf32, #tpu.memory_space<vmem>>, vector<16xf32>,
      %swap3A_3146 = arith.constant 7 : i32
      %swap3A_3147 = arith.index_cast %swap3A_3146 : i32 to index
      %swap3A_3148 = arith.index_cast %mul3A_3085 : i32 to index
      %swap3A_3149 = tpu.vector_load %arg10[%swap3A_3147, %swap3A_3148] {strides = array<i32>} : memref<8x1024xf32, #tpu.memory_space<vmem>>, vector<16xf32>,
      tpu.vector_store %arg10[%swap3A_3147, %swap3A_3148], %broadcast_in_dim3A_0 {strides = array<i32>} : memref<8x1024xf32, #tpu.memory_space<vmem>>, vector<16xf32>,
      %scan3A_3150 = arith.constant 0 : i32
      %scan3A_3151 = arith.constant 1 : i32
      %scan3A_3152 = arith.addi %scan3A_3082, %scan3A_3151 : i32
      %mul3A_3153 = arith.constant 16 : i32
      %mul3A_3154 = arith.muli %scan3A_3152, %mul3A_3153 : i32
      %swap3A_3155 = arith.constant 0 : i32
      %swap3A_3156 = arith.index_cast %swap3A_3155 : i32 to index
      %swap3A_3157 = arith.index_cast %mul3A_3154 : i32 to index
      %swap3A_3158 = tpu.vector_load %arg9[%swap3A_3156, %swap3A_3157] {strides = array<i32>} : memref<8x1024xf32, #tpu.memory_space<vmem>>, vector<16xf32>,
      tpu.vector_store %arg9[%swap3A_3156, %swap3A_3157], %broadcast_in_dim3A_0 {strides = array<i32>} : memref<8x1024xf32, #tpu.memory_space<vmem>>, vector<16xf32>,
      %swap3A_3159 = arith.constant 0 : i32
      %swap3A_3160 = arith.index_cast %swap3A_3159 : i32 to index
      %swap3A_3161 = arith.index_cast %mul3A_3154 : i32 to index
      %swap3A_3162 = tpu.vector_load %arg10[%swap3A_3160, %swap3A_3161] {strides = array<i32>} : memref<8x1024xf32, #tpu.memory_space<vmem>>, vector<16xf32>,
      tpu.vector_store %arg10[%swap3A_3160, %swap3A_3161], %broadcast_in_dim3A_0 {strides = array<i32>} : memref<8x1024xf32, #tpu.memory_space<vmem>>, vector<16xf32>,
      %swap3A_3163 = arith.constant 1 : i32
      %swap3A_3164 = arith.index_cast %swap3A_3163 : i32 to index
      %swap3A_3165 = arith.index_cast %mul3A_3154 : i32 to index
      %swap3A_3166 = tpu.vector_load %arg9[%swap3A_3164, %swap3A_3165] {strides = array<i32>} : memref<8x1024xf32, #tpu.memory_space<vmem>>, vector<16xf32>,
      tpu.vector_store %arg9[%swap3A_3164, %swap3A_3165], %broadcast_in_dim3A_0 {strides = array<i32>} : memref<8x1024xf32, #tpu.memory_space<vmem>>, vector<16xf32>,
      %swap3A_3167 = arith.constant 1 : i32
      %swap3A_3168 = arith.index_cast %swap3A_3167 : i32 to index
      %swap3A_3169 = arith.index_cast %mul3A_3154 : i32 to index
      %swap3A_3170 = tpu.vector_load %arg10[%swap3A_3168, %swap3A_3169] {strides = array<i32>} : memref<8x1024xf32, #tpu.memory_space<vmem>>, vector<16xf32>,
      tpu.vector_store %arg10[%swap3A_3168, %swap3A_3169], %broadcast_in_dim3A_0 {strides = array<i32>} : memref<8x1024xf32, #tpu.memory_space<vmem>>, vector<16xf32>,
      %swap3A_3171 = arith.constant 2 : i32
      %swap3A_3172 = arith.index_cast %swap3A_3171 : i32 to index
      %swap3A_3173 = arith.index_cast %mul3A_3154 : i32 to index
      %swap3A_3174 = tpu.vector_load %arg9[%swap3A_3172, %swap3A_3173] {strides = array<i32>} : memref<8x1024xf32, #tpu.memory_space<vmem>>, vector<16xf32>,
      tpu.vector_store %arg9[%swap3A_3172, %swap3A_3173], %broadcast_in_dim3A_0 {strides = array<i32>} : memref<8x1024xf32, #tpu.memory_space<vmem>>, vector<16xf32>,
      %swap3A_3175 = arith.constant 2 : i32
      %swap3A_3176 = arith.index_cast %swap3A_3175 : i32 to index
      %swap3A_3177 = arith.index_cast %mul3A_3154 : i32 to index
      %swap3A_3178 = tpu.vector_load %arg10[%swap3A_3176, %swap3A_3177] {strides = array<i32>} : memref<8x1024xf32, #tpu.memory_space<vmem>>, vector<16xf32>,
      tpu.vector_store %arg10[%swap3A_3176, %swap3A_3177], %broadcast_in_dim3A_0 {strides = array<i32>} : memref<8x1024xf32, #tpu.memory_space<vmem>>, vector<16xf32>,
      %swap3A_3179 = arith.constant 3 : i32
      %swap3A_3180 = arith.index_cast %swap3A_3179 : i32 to index
      %swap3A_3181 = arith.index_cast %mul3A_3154 : i32 to index
      %swap3A_3182 = tpu.vector_load %arg9[%swap3A_3180, %swap3A_3181] {strides = array<i32>} : memref<8x1024xf32, #tpu.memory_space<vmem>>, vector<16xf32>,
      tpu.vector_store %arg9[%swap3A_3180, %swap3A_3181], %broadcast_in_dim3A_0 {strides = array<i32>} : memref<8x1024xf32, #tpu.memory_space<vmem>>, vector<16xf32>,
      %swap3A_3183 = arith.constant 3 : i32
      %swap3A_3184 = arith.index_cast %swap3A_3183 : i32 to index
      %swap3A_3185 = arith.index_cast %mul3A_3154 : i32 to index
      %swap3A_3186 = tpu.vector_load %arg10[%swap3A_3184, %swap3A_3185] {strides = array<i32>} : memref<8x1024xf32, #tpu.memory_space<vmem>>, vector<16xf32>,
      tpu.vector_store %arg10[%swap3A_3184, %swap3A_3185], %broadcast_in_dim3A_0 {strides = array<i32>} : memref<8x1024xf32, #tpu.memory_space<vmem>>, vector<16xf32>,
      %swap3A_3187 = arith.constant 4 : i32
      %swap3A_3188 = arith.index_cast %swap3A_3187 : i32 to index
      %swap3A_3189 = arith.index_cast %mul3A_3154 : i32 to index
      %swap3A_3190 = tpu.vector_load %arg9[%swap3A_3188, %swap3A_3189] {strides = array<i32>} : memref<8x1024xf32, #tpu.memory_space<vmem>>, vector<16xf32>,
      tpu.vector_store %arg9[%swap3A_3188, %swap3A_3189], %broadcast_in_dim3A_0 {strides = array<i32>} : memref<8x1024xf32, #tpu.memory_space<vmem>>, vector<16xf32>,
      %swap3A_3191 = arith.constant 4 : i32
      %swap3A_3192 = arith.index_cast %swap3A_3191 : i32 to index
      %swap3A_3193 = arith.index_cast %mul3A_3154 : i32 to index
      %swap3A_3194 = tpu.vector_load %arg10[%swap3A_3192, %swap3A_3193] {strides = array<i32>} : memref<8x1024xf32, #tpu.memory_space<vmem>>, vector<16xf32>,
      tpu.vector_store %arg10[%swap3A_3192, %swap3A_3193], %broadcast_in_dim3A_0 {strides = array<i32>} : memref<8x1024xf32, #tpu.memory_space<vmem>>, vector<16xf32>,
      %swap3A_3195 = arith.constant 5 : i32
      %swap3A_3196 = arith.index_cast %swap3A_3195 : i32 to index
      %swap3A_3197 = arith.index_cast %mul3A_3154 : i32 to index
      %swap3A_3198 = tpu.vector_load %arg9[%swap3A_3196, %swap3A_3197] {strides = array<i32>} : memref<8x1024xf32, #tpu.memory_space<vmem>>, vector<16xf32>,
      tpu.vector_store %arg9[%swap3A_3196, %swap3A_3197], %broadcast_in_dim3A_0 {strides = array<i32>} : memref<8x1024xf32, #tpu.memory_space<vmem>>, vector<16xf32>,
      %swap3A_3199 = arith.constant 5 : i32
      %swap3A_3200 = arith.index_cast %swap3A_3199 : i32 to index
      %swap3A_3201 = arith.index_cast %mul3A_3154 : i32 to index
      %swap3A_3202 = tpu.vector_load %arg10[%swap3A_3200, %swap3A_3201] {strides = array<i32>} : memref<8x1024xf32, #tpu.memory_space<vmem>>, vector<16xf32>,
      tpu.vector_store %arg10[%swap3A_3200, %swap3A_3201], %broadcast_in_dim3A_0 {strides = array<i32>} : memref<8x1024xf32, #tpu.memory_space<vmem>>, vector<16xf32>,
      %swap3A_3203 = arith.constant 6 : i32
      %swap3A_3204 = arith.index_cast %swap3A_3203 : i32 to index
      %swap3A_3205 = arith.index_cast %mul3A_3154 : i32 to index
      %swap3A_3206 = tpu.vector_load %arg9[%swap3A_3204, %swap3A_3205] {strides = array<i32>} : memref<8x1024xf32, #tpu.memory_space<vmem>>, vector<16xf32>,
      tpu.vector_store %arg9[%swap3A_3204, %swap3A_3205], %broadcast_in_dim3A_0 {strides = array<i32>} : memref<8x1024xf32, #tpu.memory_space<vmem>>, vector<16xf32>,
      %swap3A_3207 = arith.constant 6 : i32
      %swap3A_3208 = arith.index_cast %swap3A_3207 : i32 to index
      %swap3A_3209 = arith.index_cast %mul3A_3154 : i32 to index
      %swap3A_3210 = tpu.vector_load %arg10[%swap3A_3208, %swap3A_3209] {strides = array<i32>} : memref<8x1024xf32, #tpu.memory_space<vmem>>, vector<16xf32>,
      tpu.vector_store %arg10[%swap3A_3208, %swap3A_3209], %broadcast_in_dim3A_0 {strides = array<i32>} : memref<8x1024xf32, #tpu.memory_space<vmem>>, vector<16xf32>,
      %swap3A_3211 = arith.constant 7 : i32
      %swap3A_3212 = arith.index_cast %swap3A_3211 : i32 to index
      %swap3A_3213 = arith.index_cast %mul3A_3154 : i32 to index
      %swap3A_3214 = tpu.vector_load %arg9[%swap3A_3212, %swap3A_3213] {strides = array<i32>} : memref<8x1024xf32, #tpu.memory_space<vmem>>, vector<16xf32>,
      tpu.vector_store %arg9[%swap3A_3212, %swap3A_3213], %broadcast_in_dim3A_0 {strides = array<i32>} : memref<8x1024xf32, #tpu.memory_space<vmem>>, vector<16xf32>,
      %swap3A_3215 = arith.constant 7 : i32
      %swap3A_3216 = arith.index_cast %swap3A_3215 : i32 to index
      %swap3A_3217 = arith.index_cast %mul3A_3154 : i32 to index
      %swap3A_3218 = tpu.vector_load %arg10[%swap3A_3216, %swap3A_3217] {strides = array<i32>} : memref<8x1024xf32, #tpu.memory_space<vmem>>, vector<16xf32>,
      tpu.vector_store %arg10[%swap3A_3216, %swap3A_3217], %broadcast_in_dim3A_0 {strides = array<i32>} : memref<8x1024xf32, #tpu.memory_space<vmem>>, vector<16xf32>,
      %scan3A_3219 = arith.constant 0 : i32
      %scan3A_3220 = arith.constant 2 : i32
      %scan3A_3221 = arith.addi %scan3A_3082, %scan3A_3220 : i32
      %mul3A_3222 = arith.constant 16 : i32
      %mul3A_3223 = arith.muli %scan3A_3221, %mul3A_3222 : i32
      %swap3A_3224 = arith.constant 0 : i32
      %swap3A_3225 = arith.index_cast %swap3A_3224 : i32 to index
      %swap3A_3226 = arith.index_cast %mul3A_3223 : i32 to index
      %swap3A_3227 = tpu.vector_load %arg9[%swap3A_3225, %swap3A_3226] {strides = array<i32>} : memref<8x1024xf32, #tpu.memory_space<vmem>>, vector<16xf32>,
      tpu.vector_store %arg9[%swap3A_3225, %swap3A_3226], %broadcast_in_dim3A_0 {strides = array<i32>} : memref<8x1024xf32, #tpu.memory_space<vmem>>, vector<16xf32>,
      %swap3A_3228 = arith.constant 0 : i32
      %swap3A_3229 = arith.index_cast %swap3A_3228 : i32 to index
      %swap3A_3230 = arith.index_cast %mul3A_3223 : i32 to index
      %swap3A_3231 = tpu.vector_load %arg10[%swap3A_3229, %swap3A_3230] {strides = array<i32>} : memref<8x1024xf32, #tpu.memory_space<vmem>>, vector<16xf32>,
      tpu.vector_store %arg10[%swap3A_3229, %swap3A_3230], %broadcast_in_dim3A_0 {strides = array<i32>} : memref<8x1024xf32, #tpu.memory_space<vmem>>, vector<16xf32>,
      %swap3A_3232 = arith.constant 1 : i32
      %swap3A_3233 = arith.index_cast %swap3A_3232 : i32 to index
      %swap3A_3234 = arith.index_cast %mul3A_3223 : i32 to index
      %swap3A_3235 = tpu.vector_load %arg9[%swap3A_3233, %swap3A_3234] {strides = array<i32>} : memref<8x1024xf32, #tpu.memory_space<vmem>>, vector<16xf32>,
      tpu.vector_store %arg9[%swap3A_3233, %swap3A_3234], %broadcast_in_dim3A_0 {strides = array<i32>} : memref<8x1024xf32, #tpu.memory_space<vmem>>, vector<16xf32>,
      %swap3A_3236 = arith.constant 1 : i32
      %swap3A_3237 = arith.index_cast %swap3A_3236 : i32 to index
      %swap3A_3238 = arith.index_cast %mul3A_3223 : i32 to index
      %swap3A_3239 = tpu.vector_load %arg10[%swap3A_3237, %swap3A_3238] {strides = array<i32>} : memref<8x1024xf32, #tpu.memory_space<vmem>>, vector<16xf32>,
      tpu.vector_store %arg10[%swap3A_3237, %swap3A_3238], %broadcast_in_dim3A_0 {strides = array<i32>} : memref<8x1024xf32, #tpu.memory_space<vmem>>, vector<16xf32>,
      %swap3A_3240 = arith.constant 2 : i32
      %swap3A_3241 = arith.index_cast %swap3A_3240 : i32 to index
      %swap3A_3242 = arith.index_cast %mul3A_3223 : i32 to index
      %swap3A_3243 = tpu.vector_load %arg9[%swap3A_3241, %swap3A_3242] {strides = array<i32>} : memref<8x1024xf32, #tpu.memory_space<vmem>>, vector<16xf32>,
      tpu.vector_store %arg9[%swap3A_3241, %swap3A_3242], %broadcast_in_dim3A_0 {strides = array<i32>} : memref<8x1024xf32, #tpu.memory_space<vmem>>, vector<16xf32>,
      %swap3A_3244 = arith.constant 2 : i32
      %swap3A_3245 = arith.index_cast %swap3A_3244 : i32 to index
      %swap3A_3246 = arith.index_cast %mul3A_3223 : i32 to index
      %swap3A_3247 = tpu.vector_load %arg10[%swap3A_3245, %swap3A_3246] {strides = array<i32>} : memref<8x1024xf32, #tpu.memory_space<vmem>>, vector<16xf32>,
      tpu.vector_store %arg10[%swap3A_3245, %swap3A_3246], %broadcast_in_dim3A_0 {strides = array<i32>} : memref<8x1024xf32, #tpu.memory_space<vmem>>, vector<16xf32>,
      %swap3A_3248 = arith.constant 3 : i32
      %swap3A_3249 = arith.index_cast %swap3A_3248 : i32 to index
      %swap3A_3250 = arith.index_cast %mul3A_3223 : i32 to index
      %swap3A_3251 = tpu.vector_load %arg9[%swap3A_3249, %swap3A_3250] {strides = array<i32>} : memref<8x1024xf32, #tpu.memory_space<vmem>>, vector<16xf32>,
      tpu.vector_store %arg9[%swap3A_3249, %swap3A_3250], %broadcast_in_dim3A_0 {strides = array<i32>} : memref<8x1024xf32, #tpu.memory_space<vmem>>, vector<16xf32>,
      %swap3A_3252 = arith.constant 3 : i32
      %swap3A_3253 = arith.index_cast %swap3A_3252 : i32 to index
      %swap3A_3254 = arith.index_cast %mul3A_3223 : i32 to index
      %swap3A_3255 = tpu.vector_load %arg10[%swap3A_3253, %swap3A_3254] {strides = array<i32>} : memref<8x1024xf32, #tpu.memory_space<vmem>>, vector<16xf32>,
      tpu.vector_store %arg10[%swap3A_3253, %swap3A_3254], %broadcast_in_dim3A_0 {strides = array<i32>} : memref<8x1024xf32, #tpu.memory_space<vmem>>, vector<16xf32>,
      %swap3A_3256 = arith.constant 4 : i32
      %swap3A_3257 = arith.index_cast %swap3A_3256 : i32 to index
      %swap3A_3258 = arith.index_cast %mul3A_3223 : i32 to index
      %swap3A_3259 = tpu.vector_load %arg9[%swap3A_3257, %swap3A_3258] {strides = array<i32>} : memref<8x1024xf32, #tpu.memory_space<vmem>>, vector<16xf32>,
      tpu.vector_store %arg9[%swap3A_3257, %swap3A_3258], %broadcast_in_dim3A_0 {strides = array<i32>} : memref<8x1024xf32, #tpu.memory_space<vmem>>, vector<16xf32>,
      %swap3A_3260 = arith.constant 4 : i32
      %swap3A_3261 = arith.index_cast %swap3A_3260 : i32 to index
      %swap3A_3262 = arith.index_cast %mul3A_3223 : i32 to index
      %swap3A_3263 = tpu.vector_load %arg10[%swap3A_3261, %swap3A_3262] {strides = array<i32>} : memref<8x1024xf32, #tpu.memory_space<vmem>>, vector<16xf32>,
      tpu.vector_store %arg10[%swap3A_3261, %swap3A_3262], %broadcast_in_dim3A_0 {strides = array<i32>} : memref<8x1024xf32, #tpu.memory_space<vmem>>, vector<16xf32>,
      %swap3A_3264 = arith.constant 5 : i32
      %swap3A_3265 = arith.index_cast %swap3A_3264 : i32 to index
      %swap3A_3266 = arith.index_cast %mul3A_3223 : i32 to index
      %swap3A_3267 = tpu.vector_load %arg9[%swap3A_3265, %swap3A_3266] {strides = array<i32>} : memref<8x1024xf32, #tpu.memory_space<vmem>>, vector<16xf32>,
      tpu.vector_store %arg9[%swap3A_3265, %swap3A_3266], %broadcast_in_dim3A_0 {strides = array<i32>} : memref<8x1024xf32, #tpu.memory_space<vmem>>, vector<16xf32>,
      %swap3A_3268 = arith.constant 5 : i32
      %swap3A_3269 = arith.index_cast %swap3A_3268 : i32 to index
      %swap3A_3270 = arith.index_cast %mul3A_3223 : i32 to index
      %swap3A_3271 = tpu.vector_load %arg10[%swap3A_3269, %swap3A_3270] {strides = array<i32>} : memref<8x1024xf32, #tpu.memory_space<vmem>>, vector<16xf32>,
      tpu.vector_store %arg10[%swap3A_3269, %swap3A_3270], %broadcast_in_dim3A_0 {strides = array<i32>} : memref<8x1024xf32, #tpu.memory_space<vmem>>, vector<16xf32>,
      %swap3A_3272 = arith.constant 6 : i32
      %swap3A_3273 = arith.index_cast %swap3A_3272 : i32 to index
      %swap3A_3274 = arith.index_cast %mul3A_3223 : i32 to index
      %swap3A_3275 = tpu.vector_load %arg9[%swap3A_3273, %swap3A_3274] {strides = array<i32>} : memref<8x1024xf32, #tpu.memory_space<vmem>>, vector<16xf32>,
      tpu.vector_store %arg9[%swap3A_3273, %swap3A_3274], %broadcast_in_dim3A_0 {strides = array<i32>} : memref<8x1024xf32, #tpu.memory_space<vmem>>, vector<16xf32>,
      %swap3A_3276 = arith.constant 6 : i32
      %swap3A_3277 = arith.index_cast %swap3A_3276 : i32 to index
      %swap3A_3278 = arith.index_cast %mul3A_3223 : i32 to index
      %swap3A_3279 = tpu.vector_load %arg10[%swap3A_3277, %swap3A_3278] {strides = array<i32>} : memref<8x1024xf32, #tpu.memory_space<vmem>>, vector<16xf32>,
      tpu.vector_store %arg10[%swap3A_3277, %swap3A_3278], %broadcast_in_dim3A_0 {strides = array<i32>} : memref<8x1024xf32, #tpu.memory_space<vmem>>, vector<16xf32>,
      %swap3A_3280 = arith.constant 7 : i32
      %swap3A_3281 = arith.index_cast %swap3A_3280 : i32 to index
      %swap3A_3282 = arith.index_cast %mul3A_3223 : i32 to index
      %swap3A_3283 = tpu.vector_load %arg9[%swap3A_3281, %swap3A_3282] {strides = array<i32>} : memref<8x1024xf32, #tpu.memory_space<vmem>>, vector<16xf32>,
      tpu.vector_store %arg9[%swap3A_3281, %swap3A_3282], %broadcast_in_dim3A_0 {strides = array<i32>} : memref<8x1024xf32, #tpu.memory_space<vmem>>, vector<16xf32>,
      %swap3A_3284 = arith.constant 7 : i32
      %swap3A_3285 = arith.index_cast %swap3A_3284 : i32 to index
      %swap3A_3286 = arith.index_cast %mul3A_3223 : i32 to index
      %swap3A_3287 = tpu.vector_load %arg10[%swap3A_3285, %swap3A_3286] {strides = array<i32>} : memref<8x1024xf32, #tpu.memory_space<vmem>>, vector<16xf32>,
      tpu.vector_store %arg10[%swap3A_3285, %swap3A_3286], %broadcast_in_dim3A_0 {strides = array<i32>} : memref<8x1024xf32, #tpu.memory_space<vmem>>, vector<16xf32>,
      %scan3A_3288 = arith.constant 0 : i32
      %scan3A_3289 = arith.constant 3 : i32
      %scan3A_3290 = arith.addi %scan3A_3082, %scan3A_3289 : i32
      %mul3A_3291 = arith.constant 16 : i32
      %mul3A_3292 = arith.muli %scan3A_3290, %mul3A_3291 : i32
      %swap3A_3293 = arith.constant 0 : i32
      %swap3A_3294 = arith.index_cast %swap3A_3293 : i32 to index
      %swap3A_3295 = arith.index_cast %mul3A_3292 : i32 to index
      %swap3A_3296 = tpu.vector_load %arg9[%swap3A_3294, %swap3A_3295] {strides = array<i32>} : memref<8x1024xf32, #tpu.memory_space<vmem>>, vector<16xf32>,
      tpu.vector_store %arg9[%swap3A_3294, %swap3A_3295], %broadcast_in_dim3A_0 {strides = array<i32>} : memref<8x1024xf32, #tpu.memory_space<vmem>>, vector<16xf32>,
      %swap3A_3297 = arith.constant 0 : i32
      %swap3A_3298 = arith.index_cast %swap3A_3297 : i32 to index
      %swap3A_3299 = arith.index_cast %mul3A_3292 : i32 to index
      %swap3A_3300 = tpu.vector_load %arg10[%swap3A_3298, %swap3A_3299] {strides = array<i32>} : memref<8x1024xf32, #tpu.memory_space<vmem>>, vector<16xf32>,
      tpu.vector_store %arg10[%swap3A_3298, %swap3A_3299], %broadcast_in_dim3A_0 {strides = array<i32>} : memref<8x1024xf32, #tpu.memory_space<vmem>>, vector<16xf32>,
      %swap3A_3301 = arith.constant 1 : i32
      %swap3A_3302 = arith.index_cast %swap3A_3301 : i32 to index
      %swap3A_3303 = arith.index_cast %mul3A_3292 : i32 to index
      %swap3A_3304 = tpu.vector_load %arg9[%swap3A_3302, %swap3A_3303] {strides = array<i32>} : memref<8x1024xf32, #tpu.memory_space<vmem>>, vector<16xf32>,
      tpu.vector_store %arg9[%swap3A_3302, %swap3A_3303], %broadcast_in_dim3A_0 {strides = array<i32>} : memref<8x1024xf32, #tpu.memory_space<vmem>>, vector<16xf32>,
      %swap3A_3305 = arith.constant 1 : i32
      %swap3A_3306 = arith.index_cast %swap3A_3305 : i32 to index
      %swap3A_3307 = arith.index_cast %mul3A_3292 : i32 to index
      %swap3A_3308 = tpu.vector_load %arg10[%swap3A_3306, %swap3A_3307] {strides = array<i32>} : memref<8x1024xf32, #tpu.memory_space<vmem>>, vector<16xf32>,
      tpu.vector_store %arg10[%swap3A_3306, %swap3A_3307], %broadcast_in_dim3A_0 {strides = array<i32>} : memref<8x1024xf32, #tpu.memory_space<vmem>>, vector<16xf32>,
      %swap3A_3309 = arith.constant 2 : i32
      %swap3A_3310 = arith.index_cast %swap3A_3309 : i32 to index
      %swap3A_3311 = arith.index_cast %mul3A_3292 : i32 to index
      %swap3A_3312 = tpu.vector_load %arg9[%swap3A_3310, %swap3A_3311] {strides = array<i32>} : memref<8x1024xf32, #tpu.memory_space<vmem>>, vector<16xf32>,
      tpu.vector_store %arg9[%swap3A_3310, %swap3A_3311], %broadcast_in_dim3A_0 {strides = array<i32>} : memref<8x1024xf32, #tpu.memory_space<vmem>>, vector<16xf32>,
      %swap3A_3313 = arith.constant 2 : i32
      %swap3A_3314 = arith.index_cast %swap3A_3313 : i32 to index
      %swap3A_3315 = arith.index_cast %mul3A_3292 : i32 to index
      %swap3A_3316 = tpu.vector_load %arg10[%swap3A_3314, %swap3A_3315] {strides = array<i32>} : memref<8x1024xf32, #tpu.memory_space<vmem>>, vector<16xf32>,
      tpu.vector_store %arg10[%swap3A_3314, %swap3A_3315], %broadcast_in_dim3A_0 {strides = array<i32>} : memref<8x1024xf32, #tpu.memory_space<vmem>>, vector<16xf32>,
      %swap3A_3317 = arith.constant 3 : i32
      %swap3A_3318 = arith.index_cast %swap3A_3317 : i32 to index
      %swap3A_3319 = arith.index_cast %mul3A_3292 : i32 to index
      %swap3A_3320 = tpu.vector_load %arg9[%swap3A_3318, %swap3A_3319] {strides = array<i32>} : memref<8x1024xf32, #tpu.memory_space<vmem>>, vector<16xf32>,
      tpu.vector_store %arg9[%swap3A_3318, %swap3A_3319], %broadcast_in_dim3A_0 {strides = array<i32>} : memref<8x1024xf32, #tpu.memory_space<vmem>>, vector<16xf32>,
      %swap3A_3321 = arith.constant 3 : i32
      %swap3A_3322 = arith.index_cast %swap3A_3321 : i32 to index
      %swap3A_3323 = arith.index_cast %mul3A_3292 : i32 to index
      %swap3A_3324 = tpu.vector_load %arg10[%swap3A_3322, %swap3A_3323] {strides = array<i32>} : memref<8x1024xf32, #tpu.memory_space<vmem>>, vector<16xf32>,
      tpu.vector_store %arg10[%swap3A_3322, %swap3A_3323], %broadcast_in_dim3A_0 {strides = array<i32>} : memref<8x1024xf32, #tpu.memory_space<vmem>>, vector<16xf32>,
      %swap3A_3325 = arith.constant 4 : i32
      %swap3A_3326 = arith.index_cast %swap3A_3325 : i32 to index
      %swap3A_3327 = arith.index_cast %mul3A_3292 : i32 to index
      %swap3A_3328 = tpu.vector_load %arg9[%swap3A_3326, %swap3A_3327] {strides = array<i32>} : memref<8x1024xf32, #tpu.memory_space<vmem>>, vector<16xf32>,
      tpu.vector_store %arg9[%swap3A_3326, %swap3A_3327], %broadcast_in_dim3A_0 {strides = array<i32>} : memref<8x1024xf32, #tpu.memory_space<vmem>>, vector<16xf32>,
      %swap3A_3329 = arith.constant 4 : i32
      %swap3A_3330 = arith.index_cast %swap3A_3329 : i32 to index
      %swap3A_3331 = arith.index_cast %mul3A_3292 : i32 to index
      %swap3A_3332 = tpu.vector_load %arg10[%swap3A_3330, %swap3A_3331] {strides = array<i32>} : memref<8x1024xf32, #tpu.memory_space<vmem>>, vector<16xf32>,
      tpu.vector_store %arg10[%swap3A_3330, %swap3A_3331], %broadcast_in_dim3A_0 {strides = array<i32>} : memref<8x1024xf32, #tpu.memory_space<vmem>>, vector<16xf32>,
      %swap3A_3333 = arith.constant 5 : i32
      %swap3A_3334 = arith.index_cast %swap3A_3333 : i32 to index
      %swap3A_3335 = arith.index_cast %mul3A_3292 : i32 to index
      %swap3A_3336 = tpu.vector_load %arg9[%swap3A_3334, %swap3A_3335] {strides = array<i32>} : memref<8x1024xf32, #tpu.memory_space<vmem>>, vector<16xf32>,
      tpu.vector_store %arg9[%swap3A_3334, %swap3A_3335], %broadcast_in_dim3A_0 {strides = array<i32>} : memref<8x1024xf32, #tpu.memory_space<vmem>>, vector<16xf32>,
      %swap3A_3337 = arith.constant 5 : i32
      %swap3A_3338 = arith.index_cast %swap3A_3337 : i32 to index
      %swap3A_3339 = arith.index_cast %mul3A_3292 : i32 to index
      %swap3A_3340 = tpu.vector_load %arg10[%swap3A_3338, %swap3A_3339] {strides = array<i32>} : memref<8x1024xf32, #tpu.memory_space<vmem>>, vector<16xf32>,
      tpu.vector_store %arg10[%swap3A_3338, %swap3A_3339], %broadcast_in_dim3A_0 {strides = array<i32>} : memref<8x1024xf32, #tpu.memory_space<vmem>>, vector<16xf32>,
      %swap3A_3341 = arith.constant 6 : i32
      %swap3A_3342 = arith.index_cast %swap3A_3341 : i32 to index
      %swap3A_3343 = arith.index_cast %mul3A_3292 : i32 to index
      %swap3A_3344 = tpu.vector_load %arg9[%swap3A_3342, %swap3A_3343] {strides = array<i32>} : memref<8x1024xf32, #tpu.memory_space<vmem>>, vector<16xf32>,
      tpu.vector_store %arg9[%swap3A_3342, %swap3A_3343], %broadcast_in_dim3A_0 {strides = array<i32>} : memref<8x1024xf32, #tpu.memory_space<vmem>>, vector<16xf32>,
      %swap3A_3345 = arith.constant 6 : i32
      %swap3A_3346 = arith.index_cast %swap3A_3345 : i32 to index
      %swap3A_3347 = arith.index_cast %mul3A_3292 : i32 to index
      %swap3A_3348 = tpu.vector_load %arg10[%swap3A_3346, %swap3A_3347] {strides = array<i32>} : memref<8x1024xf32, #tpu.memory_space<vmem>>, vector<16xf32>,
      tpu.vector_store %arg10[%swap3A_3346, %swap3A_3347], %broadcast_in_dim3A_0 {strides = array<i32>} : memref<8x1024xf32, #tpu.memory_space<vmem>>, vector<16xf32>,
      %swap3A_3349 = arith.constant 7 : i32
      %swap3A_3350 = arith.index_cast %swap3A_3349 : i32 to index
      %swap3A_3351 = arith.index_cast %mul3A_3292 : i32 to index
      %swap3A_3352 = tpu.vector_load %arg9[%swap3A_3350, %swap3A_3351] {strides = array<i32>} : memref<8x1024xf32, #tpu.memory_space<vmem>>, vector<16xf32>,
      tpu.vector_store %arg9[%swap3A_3350, %swap3A_3351], %broadcast_in_dim3A_0 {strides = array<i32>} : memref<8x1024xf32, #tpu.memory_space<vmem>>, vector<16xf32>,
      %swap3A_3353 = arith.constant 7 : i32
      %swap3A_3354 = arith.index_cast %swap3A_3353 : i32 to index
      %swap3A_3355 = arith.index_cast %mul3A_3292 : i32 to index
      %swap3A_3356 = tpu.vector_load %arg10[%swap3A_3354, %swap3A_3355] {strides = array<i32>} : memref<8x1024xf32, #tpu.memory_space<vmem>>, vector<16xf32>,
      tpu.vector_store %arg10[%swap3A_3354, %swap3A_3355], %broadcast_in_dim3A_0 {strides = array<i32>} : memref<8x1024xf32, #tpu.memory_space<vmem>>, vector<16xf32>,
      %scan3A_3357 = arith.constant 0 : i32
      scf.yield %scan3A_3357 : i32
    }
    %scan3A_981 = arith.constant 64 : i32
    %dma_wait3A = arith.constant 0 : i32
    %dma_wait3A_982 = arith.constant 0 : i32
    %dma_wait3A_983 = tpu.memref_slice %arg6[%dma_wait3A, %dma_wait3A_982] : memref<13x1000xf32, #tpu.memory_space<vmem>> -> memref<1x1000xf32, #tpu.memory_space<vmem>>
    %dma_wait3A_984 = tpu.memref_squeeze %dma_wait3A_983 : memref<1x1000xf32, #tpu.memory_space<vmem>> -> memref<1000xf32, #tpu.memory_space<vmem>>
    %dma_wait3A_985 = arith.constant 0 : i32
    %dma_wait3A_986 = tpu.memref_slice %arg3[%add3A_38, %dma_wait3A_985] : memref<416x1000xf32, #tpu.memory_space<hbm>> -> memref<1x1000xf32, #tpu.memory_space<hbm>>
    %dma_wait3A_987 = tpu.memref_squeeze %dma_wait3A_986 : memref<1x1000xf32, #tpu.memory_space<hbm>> -> memref<1000xf32, #tpu.memory_space<hbm>>
    %dma_wait3A_988 = arith.constant 0 : i32
    %dma_wait3A_989 = tpu.memref_slice %arg6[%dma_wait3A, %dma_wait3A_988] : memref<13x1000xf32, #tpu.memory_space<vmem>> -> memref<1x1000xf32, #tpu.memory_space<vmem>>
    %dma_wait3A_990 = tpu.memref_squeeze %dma_wait3A_989 : memref<1x1000xf32, #tpu.memory_space<vmem>> -> memref<1000xf32, #tpu.memory_space<vmem>>
    %dma_wait3A_991 = arith.constant 0 : i32
    %dma_wait3A_992 = tpu.memref_slice %arg3[%add3A_38, %dma_wait3A_991] : memref<416x1000xf32, #tpu.memory_space<hbm>> -> memref<1x1000xf32, #tpu.memory_space<hbm>>
    %dma_wait3A_993 = tpu.memref_squeeze %dma_wait3A_992 : memref<1x1000xf32, #tpu.memory_space<hbm>> -> memref<1000xf32, #tpu.memory_space<hbm>>
    tpu.wait_dma2 semaphore(%arg16 : memref<!tpu.dma_semaphore, #tpu.memory_space<semaphore_mem>>) src(%dma_wait3A_993 : memref<1000xf32, #tpu.memory_space<hbm>>) dst(%dma_wait3A_990 : memref<1000xf32, #tpu.memory_space<vmem>>)
    %dma_wait3A_994 = arith.constant 0 : i32
    %dma_wait3A_995 = arith.constant 0 : i32
    %dma_wait3A_996 = tpu.memref_slice %arg7[%dma_wait3A_994, %dma_wait3A_995] : memref<13x1024xi32, #tpu.memory_space<vmem>> -> memref<1x1024xi32, #tpu.memory_space<vmem>>
    %dma_wait3A_997 = tpu.memref_squeeze %dma_wait3A_996 : memref<1x1024xi32, #tpu.memory_space<vmem>> -> memref<1024xi32, #tpu.memory_space<vmem>>
    %dma_wait3A_998 = arith.constant 0 : i32
    %dma_wait3A_999 = tpu.memref_slice %arg2[%select_n3A, %dma_wait3A_998] : memref<26x1024xi32, #tpu.memory_space<hbm>> -> memref<1x1024xi32, #tpu.memory_space<hbm>>
    %dma_wait3A_1000 = tpu.memref_squeeze %dma_wait3A_999 : memref<1x1024xi32, #tpu.memory_space<hbm>> -> memref<1024xi32, #tpu.memory_space<hbm>>
    %dma_wait3A_1001 = arith.constant 0 : i32
    %dma_wait3A_1002 = tpu.memref_slice %arg7[%dma_wait3A_994, %dma_wait3A_1001] : memref<13x1024xi32, #tpu.memory_space<vmem>> -> memref<1x1024xi32, #tpu.memory_space<vmem>>
    %dma_wait3A_1003 = tpu.memref_squeeze %dma_wait3A_1002 : memref<1x1024xi32, #tpu.memory_space<vmem>> -> memref<1024xi32, #tpu.memory_space<vmem>>
    %dma_wait3A_1004 = arith.constant 0 : i32
    %dma_wait3A_1005 = tpu.memref_slice %arg2[%select_n3A, %dma_wait3A_1004] : memref<26x1024xi32, #tpu.memory_space<hbm>> -> memref<1x1024xi32, #tpu.memory_space<hbm>>
    %dma_wait3A_1006 = tpu.memref_squeeze %dma_wait3A_1005 : memref<1x1024xi32, #tpu.memory_space<hbm>> -> memref<1024xi32, #tpu.memory_space<hbm>>
    tpu.wait_dma2 semaphore(%arg16 : memref<!tpu.dma_semaphore, #tpu.memory_space<semaphore_mem>>) src(%dma_wait3A_1006 : memref<1024xi32, #tpu.memory_space<hbm>>) dst(%dma_wait3A_1003 : memref<1024xi32, #tpu.memory_space<vmem>>)
    %dma_wait3A_1007 = arith.constant 1 : i32
    %dma_wait3A_1008 = arith.constant 0 : i32
    %dma_wait3A_1009 = tpu.memref_slice %arg6[%dma_wait3A_1007, %dma_wait3A_1008] : memref<13x1000xf32, #tpu.memory_space<vmem>> -> memref<1x1000xf32, #tpu.memory_space<vmem>>
    %dma_wait3A_1010 = tpu.memref_squeeze %dma_wait3A_1009 : memref<1x1000xf32, #tpu.memory_space<vmem>> -> memref<1000xf32, #tpu.memory_space<vmem>>
    %dma_wait3A_1011 = arith.constant 0 : i32
    %dma_wait3A_1012 = tpu.memref_slice %arg3[%add3A_113, %dma_wait3A_1011] : memref<416x1000xf32, #tpu.memory_space<hbm>> -> memref<1x1000xf32, #tpu.memory_space<hbm>>
    %dma_wait3A_1013 = tpu.memref_squeeze %dma_wait3A_1012 : memref<1x1000xf32, #tpu.memory_space<hbm>> -> memref<1000xf32, #tpu.memory_space<hbm>>
    %dma_wait3A_1014 = arith.constant 0 : i32
    %dma_wait3A_1015 = tpu.memref_slice %arg6[%dma_wait3A_1007, %dma_wait3A_1014] : memref<13x1000xf32, #tpu.memory_space<vmem>> -> memref<1x1000xf32, #tpu.memory_space<vmem>>
    %dma_wait3A_1016 = tpu.memref_squeeze %dma_wait3A_1015 : memref<1x1000xf32, #tpu.memory_space<vmem>> -> memref<1000xf32, #tpu.memory_space<vmem>>
    %dma_wait3A_1017 = arith.constant 0 : i32
    %dma_wait3A_1018 = tpu.memref_slice %arg3[%add3A_113, %dma_wait3A_1017] : memref<416x1000xf32, #tpu.memory_space<hbm>> -> memref<1x1000xf32, #tpu.memory_space<hbm>>
    %dma_wait3A_1019 = tpu.memref_squeeze %dma_wait3A_1018 : memref<1x1000xf32, #tpu.memory_space<hbm>> -> memref<1000xf32, #tpu.memory_space<hbm>>
    tpu.wait_dma2 semaphore(%arg16 : memref<!tpu.dma_semaphore, #tpu.memory_space<semaphore_mem>>) src(%dma_wait3A_1019 : memref<1000xf32, #tpu.memory_space<hbm>>) dst(%dma_wait3A_1016 : memref<1000xf32, #tpu.memory_space<vmem>>)
    %dma_wait3A_1020 = arith.constant 1 : i32
    %dma_wait3A_1021 = arith.constant 0 : i32
    %dma_wait3A_1022 = tpu.memref_slice %arg7[%dma_wait3A_1020, %dma_wait3A_1021] : memref<13x1024xi32, #tpu.memory_space<vmem>> -> memref<1x1024xi32, #tpu.memory_space<vmem>>
    %dma_wait3A_1023 = tpu.memref_squeeze %dma_wait3A_1022 : memref<1x1024xi32, #tpu.memory_space<vmem>> -> memref<1024xi32, #tpu.memory_space<vmem>>
    %dma_wait3A_1024 = arith.constant 0 : i32
    %dma_wait3A_1025 = tpu.memref_slice %arg2[%select_n3A_91, %dma_wait3A_1024] : memref<26x1024xi32, #tpu.memory_space<hbm>> -> memref<1x1024xi32, #tpu.memory_space<hbm>>
    %dma_wait3A_1026 = tpu.memref_squeeze %dma_wait3A_1025 : memref<1x1024xi32, #tpu.memory_space<hbm>> -> memref<1024xi32, #tpu.memory_space<hbm>>
    %dma_wait3A_1027 = arith.constant 0 : i32
    %dma_wait3A_1028 = tpu.memref_slice %arg7[%dma_wait3A_1020, %dma_wait3A_1027] : memref<13x1024xi32, #tpu.memory_space<vmem>> -> memref<1x1024xi32, #tpu.memory_space<vmem>>
    %dma_wait3A_1029 = tpu.memref_squeeze %dma_wait3A_1028 : memref<1x1024xi32, #tpu.memory_space<vmem>> -> memref<1024xi32, #tpu.memory_space<vmem>>
    %dma_wait3A_1030 = arith.constant 0 : i32
    %dma_wait3A_1031 = tpu.memref_slice %arg2[%select_n3A_91, %dma_wait3A_1030] : memref<26x1024xi32, #tpu.memory_space<hbm>> -> memref<1x1024xi32, #tpu.memory_space<hbm>>
    %dma_wait3A_1032 = tpu.memref_squeeze %dma_wait3A_1031 : memref<1x1024xi32, #tpu.memory_space<hbm>> -> memref<1024xi32, #tpu.memory_space<hbm>>
    tpu.wait_dma2 semaphore(%arg16 : memref<!tpu.dma_semaphore, #tpu.memory_space<semaphore_mem>>) src(%dma_wait3A_1032 : memref<1024xi32, #tpu.memory_space<hbm>>) dst(%dma_wait3A_1029 : memref<1024xi32, #tpu.memory_space<vmem>>)
    %dma_wait3A_1033 = arith.constant 2 : i32
    %dma_wait3A_1034 = arith.constant 0 : i32
    %dma_wait3A_1035 = tpu.memref_slice %arg6[%dma_wait3A_1033, %dma_wait3A_1034] : memref<13x1000xf32, #tpu.memory_space<vmem>> -> memref<1x1000xf32, #tpu.memory_space<vmem>>
    %dma_wait3A_1036 = tpu.memref_squeeze %dma_wait3A_1035 : memref<1x1000xf32, #tpu.memory_space<vmem>> -> memref<1000xf32, #tpu.memory_space<vmem>>
    %dma_wait3A_1037 = arith.constant 0 : i32
    %dma_wait3A_1038 = tpu.memref_slice %arg3[%add3A_189, %dma_wait3A_1037] : memref<416x1000xf32, #tpu.memory_space<hbm>> -> memref<1x1000xf32, #tpu.memory_space<hbm>>
    %dma_wait3A_1039 = tpu.memref_squeeze %dma_wait3A_1038 : memref<1x1000xf32, #tpu.memory_space<hbm>> -> memref<1000xf32, #tpu.memory_space<hbm>>
    %dma_wait3A_1040 = arith.constant 0 : i32
    %dma_wait3A_1041 = tpu.memref_slice %arg6[%dma_wait3A_1033, %dma_wait3A_1040] : memref<13x1000xf32, #tpu.memory_space<vmem>> -> memref<1x1000xf32, #tpu.memory_space<vmem>>
    %dma_wait3A_1042 = tpu.memref_squeeze %dma_wait3A_1041 : memref<1x1000xf32, #tpu.memory_space<vmem>> -> memref<1000xf32, #tpu.memory_space<vmem>>
    %dma_wait3A_1043 = arith.constant 0 : i32
    %dma_wait3A_1044 = tpu.memref_slice %arg3[%add3A_189, %dma_wait3A_1043] : memref<416x1000xf32, #tpu.memory_space<hbm>> -> memref<1x1000xf32, #tpu.memory_space<hbm>>
    %dma_wait3A_1045 = tpu.memref_squeeze %dma_wait3A_1044 : memref<1x1000xf32, #tpu.memory_space<hbm>> -> memref<1000xf32, #tpu.memory_space<hbm>>
    tpu.wait_dma2 semaphore(%arg16 : memref<!tpu.dma_semaphore, #tpu.memory_space<semaphore_mem>>) src(%dma_wait3A_1045 : memref<1000xf32, #tpu.memory_space<hbm>>) dst(%dma_wait3A_1042 : memref<1000xf32, #tpu.memory_space<vmem>>)
    %dma_wait3A_1046 = arith.constant 2 : i32
    %dma_wait3A_1047 = arith.constant 0 : i32
    %dma_wait3A_1048 = tpu.memref_slice %arg7[%dma_wait3A_1046, %dma_wait3A_1047] : memref<13x1024xi32, #tpu.memory_space<vmem>> -> memref<1x1024xi32, #tpu.memory_space<vmem>>
    %dma_wait3A_1049 = tpu.memref_squeeze %dma_wait3A_1048 : memref<1x1024xi32, #tpu.memory_space<vmem>> -> memref<1024xi32, #tpu.memory_space<vmem>>
    %dma_wait3A_1050 = arith.constant 0 : i32
    %dma_wait3A_1051 = tpu.memref_slice %arg2[%select_n3A_167, %dma_wait3A_1050] : memref<26x1024xi32, #tpu.memory_space<hbm>> -> memref<1x1024xi32, #tpu.memory_space<hbm>>
    %dma_wait3A_1052 = tpu.memref_squeeze %dma_wait3A_1051 : memref<1x1024xi32, #tpu.memory_space<hbm>> -> memref<1024xi32, #tpu.memory_space<hbm>>
    %dma_wait3A_1053 = arith.constant 0 : i32
    %dma_wait3A_1054 = tpu.memref_slice %arg7[%dma_wait3A_1046, %dma_wait3A_1053] : memref<13x1024xi32, #tpu.memory_space<vmem>> -> memref<1x1024xi32, #tpu.memory_space<vmem>>
    %dma_wait3A_1055 = tpu.memref_squeeze %dma_wait3A_1054 : memref<1x1024xi32, #tpu.memory_space<vmem>> -> memref<1024xi32, #tpu.memory_space<vmem>>
    %dma_wait3A_1056 = arith.constant 0 : i32
    %dma_wait3A_1057 = tpu.memref_slice %arg2[%select_n3A_167, %dma_wait3A_1056] : memref<26x1024xi32, #tpu.memory_space<hbm>> -> memref<1x1024xi32, #tpu.memory_space<hbm>>
    %dma_wait3A_1058 = tpu.memref_squeeze %dma_wait3A_1057 : memref<1x1024xi32, #tpu.memory_space<hbm>> -> memref<1024xi32, #tpu.memory_space<hbm>>
    tpu.wait_dma2 semaphore(%arg16 : memref<!tpu.dma_semaphore, #tpu.memory_space<semaphore_mem>>) src(%dma_wait3A_1058 : memref<1024xi32, #tpu.memory_space<hbm>>) dst(%dma_wait3A_1055 : memref<1024xi32, #tpu.memory_space<vmem>>)
    %dma_wait3A_1059 = arith.constant 3 : i32
    %dma_wait3A_1060 = arith.constant 0 : i32
    %dma_wait3A_1061 = tpu.memref_slice %arg6[%dma_wait3A_1059, %dma_wait3A_1060] : memref<13x1000xf32, #tpu.memory_space<vmem>> -> memref<1x1000xf32, #tpu.memory_space<vmem>>
    %dma_wait3A_1062 = tpu.memref_squeeze %dma_wait3A_1061 : memref<1x1000xf32, #tpu.memory_space<vmem>> -> memref<1000xf32, #tpu.memory_space<vmem>>
    %dma_wait3A_1063 = arith.constant 0 : i32
    %dma_wait3A_1064 = tpu.memref_slice %arg3[%add3A_265, %dma_wait3A_1063] : memref<416x1000xf32, #tpu.memory_space<hbm>> -> memref<1x1000xf32, #tpu.memory_space<hbm>>
    %dma_wait3A_1065 = tpu.memref_squeeze %dma_wait3A_1064 : memref<1x1000xf32, #tpu.memory_space<hbm>> -> memref<1000xf32, #tpu.memory_space<hbm>>
    %dma_wait3A_1066 = arith.constant 0 : i32
    %dma_wait3A_1067 = tpu.memref_slice %arg6[%dma_wait3A_1059, %dma_wait3A_1066] : memref<13x1000xf32, #tpu.memory_space<vmem>> -> memref<1x1000xf32, #tpu.memory_space<vmem>>
    %dma_wait3A_1068 = tpu.memref_squeeze %dma_wait3A_1067 : memref<1x1000xf32, #tpu.memory_space<vmem>> -> memref<1000xf32, #tpu.memory_space<vmem>>
    %dma_wait3A_1069 = arith.constant 0 : i32
    %dma_wait3A_1070 = tpu.memref_slice %arg3[%add3A_265, %dma_wait3A_1069] : memref<416x1000xf32, #tpu.memory_space<hbm>> -> memref<1x1000xf32, #tpu.memory_space<hbm>>
    %dma_wait3A_1071 = tpu.memref_squeeze %dma_wait3A_1070 : memref<1x1000xf32, #tpu.memory_space<hbm>> -> memref<1000xf32, #tpu.memory_space<hbm>>
    tpu.wait_dma2 semaphore(%arg16 : memref<!tpu.dma_semaphore, #tpu.memory_space<semaphore_mem>>) src(%dma_wait3A_1071 : memref<1000xf32, #tpu.memory_space<hbm>>) dst(%dma_wait3A_1068 : memref<1000xf32, #tpu.memory_space<vmem>>)
    %dma_wait3A_1072 = arith.constant 3 : i32
    %dma_wait3A_1073 = arith.constant 0 : i32
    %dma_wait3A_1074 = tpu.memref_slice %arg7[%dma_wait3A_1072, %dma_wait3A_1073] : memref<13x1024xi32, #tpu.memory_space<vmem>> -> memref<1x1024xi32, #tpu.memory_space<vmem>>
    %dma_wait3A_1075 = tpu.memref_squeeze %dma_wait3A_1074 : memref<1x1024xi32, #tpu.memory_space<vmem>> -> memref<1024xi32, #tpu.memory_space<vmem>>
    %dma_wait3A_1076 = arith.constant 0 : i32
    %dma_wait3A_1077 = tpu.memref_slice %arg2[%select_n3A_243, %dma_wait3A_1076] : memref<26x1024xi32, #tpu.memory_space<hbm>> -> memref<1x1024xi32, #tpu.memory_space<hbm>>
    %dma_wait3A_1078 = tpu.memref_squeeze %dma_wait3A_1077 : memref<1x1024xi32, #tpu.memory_space<hbm>> -> memref<1024xi32, #tpu.memory_space<hbm>>
    %dma_wait3A_1079 = arith.constant 0 : i32
    %dma_wait3A_1080 = tpu.memref_slice %arg7[%dma_wait3A_1072, %dma_wait3A_1079] : memref<13x1024xi32, #tpu.memory_space<vmem>> -> memref<1x1024xi32, #tpu.memory_space<vmem>>
    %dma_wait3A_1081 = tpu.memref_squeeze %dma_wait3A_1080 : memref<1x1024xi32, #tpu.memory_space<vmem>> -> memref<1024xi32, #tpu.memory_space<vmem>>
    %dma_wait3A_1082 = arith.constant 0 : i32
    %dma_wait3A_1083 = tpu.memref_slice %arg2[%select_n3A_243, %dma_wait3A_1082] : memref<26x1024xi32, #tpu.memory_space<hbm>> -> memref<1x1024xi32, #tpu.memory_space<hbm>>
    %dma_wait3A_1084 = tpu.memref_squeeze %dma_wait3A_1083 : memref<1x1024xi32, #tpu.memory_space<hbm>> -> memref<1024xi32, #tpu.memory_space<hbm>>
    tpu.wait_dma2 semaphore(%arg16 : memref<!tpu.dma_semaphore, #tpu.memory_space<semaphore_mem>>) src(%dma_wait3A_1084 : memref<1024xi32, #tpu.memory_space<hbm>>) dst(%dma_wait3A_1081 : memref<1024xi32, #tpu.memory_space<vmem>>)
    %dma_wait3A_1085 = arith.constant 4 : i32
    %dma_wait3A_1086 = arith.constant 0 : i32
    %dma_wait3A_1087 = tpu.memref_slice %arg6[%dma_wait3A_1085, %dma_wait3A_1086] : memref<13x1000xf32, #tpu.memory_space<vmem>> -> memref<1x1000xf32, #tpu.memory_space<vmem>>
    %dma_wait3A_1088 = tpu.memref_squeeze %dma_wait3A_1087 : memref<1x1000xf32, #tpu.memory_space<vmem>> -> memref<1000xf32, #tpu.memory_space<vmem>>
    %dma_wait3A_1089 = arith.constant 0 : i32
    %dma_wait3A_1090 = tpu.memref_slice %arg3[%add3A_341, %dma_wait3A_1089] : memref<416x1000xf32, #tpu.memory_space<hbm>> -> memref<1x1000xf32, #tpu.memory_space<hbm>>
    %dma_wait3A_1091 = tpu.memref_squeeze %dma_wait3A_1090 : memref<1x1000xf32, #tpu.memory_space<hbm>> -> memref<1000xf32, #tpu.memory_space<hbm>>
    %dma_wait3A_1092 = arith.constant 0 : i32
    %dma_wait3A_1093 = tpu.memref_slice %arg6[%dma_wait3A_1085, %dma_wait3A_1092] : memref<13x1000xf32, #tpu.memory_space<vmem>> -> memref<1x1000xf32, #tpu.memory_space<vmem>>
    %dma_wait3A_1094 = tpu.memref_squeeze %dma_wait3A_1093 : memref<1x1000xf32, #tpu.memory_space<vmem>> -> memref<1000xf32, #tpu.memory_space<vmem>>
    %dma_wait3A_1095 = arith.constant 0 : i32
    %dma_wait3A_1096 = tpu.memref_slice %arg3[%add3A_341, %dma_wait3A_1095] : memref<416x1000xf32, #tpu.memory_space<hbm>> -> memref<1x1000xf32, #tpu.memory_space<hbm>>
    %dma_wait3A_1097 = tpu.memref_squeeze %dma_wait3A_1096 : memref<1x1000xf32, #tpu.memory_space<hbm>> -> memref<1000xf32, #tpu.memory_space<hbm>>
    tpu.wait_dma2 semaphore(%arg16 : memref<!tpu.dma_semaphore, #tpu.memory_space<semaphore_mem>>) src(%dma_wait3A_1097 : memref<1000xf32, #tpu.memory_space<hbm>>) dst(%dma_wait3A_1094 : memref<1000xf32, #tpu.memory_space<vmem>>)
    %dma_wait3A_1098 = arith.constant 4 : i32
    %dma_wait3A_1099 = arith.constant 0 : i32
    %dma_wait3A_1100 = tpu.memref_slice %arg7[%dma_wait3A_1098, %dma_wait3A_1099] : memref<13x1024xi32, #tpu.memory_space<vmem>> -> memref<1x1024xi32, #tpu.memory_space<vmem>>
    %dma_wait3A_1101 = tpu.memref_squeeze %dma_wait3A_1100 : memref<1x1024xi32, #tpu.memory_space<vmem>> -> memref<1024xi32, #tpu.memory_space<vmem>>
    %dma_wait3A_1102 = arith.constant 0 : i32
    %dma_wait3A_1103 = tpu.memref_slice %arg2[%select_n3A_319, %dma_wait3A_1102] : memref<26x1024xi32, #tpu.memory_space<hbm>> -> memref<1x1024xi32, #tpu.memory_space<hbm>>
    %dma_wait3A_1104 = tpu.memref_squeeze %dma_wait3A_1103 : memref<1x1024xi32, #tpu.memory_space<hbm>> -> memref<1024xi32, #tpu.memory_space<hbm>>
    %dma_wait3A_1105 = arith.constant 0 : i32
    %dma_wait3A_1106 = tpu.memref_slice %arg7[%dma_wait3A_1098, %dma_wait3A_1105] : memref<13x1024xi32, #tpu.memory_space<vmem>> -> memref<1x1024xi32, #tpu.memory_space<vmem>>
    %dma_wait3A_1107 = tpu.memref_squeeze %dma_wait3A_1106 : memref<1x1024xi32, #tpu.memory_space<vmem>> -> memref<1024xi32, #tpu.memory_space<vmem>>
    %dma_wait3A_1108 = arith.constant 0 : i32
    %dma_wait3A_1109 = tpu.memref_slice %arg2[%select_n3A_319, %dma_wait3A_1108] : memref<26x1024xi32, #tpu.memory_space<hbm>> -> memref<1x1024xi32, #tpu.memory_space<hbm>>
    %dma_wait3A_1110 = tpu.memref_squeeze %dma_wait3A_1109 : memref<1x1024xi32, #tpu.memory_space<hbm>> -> memref<1024xi32, #tpu.memory_space<hbm>>
    tpu.wait_dma2 semaphore(%arg16 : memref<!tpu.dma_semaphore, #tpu.memory_space<semaphore_mem>>) src(%dma_wait3A_1110 : memref<1024xi32, #tpu.memory_space<hbm>>) dst(%dma_wait3A_1107 : memref<1024xi32, #tpu.memory_space<vmem>>)
    %dma_wait3A_1111 = arith.constant 5 : i32
    %dma_wait3A_1112 = arith.constant 0 : i32
    %dma_wait3A_1113 = tpu.memref_slice %arg6[%dma_wait3A_1111, %dma_wait3A_1112] : memref<13x1000xf32, #tpu.memory_space<vmem>> -> memref<1x1000xf32, #tpu.memory_space<vmem>>
    %dma_wait3A_1114 = tpu.memref_squeeze %dma_wait3A_1113 : memref<1x1000xf32, #tpu.memory_space<vmem>> -> memref<1000xf32, #tpu.memory_space<vmem>>
    %dma_wait3A_1115 = arith.constant 0 : i32
    %dma_wait3A_1116 = tpu.memref_slice %arg3[%add3A_417, %dma_wait3A_1115] : memref<416x1000xf32, #tpu.memory_space<hbm>> -> memref<1x1000xf32, #tpu.memory_space<hbm>>
    %dma_wait3A_1117 = tpu.memref_squeeze %dma_wait3A_1116 : memref<1x1000xf32, #tpu.memory_space<hbm>> -> memref<1000xf32, #tpu.memory_space<hbm>>
    %dma_wait3A_1118 = arith.constant 0 : i32
    %dma_wait3A_1119 = tpu.memref_slice %arg6[%dma_wait3A_1111, %dma_wait3A_1118] : memref<13x1000xf32, #tpu.memory_space<vmem>> -> memref<1x1000xf32, #tpu.memory_space<vmem>>
    %dma_wait3A_1120 = tpu.memref_squeeze %dma_wait3A_1119 : memref<1x1000xf32, #tpu.memory_space<vmem>> -> memref<1000xf32, #tpu.memory_space<vmem>>
    %dma_wait3A_1121 = arith.constant 0 : i32
    %dma_wait3A_1122 = tpu.memref_slice %arg3[%add3A_417, %dma_wait3A_1121] : memref<416x1000xf32, #tpu.memory_space<hbm>> -> memref<1x1000xf32, #tpu.memory_space<hbm>>
    %dma_wait3A_1123 = tpu.memref_squeeze %dma_wait3A_1122 : memref<1x1000xf32, #tpu.memory_space<hbm>> -> memref<1000xf32, #tpu.memory_space<hbm>>
    tpu.wait_dma2 semaphore(%arg16 : memref<!tpu.dma_semaphore, #tpu.memory_space<semaphore_mem>>) src(%dma_wait3A_1123 : memref<1000xf32, #tpu.memory_space<hbm>>) dst(%dma_wait3A_1120 : memref<1000xf32, #tpu.memory_space<vmem>>)
    %dma_wait3A_1124 = arith.constant 5 : i32
    %dma_wait3A_1125 = arith.constant 0 : i32
    %dma_wait3A_1126 = tpu.memref_slice %arg7[%dma_wait3A_1124, %dma_wait3A_1125] : memref<13x1024xi32, #tpu.memory_space<vmem>> -> memref<1x1024xi32, #tpu.memory_space<vmem>>
    %dma_wait3A_1127 = tpu.memref_squeeze %dma_wait3A_1126 : memref<1x1024xi32, #tpu.memory_space<vmem>> -> memref<1024xi32, #tpu.memory_space<vmem>>
    %dma_wait3A_1128 = arith.constant 0 : i32
    %dma_wait3A_1129 = tpu.memref_slice %arg2[%select_n3A_395, %dma_wait3A_1128] : memref<26x1024xi32, #tpu.memory_space<hbm>> -> memref<1x1024xi32, #tpu.memory_space<hbm>>
    %dma_wait3A_1130 = tpu.memref_squeeze %dma_wait3A_1129 : memref<1x1024xi32, #tpu.memory_space<hbm>> -> memref<1024xi32, #tpu.memory_space<hbm>>
    %dma_wait3A_1131 = arith.constant 0 : i32
    %dma_wait3A_1132 = tpu.memref_slice %arg7[%dma_wait3A_1124, %dma_wait3A_1131] : memref<13x1024xi32, #tpu.memory_space<vmem>> -> memref<1x1024xi32, #tpu.memory_space<vmem>>
    %dma_wait3A_1133 = tpu.memref_squeeze %dma_wait3A_1132 : memref<1x1024xi32, #tpu.memory_space<vmem>> -> memref<1024xi32, #tpu.memory_space<vmem>>
    %dma_wait3A_1134 = arith.constant 0 : i32
    %dma_wait3A_1135 = tpu.memref_slice %arg2[%select_n3A_395, %dma_wait3A_1134] : memref<26x1024xi32, #tpu.memory_space<hbm>> -> memref<1x1024xi32, #tpu.memory_space<hbm>>
    %dma_wait3A_1136 = tpu.memref_squeeze %dma_wait3A_1135 : memref<1x1024xi32, #tpu.memory_space<hbm>> -> memref<1024xi32, #tpu.memory_space<hbm>>
    tpu.wait_dma2 semaphore(%arg16 : memref<!tpu.dma_semaphore, #tpu.memory_space<semaphore_mem>>) src(%dma_wait3A_1136 : memref<1024xi32, #tpu.memory_space<hbm>>) dst(%dma_wait3A_1133 : memref<1024xi32, #tpu.memory_space<vmem>>)
    %dma_wait3A_1137 = arith.constant 6 : i32
    %dma_wait3A_1138 = arith.constant 0 : i32
    %dma_wait3A_1139 = tpu.memref_slice %arg6[%dma_wait3A_1137, %dma_wait3A_1138] : memref<13x1000xf32, #tpu.memory_space<vmem>> -> memref<1x1000xf32, #tpu.memory_space<vmem>>
    %dma_wait3A_1140 = tpu.memref_squeeze %dma_wait3A_1139 : memref<1x1000xf32, #tpu.memory_space<vmem>> -> memref<1000xf32, #tpu.memory_space<vmem>>
    %dma_wait3A_1141 = arith.constant 0 : i32
    %dma_wait3A_1142 = tpu.memref_slice %arg3[%add3A_493, %dma_wait3A_1141] : memref<416x1000xf32, #tpu.memory_space<hbm>> -> memref<1x1000xf32, #tpu.memory_space<hbm>>
    %dma_wait3A_1143 = tpu.memref_squeeze %dma_wait3A_1142 : memref<1x1000xf32, #tpu.memory_space<hbm>> -> memref<1000xf32, #tpu.memory_space<hbm>>
    %dma_wait3A_1144 = arith.constant 0 : i32
    %dma_wait3A_1145 = tpu.memref_slice %arg6[%dma_wait3A_1137, %dma_wait3A_1144] : memref<13x1000xf32, #tpu.memory_space<vmem>> -> memref<1x1000xf32, #tpu.memory_space<vmem>>
    %dma_wait3A_1146 = tpu.memref_squeeze %dma_wait3A_1145 : memref<1x1000xf32, #tpu.memory_space<vmem>> -> memref<1000xf32, #tpu.memory_space<vmem>>
    %dma_wait3A_1147 = arith.constant 0 : i32
    %dma_wait3A_1148 = tpu.memref_slice %arg3[%add3A_493, %dma_wait3A_1147] : memref<416x1000xf32, #tpu.memory_space<hbm>> -> memref<1x1000xf32, #tpu.memory_space<hbm>>
    %dma_wait3A_1149 = tpu.memref_squeeze %dma_wait3A_1148 : memref<1x1000xf32, #tpu.memory_space<hbm>> -> memref<1000xf32, #tpu.memory_space<hbm>>
    tpu.wait_dma2 semaphore(%arg16 : memref<!tpu.dma_semaphore, #tpu.memory_space<semaphore_mem>>) src(%dma_wait3A_1149 : memref<1000xf32, #tpu.memory_space<hbm>>) dst(%dma_wait3A_1146 : memref<1000xf32, #tpu.memory_space<vmem>>)
    %dma_wait3A_1150 = arith.constant 6 : i32
    %dma_wait3A_1151 = arith.constant 0 : i32
    %dma_wait3A_1152 = tpu.memref_slice %arg7[%dma_wait3A_1150, %dma_wait3A_1151] : memref<13x1024xi32, #tpu.memory_space<vmem>> -> memref<1x1024xi32, #tpu.memory_space<vmem>>
    %dma_wait3A_1153 = tpu.memref_squeeze %dma_wait3A_1152 : memref<1x1024xi32, #tpu.memory_space<vmem>> -> memref<1024xi32, #tpu.memory_space<vmem>>
    %dma_wait3A_1154 = arith.constant 0 : i32
    %dma_wait3A_1155 = tpu.memref_slice %arg2[%select_n3A_471, %dma_wait3A_1154] : memref<26x1024xi32, #tpu.memory_space<hbm>> -> memref<1x1024xi32, #tpu.memory_space<hbm>>
    %dma_wait3A_1156 = tpu.memref_squeeze %dma_wait3A_1155 : memref<1x1024xi32, #tpu.memory_space<hbm>> -> memref<1024xi32, #tpu.memory_space<hbm>>
    %dma_wait3A_1157 = arith.constant 0 : i32
    %dma_wait3A_1158 = tpu.memref_slice %arg7[%dma_wait3A_1150, %dma_wait3A_1157] : memref<13x1024xi32, #tpu.memory_space<vmem>> -> memref<1x1024xi32, #tpu.memory_space<vmem>>
    %dma_wait3A_1159 = tpu.memref_squeeze %dma_wait3A_1158 : memref<1x1024xi32, #tpu.memory_space<vmem>> -> memref<1024xi32, #tpu.memory_space<vmem>>
    %dma_wait3A_1160 = arith.constant 0 : i32
    %dma_wait3A_1161 = tpu.memref_slice %arg2[%select_n3A_471, %dma_wait3A_1160] : memref<26x1024xi32, #tpu.memory_space<hbm>> -> memref<1x1024xi32, #tpu.memory_space<hbm>>
    %dma_wait3A_1162 = tpu.memref_squeeze %dma_wait3A_1161 : memref<1x1024xi32, #tpu.memory_space<hbm>> -> memref<1024xi32, #tpu.memory_space<hbm>>
    tpu.wait_dma2 semaphore(%arg16 : memref<!tpu.dma_semaphore, #tpu.memory_space<semaphore_mem>>) src(%dma_wait3A_1162 : memref<1024xi32, #tpu.memory_space<hbm>>) dst(%dma_wait3A_1159 : memref<1024xi32, #tpu.memory_space<vmem>>)
    %dma_wait3A_1163 = arith.constant 7 : i32
    %dma_wait3A_1164 = arith.constant 0 : i32
    %dma_wait3A_1165 = tpu.memref_slice %arg6[%dma_wait3A_1163, %dma_wait3A_1164] : memref<13x1000xf32, #tpu.memory_space<vmem>> -> memref<1x1000xf32, #tpu.memory_space<vmem>>
    %dma_wait3A_1166 = tpu.memref_squeeze %dma_wait3A_1165 : memref<1x1000xf32, #tpu.memory_space<vmem>> -> memref<1000xf32, #tpu.memory_space<vmem>>
    %dma_wait3A_1167 = arith.constant 0 : i32
    %dma_wait3A_1168 = tpu.memref_slice %arg3[%add3A_569, %dma_wait3A_1167] : memref<416x1000xf32, #tpu.memory_space<hbm>> -> memref<1x1000xf32, #tpu.memory_space<hbm>>
    %dma_wait3A_1169 = tpu.memref_squeeze %dma_wait3A_1168 : memref<1x1000xf32, #tpu.memory_space<hbm>> -> memref<1000xf32, #tpu.memory_space<hbm>>
    %dma_wait3A_1170 = arith.constant 0 : i32
    %dma_wait3A_1171 = tpu.memref_slice %arg6[%dma_wait3A_1163, %dma_wait3A_1170] : memref<13x1000xf32, #tpu.memory_space<vmem>> -> memref<1x1000xf32, #tpu.memory_space<vmem>>
    %dma_wait3A_1172 = tpu.memref_squeeze %dma_wait3A_1171 : memref<1x1000xf32, #tpu.memory_space<vmem>> -> memref<1000xf32, #tpu.memory_space<vmem>>
    %dma_wait3A_1173 = arith.constant 0 : i32
    %dma_wait3A_1174 = tpu.memref_slice %arg3[%add3A_569, %dma_wait3A_1173] : memref<416x1000xf32, #tpu.memory_space<hbm>> -> memref<1x1000xf32, #tpu.memory_space<hbm>>
    %dma_wait3A_1175 = tpu.memref_squeeze %dma_wait3A_1174 : memref<1x1000xf32, #tpu.memory_space<hbm>> -> memref<1000xf32, #tpu.memory_space<hbm>>
    tpu.wait_dma2 semaphore(%arg16 : memref<!tpu.dma_semaphore, #tpu.memory_space<semaphore_mem>>) src(%dma_wait3A_1175 : memref<1000xf32, #tpu.memory_space<hbm>>) dst(%dma_wait3A_1172 : memref<1000xf32, #tpu.memory_space<vmem>>)
    %dma_wait3A_1176 = arith.constant 7 : i32
    %dma_wait3A_1177 = arith.constant 0 : i32
    %dma_wait3A_1178 = tpu.memref_slice %arg7[%dma_wait3A_1176, %dma_wait3A_1177] : memref<13x1024xi32, #tpu.memory_space<vmem>> -> memref<1x1024xi32, #tpu.memory_space<vmem>>
    %dma_wait3A_1179 = tpu.memref_squeeze %dma_wait3A_1178 : memref<1x1024xi32, #tpu.memory_space<vmem>> -> memref<1024xi32, #tpu.memory_space<vmem>>
    %dma_wait3A_1180 = arith.constant 0 : i32
    %dma_wait3A_1181 = tpu.memref_slice %arg2[%select_n3A_547, %dma_wait3A_1180] : memref<26x1024xi32, #tpu.memory_space<hbm>> -> memref<1x1024xi32, #tpu.memory_space<hbm>>
    %dma_wait3A_1182 = tpu.memref_squeeze %dma_wait3A_1181 : memref<1x1024xi32, #tpu.memory_space<hbm>> -> memref<1024xi32, #tpu.memory_space<hbm>>
    %dma_wait3A_1183 = arith.constant 0 : i32
    %dma_wait3A_1184 = tpu.memref_slice %arg7[%dma_wait3A_1176, %dma_wait3A_1183] : memref<13x1024xi32, #tpu.memory_space<vmem>> -> memref<1x1024xi32, #tpu.memory_space<vmem>>
    %dma_wait3A_1185 = tpu.memref_squeeze %dma_wait3A_1184 : memref<1x1024xi32, #tpu.memory_space<vmem>> -> memref<1024xi32, #tpu.memory_space<vmem>>
    %dma_wait3A_1186 = arith.constant 0 : i32
    %dma_wait3A_1187 = tpu.memref_slice %arg2[%select_n3A_547, %dma_wait3A_1186] : memref<26x1024xi32, #tpu.memory_space<hbm>> -> memref<1x1024xi32, #tpu.memory_space<hbm>>
    %dma_wait3A_1188 = tpu.memref_squeeze %dma_wait3A_1187 : memref<1x1024xi32, #tpu.memory_space<hbm>> -> memref<1024xi32, #tpu.memory_space<hbm>>
    tpu.wait_dma2 semaphore(%arg16 : memref<!tpu.dma_semaphore, #tpu.memory_space<semaphore_mem>>) src(%dma_wait3A_1188 : memref<1024xi32, #tpu.memory_space<hbm>>) dst(%dma_wait3A_1185 : memref<1024xi32, #tpu.memory_space<vmem>>)
    %dma_wait3A_1189 = arith.constant 8 : i32
    %dma_wait3A_1190 = arith.constant 0 : i32
    %dma_wait3A_1191 = tpu.memref_slice %arg6[%dma_wait3A_1189, %dma_wait3A_1190] : memref<13x1000xf32, #tpu.memory_space<vmem>> -> memref<1x1000xf32, #tpu.memory_space<vmem>>
    %dma_wait3A_1192 = tpu.memref_squeeze %dma_wait3A_1191 : memref<1x1000xf32, #tpu.memory_space<vmem>> -> memref<1000xf32, #tpu.memory_space<vmem>>
    %dma_wait3A_1193 = arith.constant 0 : i32
    %dma_wait3A_1194 = tpu.memref_slice %arg3[%add3A_645, %dma_wait3A_1193] : memref<416x1000xf32, #tpu.memory_space<hbm>> -> memref<1x1000xf32, #tpu.memory_space<hbm>>
    %dma_wait3A_1195 = tpu.memref_squeeze %dma_wait3A_1194 : memref<1x1000xf32, #tpu.memory_space<hbm>> -> memref<1000xf32, #tpu.memory_space<hbm>>
    %dma_wait3A_1196 = arith.constant 0 : i32
    %dma_wait3A_1197 = tpu.memref_slice %arg6[%dma_wait3A_1189, %dma_wait3A_1196] : memref<13x1000xf32, #tpu.memory_space<vmem>> -> memref<1x1000xf32, #tpu.memory_space<vmem>>
    %dma_wait3A_1198 = tpu.memref_squeeze %dma_wait3A_1197 : memref<1x1000xf32, #tpu.memory_space<vmem>> -> memref<1000xf32, #tpu.memory_space<vmem>>
    %dma_wait3A_1199 = arith.constant 0 : i32
    %dma_wait3A_1200 = tpu.memref_slice %arg3[%add3A_645, %dma_wait3A_1199] : memref<416x1000xf32, #tpu.memory_space<hbm>> -> memref<1x1000xf32, #tpu.memory_space<hbm>>
    %dma_wait3A_1201 = tpu.memref_squeeze %dma_wait3A_1200 : memref<1x1000xf32, #tpu.memory_space<hbm>> -> memref<1000xf32, #tpu.memory_space<hbm>>
    tpu.wait_dma2 semaphore(%arg16 : memref<!tpu.dma_semaphore, #tpu.memory_space<semaphore_mem>>) src(%dma_wait3A_1201 : memref<1000xf32, #tpu.memory_space<hbm>>) dst(%dma_wait3A_1198 : memref<1000xf32, #tpu.memory_space<vmem>>)
    %dma_wait3A_1202 = arith.constant 8 : i32
    %dma_wait3A_1203 = arith.constant 0 : i32
    %dma_wait3A_1204 = tpu.memref_slice %arg7[%dma_wait3A_1202, %dma_wait3A_1203] : memref<13x1024xi32, #tpu.memory_space<vmem>> -> memref<1x1024xi32, #tpu.memory_space<vmem>>
    %dma_wait3A_1205 = tpu.memref_squeeze %dma_wait3A_1204 : memref<1x1024xi32, #tpu.memory_space<vmem>> -> memref<1024xi32, #tpu.memory_space<vmem>>
    %dma_wait3A_1206 = arith.constant 0 : i32
    %dma_wait3A_1207 = tpu.memref_slice %arg2[%select_n3A_623, %dma_wait3A_1206] : memref<26x1024xi32, #tpu.memory_space<hbm>> -> memref<1x1024xi32, #tpu.memory_space<hbm>>
    %dma_wait3A_1208 = tpu.memref_squeeze %dma_wait3A_1207 : memref<1x1024xi32, #tpu.memory_space<hbm>> -> memref<1024xi32, #tpu.memory_space<hbm>>
    %dma_wait3A_1209 = arith.constant 0 : i32
    %dma_wait3A_1210 = tpu.memref_slice %arg7[%dma_wait3A_1202, %dma_wait3A_1209] : memref<13x1024xi32, #tpu.memory_space<vmem>> -> memref<1x1024xi32, #tpu.memory_space<vmem>>
    %dma_wait3A_1211 = tpu.memref_squeeze %dma_wait3A_1210 : memref<1x1024xi32, #tpu.memory_space<vmem>> -> memref<1024xi32, #tpu.memory_space<vmem>>
    %dma_wait3A_1212 = arith.constant 0 : i32
    %dma_wait3A_1213 = tpu.memref_slice %arg2[%select_n3A_623, %dma_wait3A_1212] : memref<26x1024xi32, #tpu.memory_space<hbm>> -> memref<1x1024xi32, #tpu.memory_space<hbm>>
    %dma_wait3A_1214 = tpu.memref_squeeze %dma_wait3A_1213 : memref<1x1024xi32, #tpu.memory_space<hbm>> -> memref<1024xi32, #tpu.memory_space<hbm>>
    tpu.wait_dma2 semaphore(%arg16 : memref<!tpu.dma_semaphore, #tpu.memory_space<semaphore_mem>>) src(%dma_wait3A_1214 : memref<1024xi32, #tpu.memory_space<hbm>>) dst(%dma_wait3A_1211 : memref<1024xi32, #tpu.memory_space<vmem>>)
    %dma_wait3A_1215 = arith.constant 9 : i32
    %dma_wait3A_1216 = arith.constant 0 : i32
    %dma_wait3A_1217 = tpu.memref_slice %arg6[%dma_wait3A_1215, %dma_wait3A_1216] : memref<13x1000xf32, #tpu.memory_space<vmem>> -> memref<1x1000xf32, #tpu.memory_space<vmem>>
    %dma_wait3A_1218 = tpu.memref_squeeze %dma_wait3A_1217 : memref<1x1000xf32, #tpu.memory_space<vmem>> -> memref<1000xf32, #tpu.memory_space<vmem>>
    %dma_wait3A_1219 = arith.constant 0 : i32
    %dma_wait3A_1220 = tpu.memref_slice %arg3[%add3A_721, %dma_wait3A_1219] : memref<416x1000xf32, #tpu.memory_space<hbm>> -> memref<1x1000xf32, #tpu.memory_space<hbm>>
    %dma_wait3A_1221 = tpu.memref_squeeze %dma_wait3A_1220 : memref<1x1000xf32, #tpu.memory_space<hbm>> -> memref<1000xf32, #tpu.memory_space<hbm>>
    %dma_wait3A_1222 = arith.constant 0 : i32
    %dma_wait3A_1223 = tpu.memref_slice %arg6[%dma_wait3A_1215, %dma_wait3A_1222] : memref<13x1000xf32, #tpu.memory_space<vmem>> -> memref<1x1000xf32, #tpu.memory_space<vmem>>
    %dma_wait3A_1224 = tpu.memref_squeeze %dma_wait3A_1223 : memref<1x1000xf32, #tpu.memory_space<vmem>> -> memref<1000xf32, #tpu.memory_space<vmem>>
    %dma_wait3A_1225 = arith.constant 0 : i32
    %dma_wait3A_1226 = tpu.memref_slice %arg3[%add3A_721, %dma_wait3A_1225] : memref<416x1000xf32, #tpu.memory_space<hbm>> -> memref<1x1000xf32, #tpu.memory_space<hbm>>
    %dma_wait3A_1227 = tpu.memref_squeeze %dma_wait3A_1226 : memref<1x1000xf32, #tpu.memory_space<hbm>> -> memref<1000xf32, #tpu.memory_space<hbm>>
    tpu.wait_dma2 semaphore(%arg16 : memref<!tpu.dma_semaphore, #tpu.memory_space<semaphore_mem>>) src(%dma_wait3A_1227 : memref<1000xf32, #tpu.memory_space<hbm>>) dst(%dma_wait3A_1224 : memref<1000xf32, #tpu.memory_space<vmem>>)
    %dma_wait3A_1228 = arith.constant 9 : i32
    %dma_wait3A_1229 = arith.constant 0 : i32
    %dma_wait3A_1230 = tpu.memref_slice %arg7[%dma_wait3A_1228, %dma_wait3A_1229] : memref<13x1024xi32, #tpu.memory_space<vmem>> -> memref<1x1024xi32, #tpu.memory_space<vmem>>
    %dma_wait3A_1231 = tpu.memref_squeeze %dma_wait3A_1230 : memref<1x1024xi32, #tpu.memory_space<vmem>> -> memref<1024xi32, #tpu.memory_space<vmem>>
    %dma_wait3A_1232 = arith.constant 0 : i32
    %dma_wait3A_1233 = tpu.memref_slice %arg2[%select_n3A_699, %dma_wait3A_1232] : memref<26x1024xi32, #tpu.memory_space<hbm>> -> memref<1x1024xi32, #tpu.memory_space<hbm>>
    %dma_wait3A_1234 = tpu.memref_squeeze %dma_wait3A_1233 : memref<1x1024xi32, #tpu.memory_space<hbm>> -> memref<1024xi32, #tpu.memory_space<hbm>>
    %dma_wait3A_1235 = arith.constant 0 : i32
    %dma_wait3A_1236 = tpu.memref_slice %arg7[%dma_wait3A_1228, %dma_wait3A_1235] : memref<13x1024xi32, #tpu.memory_space<vmem>> -> memref<1x1024xi32, #tpu.memory_space<vmem>>
    %dma_wait3A_1237 = tpu.memref_squeeze %dma_wait3A_1236 : memref<1x1024xi32, #tpu.memory_space<vmem>> -> memref<1024xi32, #tpu.memory_space<vmem>>
    %dma_wait3A_1238 = arith.constant 0 : i32
    %dma_wait3A_1239 = tpu.memref_slice %arg2[%select_n3A_699, %dma_wait3A_1238] : memref<26x1024xi32, #tpu.memory_space<hbm>> -> memref<1x1024xi32, #tpu.memory_space<hbm>>
    %dma_wait3A_1240 = tpu.memref_squeeze %dma_wait3A_1239 : memref<1x1024xi32, #tpu.memory_space<hbm>> -> memref<1024xi32, #tpu.memory_space<hbm>>
    tpu.wait_dma2 semaphore(%arg16 : memref<!tpu.dma_semaphore, #tpu.memory_space<semaphore_mem>>) src(%dma_wait3A_1240 : memref<1024xi32, #tpu.memory_space<hbm>>) dst(%dma_wait3A_1237 : memref<1024xi32, #tpu.memory_space<vmem>>)
    %dma_wait3A_1241 = arith.constant 10 : i32
    %dma_wait3A_1242 = arith.constant 0 : i32
    %dma_wait3A_1243 = tpu.memref_slice %arg6[%dma_wait3A_1241, %dma_wait3A_1242] : memref<13x1000xf32, #tpu.memory_space<vmem>> -> memref<1x1000xf32, #tpu.memory_space<vmem>>
    %dma_wait3A_1244 = tpu.memref_squeeze %dma_wait3A_1243 : memref<1x1000xf32, #tpu.memory_space<vmem>> -> memref<1000xf32, #tpu.memory_space<vmem>>
    %dma_wait3A_1245 = arith.constant 0 : i32
    %dma_wait3A_1246 = tpu.memref_slice %arg3[%add3A_797, %dma_wait3A_1245] : memref<416x1000xf32, #tpu.memory_space<hbm>> -> memref<1x1000xf32, #tpu.memory_space<hbm>>
    %dma_wait3A_1247 = tpu.memref_squeeze %dma_wait3A_1246 : memref<1x1000xf32, #tpu.memory_space<hbm>> -> memref<1000xf32, #tpu.memory_space<hbm>>
    %dma_wait3A_1248 = arith.constant 0 : i32
    %dma_wait3A_1249 = tpu.memref_slice %arg6[%dma_wait3A_1241, %dma_wait3A_1248] : memref<13x1000xf32, #tpu.memory_space<vmem>> -> memref<1x1000xf32, #tpu.memory_space<vmem>>
    %dma_wait3A_1250 = tpu.memref_squeeze %dma_wait3A_1249 : memref<1x1000xf32, #tpu.memory_space<vmem>> -> memref<1000xf32, #tpu.memory_space<vmem>>
    %dma_wait3A_1251 = arith.constant 0 : i32
    %dma_wait3A_1252 = tpu.memref_slice %arg3[%add3A_797, %dma_wait3A_1251] : memref<416x1000xf32, #tpu.memory_space<hbm>> -> memref<1x1000xf32, #tpu.memory_space<hbm>>
    %dma_wait3A_1253 = tpu.memref_squeeze %dma_wait3A_1252 : memref<1x1000xf32, #tpu.memory_space<hbm>> -> memref<1000xf32, #tpu.memory_space<hbm>>
    tpu.wait_dma2 semaphore(%arg16 : memref<!tpu.dma_semaphore, #tpu.memory_space<semaphore_mem>>) src(%dma_wait3A_1253 : memref<1000xf32, #tpu.memory_space<hbm>>) dst(%dma_wait3A_1250 : memref<1000xf32, #tpu.memory_space<vmem>>)
    %dma_wait3A_1254 = arith.constant 10 : i32
    %dma_wait3A_1255 = arith.constant 0 : i32
    %dma_wait3A_1256 = tpu.memref_slice %arg7[%dma_wait3A_1254, %dma_wait3A_1255] : memref<13x1024xi32, #tpu.memory_space<vmem>> -> memref<1x1024xi32, #tpu.memory_space<vmem>>
    %dma_wait3A_1257 = tpu.memref_squeeze %dma_wait3A_1256 : memref<1x1024xi32, #tpu.memory_space<vmem>> -> memref<1024xi32, #tpu.memory_space<vmem>>
    %dma_wait3A_1258 = arith.constant 0 : i32
    %dma_wait3A_1259 = tpu.memref_slice %arg2[%select_n3A_775, %dma_wait3A_1258] : memref<26x1024xi32, #tpu.memory_space<hbm>> -> memref<1x1024xi32, #tpu.memory_space<hbm>>
    %dma_wait3A_1260 = tpu.memref_squeeze %dma_wait3A_1259 : memref<1x1024xi32, #tpu.memory_space<hbm>> -> memref<1024xi32, #tpu.memory_space<hbm>>
    %dma_wait3A_1261 = arith.constant 0 : i32
    %dma_wait3A_1262 = tpu.memref_slice %arg7[%dma_wait3A_1254, %dma_wait3A_1261] : memref<13x1024xi32, #tpu.memory_space<vmem>> -> memref<1x1024xi32, #tpu.memory_space<vmem>>
    %dma_wait3A_1263 = tpu.memref_squeeze %dma_wait3A_1262 : memref<1x1024xi32, #tpu.memory_space<vmem>> -> memref<1024xi32, #tpu.memory_space<vmem>>
    %dma_wait3A_1264 = arith.constant 0 : i32
    %dma_wait3A_1265 = tpu.memref_slice %arg2[%select_n3A_775, %dma_wait3A_1264] : memref<26x1024xi32, #tpu.memory_space<hbm>> -> memref<1x1024xi32, #tpu.memory_space<hbm>>
    %dma_wait3A_1266 = tpu.memref_squeeze %dma_wait3A_1265 : memref<1x1024xi32, #tpu.memory_space<hbm>> -> memref<1024xi32, #tpu.memory_space<hbm>>
    tpu.wait_dma2 semaphore(%arg16 : memref<!tpu.dma_semaphore, #tpu.memory_space<semaphore_mem>>) src(%dma_wait3A_1266 : memref<1024xi32, #tpu.memory_space<hbm>>) dst(%dma_wait3A_1263 : memref<1024xi32, #tpu.memory_space<vmem>>)
    %dma_wait3A_1267 = arith.constant 11 : i32
    %dma_wait3A_1268 = arith.constant 0 : i32
    %dma_wait3A_1269 = tpu.memref_slice %arg6[%dma_wait3A_1267, %dma_wait3A_1268] : memref<13x1000xf32, #tpu.memory_space<vmem>> -> memref<1x1000xf32, #tpu.memory_space<vmem>>
    %dma_wait3A_1270 = tpu.memref_squeeze %dma_wait3A_1269 : memref<1x1000xf32, #tpu.memory_space<vmem>> -> memref<1000xf32, #tpu.memory_space<vmem>>
    %dma_wait3A_1271 = arith.constant 0 : i32
    %dma_wait3A_1272 = tpu.memref_slice %arg3[%add3A_873, %dma_wait3A_1271] : memref<416x1000xf32, #tpu.memory_space<hbm>> -> memref<1x1000xf32, #tpu.memory_space<hbm>>
    %dma_wait3A_1273 = tpu.memref_squeeze %dma_wait3A_1272 : memref<1x1000xf32, #tpu.memory_space<hbm>> -> memref<1000xf32, #tpu.memory_space<hbm>>
    %dma_wait3A_1274 = arith.constant 0 : i32
    %dma_wait3A_1275 = tpu.memref_slice %arg6[%dma_wait3A_1267, %dma_wait3A_1274] : memref<13x1000xf32, #tpu.memory_space<vmem>> -> memref<1x1000xf32, #tpu.memory_space<vmem>>
    %dma_wait3A_1276 = tpu.memref_squeeze %dma_wait3A_1275 : memref<1x1000xf32, #tpu.memory_space<vmem>> -> memref<1000xf32, #tpu.memory_space<vmem>>
    %dma_wait3A_1277 = arith.constant 0 : i32
    %dma_wait3A_1278 = tpu.memref_slice %arg3[%add3A_873, %dma_wait3A_1277] : memref<416x1000xf32, #tpu.memory_space<hbm>> -> memref<1x1000xf32, #tpu.memory_space<hbm>>
    %dma_wait3A_1279 = tpu.memref_squeeze %dma_wait3A_1278 : memref<1x1000xf32, #tpu.memory_space<hbm>> -> memref<1000xf32, #tpu.memory_space<hbm>>
    tpu.wait_dma2 semaphore(%arg16 : memref<!tpu.dma_semaphore, #tpu.memory_space<semaphore_mem>>) src(%dma_wait3A_1279 : memref<1000xf32, #tpu.memory_space<hbm>>) dst(%dma_wait3A_1276 : memref<1000xf32, #tpu.memory_space<vmem>>)
    %dma_wait3A_1280 = arith.constant 11 : i32
    %dma_wait3A_1281 = arith.constant 0 : i32
    %dma_wait3A_1282 = tpu.memref_slice %arg7[%dma_wait3A_1280, %dma_wait3A_1281] : memref<13x1024xi32, #tpu.memory_space<vmem>> -> memref<1x1024xi32, #tpu.memory_space<vmem>>
    %dma_wait3A_1283 = tpu.memref_squeeze %dma_wait3A_1282 : memref<1x1024xi32, #tpu.memory_space<vmem>> -> memref<1024xi32, #tpu.memory_space<vmem>>
    %dma_wait3A_1284 = arith.constant 0 : i32
    %dma_wait3A_1285 = tpu.memref_slice %arg2[%select_n3A_851, %dma_wait3A_1284] : memref<26x1024xi32, #tpu.memory_space<hbm>> -> memref<1x1024xi32, #tpu.memory_space<hbm>>
    %dma_wait3A_1286 = tpu.memref_squeeze %dma_wait3A_1285 : memref<1x1024xi32, #tpu.memory_space<hbm>> -> memref<1024xi32, #tpu.memory_space<hbm>>
    %dma_wait3A_1287 = arith.constant 0 : i32
    %dma_wait3A_1288 = tpu.memref_slice %arg7[%dma_wait3A_1280, %dma_wait3A_1287] : memref<13x1024xi32, #tpu.memory_space<vmem>> -> memref<1x1024xi32, #tpu.memory_space<vmem>>
    %dma_wait3A_1289 = tpu.memref_squeeze %dma_wait3A_1288 : memref<1x1024xi32, #tpu.memory_space<vmem>> -> memref<1024xi32, #tpu.memory_space<vmem>>
    %dma_wait3A_1290 = arith.constant 0 : i32
    %dma_wait3A_1291 = tpu.memref_slice %arg2[%select_n3A_851, %dma_wait3A_1290] : memref<26x1024xi32, #tpu.memory_space<hbm>> -> memref<1x1024xi32, #tpu.memory_space<hbm>>
    %dma_wait3A_1292 = tpu.memref_squeeze %dma_wait3A_1291 : memref<1x1024xi32, #tpu.memory_space<hbm>> -> memref<1024xi32, #tpu.memory_space<hbm>>
    tpu.wait_dma2 semaphore(%arg16 : memref<!tpu.dma_semaphore, #tpu.memory_space<semaphore_mem>>) src(%dma_wait3A_1292 : memref<1024xi32, #tpu.memory_space<hbm>>) dst(%dma_wait3A_1289 : memref<1024xi32, #tpu.memory_space<vmem>>)
    %dma_wait3A_1293 = arith.constant 12 : i32
    %dma_wait3A_1294 = arith.constant 0 : i32
    %dma_wait3A_1295 = tpu.memref_slice %arg6[%dma_wait3A_1293, %dma_wait3A_1294] : memref<13x1000xf32, #tpu.memory_space<vmem>> -> memref<1x1000xf32, #tpu.memory_space<vmem>>
    %dma_wait3A_1296 = tpu.memref_squeeze %dma_wait3A_1295 : memref<1x1000xf32, #tpu.memory_space<vmem>> -> memref<1000xf32, #tpu.memory_space<vmem>>
    %dma_wait3A_1297 = arith.constant 0 : i32
    %dma_wait3A_1298 = tpu.memref_slice %arg3[%add3A_949, %dma_wait3A_1297] : memref<416x1000xf32, #tpu.memory_space<hbm>> -> memref<1x1000xf32, #tpu.memory_space<hbm>>
    %dma_wait3A_1299 = tpu.memref_squeeze %dma_wait3A_1298 : memref<1x1000xf32, #tpu.memory_space<hbm>> -> memref<1000xf32, #tpu.memory_space<hbm>>
    %dma_wait3A_1300 = arith.constant 0 : i32
    %dma_wait3A_1301 = tpu.memref_slice %arg6[%dma_wait3A_1293, %dma_wait3A_1300] : memref<13x1000xf32, #tpu.memory_space<vmem>> -> memref<1x1000xf32, #tpu.memory_space<vmem>>
    %dma_wait3A_1302 = tpu.memref_squeeze %dma_wait3A_1301 : memref<1x1000xf32, #tpu.memory_space<vmem>> -> memref<1000xf32, #tpu.memory_space<vmem>>
    %dma_wait3A_1303 = arith.constant 0 : i32
    %dma_wait3A_1304 = tpu.memref_slice %arg3[%add3A_949, %dma_wait3A_1303] : memref<416x1000xf32, #tpu.memory_space<hbm>> -> memref<1x1000xf32, #tpu.memory_space<hbm>>
    %dma_wait3A_1305 = tpu.memref_squeeze %dma_wait3A_1304 : memref<1x1000xf32, #tpu.memory_space<hbm>> -> memref<1000xf32, #tpu.memory_space<hbm>>
    tpu.wait_dma2 semaphore(%arg16 : memref<!tpu.dma_semaphore, #tpu.memory_space<semaphore_mem>>) src(%dma_wait3A_1305 : memref<1000xf32, #tpu.memory_space<hbm>>) dst(%dma_wait3A_1302 : memref<1000xf32, #tpu.memory_space<vmem>>)
    %dma_wait3A_1306 = arith.constant 12 : i32
    %dma_wait3A_1307 = arith.constant 0 : i32
    %dma_wait3A_1308 = tpu.memref_slice %arg7[%dma_wait3A_1306, %dma_wait3A_1307] : memref<13x1024xi32, #tpu.memory_space<vmem>> -> memref<1x1024xi32, #tpu.memory_space<vmem>>
    %dma_wait3A_1309 = tpu.memref_squeeze %dma_wait3A_1308 : memref<1x1024xi32, #tpu.memory_space<vmem>> -> memref<1024xi32, #tpu.memory_space<vmem>>
    %dma_wait3A_1310 = arith.constant 0 : i32
    %dma_wait3A_1311 = tpu.memref_slice %arg2[%select_n3A_927, %dma_wait3A_1310] : memref<26x1024xi32, #tpu.memory_space<hbm>> -> memref<1x1024xi32, #tpu.memory_space<hbm>>
    %dma_wait3A_1312 = tpu.memref_squeeze %dma_wait3A_1311 : memref<1x1024xi32, #tpu.memory_space<hbm>> -> memref<1024xi32, #tpu.memory_space<hbm>>
    %dma_wait3A_1313 = arith.constant 0 : i32
    %dma_wait3A_1314 = tpu.memref_slice %arg7[%dma_wait3A_1306, %dma_wait3A_1313] : memref<13x1024xi32, #tpu.memory_space<vmem>> -> memref<1x1024xi32, #tpu.memory_space<vmem>>
    %dma_wait3A_1315 = tpu.memref_squeeze %dma_wait3A_1314 : memref<1x1024xi32, #tpu.memory_space<vmem>> -> memref<1024xi32, #tpu.memory_space<vmem>>
    %dma_wait3A_1316 = arith.constant 0 : i32
    %dma_wait3A_1317 = tpu.memref_slice %arg2[%select_n3A_927, %dma_wait3A_1316] : memref<26x1024xi32, #tpu.memory_space<hbm>> -> memref<1x1024xi32, #tpu.memory_space<hbm>>
    %dma_wait3A_1318 = tpu.memref_squeeze %dma_wait3A_1317 : memref<1x1024xi32, #tpu.memory_space<hbm>> -> memref<1024xi32, #tpu.memory_space<hbm>>
    tpu.wait_dma2 semaphore(%arg16 : memref<!tpu.dma_semaphore, #tpu.memory_space<semaphore_mem>>) src(%dma_wait3A_1318 : memref<1024xi32, #tpu.memory_space<hbm>>) dst(%dma_wait3A_1315 : memref<1024xi32, #tpu.memory_space<vmem>>)
    %scan3A_1319 = arith.constant 0 : i32
    %scan3A_1320 = arith.constant 0 : i32
    %scan3A_1321 = arith.constant 13 : i32
    %scan3A_1322 = arith.addi %scan3A_1320, %scan3A_1321 : i32
    %scan3A_1323 = arith.constant 1 : i32
    %scan3A_1324 = scf.for %scan3A_3082 = %scan3A_1320 to %scan3A_1322 step %scan3A_1323 iter_args(%scan3A_3083 = %scan3A_1319) -> (i32)  : i32 {
      %mul3A_3084 = arith.constant 13 : i32
      %mul3A_3085 = arith.muli %arg1, %mul3A_3084 : i32
      %add3A_3086 = arith.addi %mul3A_3085, %scan3A_3082 : i32
      %jit3A_3087 = arith.constant 8 : i32
      %eq3A_3088 = arith.constant 0 : i32
      %eq3A_3089 = arith.cmpi eq, %jit3A_3087, %eq3A_3088 : i32
      %jit3A_3090 = arith.constant 1 : i32
      %select_n3A_3091 = arith.select %eq3A_3089, %jit3A_3090, %jit3A_3087 : i32
      %rem3A_3092 = arith.remsi %add3A_3086, %select_n3A_3091 : i32
      %ne3A_3093 = arith.constant 0 : i32
      %ne3A_3094 = arith.cmpi ne, %rem3A_3092, %ne3A_3093 : i32
      %lt3A_3095 = arith.constant 0 : i32
      %lt3A_3096 = arith.cmpi slt, %rem3A_3092, %lt3A_3095 : i32
      %lt3A_3097 = arith.constant 0 : i32
      %lt3A_3098 = arith.cmpi slt, %select_n3A_3091, %lt3A_3097 : i32
      %ne3A_3099 = arith.xori %lt3A_3096, %lt3A_3098 : i1
      %and3A_3100 = arith.andi %ne3A_3099, %ne3A_3094 : i1
      %add3A_3101 = arith.addi %rem3A_3092, %select_n3A_3091 : i32
      %select_n3A_3102 = arith.select %and3A_3100, %add3A_3101, %rem3A_3092 : i32
      %scan3A_3103 = arith.constant 0 : i32
      %scan3A_3104 = arith.constant 0 : i32
      %scan3A_3105 = arith.constant 64 : i32
      %scan3A_3106 = arith.addi %scan3A_3104, %scan3A_3105 : i32
      %scan3A_3107 = arith.constant 4 : i32
      %scan3A_3108 = scf.for %scan3A_3111 = %scan3A_3104 to %scan3A_3106 step %scan3A_3107 iter_args(%scan3A_3112 = %scan3A_3103) -> (i32)  : i32 {
        %mul3A_3113 = arith.constant 16 : i32
        %mul3A_3114 = arith.muli %scan3A_3111, %mul3A_3113 : i32
        %get3A_3115 = arith.index_cast %scan3A_3082 : i32 to index
        %get3A_3116 = arith.index_cast %mul3A_3114 : i32 to index
        %get3A_3117 = tpu.vector_load %arg7[%get3A_3115, %get3A_3116] {strides = array<i32>} : memref<13x1024xi32, #tpu.memory_space<vmem>>, vector<16xi32>,
        %gather3A = arith.constant 0 : i32
        %gather3A_3118 = tpu.memref_slice %arg6[%scan3A_3082, %gather3A] : memref<13x1000xf32, #tpu.memory_space<vmem>> -> memref<1x1000xf32, #tpu.memory_space<vmem>>
        %gather3A_3119 = tpu.memref_squeeze %gather3A_3118 : memref<1x1000xf32, #tpu.memory_space<vmem>> -> memref<1000xf32, #tpu.memory_space<vmem>>
        %gather3A_3120 = tpu.vector_load_idx %gather3A_3119[%get3A_3117] : memref<1000xf32, #tpu.memory_space<vmem>>[vector<16xi32>], vector<16xf32>,
        %swap3A_3121 = arith.index_cast %scan3A_3082 : i32 to index
        %swap3A_3122 = arith.index_cast %mul3A_3114 : i32 to index
        %swap3A_3123 = tpu.vector_load %arg8[%swap3A_3121, %swap3A_3122] {strides = array<i32>} : memref<13x1024xf32, #tpu.memory_space<vmem>>, vector<16xf32>,
        tpu.vector_store %arg8[%swap3A_3121, %swap3A_3122], %gather3A_3120 {strides = array<i32>} : memref<13x1024xf32, #tpu.memory_space<vmem>>, vector<16xf32>,
        %get3A_3124 = arith.index_cast %select_n3A_3102 : i32 to index
        %get3A_3125 = arith.index_cast %mul3A_3114 : i32 to index
        %get3A_3126 = tpu.vector_load %arg9[%get3A_3124, %get3A_3125] {strides = array<i32>} : memref<8x1024xf32, #tpu.memory_space<vmem>>, vector<16xf32>,
        %add3A_3127 = arith.addf %get3A_3126, %gather3A_3120 : vector<16xf32>
        %swap3A_3128 = arith.index_cast %select_n3A_3102 : i32 to index
        %swap3A_3129 = arith.index_cast %mul3A_3114 : i32 to index
        %swap3A_3130 = tpu.vector_load %arg9[%swap3A_3128, %swap3A_3129] {strides = array<i32>} : memref<8x1024xf32, #tpu.memory_space<vmem>>, vector<16xf32>,
        tpu.vector_store %arg9[%swap3A_3128, %swap3A_3129], %add3A_3127 {strides = array<i32>} : memref<8x1024xf32, #tpu.memory_space<vmem>>, vector<16xf32>,
        %get3A_3131 = arith.index_cast %select_n3A_3102 : i32 to index
        %get3A_3132 = arith.index_cast %mul3A_3114 : i32 to index
        %get3A_3133 = tpu.vector_load %arg10[%get3A_3131, %get3A_3132] {strides = array<i32>} : memref<8x1024xf32, #tpu.memory_space<vmem>>, vector<16xf32>,
        %mul3A_3134 = arith.mulf %gather3A_3120, %gather3A_3120 : vector<16xf32>
        %add3A_3135 = arith.addf %get3A_3133, %mul3A_3134 : vector<16xf32>
        %swap3A_3136 = arith.index_cast %select_n3A_3102 : i32 to index
        %swap3A_3137 = arith.index_cast %mul3A_3114 : i32 to index
        %swap3A_3138 = tpu.vector_load %arg10[%swap3A_3136, %swap3A_3137] {strides = array<i32>} : memref<8x1024xf32, #tpu.memory_space<vmem>>, vector<16xf32>,
        tpu.vector_store %arg10[%swap3A_3136, %swap3A_3137], %add3A_3135 {strides = array<i32>} : memref<8x1024xf32, #tpu.memory_space<vmem>>, vector<16xf32>,
        %scan3A_3139 = arith.constant 0 : i32
        %scan3A_3140 = arith.constant 1 : i32
        %scan3A_3141 = arith.addi %scan3A_3111, %scan3A_3140 : i32
        %mul3A_3142 = arith.constant 16 : i32
        %mul3A_3143 = arith.muli %scan3A_3141, %mul3A_3142 : i32
        %get3A_3144 = arith.index_cast %scan3A_3082 : i32 to index
        %get3A_3145 = arith.index_cast %mul3A_3143 : i32 to index
        %get3A_3146 = tpu.vector_load %arg7[%get3A_3144, %get3A_3145] {strides = array<i32>} : memref<13x1024xi32, #tpu.memory_space<vmem>>, vector<16xi32>,
        %gather3A_3147 = arith.constant 0 : i32
        %gather3A_3148 = tpu.memref_slice %arg6[%scan3A_3082, %gather3A_3147] : memref<13x1000xf32, #tpu.memory_space<vmem>> -> memref<1x1000xf32, #tpu.memory_space<vmem>>
        %gather3A_3149 = tpu.memref_squeeze %gather3A_3148 : memref<1x1000xf32, #tpu.memory_space<vmem>> -> memref<1000xf32, #tpu.memory_space<vmem>>
        %gather3A_3150 = tpu.vector_load_idx %gather3A_3149[%get3A_3146] : memref<1000xf32, #tpu.memory_space<vmem>>[vector<16xi32>], vector<16xf32>,
        %swap3A_3151 = arith.index_cast %scan3A_3082 : i32 to index
        %swap3A_3152 = arith.index_cast %mul3A_3143 : i32 to index
        %swap3A_3153 = tpu.vector_load %arg8[%swap3A_3151, %swap3A_3152] {strides = array<i32>} : memref<13x1024xf32, #tpu.memory_space<vmem>>, vector<16xf32>,
        tpu.vector_store %arg8[%swap3A_3151, %swap3A_3152], %gather3A_3150 {strides = array<i32>} : memref<13x1024xf32, #tpu.memory_space<vmem>>, vector<16xf32>,
        %get3A_3154 = arith.index_cast %select_n3A_3102 : i32 to index
        %get3A_3155 = arith.index_cast %mul3A_3143 : i32 to index
        %get3A_3156 = tpu.vector_load %arg9[%get3A_3154, %get3A_3155] {strides = array<i32>} : memref<8x1024xf32, #tpu.memory_space<vmem>>, vector<16xf32>,
        %add3A_3157 = arith.addf %get3A_3156, %gather3A_3150 : vector<16xf32>
        %swap3A_3158 = arith.index_cast %select_n3A_3102 : i32 to index
        %swap3A_3159 = arith.index_cast %mul3A_3143 : i32 to index
        %swap3A_3160 = tpu.vector_load %arg9[%swap3A_3158, %swap3A_3159] {strides = array<i32>} : memref<8x1024xf32, #tpu.memory_space<vmem>>, vector<16xf32>,
        tpu.vector_store %arg9[%swap3A_3158, %swap3A_3159], %add3A_3157 {strides = array<i32>} : memref<8x1024xf32, #tpu.memory_space<vmem>>, vector<16xf32>,
        %get3A_3161 = arith.index_cast %select_n3A_3102 : i32 to index
        %get3A_3162 = arith.index_cast %mul3A_3143 : i32 to index
        %get3A_3163 = tpu.vector_load %arg10[%get3A_3161, %get3A_3162] {strides = array<i32>} : memref<8x1024xf32, #tpu.memory_space<vmem>>, vector<16xf32>,
        %mul3A_3164 = arith.mulf %gather3A_3150, %gather3A_3150 : vector<16xf32>
        %add3A_3165 = arith.addf %get3A_3163, %mul3A_3164 : vector<16xf32>
        %swap3A_3166 = arith.index_cast %select_n3A_3102 : i32 to index
        %swap3A_3167 = arith.index_cast %mul3A_3143 : i32 to index
        %swap3A_3168 = tpu.vector_load %arg10[%swap3A_3166, %swap3A_3167] {strides = array<i32>} : memref<8x1024xf32, #tpu.memory_space<vmem>>, vector<16xf32>,
        tpu.vector_store %arg10[%swap3A_3166, %swap3A_3167], %add3A_3165 {strides = array<i32>} : memref<8x1024xf32, #tpu.memory_space<vmem>>, vector<16xf32>,
        %scan3A_3169 = arith.constant 0 : i32
        %scan3A_3170 = arith.constant 2 : i32
        %scan3A_3171 = arith.addi %scan3A_3111, %scan3A_3170 : i32
        %mul3A_3172 = arith.constant 16 : i32
        %mul3A_3173 = arith.muli %scan3A_3171, %mul3A_3172 : i32
        %get3A_3174 = arith.index_cast %scan3A_3082 : i32 to index
        %get3A_3175 = arith.index_cast %mul3A_3173 : i32 to index
        %get3A_3176 = tpu.vector_load %arg7[%get3A_3174, %get3A_3175] {strides = array<i32>} : memref<13x1024xi32, #tpu.memory_space<vmem>>, vector<16xi32>,
        %gather3A_3177 = arith.constant 0 : i32
        %gather3A_3178 = tpu.memref_slice %arg6[%scan3A_3082, %gather3A_3177] : memref<13x1000xf32, #tpu.memory_space<vmem>> -> memref<1x1000xf32, #tpu.memory_space<vmem>>
        %gather3A_3179 = tpu.memref_squeeze %gather3A_3178 : memref<1x1000xf32, #tpu.memory_space<vmem>> -> memref<1000xf32, #tpu.memory_space<vmem>>
        %gather3A_3180 = tpu.vector_load_idx %gather3A_3179[%get3A_3176] : memref<1000xf32, #tpu.memory_space<vmem>>[vector<16xi32>], vector<16xf32>,
        %swap3A_3181 = arith.index_cast %scan3A_3082 : i32 to index
        %swap3A_3182 = arith.index_cast %mul3A_3173 : i32 to index
        %swap3A_3183 = tpu.vector_load %arg8[%swap3A_3181, %swap3A_3182] {strides = array<i32>} : memref<13x1024xf32, #tpu.memory_space<vmem>>, vector<16xf32>,
        tpu.vector_store %arg8[%swap3A_3181, %swap3A_3182], %gather3A_3180 {strides = array<i32>} : memref<13x1024xf32, #tpu.memory_space<vmem>>, vector<16xf32>,
        %get3A_3184 = arith.index_cast %select_n3A_3102 : i32 to index
        %get3A_3185 = arith.index_cast %mul3A_3173 : i32 to index
        %get3A_3186 = tpu.vector_load %arg9[%get3A_3184, %get3A_3185] {strides = array<i32>} : memref<8x1024xf32, #tpu.memory_space<vmem>>, vector<16xf32>,
        %add3A_3187 = arith.addf %get3A_3186, %gather3A_3180 : vector<16xf32>
        %swap3A_3188 = arith.index_cast %select_n3A_3102 : i32 to index
        %swap3A_3189 = arith.index_cast %mul3A_3173 : i32 to index
        %swap3A_3190 = tpu.vector_load %arg9[%swap3A_3188, %swap3A_3189] {strides = array<i32>} : memref<8x1024xf32, #tpu.memory_space<vmem>>, vector<16xf32>,
        tpu.vector_store %arg9[%swap3A_3188, %swap3A_3189], %add3A_3187 {strides = array<i32>} : memref<8x1024xf32, #tpu.memory_space<vmem>>, vector<16xf32>,
        %get3A_3191 = arith.index_cast %select_n3A_3102 : i32 to index
        %get3A_3192 = arith.index_cast %mul3A_3173 : i32 to index
        %get3A_3193 = tpu.vector_load %arg10[%get3A_3191, %get3A_3192] {strides = array<i32>} : memref<8x1024xf32, #tpu.memory_space<vmem>>, vector<16xf32>,
        %mul3A_3194 = arith.mulf %gather3A_3180, %gather3A_3180 : vector<16xf32>
        %add3A_3195 = arith.addf %get3A_3193, %mul3A_3194 : vector<16xf32>
        %swap3A_3196 = arith.index_cast %select_n3A_3102 : i32 to index
        %swap3A_3197 = arith.index_cast %mul3A_3173 : i32 to index
        %swap3A_3198 = tpu.vector_load %arg10[%swap3A_3196, %swap3A_3197] {strides = array<i32>} : memref<8x1024xf32, #tpu.memory_space<vmem>>, vector<16xf32>,
        tpu.vector_store %arg10[%swap3A_3196, %swap3A_3197], %add3A_3195 {strides = array<i32>} : memref<8x1024xf32, #tpu.memory_space<vmem>>, vector<16xf32>,
        %scan3A_3199 = arith.constant 0 : i32
        %scan3A_3200 = arith.constant 3 : i32
        %scan3A_3201 = arith.addi %scan3A_3111, %scan3A_3200 : i32
        %mul3A_3202 = arith.constant 16 : i32
        %mul3A_3203 = arith.muli %scan3A_3201, %mul3A_3202 : i32
        %get3A_3204 = arith.index_cast %scan3A_3082 : i32 to index
        %get3A_3205 = arith.index_cast %mul3A_3203 : i32 to index
        %get3A_3206 = tpu.vector_load %arg7[%get3A_3204, %get3A_3205] {strides = array<i32>} : memref<13x1024xi32, #tpu.memory_space<vmem>>, vector<16xi32>,
        %gather3A_3207 = arith.constant 0 : i32
        %gather3A_3208 = tpu.memref_slice %arg6[%scan3A_3082, %gather3A_3207] : memref<13x1000xf32, #tpu.memory_space<vmem>> -> memref<1x1000xf32, #tpu.memory_space<vmem>>
        %gather3A_3209 = tpu.memref_squeeze %gather3A_3208 : memref<1x1000xf32, #tpu.memory_space<vmem>> -> memref<1000xf32, #tpu.memory_space<vmem>>
        %gather3A_3210 = tpu.vector_load_idx %gather3A_3209[%get3A_3206] : memref<1000xf32, #tpu.memory_space<vmem>>[vector<16xi32>], vector<16xf32>,
        %swap3A_3211 = arith.index_cast %scan3A_3082 : i32 to index
        %swap3A_3212 = arith.index_cast %mul3A_3203 : i32 to index
        %swap3A_3213 = tpu.vector_load %arg8[%swap3A_3211, %swap3A_3212] {strides = array<i32>} : memref<13x1024xf32, #tpu.memory_space<vmem>>, vector<16xf32>,
        tpu.vector_store %arg8[%swap3A_3211, %swap3A_3212], %gather3A_3210 {strides = array<i32>} : memref<13x1024xf32, #tpu.memory_space<vmem>>, vector<16xf32>,
        %get3A_3214 = arith.index_cast %select_n3A_3102 : i32 to index
        %get3A_3215 = arith.index_cast %mul3A_3203 : i32 to index
        %get3A_3216 = tpu.vector_load %arg9[%get3A_3214, %get3A_3215] {strides = array<i32>} : memref<8x1024xf32, #tpu.memory_space<vmem>>, vector<16xf32>,
        %add3A_3217 = arith.addf %get3A_3216, %gather3A_3210 : vector<16xf32>
        %swap3A_3218 = arith.index_cast %select_n3A_3102 : i32 to index
        %swap3A_3219 = arith.index_cast %mul3A_3203 : i32 to index
        %swap3A_3220 = tpu.vector_load %arg9[%swap3A_3218, %swap3A_3219] {strides = array<i32>} : memref<8x1024xf32, #tpu.memory_space<vmem>>, vector<16xf32>,
        tpu.vector_store %arg9[%swap3A_3218, %swap3A_3219], %add3A_3217 {strides = array<i32>} : memref<8x1024xf32, #tpu.memory_space<vmem>>, vector<16xf32>,
        %get3A_3221 = arith.index_cast %select_n3A_3102 : i32 to index
        %get3A_3222 = arith.index_cast %mul3A_3203 : i32 to index
        %get3A_3223 = tpu.vector_load %arg10[%get3A_3221, %get3A_3222] {strides = array<i32>} : memref<8x1024xf32, #tpu.memory_space<vmem>>, vector<16xf32>,
        %mul3A_3224 = arith.mulf %gather3A_3210, %gather3A_3210 : vector<16xf32>
        %add3A_3225 = arith.addf %get3A_3223, %mul3A_3224 : vector<16xf32>
        %swap3A_3226 = arith.index_cast %select_n3A_3102 : i32 to index
        %swap3A_3227 = arith.index_cast %mul3A_3203 : i32 to index
        %swap3A_3228 = tpu.vector_load %arg10[%swap3A_3226, %swap3A_3227] {strides = array<i32>} : memref<8x1024xf32, #tpu.memory_space<vmem>>, vector<16xf32>,
        tpu.vector_store %arg10[%swap3A_3226, %swap3A_3227], %add3A_3225 {strides = array<i32>} : memref<8x1024xf32, #tpu.memory_space<vmem>>, vector<16xf32>,
        %scan3A_3229 = arith.constant 0 : i32
        scf.yield %scan3A_3229 : i32
      }
      %scan3A_3109 = arith.constant 64 : i32
      %scan3A_3110 = arith.constant 0 : i32
      scf.yield %scan3A_3110 : i32
    }
    %scan3A_1325 = arith.constant 13 : i32
    %mul3A_1326 = arith.constant 13 : i32
    %mul3A_1327 = arith.muli %arg1, %mul3A_1326 : i32
    %add3A_1328 = arith.constant 0 : i32
    %add3A_1329 = arith.addi %mul3A_1327, %add3A_1328 : i32
    %jit3A_1330 = arith.constant 8 : i32
    %div3A_1331 = arith.divsi %add3A_1329, %jit3A_1330 : i32
    %sign3A_1332 = arith.constant 0 : i32
    %sign3A_1333 = arith.cmpi sgt, %add3A_1329, %sign3A_1332 : i32
    %sign3A_1334 = arith.extui %sign3A_1333 : i1 to i32
    %sign3A_1335 = arith.constant 0 : i32
    %sign3A_1336 = arith.cmpi slt, %add3A_1329, %sign3A_1335 : i32
    %sign3A_1337 = arith.extui %sign3A_1336 : i1 to i32
    %sign3A_1338 = arith.subi %sign3A_1334, %sign3A_1337 : i32
    %sign3A_1339 = arith.constant 0 : i32
    %sign3A_1340 = arith.cmpi sgt, %jit3A_1330, %sign3A_1339 : i32
    %sign3A_1341 = arith.extui %sign3A_1340 : i1 to i32
    %sign3A_1342 = arith.constant 0 : i32
    %sign3A_1343 = arith.cmpi slt, %jit3A_1330, %sign3A_1342 : i32
    %sign3A_1344 = arith.extui %sign3A_1343 : i1 to i32
    %sign3A_1345 = arith.subi %sign3A_1341, %sign3A_1344 : i32
    %ne3A_1346 = arith.cmpi ne, %sign3A_1338, %sign3A_1345 : i32
    %rem3A_1347 = arith.remsi %add3A_1329, %jit3A_1330 : i32
    %ne3A_1348 = arith.constant 0 : i32
    %ne3A_1349 = arith.cmpi ne, %rem3A_1347, %ne3A_1348 : i32
    %and3A_1350 = arith.andi %ne3A_1346, %ne3A_1349 : i1
    %sub3A_1351 = arith.constant 1 : i32
    %sub3A_1352 = arith.subi %div3A_1331, %sub3A_1351 : i32
    %select_n3A_1353 = arith.select %and3A_1350, %sub3A_1352, %div3A_1331 : i32
    %jit3A_1354 = arith.constant 8 : i32
    %eq3A_1355 = arith.constant 0 : i32
    %eq3A_1356 = arith.cmpi eq, %jit3A_1354, %eq3A_1355 : i32
    %jit3A_1357 = arith.constant 1 : i32
    %select_n3A_1358 = arith.select %eq3A_1356, %jit3A_1357, %jit3A_1354 : i32
    %rem3A_1359 = arith.remsi %add3A_1329, %select_n3A_1358 : i32
    %ne3A_1360 = arith.constant 0 : i32
    %ne3A_1361 = arith.cmpi ne, %rem3A_1359, %ne3A_1360 : i32
    %lt3A_1362 = arith.constant 0 : i32
    %lt3A_1363 = arith.cmpi slt, %rem3A_1359, %lt3A_1362 : i32
    %lt3A_1364 = arith.constant 0 : i32
    %lt3A_1365 = arith.cmpi slt, %select_n3A_1358, %lt3A_1364 : i32
    %ne3A_1366 = arith.xori %lt3A_1363, %lt3A_1365 : i1
    %and3A_1367 = arith.andi %ne3A_1366, %ne3A_1361 : i1
    %add3A_1368 = arith.addi %rem3A_1359, %select_n3A_1358 : i32
    %select_n3A_1369 = arith.select %and3A_1367, %add3A_1368, %rem3A_1359 : i32
    %mul3A_1370 = arith.constant 16 : i32
    %mul3A_1371 = arith.muli %select_n3A_1353, %mul3A_1370 : i32
    %mul3A_1372 = arith.constant 8 : i32
    %mul3A_1373 = arith.muli %arg0, %mul3A_1372 : i32
    %add3A_1374 = arith.addi %mul3A_1371, %mul3A_1373 : i32
    %add3A_1375 = arith.addi %add3A_1374, %select_n3A_1369 : i32
    %dma_start3A_1376 = arith.constant 0 : i32
    %dma_start3A_1377 = arith.constant 0 : i32
    %dma_start3A_1378 = tpu.memref_slice %arg8[%dma_start3A_1376, %dma_start3A_1377] : memref<13x1024xf32, #tpu.memory_space<vmem>> -> memref<1x1024xf32, #tpu.memory_space<vmem>>
    %dma_start3A_1379 = tpu.memref_squeeze %dma_start3A_1378 : memref<1x1024xf32, #tpu.memory_space<vmem>> -> memref<1024xf32, #tpu.memory_space<vmem>>
    %dma_start3A_1380 = arith.constant 0 : i32
    %dma_start3A_1381 = tpu.memref_slice %arg4[%add3A_1375, %dma_start3A_1380] : memref<416x1024xf32, #tpu.memory_space<hbm>> -> memref<1x1024xf32, #tpu.memory_space<hbm>>
    %dma_start3A_1382 = tpu.memref_squeeze %dma_start3A_1381 : memref<1x1024xf32, #tpu.memory_space<hbm>> -> memref<1024xf32, #tpu.memory_space<hbm>>
    %dma_start3A_1383 = arith.constant 0 : i32
    %dma_start3A_1384 = tpu.memref_slice %arg4[%add3A_1375, %dma_start3A_1383] : memref<416x1024xf32, #tpu.memory_space<hbm>> -> memref<1x1024xf32, #tpu.memory_space<hbm>>
    %dma_start3A_1385 = tpu.memref_squeeze %dma_start3A_1384 : memref<1x1024xf32, #tpu.memory_space<hbm>> -> memref<1024xf32, #tpu.memory_space<hbm>>
    %dma_start3A_1386 = arith.constant 0 : i32
    %dma_start3A_1387 = tpu.memref_slice %arg8[%dma_start3A_1376, %dma_start3A_1386] : memref<13x1024xf32, #tpu.memory_space<vmem>> -> memref<1x1024xf32, #tpu.memory_space<vmem>>
    %dma_start3A_1388 = tpu.memref_squeeze %dma_start3A_1387 : memref<1x1024xf32, #tpu.memory_space<vmem>> -> memref<1024xf32, #tpu.memory_space<vmem>>
    tpu.enqueue_dma source(%dma_start3A_1388 : memref<1024xf32, #tpu.memory_space<vmem>>) target(%dma_start3A_1385 : memref<1024xf32, #tpu.memory_space<hbm>>) target_semaphore(%arg16 : memref<!tpu.dma_semaphore, #tpu.memory_space<semaphore_mem>>)
    %mul3A_1389 = arith.constant 13 : i32
    %mul3A_1390 = arith.muli %arg1, %mul3A_1389 : i32
    %add3A_1391 = arith.constant 1 : i32
    %add3A_1392 = arith.addi %mul3A_1390, %add3A_1391 : i32
    %jit3A_1393 = arith.constant 8 : i32
    %div3A_1394 = arith.divsi %add3A_1392, %jit3A_1393 : i32
    %sign3A_1395 = arith.constant 0 : i32
    %sign3A_1396 = arith.cmpi sgt, %add3A_1392, %sign3A_1395 : i32
    %sign3A_1397 = arith.extui %sign3A_1396 : i1 to i32
    %sign3A_1398 = arith.constant 0 : i32
    %sign3A_1399 = arith.cmpi slt, %add3A_1392, %sign3A_1398 : i32
    %sign3A_1400 = arith.extui %sign3A_1399 : i1 to i32
    %sign3A_1401 = arith.subi %sign3A_1397, %sign3A_1400 : i32
    %sign3A_1402 = arith.constant 0 : i32
    %sign3A_1403 = arith.cmpi sgt, %jit3A_1393, %sign3A_1402 : i32
    %sign3A_1404 = arith.extui %sign3A_1403 : i1 to i32
    %sign3A_1405 = arith.constant 0 : i32
    %sign3A_1406 = arith.cmpi slt, %jit3A_1393, %sign3A_1405 : i32
    %sign3A_1407 = arith.extui %sign3A_1406 : i1 to i32
    %sign3A_1408 = arith.subi %sign3A_1404, %sign3A_1407 : i32
    %ne3A_1409 = arith.cmpi ne, %sign3A_1401, %sign3A_1408 : i32
    %rem3A_1410 = arith.remsi %add3A_1392, %jit3A_1393 : i32
    %ne3A_1411 = arith.constant 0 : i32
    %ne3A_1412 = arith.cmpi ne, %rem3A_1410, %ne3A_1411 : i32
    %and3A_1413 = arith.andi %ne3A_1409, %ne3A_1412 : i1
    %sub3A_1414 = arith.constant 1 : i32
    %sub3A_1415 = arith.subi %div3A_1394, %sub3A_1414 : i32
    %select_n3A_1416 = arith.select %and3A_1413, %sub3A_1415, %div3A_1394 : i32
    %jit3A_1417 = arith.constant 8 : i32
    %eq3A_1418 = arith.constant 0 : i32
    %eq3A_1419 = arith.cmpi eq, %jit3A_1417, %eq3A_1418 : i32
    %jit3A_1420 = arith.constant 1 : i32
    %select_n3A_1421 = arith.select %eq3A_1419, %jit3A_1420, %jit3A_1417 : i32
    %rem3A_1422 = arith.remsi %add3A_1392, %select_n3A_1421 : i32
    %ne3A_1423 = arith.constant 0 : i32
    %ne3A_1424 = arith.cmpi ne, %rem3A_1422, %ne3A_1423 : i32
    %lt3A_1425 = arith.constant 0 : i32
    %lt3A_1426 = arith.cmpi slt, %rem3A_1422, %lt3A_1425 : i32
    %lt3A_1427 = arith.constant 0 : i32
    %lt3A_1428 = arith.cmpi slt, %select_n3A_1421, %lt3A_1427 : i32
    %ne3A_1429 = arith.xori %lt3A_1426, %lt3A_1428 : i1
    %and3A_1430 = arith.andi %ne3A_1429, %ne3A_1424 : i1
    %add3A_1431 = arith.addi %rem3A_1422, %select_n3A_1421 : i32
    %select_n3A_1432 = arith.select %and3A_1430, %add3A_1431, %rem3A_1422 : i32
    %mul3A_1433 = arith.constant 16 : i32
    %mul3A_1434 = arith.muli %select_n3A_1416, %mul3A_1433 : i32
    %mul3A_1435 = arith.constant 8 : i32
    %mul3A_1436 = arith.muli %arg0, %mul3A_1435 : i32
    %add3A_1437 = arith.addi %mul3A_1434, %mul3A_1436 : i32
    %add3A_1438 = arith.addi %add3A_1437, %select_n3A_1432 : i32
    %dma_start3A_1439 = arith.constant 1 : i32
    %dma_start3A_1440 = arith.constant 0 : i32
    %dma_start3A_1441 = tpu.memref_slice %arg8[%dma_start3A_1439, %dma_start3A_1440] : memref<13x1024xf32, #tpu.memory_space<vmem>> -> memref<1x1024xf32, #tpu.memory_space<vmem>>
    %dma_start3A_1442 = tpu.memref_squeeze %dma_start3A_1441 : memref<1x1024xf32, #tpu.memory_space<vmem>> -> memref<1024xf32, #tpu.memory_space<vmem>>
    %dma_start3A_1443 = arith.constant 0 : i32
    %dma_start3A_1444 = tpu.memref_slice %arg4[%add3A_1438, %dma_start3A_1443] : memref<416x1024xf32, #tpu.memory_space<hbm>> -> memref<1x1024xf32, #tpu.memory_space<hbm>>
    %dma_start3A_1445 = tpu.memref_squeeze %dma_start3A_1444 : memref<1x1024xf32, #tpu.memory_space<hbm>> -> memref<1024xf32, #tpu.memory_space<hbm>>
    %dma_start3A_1446 = arith.constant 0 : i32
    %dma_start3A_1447 = tpu.memref_slice %arg4[%add3A_1438, %dma_start3A_1446] : memref<416x1024xf32, #tpu.memory_space<hbm>> -> memref<1x1024xf32, #tpu.memory_space<hbm>>
    %dma_start3A_1448 = tpu.memref_squeeze %dma_start3A_1447 : memref<1x1024xf32, #tpu.memory_space<hbm>> -> memref<1024xf32, #tpu.memory_space<hbm>>
    %dma_start3A_1449 = arith.constant 0 : i32
    %dma_start3A_1450 = tpu.memref_slice %arg8[%dma_start3A_1439, %dma_start3A_1449] : memref<13x1024xf32, #tpu.memory_space<vmem>> -> memref<1x1024xf32, #tpu.memory_space<vmem>>
    %dma_start3A_1451 = tpu.memref_squeeze %dma_start3A_1450 : memref<1x1024xf32, #tpu.memory_space<vmem>> -> memref<1024xf32, #tpu.memory_space<vmem>>
    tpu.enqueue_dma source(%dma_start3A_1451 : memref<1024xf32, #tpu.memory_space<vmem>>) target(%dma_start3A_1448 : memref<1024xf32, #tpu.memory_space<hbm>>) target_semaphore(%arg16 : memref<!tpu.dma_semaphore, #tpu.memory_space<semaphore_mem>>)
    %mul3A_1452 = arith.constant 13 : i32
    %mul3A_1453 = arith.muli %arg1, %mul3A_1452 : i32
    %add3A_1454 = arith.constant 2 : i32
    %add3A_1455 = arith.addi %mul3A_1453, %add3A_1454 : i32
    %jit3A_1456 = arith.constant 8 : i32
    %div3A_1457 = arith.divsi %add3A_1455, %jit3A_1456 : i32
    %sign3A_1458 = arith.constant 0 : i32
    %sign3A_1459 = arith.cmpi sgt, %add3A_1455, %sign3A_1458 : i32
    %sign3A_1460 = arith.extui %sign3A_1459 : i1 to i32
    %sign3A_1461 = arith.constant 0 : i32
    %sign3A_1462 = arith.cmpi slt, %add3A_1455, %sign3A_1461 : i32
    %sign3A_1463 = arith.extui %sign3A_1462 : i1 to i32
    %sign3A_1464 = arith.subi %sign3A_1460, %sign3A_1463 : i32
    %sign3A_1465 = arith.constant 0 : i32
    %sign3A_1466 = arith.cmpi sgt, %jit3A_1456, %sign3A_1465 : i32
    %sign3A_1467 = arith.extui %sign3A_1466 : i1 to i32
    %sign3A_1468 = arith.constant 0 : i32
    %sign3A_1469 = arith.cmpi slt, %jit3A_1456, %sign3A_1468 : i32
    %sign3A_1470 = arith.extui %sign3A_1469 : i1 to i32
    %sign3A_1471 = arith.subi %sign3A_1467, %sign3A_1470 : i32
    %ne3A_1472 = arith.cmpi ne, %sign3A_1464, %sign3A_1471 : i32
    %rem3A_1473 = arith.remsi %add3A_1455, %jit3A_1456 : i32
    %ne3A_1474 = arith.constant 0 : i32
    %ne3A_1475 = arith.cmpi ne, %rem3A_1473, %ne3A_1474 : i32
    %and3A_1476 = arith.andi %ne3A_1472, %ne3A_1475 : i1
    %sub3A_1477 = arith.constant 1 : i32
    %sub3A_1478 = arith.subi %div3A_1457, %sub3A_1477 : i32
    %select_n3A_1479 = arith.select %and3A_1476, %sub3A_1478, %div3A_1457 : i32
    %jit3A_1480 = arith.constant 8 : i32
    %eq3A_1481 = arith.constant 0 : i32
    %eq3A_1482 = arith.cmpi eq, %jit3A_1480, %eq3A_1481 : i32
    %jit3A_1483 = arith.constant 1 : i32
    %select_n3A_1484 = arith.select %eq3A_1482, %jit3A_1483, %jit3A_1480 : i32
    %rem3A_1485 = arith.remsi %add3A_1455, %select_n3A_1484 : i32
    %ne3A_1486 = arith.constant 0 : i32
    %ne3A_1487 = arith.cmpi ne, %rem3A_1485, %ne3A_1486 : i32
    %lt3A_1488 = arith.constant 0 : i32
    %lt3A_1489 = arith.cmpi slt, %rem3A_1485, %lt3A_1488 : i32
    %lt3A_1490 = arith.constant 0 : i32
    %lt3A_1491 = arith.cmpi slt, %select_n3A_1484, %lt3A_1490 : i32
    %ne3A_1492 = arith.xori %lt3A_1489, %lt3A_1491 : i1
    %and3A_1493 = arith.andi %ne3A_1492, %ne3A_1487 : i1
    %add3A_1494 = arith.addi %rem3A_1485, %select_n3A_1484 : i32
    %select_n3A_1495 = arith.select %and3A_1493, %add3A_1494, %rem3A_1485 : i32
    %mul3A_1496 = arith.constant 16 : i32
    %mul3A_1497 = arith.muli %select_n3A_1479, %mul3A_1496 : i32
    %mul3A_1498 = arith.constant 8 : i32
    %mul3A_1499 = arith.muli %arg0, %mul3A_1498 : i32
    %add3A_1500 = arith.addi %mul3A_1497, %mul3A_1499 : i32
    %add3A_1501 = arith.addi %add3A_1500, %select_n3A_1495 : i32
    %dma_start3A_1502 = arith.constant 2 : i32
    %dma_start3A_1503 = arith.constant 0 : i32
    %dma_start3A_1504 = tpu.memref_slice %arg8[%dma_start3A_1502, %dma_start3A_1503] : memref<13x1024xf32, #tpu.memory_space<vmem>> -> memref<1x1024xf32, #tpu.memory_space<vmem>>
    %dma_start3A_1505 = tpu.memref_squeeze %dma_start3A_1504 : memref<1x1024xf32, #tpu.memory_space<vmem>> -> memref<1024xf32, #tpu.memory_space<vmem>>
    %dma_start3A_1506 = arith.constant 0 : i32
    %dma_start3A_1507 = tpu.memref_slice %arg4[%add3A_1501, %dma_start3A_1506] : memref<416x1024xf32, #tpu.memory_space<hbm>> -> memref<1x1024xf32, #tpu.memory_space<hbm>>
    %dma_start3A_1508 = tpu.memref_squeeze %dma_start3A_1507 : memref<1x1024xf32, #tpu.memory_space<hbm>> -> memref<1024xf32, #tpu.memory_space<hbm>>
    %dma_start3A_1509 = arith.constant 0 : i32
    %dma_start3A_1510 = tpu.memref_slice %arg4[%add3A_1501, %dma_start3A_1509] : memref<416x1024xf32, #tpu.memory_space<hbm>> -> memref<1x1024xf32, #tpu.memory_space<hbm>>
    %dma_start3A_1511 = tpu.memref_squeeze %dma_start3A_1510 : memref<1x1024xf32, #tpu.memory_space<hbm>> -> memref<1024xf32, #tpu.memory_space<hbm>>
    %dma_start3A_1512 = arith.constant 0 : i32
    %dma_start3A_1513 = tpu.memref_slice %arg8[%dma_start3A_1502, %dma_start3A_1512] : memref<13x1024xf32, #tpu.memory_space<vmem>> -> memref<1x1024xf32, #tpu.memory_space<vmem>>
    %dma_start3A_1514 = tpu.memref_squeeze %dma_start3A_1513 : memref<1x1024xf32, #tpu.memory_space<vmem>> -> memref<1024xf32, #tpu.memory_space<vmem>>
    tpu.enqueue_dma source(%dma_start3A_1514 : memref<1024xf32, #tpu.memory_space<vmem>>) target(%dma_start3A_1511 : memref<1024xf32, #tpu.memory_space<hbm>>) target_semaphore(%arg16 : memref<!tpu.dma_semaphore, #tpu.memory_space<semaphore_mem>>)
    %mul3A_1515 = arith.constant 13 : i32
    %mul3A_1516 = arith.muli %arg1, %mul3A_1515 : i32
    %add3A_1517 = arith.constant 3 : i32
    %add3A_1518 = arith.addi %mul3A_1516, %add3A_1517 : i32
    %jit3A_1519 = arith.constant 8 : i32
    %div3A_1520 = arith.divsi %add3A_1518, %jit3A_1519 : i32
    %sign3A_1521 = arith.constant 0 : i32
    %sign3A_1522 = arith.cmpi sgt, %add3A_1518, %sign3A_1521 : i32
    %sign3A_1523 = arith.extui %sign3A_1522 : i1 to i32
    %sign3A_1524 = arith.constant 0 : i32
    %sign3A_1525 = arith.cmpi slt, %add3A_1518, %sign3A_1524 : i32
    %sign3A_1526 = arith.extui %sign3A_1525 : i1 to i32
    %sign3A_1527 = arith.subi %sign3A_1523, %sign3A_1526 : i32
    %sign3A_1528 = arith.constant 0 : i32
    %sign3A_1529 = arith.cmpi sgt, %jit3A_1519, %sign3A_1528 : i32
    %sign3A_1530 = arith.extui %sign3A_1529 : i1 to i32
    %sign3A_1531 = arith.constant 0 : i32
    %sign3A_1532 = arith.cmpi slt, %jit3A_1519, %sign3A_1531 : i32
    %sign3A_1533 = arith.extui %sign3A_1532 : i1 to i32
    %sign3A_1534 = arith.subi %sign3A_1530, %sign3A_1533 : i32
    %ne3A_1535 = arith.cmpi ne, %sign3A_1527, %sign3A_1534 : i32
    %rem3A_1536 = arith.remsi %add3A_1518, %jit3A_1519 : i32
    %ne3A_1537 = arith.constant 0 : i32
    %ne3A_1538 = arith.cmpi ne, %rem3A_1536, %ne3A_1537 : i32
    %and3A_1539 = arith.andi %ne3A_1535, %ne3A_1538 : i1
    %sub3A_1540 = arith.constant 1 : i32
    %sub3A_1541 = arith.subi %div3A_1520, %sub3A_1540 : i32
    %select_n3A_1542 = arith.select %and3A_1539, %sub3A_1541, %div3A_1520 : i32
    %jit3A_1543 = arith.constant 8 : i32
    %eq3A_1544 = arith.constant 0 : i32
    %eq3A_1545 = arith.cmpi eq, %jit3A_1543, %eq3A_1544 : i32
    %jit3A_1546 = arith.constant 1 : i32
    %select_n3A_1547 = arith.select %eq3A_1545, %jit3A_1546, %jit3A_1543 : i32
    %rem3A_1548 = arith.remsi %add3A_1518, %select_n3A_1547 : i32
    %ne3A_1549 = arith.constant 0 : i32
    %ne3A_1550 = arith.cmpi ne, %rem3A_1548, %ne3A_1549 : i32
    %lt3A_1551 = arith.constant 0 : i32
    %lt3A_1552 = arith.cmpi slt, %rem3A_1548, %lt3A_1551 : i32
    %lt3A_1553 = arith.constant 0 : i32
    %lt3A_1554 = arith.cmpi slt, %select_n3A_1547, %lt3A_1553 : i32
    %ne3A_1555 = arith.xori %lt3A_1552, %lt3A_1554 : i1
    %and3A_1556 = arith.andi %ne3A_1555, %ne3A_1550 : i1
    %add3A_1557 = arith.addi %rem3A_1548, %select_n3A_1547 : i32
    %select_n3A_1558 = arith.select %and3A_1556, %add3A_1557, %rem3A_1548 : i32
    %mul3A_1559 = arith.constant 16 : i32
    %mul3A_1560 = arith.muli %select_n3A_1542, %mul3A_1559 : i32
    %mul3A_1561 = arith.constant 8 : i32
    %mul3A_1562 = arith.muli %arg0, %mul3A_1561 : i32
    %add3A_1563 = arith.addi %mul3A_1560, %mul3A_1562 : i32
    %add3A_1564 = arith.addi %add3A_1563, %select_n3A_1558 : i32
    %dma_start3A_1565 = arith.constant 3 : i32
    %dma_start3A_1566 = arith.constant 0 : i32
    %dma_start3A_1567 = tpu.memref_slice %arg8[%dma_start3A_1565, %dma_start3A_1566] : memref<13x1024xf32, #tpu.memory_space<vmem>> -> memref<1x1024xf32, #tpu.memory_space<vmem>>
    %dma_start3A_1568 = tpu.memref_squeeze %dma_start3A_1567 : memref<1x1024xf32, #tpu.memory_space<vmem>> -> memref<1024xf32, #tpu.memory_space<vmem>>
    %dma_start3A_1569 = arith.constant 0 : i32
    %dma_start3A_1570 = tpu.memref_slice %arg4[%add3A_1564, %dma_start3A_1569] : memref<416x1024xf32, #tpu.memory_space<hbm>> -> memref<1x1024xf32, #tpu.memory_space<hbm>>
    %dma_start3A_1571 = tpu.memref_squeeze %dma_start3A_1570 : memref<1x1024xf32, #tpu.memory_space<hbm>> -> memref<1024xf32, #tpu.memory_space<hbm>>
    %dma_start3A_1572 = arith.constant 0 : i32
    %dma_start3A_1573 = tpu.memref_slice %arg4[%add3A_1564, %dma_start3A_1572] : memref<416x1024xf32, #tpu.memory_space<hbm>> -> memref<1x1024xf32, #tpu.memory_space<hbm>>
    %dma_start3A_1574 = tpu.memref_squeeze %dma_start3A_1573 : memref<1x1024xf32, #tpu.memory_space<hbm>> -> memref<1024xf32, #tpu.memory_space<hbm>>
    %dma_start3A_1575 = arith.constant 0 : i32
    %dma_start3A_1576 = tpu.memref_slice %arg8[%dma_start3A_1565, %dma_start3A_1575] : memref<13x1024xf32, #tpu.memory_space<vmem>> -> memref<1x1024xf32, #tpu.memory_space<vmem>>
    %dma_start3A_1577 = tpu.memref_squeeze %dma_start3A_1576 : memref<1x1024xf32, #tpu.memory_space<vmem>> -> memref<1024xf32, #tpu.memory_space<vmem>>
    tpu.enqueue_dma source(%dma_start3A_1577 : memref<1024xf32, #tpu.memory_space<vmem>>) target(%dma_start3A_1574 : memref<1024xf32, #tpu.memory_space<hbm>>) target_semaphore(%arg16 : memref<!tpu.dma_semaphore, #tpu.memory_space<semaphore_mem>>)
    %mul3A_1578 = arith.constant 13 : i32
    %mul3A_1579 = arith.muli %arg1, %mul3A_1578 : i32
    %add3A_1580 = arith.constant 4 : i32
    %add3A_1581 = arith.addi %mul3A_1579, %add3A_1580 : i32
    %jit3A_1582 = arith.constant 8 : i32
    %div3A_1583 = arith.divsi %add3A_1581, %jit3A_1582 : i32
    %sign3A_1584 = arith.constant 0 : i32
    %sign3A_1585 = arith.cmpi sgt, %add3A_1581, %sign3A_1584 : i32
    %sign3A_1586 = arith.extui %sign3A_1585 : i1 to i32
    %sign3A_1587 = arith.constant 0 : i32
    %sign3A_1588 = arith.cmpi slt, %add3A_1581, %sign3A_1587 : i32
    %sign3A_1589 = arith.extui %sign3A_1588 : i1 to i32
    %sign3A_1590 = arith.subi %sign3A_1586, %sign3A_1589 : i32
    %sign3A_1591 = arith.constant 0 : i32
    %sign3A_1592 = arith.cmpi sgt, %jit3A_1582, %sign3A_1591 : i32
    %sign3A_1593 = arith.extui %sign3A_1592 : i1 to i32
    %sign3A_1594 = arith.constant 0 : i32
    %sign3A_1595 = arith.cmpi slt, %jit3A_1582, %sign3A_1594 : i32
    %sign3A_1596 = arith.extui %sign3A_1595 : i1 to i32
    %sign3A_1597 = arith.subi %sign3A_1593, %sign3A_1596 : i32
    %ne3A_1598 = arith.cmpi ne, %sign3A_1590, %sign3A_1597 : i32
    %rem3A_1599 = arith.remsi %add3A_1581, %jit3A_1582 : i32
    %ne3A_1600 = arith.constant 0 : i32
    %ne3A_1601 = arith.cmpi ne, %rem3A_1599, %ne3A_1600 : i32
    %and3A_1602 = arith.andi %ne3A_1598, %ne3A_1601 : i1
    %sub3A_1603 = arith.constant 1 : i32
    %sub3A_1604 = arith.subi %div3A_1583, %sub3A_1603 : i32
    %select_n3A_1605 = arith.select %and3A_1602, %sub3A_1604, %div3A_1583 : i32
    %jit3A_1606 = arith.constant 8 : i32
    %eq3A_1607 = arith.constant 0 : i32
    %eq3A_1608 = arith.cmpi eq, %jit3A_1606, %eq3A_1607 : i32
    %jit3A_1609 = arith.constant 1 : i32
    %select_n3A_1610 = arith.select %eq3A_1608, %jit3A_1609, %jit3A_1606 : i32
    %rem3A_1611 = arith.remsi %add3A_1581, %select_n3A_1610 : i32
    %ne3A_1612 = arith.constant 0 : i32
    %ne3A_1613 = arith.cmpi ne, %rem3A_1611, %ne3A_1612 : i32
    %lt3A_1614 = arith.constant 0 : i32
    %lt3A_1615 = arith.cmpi slt, %rem3A_1611, %lt3A_1614 : i32
    %lt3A_1616 = arith.constant 0 : i32
    %lt3A_1617 = arith.cmpi slt, %select_n3A_1610, %lt3A_1616 : i32
    %ne3A_1618 = arith.xori %lt3A_1615, %lt3A_1617 : i1
    %and3A_1619 = arith.andi %ne3A_1618, %ne3A_1613 : i1
    %add3A_1620 = arith.addi %rem3A_1611, %select_n3A_1610 : i32
    %select_n3A_1621 = arith.select %and3A_1619, %add3A_1620, %rem3A_1611 : i32
    %mul3A_1622 = arith.constant 16 : i32
    %mul3A_1623 = arith.muli %select_n3A_1605, %mul3A_1622 : i32
    %mul3A_1624 = arith.constant 8 : i32
    %mul3A_1625 = arith.muli %arg0, %mul3A_1624 : i32
    %add3A_1626 = arith.addi %mul3A_1623, %mul3A_1625 : i32
    %add3A_1627 = arith.addi %add3A_1626, %select_n3A_1621 : i32
    %dma_start3A_1628 = arith.constant 4 : i32
    %dma_start3A_1629 = arith.constant 0 : i32
    %dma_start3A_1630 = tpu.memref_slice %arg8[%dma_start3A_1628, %dma_start3A_1629] : memref<13x1024xf32, #tpu.memory_space<vmem>> -> memref<1x1024xf32, #tpu.memory_space<vmem>>
    %dma_start3A_1631 = tpu.memref_squeeze %dma_start3A_1630 : memref<1x1024xf32, #tpu.memory_space<vmem>> -> memref<1024xf32, #tpu.memory_space<vmem>>
    %dma_start3A_1632 = arith.constant 0 : i32
    %dma_start3A_1633 = tpu.memref_slice %arg4[%add3A_1627, %dma_start3A_1632] : memref<416x1024xf32, #tpu.memory_space<hbm>> -> memref<1x1024xf32, #tpu.memory_space<hbm>>
    %dma_start3A_1634 = tpu.memref_squeeze %dma_start3A_1633 : memref<1x1024xf32, #tpu.memory_space<hbm>> -> memref<1024xf32, #tpu.memory_space<hbm>>
    %dma_start3A_1635 = arith.constant 0 : i32
    %dma_start3A_1636 = tpu.memref_slice %arg4[%add3A_1627, %dma_start3A_1635] : memref<416x1024xf32, #tpu.memory_space<hbm>> -> memref<1x1024xf32, #tpu.memory_space<hbm>>
    %dma_start3A_1637 = tpu.memref_squeeze %dma_start3A_1636 : memref<1x1024xf32, #tpu.memory_space<hbm>> -> memref<1024xf32, #tpu.memory_space<hbm>>
    %dma_start3A_1638 = arith.constant 0 : i32
    %dma_start3A_1639 = tpu.memref_slice %arg8[%dma_start3A_1628, %dma_start3A_1638] : memref<13x1024xf32, #tpu.memory_space<vmem>> -> memref<1x1024xf32, #tpu.memory_space<vmem>>
    %dma_start3A_1640 = tpu.memref_squeeze %dma_start3A_1639 : memref<1x1024xf32, #tpu.memory_space<vmem>> -> memref<1024xf32, #tpu.memory_space<vmem>>
    tpu.enqueue_dma source(%dma_start3A_1640 : memref<1024xf32, #tpu.memory_space<vmem>>) target(%dma_start3A_1637 : memref<1024xf32, #tpu.memory_space<hbm>>) target_semaphore(%arg16 : memref<!tpu.dma_semaphore, #tpu.memory_space<semaphore_mem>>)
    %mul3A_1641 = arith.constant 13 : i32
    %mul3A_1642 = arith.muli %arg1, %mul3A_1641 : i32
    %add3A_1643 = arith.constant 5 : i32
    %add3A_1644 = arith.addi %mul3A_1642, %add3A_1643 : i32
    %jit3A_1645 = arith.constant 8 : i32
    %div3A_1646 = arith.divsi %add3A_1644, %jit3A_1645 : i32
    %sign3A_1647 = arith.constant 0 : i32
    %sign3A_1648 = arith.cmpi sgt, %add3A_1644, %sign3A_1647 : i32
    %sign3A_1649 = arith.extui %sign3A_1648 : i1 to i32
    %sign3A_1650 = arith.constant 0 : i32
    %sign3A_1651 = arith.cmpi slt, %add3A_1644, %sign3A_1650 : i32
    %sign3A_1652 = arith.extui %sign3A_1651 : i1 to i32
    %sign3A_1653 = arith.subi %sign3A_1649, %sign3A_1652 : i32
    %sign3A_1654 = arith.constant 0 : i32
    %sign3A_1655 = arith.cmpi sgt, %jit3A_1645, %sign3A_1654 : i32
    %sign3A_1656 = arith.extui %sign3A_1655 : i1 to i32
    %sign3A_1657 = arith.constant 0 : i32
    %sign3A_1658 = arith.cmpi slt, %jit3A_1645, %sign3A_1657 : i32
    %sign3A_1659 = arith.extui %sign3A_1658 : i1 to i32
    %sign3A_1660 = arith.subi %sign3A_1656, %sign3A_1659 : i32
    %ne3A_1661 = arith.cmpi ne, %sign3A_1653, %sign3A_1660 : i32
    %rem3A_1662 = arith.remsi %add3A_1644, %jit3A_1645 : i32
    %ne3A_1663 = arith.constant 0 : i32
    %ne3A_1664 = arith.cmpi ne, %rem3A_1662, %ne3A_1663 : i32
    %and3A_1665 = arith.andi %ne3A_1661, %ne3A_1664 : i1
    %sub3A_1666 = arith.constant 1 : i32
    %sub3A_1667 = arith.subi %div3A_1646, %sub3A_1666 : i32
    %select_n3A_1668 = arith.select %and3A_1665, %sub3A_1667, %div3A_1646 : i32
    %jit3A_1669 = arith.constant 8 : i32
    %eq3A_1670 = arith.constant 0 : i32
    %eq3A_1671 = arith.cmpi eq, %jit3A_1669, %eq3A_1670 : i32
    %jit3A_1672 = arith.constant 1 : i32
    %select_n3A_1673 = arith.select %eq3A_1671, %jit3A_1672, %jit3A_1669 : i32
    %rem3A_1674 = arith.remsi %add3A_1644, %select_n3A_1673 : i32
    %ne3A_1675 = arith.constant 0 : i32
    %ne3A_1676 = arith.cmpi ne, %rem3A_1674, %ne3A_1675 : i32
    %lt3A_1677 = arith.constant 0 : i32
    %lt3A_1678 = arith.cmpi slt, %rem3A_1674, %lt3A_1677 : i32
    %lt3A_1679 = arith.constant 0 : i32
    %lt3A_1680 = arith.cmpi slt, %select_n3A_1673, %lt3A_1679 : i32
    %ne3A_1681 = arith.xori %lt3A_1678, %lt3A_1680 : i1
    %and3A_1682 = arith.andi %ne3A_1681, %ne3A_1676 : i1
    %add3A_1683 = arith.addi %rem3A_1674, %select_n3A_1673 : i32
    %select_n3A_1684 = arith.select %and3A_1682, %add3A_1683, %rem3A_1674 : i32
    %mul3A_1685 = arith.constant 16 : i32
    %mul3A_1686 = arith.muli %select_n3A_1668, %mul3A_1685 : i32
    %mul3A_1687 = arith.constant 8 : i32
    %mul3A_1688 = arith.muli %arg0, %mul3A_1687 : i32
    %add3A_1689 = arith.addi %mul3A_1686, %mul3A_1688 : i32
    %add3A_1690 = arith.addi %add3A_1689, %select_n3A_1684 : i32
    %dma_start3A_1691 = arith.constant 5 : i32
    %dma_start3A_1692 = arith.constant 0 : i32
    %dma_start3A_1693 = tpu.memref_slice %arg8[%dma_start3A_1691, %dma_start3A_1692] : memref<13x1024xf32, #tpu.memory_space<vmem>> -> memref<1x1024xf32, #tpu.memory_space<vmem>>
    %dma_start3A_1694 = tpu.memref_squeeze %dma_start3A_1693 : memref<1x1024xf32, #tpu.memory_space<vmem>> -> memref<1024xf32, #tpu.memory_space<vmem>>
    %dma_start3A_1695 = arith.constant 0 : i32
    %dma_start3A_1696 = tpu.memref_slice %arg4[%add3A_1690, %dma_start3A_1695] : memref<416x1024xf32, #tpu.memory_space<hbm>> -> memref<1x1024xf32, #tpu.memory_space<hbm>>
    %dma_start3A_1697 = tpu.memref_squeeze %dma_start3A_1696 : memref<1x1024xf32, #tpu.memory_space<hbm>> -> memref<1024xf32, #tpu.memory_space<hbm>>
    %dma_start3A_1698 = arith.constant 0 : i32
    %dma_start3A_1699 = tpu.memref_slice %arg4[%add3A_1690, %dma_start3A_1698] : memref<416x1024xf32, #tpu.memory_space<hbm>> -> memref<1x1024xf32, #tpu.memory_space<hbm>>
    %dma_start3A_1700 = tpu.memref_squeeze %dma_start3A_1699 : memref<1x1024xf32, #tpu.memory_space<hbm>> -> memref<1024xf32, #tpu.memory_space<hbm>>
    %dma_start3A_1701 = arith.constant 0 : i32
    %dma_start3A_1702 = tpu.memref_slice %arg8[%dma_start3A_1691, %dma_start3A_1701] : memref<13x1024xf32, #tpu.memory_space<vmem>> -> memref<1x1024xf32, #tpu.memory_space<vmem>>
    %dma_start3A_1703 = tpu.memref_squeeze %dma_start3A_1702 : memref<1x1024xf32, #tpu.memory_space<vmem>> -> memref<1024xf32, #tpu.memory_space<vmem>>
    tpu.enqueue_dma source(%dma_start3A_1703 : memref<1024xf32, #tpu.memory_space<vmem>>) target(%dma_start3A_1700 : memref<1024xf32, #tpu.memory_space<hbm>>) target_semaphore(%arg16 : memref<!tpu.dma_semaphore, #tpu.memory_space<semaphore_mem>>)
    %mul3A_1704 = arith.constant 13 : i32
    %mul3A_1705 = arith.muli %arg1, %mul3A_1704 : i32
    %add3A_1706 = arith.constant 6 : i32
    %add3A_1707 = arith.addi %mul3A_1705, %add3A_1706 : i32
    %jit3A_1708 = arith.constant 8 : i32
    %div3A_1709 = arith.divsi %add3A_1707, %jit3A_1708 : i32
    %sign3A_1710 = arith.constant 0 : i32
    %sign3A_1711 = arith.cmpi sgt, %add3A_1707, %sign3A_1710 : i32
    %sign3A_1712 = arith.extui %sign3A_1711 : i1 to i32
    %sign3A_1713 = arith.constant 0 : i32
    %sign3A_1714 = arith.cmpi slt, %add3A_1707, %sign3A_1713 : i32
    %sign3A_1715 = arith.extui %sign3A_1714 : i1 to i32
    %sign3A_1716 = arith.subi %sign3A_1712, %sign3A_1715 : i32
    %sign3A_1717 = arith.constant 0 : i32
    %sign3A_1718 = arith.cmpi sgt, %jit3A_1708, %sign3A_1717 : i32
    %sign3A_1719 = arith.extui %sign3A_1718 : i1 to i32
    %sign3A_1720 = arith.constant 0 : i32
    %sign3A_1721 = arith.cmpi slt, %jit3A_1708, %sign3A_1720 : i32
    %sign3A_1722 = arith.extui %sign3A_1721 : i1 to i32
    %sign3A_1723 = arith.subi %sign3A_1719, %sign3A_1722 : i32
    %ne3A_1724 = arith.cmpi ne, %sign3A_1716, %sign3A_1723 : i32
    %rem3A_1725 = arith.remsi %add3A_1707, %jit3A_1708 : i32
    %ne3A_1726 = arith.constant 0 : i32
    %ne3A_1727 = arith.cmpi ne, %rem3A_1725, %ne3A_1726 : i32
    %and3A_1728 = arith.andi %ne3A_1724, %ne3A_1727 : i1
    %sub3A_1729 = arith.constant 1 : i32
    %sub3A_1730 = arith.subi %div3A_1709, %sub3A_1729 : i32
    %select_n3A_1731 = arith.select %and3A_1728, %sub3A_1730, %div3A_1709 : i32
    %jit3A_1732 = arith.constant 8 : i32
    %eq3A_1733 = arith.constant 0 : i32
    %eq3A_1734 = arith.cmpi eq, %jit3A_1732, %eq3A_1733 : i32
    %jit3A_1735 = arith.constant 1 : i32
    %select_n3A_1736 = arith.select %eq3A_1734, %jit3A_1735, %jit3A_1732 : i32
    %rem3A_1737 = arith.remsi %add3A_1707, %select_n3A_1736 : i32
    %ne3A_1738 = arith.constant 0 : i32
    %ne3A_1739 = arith.cmpi ne, %rem3A_1737, %ne3A_1738 : i32
    %lt3A_1740 = arith.constant 0 : i32
    %lt3A_1741 = arith.cmpi slt, %rem3A_1737, %lt3A_1740 : i32
    %lt3A_1742 = arith.constant 0 : i32
    %lt3A_1743 = arith.cmpi slt, %select_n3A_1736, %lt3A_1742 : i32
    %ne3A_1744 = arith.xori %lt3A_1741, %lt3A_1743 : i1
    %and3A_1745 = arith.andi %ne3A_1744, %ne3A_1739 : i1
    %add3A_1746 = arith.addi %rem3A_1737, %select_n3A_1736 : i32
    %select_n3A_1747 = arith.select %and3A_1745, %add3A_1746, %rem3A_1737 : i32
    %mul3A_1748 = arith.constant 16 : i32
    %mul3A_1749 = arith.muli %select_n3A_1731, %mul3A_1748 : i32
    %mul3A_1750 = arith.constant 8 : i32
    %mul3A_1751 = arith.muli %arg0, %mul3A_1750 : i32
    %add3A_1752 = arith.addi %mul3A_1749, %mul3A_1751 : i32
    %add3A_1753 = arith.addi %add3A_1752, %select_n3A_1747 : i32
    %dma_start3A_1754 = arith.constant 6 : i32
    %dma_start3A_1755 = arith.constant 0 : i32
    %dma_start3A_1756 = tpu.memref_slice %arg8[%dma_start3A_1754, %dma_start3A_1755] : memref<13x1024xf32, #tpu.memory_space<vmem>> -> memref<1x1024xf32, #tpu.memory_space<vmem>>
    %dma_start3A_1757 = tpu.memref_squeeze %dma_start3A_1756 : memref<1x1024xf32, #tpu.memory_space<vmem>> -> memref<1024xf32, #tpu.memory_space<vmem>>
    %dma_start3A_1758 = arith.constant 0 : i32
    %dma_start3A_1759 = tpu.memref_slice %arg4[%add3A_1753, %dma_start3A_1758] : memref<416x1024xf32, #tpu.memory_space<hbm>> -> memref<1x1024xf32, #tpu.memory_space<hbm>>
    %dma_start3A_1760 = tpu.memref_squeeze %dma_start3A_1759 : memref<1x1024xf32, #tpu.memory_space<hbm>> -> memref<1024xf32, #tpu.memory_space<hbm>>
    %dma_start3A_1761 = arith.constant 0 : i32
    %dma_start3A_1762 = tpu.memref_slice %arg4[%add3A_1753, %dma_start3A_1761] : memref<416x1024xf32, #tpu.memory_space<hbm>> -> memref<1x1024xf32, #tpu.memory_space<hbm>>
    %dma_start3A_1763 = tpu.memref_squeeze %dma_start3A_1762 : memref<1x1024xf32, #tpu.memory_space<hbm>> -> memref<1024xf32, #tpu.memory_space<hbm>>
    %dma_start3A_1764 = arith.constant 0 : i32
    %dma_start3A_1765 = tpu.memref_slice %arg8[%dma_start3A_1754, %dma_start3A_1764] : memref<13x1024xf32, #tpu.memory_space<vmem>> -> memref<1x1024xf32, #tpu.memory_space<vmem>>
    %dma_start3A_1766 = tpu.memref_squeeze %dma_start3A_1765 : memref<1x1024xf32, #tpu.memory_space<vmem>> -> memref<1024xf32, #tpu.memory_space<vmem>>
    tpu.enqueue_dma source(%dma_start3A_1766 : memref<1024xf32, #tpu.memory_space<vmem>>) target(%dma_start3A_1763 : memref<1024xf32, #tpu.memory_space<hbm>>) target_semaphore(%arg16 : memref<!tpu.dma_semaphore, #tpu.memory_space<semaphore_mem>>)
    %mul3A_1767 = arith.constant 13 : i32
    %mul3A_1768 = arith.muli %arg1, %mul3A_1767 : i32
    %add3A_1769 = arith.constant 7 : i32
    %add3A_1770 = arith.addi %mul3A_1768, %add3A_1769 : i32
    %jit3A_1771 = arith.constant 8 : i32
    %div3A_1772 = arith.divsi %add3A_1770, %jit3A_1771 : i32
    %sign3A_1773 = arith.constant 0 : i32
    %sign3A_1774 = arith.cmpi sgt, %add3A_1770, %sign3A_1773 : i32
    %sign3A_1775 = arith.extui %sign3A_1774 : i1 to i32
    %sign3A_1776 = arith.constant 0 : i32
    %sign3A_1777 = arith.cmpi slt, %add3A_1770, %sign3A_1776 : i32
    %sign3A_1778 = arith.extui %sign3A_1777 : i1 to i32
    %sign3A_1779 = arith.subi %sign3A_1775, %sign3A_1778 : i32
    %sign3A_1780 = arith.constant 0 : i32
    %sign3A_1781 = arith.cmpi sgt, %jit3A_1771, %sign3A_1780 : i32
    %sign3A_1782 = arith.extui %sign3A_1781 : i1 to i32
    %sign3A_1783 = arith.constant 0 : i32
    %sign3A_1784 = arith.cmpi slt, %jit3A_1771, %sign3A_1783 : i32
    %sign3A_1785 = arith.extui %sign3A_1784 : i1 to i32
    %sign3A_1786 = arith.subi %sign3A_1782, %sign3A_1785 : i32
    %ne3A_1787 = arith.cmpi ne, %sign3A_1779, %sign3A_1786 : i32
    %rem3A_1788 = arith.remsi %add3A_1770, %jit3A_1771 : i32
    %ne3A_1789 = arith.constant 0 : i32
    %ne3A_1790 = arith.cmpi ne, %rem3A_1788, %ne3A_1789 : i32
    %and3A_1791 = arith.andi %ne3A_1787, %ne3A_1790 : i1
    %sub3A_1792 = arith.constant 1 : i32
    %sub3A_1793 = arith.subi %div3A_1772, %sub3A_1792 : i32
    %select_n3A_1794 = arith.select %and3A_1791, %sub3A_1793, %div3A_1772 : i32
    %jit3A_1795 = arith.constant 8 : i32
    %eq3A_1796 = arith.constant 0 : i32
    %eq3A_1797 = arith.cmpi eq, %jit3A_1795, %eq3A_1796 : i32
    %jit3A_1798 = arith.constant 1 : i32
    %select_n3A_1799 = arith.select %eq3A_1797, %jit3A_1798, %jit3A_1795 : i32
    %rem3A_1800 = arith.remsi %add3A_1770, %select_n3A_1799 : i32
    %ne3A_1801 = arith.constant 0 : i32
    %ne3A_1802 = arith.cmpi ne, %rem3A_1800, %ne3A_1801 : i32
    %lt3A_1803 = arith.constant 0 : i32
    %lt3A_1804 = arith.cmpi slt, %rem3A_1800, %lt3A_1803 : i32
    %lt3A_1805 = arith.constant 0 : i32
    %lt3A_1806 = arith.cmpi slt, %select_n3A_1799, %lt3A_1805 : i32
    %ne3A_1807 = arith.xori %lt3A_1804, %lt3A_1806 : i1
    %and3A_1808 = arith.andi %ne3A_1807, %ne3A_1802 : i1
    %add3A_1809 = arith.addi %rem3A_1800, %select_n3A_1799 : i32
    %select_n3A_1810 = arith.select %and3A_1808, %add3A_1809, %rem3A_1800 : i32
    %mul3A_1811 = arith.constant 16 : i32
    %mul3A_1812 = arith.muli %select_n3A_1794, %mul3A_1811 : i32
    %mul3A_1813 = arith.constant 8 : i32
    %mul3A_1814 = arith.muli %arg0, %mul3A_1813 : i32
    %add3A_1815 = arith.addi %mul3A_1812, %mul3A_1814 : i32
    %add3A_1816 = arith.addi %add3A_1815, %select_n3A_1810 : i32
    %dma_start3A_1817 = arith.constant 7 : i32
    %dma_start3A_1818 = arith.constant 0 : i32
    %dma_start3A_1819 = tpu.memref_slice %arg8[%dma_start3A_1817, %dma_start3A_1818] : memref<13x1024xf32, #tpu.memory_space<vmem>> -> memref<1x1024xf32, #tpu.memory_space<vmem>>
    %dma_start3A_1820 = tpu.memref_squeeze %dma_start3A_1819 : memref<1x1024xf32, #tpu.memory_space<vmem>> -> memref<1024xf32, #tpu.memory_space<vmem>>
    %dma_start3A_1821 = arith.constant 0 : i32
    %dma_start3A_1822 = tpu.memref_slice %arg4[%add3A_1816, %dma_start3A_1821] : memref<416x1024xf32, #tpu.memory_space<hbm>> -> memref<1x1024xf32, #tpu.memory_space<hbm>>
    %dma_start3A_1823 = tpu.memref_squeeze %dma_start3A_1822 : memref<1x1024xf32, #tpu.memory_space<hbm>> -> memref<1024xf32, #tpu.memory_space<hbm>>
    %dma_start3A_1824 = arith.constant 0 : i32
    %dma_start3A_1825 = tpu.memref_slice %arg4[%add3A_1816, %dma_start3A_1824] : memref<416x1024xf32, #tpu.memory_space<hbm>> -> memref<1x1024xf32, #tpu.memory_space<hbm>>
    %dma_start3A_1826 = tpu.memref_squeeze %dma_start3A_1825 : memref<1x1024xf32, #tpu.memory_space<hbm>> -> memref<1024xf32, #tpu.memory_space<hbm>>
    %dma_start3A_1827 = arith.constant 0 : i32
    %dma_start3A_1828 = tpu.memref_slice %arg8[%dma_start3A_1817, %dma_start3A_1827] : memref<13x1024xf32, #tpu.memory_space<vmem>> -> memref<1x1024xf32, #tpu.memory_space<vmem>>
    %dma_start3A_1829 = tpu.memref_squeeze %dma_start3A_1828 : memref<1x1024xf32, #tpu.memory_space<vmem>> -> memref<1024xf32, #tpu.memory_space<vmem>>
    tpu.enqueue_dma source(%dma_start3A_1829 : memref<1024xf32, #tpu.memory_space<vmem>>) target(%dma_start3A_1826 : memref<1024xf32, #tpu.memory_space<hbm>>) target_semaphore(%arg16 : memref<!tpu.dma_semaphore, #tpu.memory_space<semaphore_mem>>)
    %mul3A_1830 = arith.constant 13 : i32
    %mul3A_1831 = arith.muli %arg1, %mul3A_1830 : i32
    %add3A_1832 = arith.constant 8 : i32
    %add3A_1833 = arith.addi %mul3A_1831, %add3A_1832 : i32
    %jit3A_1834 = arith.constant 8 : i32
    %div3A_1835 = arith.divsi %add3A_1833, %jit3A_1834 : i32
    %sign3A_1836 = arith.constant 0 : i32
    %sign3A_1837 = arith.cmpi sgt, %add3A_1833, %sign3A_1836 : i32
    %sign3A_1838 = arith.extui %sign3A_1837 : i1 to i32
    %sign3A_1839 = arith.constant 0 : i32
    %sign3A_1840 = arith.cmpi slt, %add3A_1833, %sign3A_1839 : i32
    %sign3A_1841 = arith.extui %sign3A_1840 : i1 to i32
    %sign3A_1842 = arith.subi %sign3A_1838, %sign3A_1841 : i32
    %sign3A_1843 = arith.constant 0 : i32
    %sign3A_1844 = arith.cmpi sgt, %jit3A_1834, %sign3A_1843 : i32
    %sign3A_1845 = arith.extui %sign3A_1844 : i1 to i32
    %sign3A_1846 = arith.constant 0 : i32
    %sign3A_1847 = arith.cmpi slt, %jit3A_1834, %sign3A_1846 : i32
    %sign3A_1848 = arith.extui %sign3A_1847 : i1 to i32
    %sign3A_1849 = arith.subi %sign3A_1845, %sign3A_1848 : i32
    %ne3A_1850 = arith.cmpi ne, %sign3A_1842, %sign3A_1849 : i32
    %rem3A_1851 = arith.remsi %add3A_1833, %jit3A_1834 : i32
    %ne3A_1852 = arith.constant 0 : i32
    %ne3A_1853 = arith.cmpi ne, %rem3A_1851, %ne3A_1852 : i32
    %and3A_1854 = arith.andi %ne3A_1850, %ne3A_1853 : i1
    %sub3A_1855 = arith.constant 1 : i32
    %sub3A_1856 = arith.subi %div3A_1835, %sub3A_1855 : i32
    %select_n3A_1857 = arith.select %and3A_1854, %sub3A_1856, %div3A_1835 : i32
    %jit3A_1858 = arith.constant 8 : i32
    %eq3A_1859 = arith.constant 0 : i32
    %eq3A_1860 = arith.cmpi eq, %jit3A_1858, %eq3A_1859 : i32
    %jit3A_1861 = arith.constant 1 : i32
    %select_n3A_1862 = arith.select %eq3A_1860, %jit3A_1861, %jit3A_1858 : i32
    %rem3A_1863 = arith.remsi %add3A_1833, %select_n3A_1862 : i32
    %ne3A_1864 = arith.constant 0 : i32
    %ne3A_1865 = arith.cmpi ne, %rem3A_1863, %ne3A_1864 : i32
    %lt3A_1866 = arith.constant 0 : i32
    %lt3A_1867 = arith.cmpi slt, %rem3A_1863, %lt3A_1866 : i32
    %lt3A_1868 = arith.constant 0 : i32
    %lt3A_1869 = arith.cmpi slt, %select_n3A_1862, %lt3A_1868 : i32
    %ne3A_1870 = arith.xori %lt3A_1867, %lt3A_1869 : i1
    %and3A_1871 = arith.andi %ne3A_1870, %ne3A_1865 : i1
    %add3A_1872 = arith.addi %rem3A_1863, %select_n3A_1862 : i32
    %select_n3A_1873 = arith.select %and3A_1871, %add3A_1872, %rem3A_1863 : i32
    %mul3A_1874 = arith.constant 16 : i32
    %mul3A_1875 = arith.muli %select_n3A_1857, %mul3A_1874 : i32
    %mul3A_1876 = arith.constant 8 : i32
    %mul3A_1877 = arith.muli %arg0, %mul3A_1876 : i32
    %add3A_1878 = arith.addi %mul3A_1875, %mul3A_1877 : i32
    %add3A_1879 = arith.addi %add3A_1878, %select_n3A_1873 : i32
    %dma_start3A_1880 = arith.constant 8 : i32
    %dma_start3A_1881 = arith.constant 0 : i32
    %dma_start3A_1882 = tpu.memref_slice %arg8[%dma_start3A_1880, %dma_start3A_1881] : memref<13x1024xf32, #tpu.memory_space<vmem>> -> memref<1x1024xf32, #tpu.memory_space<vmem>>
    %dma_start3A_1883 = tpu.memref_squeeze %dma_start3A_1882 : memref<1x1024xf32, #tpu.memory_space<vmem>> -> memref<1024xf32, #tpu.memory_space<vmem>>
    %dma_start3A_1884 = arith.constant 0 : i32
    %dma_start3A_1885 = tpu.memref_slice %arg4[%add3A_1879, %dma_start3A_1884] : memref<416x1024xf32, #tpu.memory_space<hbm>> -> memref<1x1024xf32, #tpu.memory_space<hbm>>
    %dma_start3A_1886 = tpu.memref_squeeze %dma_start3A_1885 : memref<1x1024xf32, #tpu.memory_space<hbm>> -> memref<1024xf32, #tpu.memory_space<hbm>>
    %dma_start3A_1887 = arith.constant 0 : i32
    %dma_start3A_1888 = tpu.memref_slice %arg4[%add3A_1879, %dma_start3A_1887] : memref<416x1024xf32, #tpu.memory_space<hbm>> -> memref<1x1024xf32, #tpu.memory_space<hbm>>
    %dma_start3A_1889 = tpu.memref_squeeze %dma_start3A_1888 : memref<1x1024xf32, #tpu.memory_space<hbm>> -> memref<1024xf32, #tpu.memory_space<hbm>>
    %dma_start3A_1890 = arith.constant 0 : i32
    %dma_start3A_1891 = tpu.memref_slice %arg8[%dma_start3A_1880, %dma_start3A_1890] : memref<13x1024xf32, #tpu.memory_space<vmem>> -> memref<1x1024xf32, #tpu.memory_space<vmem>>
    %dma_start3A_1892 = tpu.memref_squeeze %dma_start3A_1891 : memref<1x1024xf32, #tpu.memory_space<vmem>> -> memref<1024xf32, #tpu.memory_space<vmem>>
    tpu.enqueue_dma source(%dma_start3A_1892 : memref<1024xf32, #tpu.memory_space<vmem>>) target(%dma_start3A_1889 : memref<1024xf32, #tpu.memory_space<hbm>>) target_semaphore(%arg16 : memref<!tpu.dma_semaphore, #tpu.memory_space<semaphore_mem>>)
    %mul3A_1893 = arith.constant 13 : i32
    %mul3A_1894 = arith.muli %arg1, %mul3A_1893 : i32
    %add3A_1895 = arith.constant 9 : i32
    %add3A_1896 = arith.addi %mul3A_1894, %add3A_1895 : i32
    %jit3A_1897 = arith.constant 8 : i32
    %div3A_1898 = arith.divsi %add3A_1896, %jit3A_1897 : i32
    %sign3A_1899 = arith.constant 0 : i32
    %sign3A_1900 = arith.cmpi sgt, %add3A_1896, %sign3A_1899 : i32
    %sign3A_1901 = arith.extui %sign3A_1900 : i1 to i32
    %sign3A_1902 = arith.constant 0 : i32
    %sign3A_1903 = arith.cmpi slt, %add3A_1896, %sign3A_1902 : i32
    %sign3A_1904 = arith.extui %sign3A_1903 : i1 to i32
    %sign3A_1905 = arith.subi %sign3A_1901, %sign3A_1904 : i32
    %sign3A_1906 = arith.constant 0 : i32
    %sign3A_1907 = arith.cmpi sgt, %jit3A_1897, %sign3A_1906 : i32
    %sign3A_1908 = arith.extui %sign3A_1907 : i1 to i32
    %sign3A_1909 = arith.constant 0 : i32
    %sign3A_1910 = arith.cmpi slt, %jit3A_1897, %sign3A_1909 : i32
    %sign3A_1911 = arith.extui %sign3A_1910 : i1 to i32
    %sign3A_1912 = arith.subi %sign3A_1908, %sign3A_1911 : i32
    %ne3A_1913 = arith.cmpi ne, %sign3A_1905, %sign3A_1912 : i32
    %rem3A_1914 = arith.remsi %add3A_1896, %jit3A_1897 : i32
    %ne3A_1915 = arith.constant 0 : i32
    %ne3A_1916 = arith.cmpi ne, %rem3A_1914, %ne3A_1915 : i32
    %and3A_1917 = arith.andi %ne3A_1913, %ne3A_1916 : i1
    %sub3A_1918 = arith.constant 1 : i32
    %sub3A_1919 = arith.subi %div3A_1898, %sub3A_1918 : i32
    %select_n3A_1920 = arith.select %and3A_1917, %sub3A_1919, %div3A_1898 : i32
    %jit3A_1921 = arith.constant 8 : i32
    %eq3A_1922 = arith.constant 0 : i32
    %eq3A_1923 = arith.cmpi eq, %jit3A_1921, %eq3A_1922 : i32
    %jit3A_1924 = arith.constant 1 : i32
    %select_n3A_1925 = arith.select %eq3A_1923, %jit3A_1924, %jit3A_1921 : i32
    %rem3A_1926 = arith.remsi %add3A_1896, %select_n3A_1925 : i32
    %ne3A_1927 = arith.constant 0 : i32
    %ne3A_1928 = arith.cmpi ne, %rem3A_1926, %ne3A_1927 : i32
    %lt3A_1929 = arith.constant 0 : i32
    %lt3A_1930 = arith.cmpi slt, %rem3A_1926, %lt3A_1929 : i32
    %lt3A_1931 = arith.constant 0 : i32
    %lt3A_1932 = arith.cmpi slt, %select_n3A_1925, %lt3A_1931 : i32
    %ne3A_1933 = arith.xori %lt3A_1930, %lt3A_1932 : i1
    %and3A_1934 = arith.andi %ne3A_1933, %ne3A_1928 : i1
    %add3A_1935 = arith.addi %rem3A_1926, %select_n3A_1925 : i32
    %select_n3A_1936 = arith.select %and3A_1934, %add3A_1935, %rem3A_1926 : i32
    %mul3A_1937 = arith.constant 16 : i32
    %mul3A_1938 = arith.muli %select_n3A_1920, %mul3A_1937 : i32
    %mul3A_1939 = arith.constant 8 : i32
    %mul3A_1940 = arith.muli %arg0, %mul3A_1939 : i32
    %add3A_1941 = arith.addi %mul3A_1938, %mul3A_1940 : i32
    %add3A_1942 = arith.addi %add3A_1941, %select_n3A_1936 : i32
    %dma_start3A_1943 = arith.constant 9 : i32
    %dma_start3A_1944 = arith.constant 0 : i32
    %dma_start3A_1945 = tpu.memref_slice %arg8[%dma_start3A_1943, %dma_start3A_1944] : memref<13x1024xf32, #tpu.memory_space<vmem>> -> memref<1x1024xf32, #tpu.memory_space<vmem>>
    %dma_start3A_1946 = tpu.memref_squeeze %dma_start3A_1945 : memref<1x1024xf32, #tpu.memory_space<vmem>> -> memref<1024xf32, #tpu.memory_space<vmem>>
    %dma_start3A_1947 = arith.constant 0 : i32
    %dma_start3A_1948 = tpu.memref_slice %arg4[%add3A_1942, %dma_start3A_1947] : memref<416x1024xf32, #tpu.memory_space<hbm>> -> memref<1x1024xf32, #tpu.memory_space<hbm>>
    %dma_start3A_1949 = tpu.memref_squeeze %dma_start3A_1948 : memref<1x1024xf32, #tpu.memory_space<hbm>> -> memref<1024xf32, #tpu.memory_space<hbm>>
    %dma_start3A_1950 = arith.constant 0 : i32
    %dma_start3A_1951 = tpu.memref_slice %arg4[%add3A_1942, %dma_start3A_1950] : memref<416x1024xf32, #tpu.memory_space<hbm>> -> memref<1x1024xf32, #tpu.memory_space<hbm>>
    %dma_start3A_1952 = tpu.memref_squeeze %dma_start3A_1951 : memref<1x1024xf32, #tpu.memory_space<hbm>> -> memref<1024xf32, #tpu.memory_space<hbm>>
    %dma_start3A_1953 = arith.constant 0 : i32
    %dma_start3A_1954 = tpu.memref_slice %arg8[%dma_start3A_1943, %dma_start3A_1953] : memref<13x1024xf32, #tpu.memory_space<vmem>> -> memref<1x1024xf32, #tpu.memory_space<vmem>>
    %dma_start3A_1955 = tpu.memref_squeeze %dma_start3A_1954 : memref<1x1024xf32, #tpu.memory_space<vmem>> -> memref<1024xf32, #tpu.memory_space<vmem>>
    tpu.enqueue_dma source(%dma_start3A_1955 : memref<1024xf32, #tpu.memory_space<vmem>>) target(%dma_start3A_1952 : memref<1024xf32, #tpu.memory_space<hbm>>) target_semaphore(%arg16 : memref<!tpu.dma_semaphore, #tpu.memory_space<semaphore_mem>>)
    %mul3A_1956 = arith.constant 13 : i32
    %mul3A_1957 = arith.muli %arg1, %mul3A_1956 : i32
    %add3A_1958 = arith.constant 10 : i32
    %add3A_1959 = arith.addi %mul3A_1957, %add3A_1958 : i32
    %jit3A_1960 = arith.constant 8 : i32
    %div3A_1961 = arith.divsi %add3A_1959, %jit3A_1960 : i32
    %sign3A_1962 = arith.constant 0 : i32
    %sign3A_1963 = arith.cmpi sgt, %add3A_1959, %sign3A_1962 : i32
    %sign3A_1964 = arith.extui %sign3A_1963 : i1 to i32
    %sign3A_1965 = arith.constant 0 : i32
    %sign3A_1966 = arith.cmpi slt, %add3A_1959, %sign3A_1965 : i32
    %sign3A_1967 = arith.extui %sign3A_1966 : i1 to i32
    %sign3A_1968 = arith.subi %sign3A_1964, %sign3A_1967 : i32
    %sign3A_1969 = arith.constant 0 : i32
    %sign3A_1970 = arith.cmpi sgt, %jit3A_1960, %sign3A_1969 : i32
    %sign3A_1971 = arith.extui %sign3A_1970 : i1 to i32
    %sign3A_1972 = arith.constant 0 : i32
    %sign3A_1973 = arith.cmpi slt, %jit3A_1960, %sign3A_1972 : i32
    %sign3A_1974 = arith.extui %sign3A_1973 : i1 to i32
    %sign3A_1975 = arith.subi %sign3A_1971, %sign3A_1974 : i32
    %ne3A_1976 = arith.cmpi ne, %sign3A_1968, %sign3A_1975 : i32
    %rem3A_1977 = arith.remsi %add3A_1959, %jit3A_1960 : i32
    %ne3A_1978 = arith.constant 0 : i32
    %ne3A_1979 = arith.cmpi ne, %rem3A_1977, %ne3A_1978 : i32
    %and3A_1980 = arith.andi %ne3A_1976, %ne3A_1979 : i1
    %sub3A_1981 = arith.constant 1 : i32
    %sub3A_1982 = arith.subi %div3A_1961, %sub3A_1981 : i32
    %select_n3A_1983 = arith.select %and3A_1980, %sub3A_1982, %div3A_1961 : i32
    %jit3A_1984 = arith.constant 8 : i32
    %eq3A_1985 = arith.constant 0 : i32
    %eq3A_1986 = arith.cmpi eq, %jit3A_1984, %eq3A_1985 : i32
    %jit3A_1987 = arith.constant 1 : i32
    %select_n3A_1988 = arith.select %eq3A_1986, %jit3A_1987, %jit3A_1984 : i32
    %rem3A_1989 = arith.remsi %add3A_1959, %select_n3A_1988 : i32
    %ne3A_1990 = arith.constant 0 : i32
    %ne3A_1991 = arith.cmpi ne, %rem3A_1989, %ne3A_1990 : i32
    %lt3A_1992 = arith.constant 0 : i32
    %lt3A_1993 = arith.cmpi slt, %rem3A_1989, %lt3A_1992 : i32
    %lt3A_1994 = arith.constant 0 : i32
    %lt3A_1995 = arith.cmpi slt, %select_n3A_1988, %lt3A_1994 : i32
    %ne3A_1996 = arith.xori %lt3A_1993, %lt3A_1995 : i1
    %and3A_1997 = arith.andi %ne3A_1996, %ne3A_1991 : i1
    %add3A_1998 = arith.addi %rem3A_1989, %select_n3A_1988 : i32
    %select_n3A_1999 = arith.select %and3A_1997, %add3A_1998, %rem3A_1989 : i32
    %mul3A_2000 = arith.constant 16 : i32
    %mul3A_2001 = arith.muli %select_n3A_1983, %mul3A_2000 : i32
    %mul3A_2002 = arith.constant 8 : i32
    %mul3A_2003 = arith.muli %arg0, %mul3A_2002 : i32
    %add3A_2004 = arith.addi %mul3A_2001, %mul3A_2003 : i32
    %add3A_2005 = arith.addi %add3A_2004, %select_n3A_1999 : i32
    %dma_start3A_2006 = arith.constant 10 : i32
    %dma_start3A_2007 = arith.constant 0 : i32
    %dma_start3A_2008 = tpu.memref_slice %arg8[%dma_start3A_2006, %dma_start3A_2007] : memref<13x1024xf32, #tpu.memory_space<vmem>> -> memref<1x1024xf32, #tpu.memory_space<vmem>>
    %dma_start3A_2009 = tpu.memref_squeeze %dma_start3A_2008 : memref<1x1024xf32, #tpu.memory_space<vmem>> -> memref<1024xf32, #tpu.memory_space<vmem>>
    %dma_start3A_2010 = arith.constant 0 : i32
    %dma_start3A_2011 = tpu.memref_slice %arg4[%add3A_2005, %dma_start3A_2010] : memref<416x1024xf32, #tpu.memory_space<hbm>> -> memref<1x1024xf32, #tpu.memory_space<hbm>>
    %dma_start3A_2012 = tpu.memref_squeeze %dma_start3A_2011 : memref<1x1024xf32, #tpu.memory_space<hbm>> -> memref<1024xf32, #tpu.memory_space<hbm>>
    %dma_start3A_2013 = arith.constant 0 : i32
    %dma_start3A_2014 = tpu.memref_slice %arg4[%add3A_2005, %dma_start3A_2013] : memref<416x1024xf32, #tpu.memory_space<hbm>> -> memref<1x1024xf32, #tpu.memory_space<hbm>>
    %dma_start3A_2015 = tpu.memref_squeeze %dma_start3A_2014 : memref<1x1024xf32, #tpu.memory_space<hbm>> -> memref<1024xf32, #tpu.memory_space<hbm>>
    %dma_start3A_2016 = arith.constant 0 : i32
    %dma_start3A_2017 = tpu.memref_slice %arg8[%dma_start3A_2006, %dma_start3A_2016] : memref<13x1024xf32, #tpu.memory_space<vmem>> -> memref<1x1024xf32, #tpu.memory_space<vmem>>
    %dma_start3A_2018 = tpu.memref_squeeze %dma_start3A_2017 : memref<1x1024xf32, #tpu.memory_space<vmem>> -> memref<1024xf32, #tpu.memory_space<vmem>>
    tpu.enqueue_dma source(%dma_start3A_2018 : memref<1024xf32, #tpu.memory_space<vmem>>) target(%dma_start3A_2015 : memref<1024xf32, #tpu.memory_space<hbm>>) target_semaphore(%arg16 : memref<!tpu.dma_semaphore, #tpu.memory_space<semaphore_mem>>)
    %mul3A_2019 = arith.constant 13 : i32
    %mul3A_2020 = arith.muli %arg1, %mul3A_2019 : i32
    %add3A_2021 = arith.constant 11 : i32
    %add3A_2022 = arith.addi %mul3A_2020, %add3A_2021 : i32
    %jit3A_2023 = arith.constant 8 : i32
    %div3A_2024 = arith.divsi %add3A_2022, %jit3A_2023 : i32
    %sign3A_2025 = arith.constant 0 : i32
    %sign3A_2026 = arith.cmpi sgt, %add3A_2022, %sign3A_2025 : i32
    %sign3A_2027 = arith.extui %sign3A_2026 : i1 to i32
    %sign3A_2028 = arith.constant 0 : i32
    %sign3A_2029 = arith.cmpi slt, %add3A_2022, %sign3A_2028 : i32
    %sign3A_2030 = arith.extui %sign3A_2029 : i1 to i32
    %sign3A_2031 = arith.subi %sign3A_2027, %sign3A_2030 : i32
    %sign3A_2032 = arith.constant 0 : i32
    %sign3A_2033 = arith.cmpi sgt, %jit3A_2023, %sign3A_2032 : i32
    %sign3A_2034 = arith.extui %sign3A_2033 : i1 to i32
    %sign3A_2035 = arith.constant 0 : i32
    %sign3A_2036 = arith.cmpi slt, %jit3A_2023, %sign3A_2035 : i32
    %sign3A_2037 = arith.extui %sign3A_2036 : i1 to i32
    %sign3A_2038 = arith.subi %sign3A_2034, %sign3A_2037 : i32
    %ne3A_2039 = arith.cmpi ne, %sign3A_2031, %sign3A_2038 : i32
    %rem3A_2040 = arith.remsi %add3A_2022, %jit3A_2023 : i32
    %ne3A_2041 = arith.constant 0 : i32
    %ne3A_2042 = arith.cmpi ne, %rem3A_2040, %ne3A_2041 : i32
    %and3A_2043 = arith.andi %ne3A_2039, %ne3A_2042 : i1
    %sub3A_2044 = arith.constant 1 : i32
    %sub3A_2045 = arith.subi %div3A_2024, %sub3A_2044 : i32
    %select_n3A_2046 = arith.select %and3A_2043, %sub3A_2045, %div3A_2024 : i32
    %jit3A_2047 = arith.constant 8 : i32
    %eq3A_2048 = arith.constant 0 : i32
    %eq3A_2049 = arith.cmpi eq, %jit3A_2047, %eq3A_2048 : i32
    %jit3A_2050 = arith.constant 1 : i32
    %select_n3A_2051 = arith.select %eq3A_2049, %jit3A_2050, %jit3A_2047 : i32
    %rem3A_2052 = arith.remsi %add3A_2022, %select_n3A_2051 : i32
    %ne3A_2053 = arith.constant 0 : i32
    %ne3A_2054 = arith.cmpi ne, %rem3A_2052, %ne3A_2053 : i32
    %lt3A_2055 = arith.constant 0 : i32
    %lt3A_2056 = arith.cmpi slt, %rem3A_2052, %lt3A_2055 : i32
    %lt3A_2057 = arith.constant 0 : i32
    %lt3A_2058 = arith.cmpi slt, %select_n3A_2051, %lt3A_2057 : i32
    %ne3A_2059 = arith.xori %lt3A_2056, %lt3A_2058 : i1
    %and3A_2060 = arith.andi %ne3A_2059, %ne3A_2054 : i1
    %add3A_2061 = arith.addi %rem3A_2052, %select_n3A_2051 : i32
    %select_n3A_2062 = arith.select %and3A_2060, %add3A_2061, %rem3A_2052 : i32
    %mul3A_2063 = arith.constant 16 : i32
    %mul3A_2064 = arith.muli %select_n3A_2046, %mul3A_2063 : i32
    %mul3A_2065 = arith.constant 8 : i32
    %mul3A_2066 = arith.muli %arg0, %mul3A_2065 : i32
    %add3A_2067 = arith.addi %mul3A_2064, %mul3A_2066 : i32
    %add3A_2068 = arith.addi %add3A_2067, %select_n3A_2062 : i32
    %dma_start3A_2069 = arith.constant 11 : i32
    %dma_start3A_2070 = arith.constant 0 : i32
    %dma_start3A_2071 = tpu.memref_slice %arg8[%dma_start3A_2069, %dma_start3A_2070] : memref<13x1024xf32, #tpu.memory_space<vmem>> -> memref<1x1024xf32, #tpu.memory_space<vmem>>
    %dma_start3A_2072 = tpu.memref_squeeze %dma_start3A_2071 : memref<1x1024xf32, #tpu.memory_space<vmem>> -> memref<1024xf32, #tpu.memory_space<vmem>>
    %dma_start3A_2073 = arith.constant 0 : i32
    %dma_start3A_2074 = tpu.memref_slice %arg4[%add3A_2068, %dma_start3A_2073] : memref<416x1024xf32, #tpu.memory_space<hbm>> -> memref<1x1024xf32, #tpu.memory_space<hbm>>
    %dma_start3A_2075 = tpu.memref_squeeze %dma_start3A_2074 : memref<1x1024xf32, #tpu.memory_space<hbm>> -> memref<1024xf32, #tpu.memory_space<hbm>>
    %dma_start3A_2076 = arith.constant 0 : i32
    %dma_start3A_2077 = tpu.memref_slice %arg4[%add3A_2068, %dma_start3A_2076] : memref<416x1024xf32, #tpu.memory_space<hbm>> -> memref<1x1024xf32, #tpu.memory_space<hbm>>
    %dma_start3A_2078 = tpu.memref_squeeze %dma_start3A_2077 : memref<1x1024xf32, #tpu.memory_space<hbm>> -> memref<1024xf32, #tpu.memory_space<hbm>>
    %dma_start3A_2079 = arith.constant 0 : i32
    %dma_start3A_2080 = tpu.memref_slice %arg8[%dma_start3A_2069, %dma_start3A_2079] : memref<13x1024xf32, #tpu.memory_space<vmem>> -> memref<1x1024xf32, #tpu.memory_space<vmem>>
    %dma_start3A_2081 = tpu.memref_squeeze %dma_start3A_2080 : memref<1x1024xf32, #tpu.memory_space<vmem>> -> memref<1024xf32, #tpu.memory_space<vmem>>
    tpu.enqueue_dma source(%dma_start3A_2081 : memref<1024xf32, #tpu.memory_space<vmem>>) target(%dma_start3A_2078 : memref<1024xf32, #tpu.memory_space<hbm>>) target_semaphore(%arg16 : memref<!tpu.dma_semaphore, #tpu.memory_space<semaphore_mem>>)
    %mul3A_2082 = arith.constant 13 : i32
    %mul3A_2083 = arith.muli %arg1, %mul3A_2082 : i32
    %add3A_2084 = arith.constant 12 : i32
    %add3A_2085 = arith.addi %mul3A_2083, %add3A_2084 : i32
    %jit3A_2086 = arith.constant 8 : i32
    %div3A_2087 = arith.divsi %add3A_2085, %jit3A_2086 : i32
    %sign3A_2088 = arith.constant 0 : i32
    %sign3A_2089 = arith.cmpi sgt, %add3A_2085, %sign3A_2088 : i32
    %sign3A_2090 = arith.extui %sign3A_2089 : i1 to i32
    %sign3A_2091 = arith.constant 0 : i32
    %sign3A_2092 = arith.cmpi slt, %add3A_2085, %sign3A_2091 : i32
    %sign3A_2093 = arith.extui %sign3A_2092 : i1 to i32
    %sign3A_2094 = arith.subi %sign3A_2090, %sign3A_2093 : i32
    %sign3A_2095 = arith.constant 0 : i32
    %sign3A_2096 = arith.cmpi sgt, %jit3A_2086, %sign3A_2095 : i32
    %sign3A_2097 = arith.extui %sign3A_2096 : i1 to i32
    %sign3A_2098 = arith.constant 0 : i32
    %sign3A_2099 = arith.cmpi slt, %jit3A_2086, %sign3A_2098 : i32
    %sign3A_2100 = arith.extui %sign3A_2099 : i1 to i32
    %sign3A_2101 = arith.subi %sign3A_2097, %sign3A_2100 : i32
    %ne3A_2102 = arith.cmpi ne, %sign3A_2094, %sign3A_2101 : i32
    %rem3A_2103 = arith.remsi %add3A_2085, %jit3A_2086 : i32
    %ne3A_2104 = arith.constant 0 : i32
    %ne3A_2105 = arith.cmpi ne, %rem3A_2103, %ne3A_2104 : i32
    %and3A_2106 = arith.andi %ne3A_2102, %ne3A_2105 : i1
    %sub3A_2107 = arith.constant 1 : i32
    %sub3A_2108 = arith.subi %div3A_2087, %sub3A_2107 : i32
    %select_n3A_2109 = arith.select %and3A_2106, %sub3A_2108, %div3A_2087 : i32
    %jit3A_2110 = arith.constant 8 : i32
    %eq3A_2111 = arith.constant 0 : i32
    %eq3A_2112 = arith.cmpi eq, %jit3A_2110, %eq3A_2111 : i32
    %jit3A_2113 = arith.constant 1 : i32
    %select_n3A_2114 = arith.select %eq3A_2112, %jit3A_2113, %jit3A_2110 : i32
    %rem3A_2115 = arith.remsi %add3A_2085, %select_n3A_2114 : i32
    %ne3A_2116 = arith.constant 0 : i32
    %ne3A_2117 = arith.cmpi ne, %rem3A_2115, %ne3A_2116 : i32
    %lt3A_2118 = arith.constant 0 : i32
    %lt3A_2119 = arith.cmpi slt, %rem3A_2115, %lt3A_2118 : i32
    %lt3A_2120 = arith.constant 0 : i32
    %lt3A_2121 = arith.cmpi slt, %select_n3A_2114, %lt3A_2120 : i32
    %ne3A_2122 = arith.xori %lt3A_2119, %lt3A_2121 : i1
    %and3A_2123 = arith.andi %ne3A_2122, %ne3A_2117 : i1
    %add3A_2124 = arith.addi %rem3A_2115, %select_n3A_2114 : i32
    %select_n3A_2125 = arith.select %and3A_2123, %add3A_2124, %rem3A_2115 : i32
    %mul3A_2126 = arith.constant 16 : i32
    %mul3A_2127 = arith.muli %select_n3A_2109, %mul3A_2126 : i32
    %mul3A_2128 = arith.constant 8 : i32
    %mul3A_2129 = arith.muli %arg0, %mul3A_2128 : i32
    %add3A_2130 = arith.addi %mul3A_2127, %mul3A_2129 : i32
    %add3A_2131 = arith.addi %add3A_2130, %select_n3A_2125 : i32
    %dma_start3A_2132 = arith.constant 12 : i32
    %dma_start3A_2133 = arith.constant 0 : i32
    %dma_start3A_2134 = tpu.memref_slice %arg8[%dma_start3A_2132, %dma_start3A_2133] : memref<13x1024xf32, #tpu.memory_space<vmem>> -> memref<1x1024xf32, #tpu.memory_space<vmem>>
    %dma_start3A_2135 = tpu.memref_squeeze %dma_start3A_2134 : memref<1x1024xf32, #tpu.memory_space<vmem>> -> memref<1024xf32, #tpu.memory_space<vmem>>
    %dma_start3A_2136 = arith.constant 0 : i32
    %dma_start3A_2137 = tpu.memref_slice %arg4[%add3A_2131, %dma_start3A_2136] : memref<416x1024xf32, #tpu.memory_space<hbm>> -> memref<1x1024xf32, #tpu.memory_space<hbm>>
    %dma_start3A_2138 = tpu.memref_squeeze %dma_start3A_2137 : memref<1x1024xf32, #tpu.memory_space<hbm>> -> memref<1024xf32, #tpu.memory_space<hbm>>
    %dma_start3A_2139 = arith.constant 0 : i32
    %dma_start3A_2140 = tpu.memref_slice %arg4[%add3A_2131, %dma_start3A_2139] : memref<416x1024xf32, #tpu.memory_space<hbm>> -> memref<1x1024xf32, #tpu.memory_space<hbm>>
    %dma_start3A_2141 = tpu.memref_squeeze %dma_start3A_2140 : memref<1x1024xf32, #tpu.memory_space<hbm>> -> memref<1024xf32, #tpu.memory_space<hbm>>
    %dma_start3A_2142 = arith.constant 0 : i32
    %dma_start3A_2143 = tpu.memref_slice %arg8[%dma_start3A_2132, %dma_start3A_2142] : memref<13x1024xf32, #tpu.memory_space<vmem>> -> memref<1x1024xf32, #tpu.memory_space<vmem>>
    %dma_start3A_2144 = tpu.memref_squeeze %dma_start3A_2143 : memref<1x1024xf32, #tpu.memory_space<vmem>> -> memref<1024xf32, #tpu.memory_space<vmem>>
    tpu.enqueue_dma source(%dma_start3A_2144 : memref<1024xf32, #tpu.memory_space<vmem>>) target(%dma_start3A_2141 : memref<1024xf32, #tpu.memory_space<hbm>>) target_semaphore(%arg16 : memref<!tpu.dma_semaphore, #tpu.memory_space<semaphore_mem>>)
    "tpu.region"() ({
      %run_scoped3A_3082 = tpu.sem_alloc : memref<!tpu.dma_semaphore, #tpu.memory_space<semaphore_mem>>
      %dma_start3A_3083 = arith.constant 0 : i32
      %dma_start3A_3084 = arith.constant 0 : i32
      %dma_start3A_3085 = tpu.memref_slice %arg14[%arg1, %dma_start3A_3083, %dma_start3A_3084] : memref<16x8x1024xf32, #tpu.memory_space<vmem_shared>> -> memref<1x8x1024xf32, #tpu.memory_space<vmem_shared>>
      %dma_start3A_3086 = tpu.memref_squeeze %dma_start3A_3085 : memref<1x8x1024xf32, #tpu.memory_space<vmem_shared>> -> memref<8x1024xf32, #tpu.memory_space<vmem_shared>>
      %dma_start3A_3087 = arith.constant 0 : i32
      %dma_start3A_3088 = arith.constant 0 : i32
      %dma_start3A_3089 = tpu.memref_slice %arg14[%arg1, %dma_start3A_3087, %dma_start3A_3088] : memref<16x8x1024xf32, #tpu.memory_space<vmem_shared>> -> memref<1x8x1024xf32, #tpu.memory_space<vmem_shared>>
      %dma_start3A_3090 = tpu.memref_squeeze %dma_start3A_3089 : memref<1x8x1024xf32, #tpu.memory_space<vmem_shared>> -> memref<8x1024xf32, #tpu.memory_space<vmem_shared>>
      tpu.enqueue_dma source(%arg9 : memref<8x1024xf32, #tpu.memory_space<vmem>>) target(%dma_start3A_3090 : memref<8x1024xf32, #tpu.memory_space<vmem_shared>>) target_semaphore(%run_scoped3A_3082 : memref<!tpu.dma_semaphore, #tpu.memory_space<semaphore_mem>>)
      %dma_wait3A_3091 = arith.constant 0 : i32
      %dma_wait3A_3092 = arith.constant 0 : i32
      %dma_wait3A_3093 = tpu.memref_slice %arg14[%arg1, %dma_wait3A_3091, %dma_wait3A_3092] : memref<16x8x1024xf32, #tpu.memory_space<vmem_shared>> -> memref<1x8x1024xf32, #tpu.memory_space<vmem_shared>>
      %dma_wait3A_3094 = tpu.memref_squeeze %dma_wait3A_3093 : memref<1x8x1024xf32, #tpu.memory_space<vmem_shared>> -> memref<8x1024xf32, #tpu.memory_space<vmem_shared>>
      %dma_wait3A_3095 = arith.constant 0 : i32
      %dma_wait3A_3096 = arith.constant 0 : i32
      %dma_wait3A_3097 = tpu.memref_slice %arg14[%arg1, %dma_wait3A_3095, %dma_wait3A_3096] : memref<16x8x1024xf32, #tpu.memory_space<vmem_shared>> -> memref<1x8x1024xf32, #tpu.memory_space<vmem_shared>>
      %dma_wait3A_3098 = tpu.memref_squeeze %dma_wait3A_3097 : memref<1x8x1024xf32, #tpu.memory_space<vmem_shared>> -> memref<8x1024xf32, #tpu.memory_space<vmem_shared>>
      tpu.wait_dma2 semaphore(%run_scoped3A_3082 : memref<!tpu.dma_semaphore, #tpu.memory_space<semaphore_mem>>) src(%arg9 : memref<8x1024xf32, #tpu.memory_space<vmem>>) dst(%dma_wait3A_3098 : memref<8x1024xf32, #tpu.memory_space<vmem_shared>>)
      tpu.yield
    }) : () -> ()
    "tpu.region"() ({
      %run_scoped3A_3082 = tpu.sem_alloc : memref<!tpu.dma_semaphore, #tpu.memory_space<semaphore_mem>>
      %dma_start3A_3083 = arith.constant 0 : i32
      %dma_start3A_3084 = arith.constant 0 : i32
      %dma_start3A_3085 = tpu.memref_slice %arg15[%arg1, %dma_start3A_3083, %dma_start3A_3084] : memref<16x8x1024xf32, #tpu.memory_space<vmem_shared>> -> memref<1x8x1024xf32, #tpu.memory_space<vmem_shared>>
      %dma_start3A_3086 = tpu.memref_squeeze %dma_start3A_3085 : memref<1x8x1024xf32, #tpu.memory_space<vmem_shared>> -> memref<8x1024xf32, #tpu.memory_space<vmem_shared>>
      %dma_start3A_3087 = arith.constant 0 : i32
      %dma_start3A_3088 = arith.constant 0 : i32
      %dma_start3A_3089 = tpu.memref_slice %arg15[%arg1, %dma_start3A_3087, %dma_start3A_3088] : memref<16x8x1024xf32, #tpu.memory_space<vmem_shared>> -> memref<1x8x1024xf32, #tpu.memory_space<vmem_shared>>
      %dma_start3A_3090 = tpu.memref_squeeze %dma_start3A_3089 : memref<1x8x1024xf32, #tpu.memory_space<vmem_shared>> -> memref<8x1024xf32, #tpu.memory_space<vmem_shared>>
      tpu.enqueue_dma source(%arg10 : memref<8x1024xf32, #tpu.memory_space<vmem>>) target(%dma_start3A_3090 : memref<8x1024xf32, #tpu.memory_space<vmem_shared>>) target_semaphore(%run_scoped3A_3082 : memref<!tpu.dma_semaphore, #tpu.memory_space<semaphore_mem>>)
      %dma_wait3A_3091 = arith.constant 0 : i32
      %dma_wait3A_3092 = arith.constant 0 : i32
      %dma_wait3A_3093 = tpu.memref_slice %arg15[%arg1, %dma_wait3A_3091, %dma_wait3A_3092] : memref<16x8x1024xf32, #tpu.memory_space<vmem_shared>> -> memref<1x8x1024xf32, #tpu.memory_space<vmem_shared>>
      %dma_wait3A_3094 = tpu.memref_squeeze %dma_wait3A_3093 : memref<1x8x1024xf32, #tpu.memory_space<vmem_shared>> -> memref<8x1024xf32, #tpu.memory_space<vmem_shared>>
      %dma_wait3A_3095 = arith.constant 0 : i32
      %dma_wait3A_3096 = arith.constant 0 : i32
      %dma_wait3A_3097 = tpu.memref_slice %arg15[%arg1, %dma_wait3A_3095, %dma_wait3A_3096] : memref<16x8x1024xf32, #tpu.memory_space<vmem_shared>> -> memref<1x8x1024xf32, #tpu.memory_space<vmem_shared>>
      %dma_wait3A_3098 = tpu.memref_squeeze %dma_wait3A_3097 : memref<1x8x1024xf32, #tpu.memory_space<vmem_shared>> -> memref<8x1024xf32, #tpu.memory_space<vmem_shared>>
      tpu.wait_dma2 semaphore(%run_scoped3A_3082 : memref<!tpu.dma_semaphore, #tpu.memory_space<semaphore_mem>>) src(%arg10 : memref<8x1024xf32, #tpu.memory_space<vmem>>) dst(%dma_wait3A_3098 : memref<8x1024xf32, #tpu.memory_space<vmem_shared>>)
      tpu.yield
    }) : () -> ()
    %barrier3A = arith.constant 0 : index
    tpu.barrier barrier_id(%barrier3A)
    %scan3A_2145 = arith.constant 0 : i32
    %scan3A_2146 = arith.constant 0 : i32
    %mul3A_2147 = arith.constant 16 : i32
    %mul3A_2148 = arith.muli %scan3A_2146, %mul3A_2147 : i32
    %swap3A = arith.constant 0 : i32
    %swap3A_2149 = arith.index_cast %swap3A : i32 to index
    %swap3A_2150 = arith.index_cast %mul3A_2148 : i32 to index
    %swap3A_2151 = tpu.vector_load %arg11[%swap3A_2149, %swap3A_2150] {strides = array<i32>} : memref<8x64xf32, #tpu.memory_space<vmem>>, vector<16xf32>,
    tpu.vector_store %arg11[%swap3A_2149, %swap3A_2150], %broadcast_in_dim3A_0 {strides = array<i32>} : memref<8x64xf32, #tpu.memory_space<vmem>>, vector<16xf32>,
    %swap3A_2152 = arith.constant 0 : i32
    %swap3A_2153 = arith.index_cast %swap3A_2152 : i32 to index
    %swap3A_2154 = arith.index_cast %mul3A_2148 : i32 to index
    %swap3A_2155 = tpu.vector_load %arg12[%swap3A_2153, %swap3A_2154] {strides = array<i32>} : memref<8x64xf32, #tpu.memory_space<vmem>>, vector<16xf32>,
    tpu.vector_store %arg12[%swap3A_2153, %swap3A_2154], %broadcast_in_dim3A_0 {strides = array<i32>} : memref<8x64xf32, #tpu.memory_space<vmem>>, vector<16xf32>,
    %swap3A_2156 = arith.constant 1 : i32
    %swap3A_2157 = arith.index_cast %swap3A_2156 : i32 to index
    %swap3A_2158 = arith.index_cast %mul3A_2148 : i32 to index
    %swap3A_2159 = tpu.vector_load %arg11[%swap3A_2157, %swap3A_2158] {strides = array<i32>} : memref<8x64xf32, #tpu.memory_space<vmem>>, vector<16xf32>,
    tpu.vector_store %arg11[%swap3A_2157, %swap3A_2158], %broadcast_in_dim3A_0 {strides = array<i32>} : memref<8x64xf32, #tpu.memory_space<vmem>>, vector<16xf32>,
    %swap3A_2160 = arith.constant 1 : i32
    %swap3A_2161 = arith.index_cast %swap3A_2160 : i32 to index
    %swap3A_2162 = arith.index_cast %mul3A_2148 : i32 to index
    %swap3A_2163 = tpu.vector_load %arg12[%swap3A_2161, %swap3A_2162] {strides = array<i32>} : memref<8x64xf32, #tpu.memory_space<vmem>>, vector<16xf32>,
    tpu.vector_store %arg12[%swap3A_2161, %swap3A_2162], %broadcast_in_dim3A_0 {strides = array<i32>} : memref<8x64xf32, #tpu.memory_space<vmem>>, vector<16xf32>,
    %swap3A_2164 = arith.constant 2 : i32
    %swap3A_2165 = arith.index_cast %swap3A_2164 : i32 to index
    %swap3A_2166 = arith.index_cast %mul3A_2148 : i32 to index
    %swap3A_2167 = tpu.vector_load %arg11[%swap3A_2165, %swap3A_2166] {strides = array<i32>} : memref<8x64xf32, #tpu.memory_space<vmem>>, vector<16xf32>,
    tpu.vector_store %arg11[%swap3A_2165, %swap3A_2166], %broadcast_in_dim3A_0 {strides = array<i32>} : memref<8x64xf32, #tpu.memory_space<vmem>>, vector<16xf32>,
    %swap3A_2168 = arith.constant 2 : i32
    %swap3A_2169 = arith.index_cast %swap3A_2168 : i32 to index
    %swap3A_2170 = arith.index_cast %mul3A_2148 : i32 to index
    %swap3A_2171 = tpu.vector_load %arg12[%swap3A_2169, %swap3A_2170] {strides = array<i32>} : memref<8x64xf32, #tpu.memory_space<vmem>>, vector<16xf32>,
    tpu.vector_store %arg12[%swap3A_2169, %swap3A_2170], %broadcast_in_dim3A_0 {strides = array<i32>} : memref<8x64xf32, #tpu.memory_space<vmem>>, vector<16xf32>,
    %swap3A_2172 = arith.constant 3 : i32
    %swap3A_2173 = arith.index_cast %swap3A_2172 : i32 to index
    %swap3A_2174 = arith.index_cast %mul3A_2148 : i32 to index
    %swap3A_2175 = tpu.vector_load %arg11[%swap3A_2173, %swap3A_2174] {strides = array<i32>} : memref<8x64xf32, #tpu.memory_space<vmem>>, vector<16xf32>,
    tpu.vector_store %arg11[%swap3A_2173, %swap3A_2174], %broadcast_in_dim3A_0 {strides = array<i32>} : memref<8x64xf32, #tpu.memory_space<vmem>>, vector<16xf32>,
    %swap3A_2176 = arith.constant 3 : i32
    %swap3A_2177 = arith.index_cast %swap3A_2176 : i32 to index
    %swap3A_2178 = arith.index_cast %mul3A_2148 : i32 to index
    %swap3A_2179 = tpu.vector_load %arg12[%swap3A_2177, %swap3A_2178] {strides = array<i32>} : memref<8x64xf32, #tpu.memory_space<vmem>>, vector<16xf32>,
    tpu.vector_store %arg12[%swap3A_2177, %swap3A_2178], %broadcast_in_dim3A_0 {strides = array<i32>} : memref<8x64xf32, #tpu.memory_space<vmem>>, vector<16xf32>,
    %swap3A_2180 = arith.constant 4 : i32
    %swap3A_2181 = arith.index_cast %swap3A_2180 : i32 to index
    %swap3A_2182 = arith.index_cast %mul3A_2148 : i32 to index
    %swap3A_2183 = tpu.vector_load %arg11[%swap3A_2181, %swap3A_2182] {strides = array<i32>} : memref<8x64xf32, #tpu.memory_space<vmem>>, vector<16xf32>,
    tpu.vector_store %arg11[%swap3A_2181, %swap3A_2182], %broadcast_in_dim3A_0 {strides = array<i32>} : memref<8x64xf32, #tpu.memory_space<vmem>>, vector<16xf32>,
    %swap3A_2184 = arith.constant 4 : i32
    %swap3A_2185 = arith.index_cast %swap3A_2184 : i32 to index
    %swap3A_2186 = arith.index_cast %mul3A_2148 : i32 to index
    %swap3A_2187 = tpu.vector_load %arg12[%swap3A_2185, %swap3A_2186] {strides = array<i32>} : memref<8x64xf32, #tpu.memory_space<vmem>>, vector<16xf32>,
    tpu.vector_store %arg12[%swap3A_2185, %swap3A_2186], %broadcast_in_dim3A_0 {strides = array<i32>} : memref<8x64xf32, #tpu.memory_space<vmem>>, vector<16xf32>,
    %swap3A_2188 = arith.constant 5 : i32
    %swap3A_2189 = arith.index_cast %swap3A_2188 : i32 to index
    %swap3A_2190 = arith.index_cast %mul3A_2148 : i32 to index
    %swap3A_2191 = tpu.vector_load %arg11[%swap3A_2189, %swap3A_2190] {strides = array<i32>} : memref<8x64xf32, #tpu.memory_space<vmem>>, vector<16xf32>,
    tpu.vector_store %arg11[%swap3A_2189, %swap3A_2190], %broadcast_in_dim3A_0 {strides = array<i32>} : memref<8x64xf32, #tpu.memory_space<vmem>>, vector<16xf32>,
    %swap3A_2192 = arith.constant 5 : i32
    %swap3A_2193 = arith.index_cast %swap3A_2192 : i32 to index
    %swap3A_2194 = arith.index_cast %mul3A_2148 : i32 to index
    %swap3A_2195 = tpu.vector_load %arg12[%swap3A_2193, %swap3A_2194] {strides = array<i32>} : memref<8x64xf32, #tpu.memory_space<vmem>>, vector<16xf32>,
    tpu.vector_store %arg12[%swap3A_2193, %swap3A_2194], %broadcast_in_dim3A_0 {strides = array<i32>} : memref<8x64xf32, #tpu.memory_space<vmem>>, vector<16xf32>,
    %swap3A_2196 = arith.constant 6 : i32
    %swap3A_2197 = arith.index_cast %swap3A_2196 : i32 to index
    %swap3A_2198 = arith.index_cast %mul3A_2148 : i32 to index
    %swap3A_2199 = tpu.vector_load %arg11[%swap3A_2197, %swap3A_2198] {strides = array<i32>} : memref<8x64xf32, #tpu.memory_space<vmem>>, vector<16xf32>,
    tpu.vector_store %arg11[%swap3A_2197, %swap3A_2198], %broadcast_in_dim3A_0 {strides = array<i32>} : memref<8x64xf32, #tpu.memory_space<vmem>>, vector<16xf32>,
    %swap3A_2200 = arith.constant 6 : i32
    %swap3A_2201 = arith.index_cast %swap3A_2200 : i32 to index
    %swap3A_2202 = arith.index_cast %mul3A_2148 : i32 to index
    %swap3A_2203 = tpu.vector_load %arg12[%swap3A_2201, %swap3A_2202] {strides = array<i32>} : memref<8x64xf32, #tpu.memory_space<vmem>>, vector<16xf32>,
    tpu.vector_store %arg12[%swap3A_2201, %swap3A_2202], %broadcast_in_dim3A_0 {strides = array<i32>} : memref<8x64xf32, #tpu.memory_space<vmem>>, vector<16xf32>,
    %swap3A_2204 = arith.constant 7 : i32
    %swap3A_2205 = arith.index_cast %swap3A_2204 : i32 to index
    %swap3A_2206 = arith.index_cast %mul3A_2148 : i32 to index
    %swap3A_2207 = tpu.vector_load %arg11[%swap3A_2205, %swap3A_2206] {strides = array<i32>} : memref<8x64xf32, #tpu.memory_space<vmem>>, vector<16xf32>,
    tpu.vector_store %arg11[%swap3A_2205, %swap3A_2206], %broadcast_in_dim3A_0 {strides = array<i32>} : memref<8x64xf32, #tpu.memory_space<vmem>>, vector<16xf32>,
    %swap3A_2208 = arith.constant 7 : i32
    %swap3A_2209 = arith.index_cast %swap3A_2208 : i32 to index
    %swap3A_2210 = arith.index_cast %mul3A_2148 : i32 to index
    %swap3A_2211 = tpu.vector_load %arg12[%swap3A_2209, %swap3A_2210] {strides = array<i32>} : memref<8x64xf32, #tpu.memory_space<vmem>>, vector<16xf32>,
    tpu.vector_store %arg12[%swap3A_2209, %swap3A_2210], %broadcast_in_dim3A_0 {strides = array<i32>} : memref<8x64xf32, #tpu.memory_space<vmem>>, vector<16xf32>,
    %scan3A_2212 = arith.constant 0 : i32
    %scan3A_2213 = arith.constant 1 : i32
    %mul3A_2214 = arith.constant 16 : i32
    %mul3A_2215 = arith.muli %scan3A_2213, %mul3A_2214 : i32
    %swap3A_2216 = arith.constant 0 : i32
    %swap3A_2217 = arith.index_cast %swap3A_2216 : i32 to index
    %swap3A_2218 = arith.index_cast %mul3A_2215 : i32 to index
    %swap3A_2219 = tpu.vector_load %arg11[%swap3A_2217, %swap3A_2218] {strides = array<i32>} : memref<8x64xf32, #tpu.memory_space<vmem>>, vector<16xf32>,
    tpu.vector_store %arg11[%swap3A_2217, %swap3A_2218], %broadcast_in_dim3A_0 {strides = array<i32>} : memref<8x64xf32, #tpu.memory_space<vmem>>, vector<16xf32>,
    %swap3A_2220 = arith.constant 0 : i32
    %swap3A_2221 = arith.index_cast %swap3A_2220 : i32 to index
    %swap3A_2222 = arith.index_cast %mul3A_2215 : i32 to index
    %swap3A_2223 = tpu.vector_load %arg12[%swap3A_2221, %swap3A_2222] {strides = array<i32>} : memref<8x64xf32, #tpu.memory_space<vmem>>, vector<16xf32>,
    tpu.vector_store %arg12[%swap3A_2221, %swap3A_2222], %broadcast_in_dim3A_0 {strides = array<i32>} : memref<8x64xf32, #tpu.memory_space<vmem>>, vector<16xf32>,
    %swap3A_2224 = arith.constant 1 : i32
    %swap3A_2225 = arith.index_cast %swap3A_2224 : i32 to index
    %swap3A_2226 = arith.index_cast %mul3A_2215 : i32 to index
    %swap3A_2227 = tpu.vector_load %arg11[%swap3A_2225, %swap3A_2226] {strides = array<i32>} : memref<8x64xf32, #tpu.memory_space<vmem>>, vector<16xf32>,
    tpu.vector_store %arg11[%swap3A_2225, %swap3A_2226], %broadcast_in_dim3A_0 {strides = array<i32>} : memref<8x64xf32, #tpu.memory_space<vmem>>, vector<16xf32>,
    %swap3A_2228 = arith.constant 1 : i32
    %swap3A_2229 = arith.index_cast %swap3A_2228 : i32 to index
    %swap3A_2230 = arith.index_cast %mul3A_2215 : i32 to index
    %swap3A_2231 = tpu.vector_load %arg12[%swap3A_2229, %swap3A_2230] {strides = array<i32>} : memref<8x64xf32, #tpu.memory_space<vmem>>, vector<16xf32>,
    tpu.vector_store %arg12[%swap3A_2229, %swap3A_2230], %broadcast_in_dim3A_0 {strides = array<i32>} : memref<8x64xf32, #tpu.memory_space<vmem>>, vector<16xf32>,
    %swap3A_2232 = arith.constant 2 : i32
    %swap3A_2233 = arith.index_cast %swap3A_2232 : i32 to index
    %swap3A_2234 = arith.index_cast %mul3A_2215 : i32 to index
    %swap3A_2235 = tpu.vector_load %arg11[%swap3A_2233, %swap3A_2234] {strides = array<i32>} : memref<8x64xf32, #tpu.memory_space<vmem>>, vector<16xf32>,
    tpu.vector_store %arg11[%swap3A_2233, %swap3A_2234], %broadcast_in_dim3A_0 {strides = array<i32>} : memref<8x64xf32, #tpu.memory_space<vmem>>, vector<16xf32>,
    %swap3A_2236 = arith.constant 2 : i32
    %swap3A_2237 = arith.index_cast %swap3A_2236 : i32 to index
    %swap3A_2238 = arith.index_cast %mul3A_2215 : i32 to index
    %swap3A_2239 = tpu.vector_load %arg12[%swap3A_2237, %swap3A_2238] {strides = array<i32>} : memref<8x64xf32, #tpu.memory_space<vmem>>, vector<16xf32>,
    tpu.vector_store %arg12[%swap3A_2237, %swap3A_2238], %broadcast_in_dim3A_0 {strides = array<i32>} : memref<8x64xf32, #tpu.memory_space<vmem>>, vector<16xf32>,
    %swap3A_2240 = arith.constant 3 : i32
    %swap3A_2241 = arith.index_cast %swap3A_2240 : i32 to index
    %swap3A_2242 = arith.index_cast %mul3A_2215 : i32 to index
    %swap3A_2243 = tpu.vector_load %arg11[%swap3A_2241, %swap3A_2242] {strides = array<i32>} : memref<8x64xf32, #tpu.memory_space<vmem>>, vector<16xf32>,
    tpu.vector_store %arg11[%swap3A_2241, %swap3A_2242], %broadcast_in_dim3A_0 {strides = array<i32>} : memref<8x64xf32, #tpu.memory_space<vmem>>, vector<16xf32>,
    %swap3A_2244 = arith.constant 3 : i32
    %swap3A_2245 = arith.index_cast %swap3A_2244 : i32 to index
    %swap3A_2246 = arith.index_cast %mul3A_2215 : i32 to index
    %swap3A_2247 = tpu.vector_load %arg12[%swap3A_2245, %swap3A_2246] {strides = array<i32>} : memref<8x64xf32, #tpu.memory_space<vmem>>, vector<16xf32>,
    tpu.vector_store %arg12[%swap3A_2245, %swap3A_2246], %broadcast_in_dim3A_0 {strides = array<i32>} : memref<8x64xf32, #tpu.memory_space<vmem>>, vector<16xf32>,
    %swap3A_2248 = arith.constant 4 : i32
    %swap3A_2249 = arith.index_cast %swap3A_2248 : i32 to index
    %swap3A_2250 = arith.index_cast %mul3A_2215 : i32 to index
    %swap3A_2251 = tpu.vector_load %arg11[%swap3A_2249, %swap3A_2250] {strides = array<i32>} : memref<8x64xf32, #tpu.memory_space<vmem>>, vector<16xf32>,
    tpu.vector_store %arg11[%swap3A_2249, %swap3A_2250], %broadcast_in_dim3A_0 {strides = array<i32>} : memref<8x64xf32, #tpu.memory_space<vmem>>, vector<16xf32>,
    %swap3A_2252 = arith.constant 4 : i32
    %swap3A_2253 = arith.index_cast %swap3A_2252 : i32 to index
    %swap3A_2254 = arith.index_cast %mul3A_2215 : i32 to index
    %swap3A_2255 = tpu.vector_load %arg12[%swap3A_2253, %swap3A_2254] {strides = array<i32>} : memref<8x64xf32, #tpu.memory_space<vmem>>, vector<16xf32>,
    tpu.vector_store %arg12[%swap3A_2253, %swap3A_2254], %broadcast_in_dim3A_0 {strides = array<i32>} : memref<8x64xf32, #tpu.memory_space<vmem>>, vector<16xf32>,
    %swap3A_2256 = arith.constant 5 : i32
    %swap3A_2257 = arith.index_cast %swap3A_2256 : i32 to index
    %swap3A_2258 = arith.index_cast %mul3A_2215 : i32 to index
    %swap3A_2259 = tpu.vector_load %arg11[%swap3A_2257, %swap3A_2258] {strides = array<i32>} : memref<8x64xf32, #tpu.memory_space<vmem>>, vector<16xf32>,
    tpu.vector_store %arg11[%swap3A_2257, %swap3A_2258], %broadcast_in_dim3A_0 {strides = array<i32>} : memref<8x64xf32, #tpu.memory_space<vmem>>, vector<16xf32>,
    %swap3A_2260 = arith.constant 5 : i32
    %swap3A_2261 = arith.index_cast %swap3A_2260 : i32 to index
    %swap3A_2262 = arith.index_cast %mul3A_2215 : i32 to index
    %swap3A_2263 = tpu.vector_load %arg12[%swap3A_2261, %swap3A_2262] {strides = array<i32>} : memref<8x64xf32, #tpu.memory_space<vmem>>, vector<16xf32>,
    tpu.vector_store %arg12[%swap3A_2261, %swap3A_2262], %broadcast_in_dim3A_0 {strides = array<i32>} : memref<8x64xf32, #tpu.memory_space<vmem>>, vector<16xf32>,
    %swap3A_2264 = arith.constant 6 : i32
    %swap3A_2265 = arith.index_cast %swap3A_2264 : i32 to index
    %swap3A_2266 = arith.index_cast %mul3A_2215 : i32 to index
    %swap3A_2267 = tpu.vector_load %arg11[%swap3A_2265, %swap3A_2266] {strides = array<i32>} : memref<8x64xf32, #tpu.memory_space<vmem>>, vector<16xf32>,
    tpu.vector_store %arg11[%swap3A_2265, %swap3A_2266], %broadcast_in_dim3A_0 {strides = array<i32>} : memref<8x64xf32, #tpu.memory_space<vmem>>, vector<16xf32>,
    %swap3A_2268 = arith.constant 6 : i32
    %swap3A_2269 = arith.index_cast %swap3A_2268 : i32 to index
    %swap3A_2270 = arith.index_cast %mul3A_2215 : i32 to index
    %swap3A_2271 = tpu.vector_load %arg12[%swap3A_2269, %swap3A_2270] {strides = array<i32>} : memref<8x64xf32, #tpu.memory_space<vmem>>, vector<16xf32>,
    tpu.vector_store %arg12[%swap3A_2269, %swap3A_2270], %broadcast_in_dim3A_0 {strides = array<i32>} : memref<8x64xf32, #tpu.memory_space<vmem>>, vector<16xf32>,
    %swap3A_2272 = arith.constant 7 : i32
    %swap3A_2273 = arith.index_cast %swap3A_2272 : i32 to index
    %swap3A_2274 = arith.index_cast %mul3A_2215 : i32 to index
    %swap3A_2275 = tpu.vector_load %arg11[%swap3A_2273, %swap3A_2274] {strides = array<i32>} : memref<8x64xf32, #tpu.memory_space<vmem>>, vector<16xf32>,
    tpu.vector_store %arg11[%swap3A_2273, %swap3A_2274], %broadcast_in_dim3A_0 {strides = array<i32>} : memref<8x64xf32, #tpu.memory_space<vmem>>, vector<16xf32>,
    %swap3A_2276 = arith.constant 7 : i32
    %swap3A_2277 = arith.index_cast %swap3A_2276 : i32 to index
    %swap3A_2278 = arith.index_cast %mul3A_2215 : i32 to index
    %swap3A_2279 = tpu.vector_load %arg12[%swap3A_2277, %swap3A_2278] {strides = array<i32>} : memref<8x64xf32, #tpu.memory_space<vmem>>, vector<16xf32>,
    tpu.vector_store %arg12[%swap3A_2277, %swap3A_2278], %broadcast_in_dim3A_0 {strides = array<i32>} : memref<8x64xf32, #tpu.memory_space<vmem>>, vector<16xf32>,
    %scan3A_2280 = arith.constant 0 : i32
    %scan3A_2281 = arith.constant 2 : i32
    %mul3A_2282 = arith.constant 16 : i32
    %mul3A_2283 = arith.muli %scan3A_2281, %mul3A_2282 : i32
    %swap3A_2284 = arith.constant 0 : i32
    %swap3A_2285 = arith.index_cast %swap3A_2284 : i32 to index
    %swap3A_2286 = arith.index_cast %mul3A_2283 : i32 to index
    %swap3A_2287 = tpu.vector_load %arg11[%swap3A_2285, %swap3A_2286] {strides = array<i32>} : memref<8x64xf32, #tpu.memory_space<vmem>>, vector<16xf32>,
    tpu.vector_store %arg11[%swap3A_2285, %swap3A_2286], %broadcast_in_dim3A_0 {strides = array<i32>} : memref<8x64xf32, #tpu.memory_space<vmem>>, vector<16xf32>,
    %swap3A_2288 = arith.constant 0 : i32
    %swap3A_2289 = arith.index_cast %swap3A_2288 : i32 to index
    %swap3A_2290 = arith.index_cast %mul3A_2283 : i32 to index
    %swap3A_2291 = tpu.vector_load %arg12[%swap3A_2289, %swap3A_2290] {strides = array<i32>} : memref<8x64xf32, #tpu.memory_space<vmem>>, vector<16xf32>,
    tpu.vector_store %arg12[%swap3A_2289, %swap3A_2290], %broadcast_in_dim3A_0 {strides = array<i32>} : memref<8x64xf32, #tpu.memory_space<vmem>>, vector<16xf32>,
    %swap3A_2292 = arith.constant 1 : i32
    %swap3A_2293 = arith.index_cast %swap3A_2292 : i32 to index
    %swap3A_2294 = arith.index_cast %mul3A_2283 : i32 to index
    %swap3A_2295 = tpu.vector_load %arg11[%swap3A_2293, %swap3A_2294] {strides = array<i32>} : memref<8x64xf32, #tpu.memory_space<vmem>>, vector<16xf32>,
    tpu.vector_store %arg11[%swap3A_2293, %swap3A_2294], %broadcast_in_dim3A_0 {strides = array<i32>} : memref<8x64xf32, #tpu.memory_space<vmem>>, vector<16xf32>,
    %swap3A_2296 = arith.constant 1 : i32
    %swap3A_2297 = arith.index_cast %swap3A_2296 : i32 to index
    %swap3A_2298 = arith.index_cast %mul3A_2283 : i32 to index
    %swap3A_2299 = tpu.vector_load %arg12[%swap3A_2297, %swap3A_2298] {strides = array<i32>} : memref<8x64xf32, #tpu.memory_space<vmem>>, vector<16xf32>,
    tpu.vector_store %arg12[%swap3A_2297, %swap3A_2298], %broadcast_in_dim3A_0 {strides = array<i32>} : memref<8x64xf32, #tpu.memory_space<vmem>>, vector<16xf32>,
    %swap3A_2300 = arith.constant 2 : i32
    %swap3A_2301 = arith.index_cast %swap3A_2300 : i32 to index
    %swap3A_2302 = arith.index_cast %mul3A_2283 : i32 to index
    %swap3A_2303 = tpu.vector_load %arg11[%swap3A_2301, %swap3A_2302] {strides = array<i32>} : memref<8x64xf32, #tpu.memory_space<vmem>>, vector<16xf32>,
    tpu.vector_store %arg11[%swap3A_2301, %swap3A_2302], %broadcast_in_dim3A_0 {strides = array<i32>} : memref<8x64xf32, #tpu.memory_space<vmem>>, vector<16xf32>,
    %swap3A_2304 = arith.constant 2 : i32
    %swap3A_2305 = arith.index_cast %swap3A_2304 : i32 to index
    %swap3A_2306 = arith.index_cast %mul3A_2283 : i32 to index
    %swap3A_2307 = tpu.vector_load %arg12[%swap3A_2305, %swap3A_2306] {strides = array<i32>} : memref<8x64xf32, #tpu.memory_space<vmem>>, vector<16xf32>,
    tpu.vector_store %arg12[%swap3A_2305, %swap3A_2306], %broadcast_in_dim3A_0 {strides = array<i32>} : memref<8x64xf32, #tpu.memory_space<vmem>>, vector<16xf32>,
    %swap3A_2308 = arith.constant 3 : i32
    %swap3A_2309 = arith.index_cast %swap3A_2308 : i32 to index
    %swap3A_2310 = arith.index_cast %mul3A_2283 : i32 to index
    %swap3A_2311 = tpu.vector_load %arg11[%swap3A_2309, %swap3A_2310] {strides = array<i32>} : memref<8x64xf32, #tpu.memory_space<vmem>>, vector<16xf32>,
    tpu.vector_store %arg11[%swap3A_2309, %swap3A_2310], %broadcast_in_dim3A_0 {strides = array<i32>} : memref<8x64xf32, #tpu.memory_space<vmem>>, vector<16xf32>,
    %swap3A_2312 = arith.constant 3 : i32
    %swap3A_2313 = arith.index_cast %swap3A_2312 : i32 to index
    %swap3A_2314 = arith.index_cast %mul3A_2283 : i32 to index
    %swap3A_2315 = tpu.vector_load %arg12[%swap3A_2313, %swap3A_2314] {strides = array<i32>} : memref<8x64xf32, #tpu.memory_space<vmem>>, vector<16xf32>,
    tpu.vector_store %arg12[%swap3A_2313, %swap3A_2314], %broadcast_in_dim3A_0 {strides = array<i32>} : memref<8x64xf32, #tpu.memory_space<vmem>>, vector<16xf32>,
    %swap3A_2316 = arith.constant 4 : i32
    %swap3A_2317 = arith.index_cast %swap3A_2316 : i32 to index
    %swap3A_2318 = arith.index_cast %mul3A_2283 : i32 to index
    %swap3A_2319 = tpu.vector_load %arg11[%swap3A_2317, %swap3A_2318] {strides = array<i32>} : memref<8x64xf32, #tpu.memory_space<vmem>>, vector<16xf32>,
    tpu.vector_store %arg11[%swap3A_2317, %swap3A_2318], %broadcast_in_dim3A_0 {strides = array<i32>} : memref<8x64xf32, #tpu.memory_space<vmem>>, vector<16xf32>,
    %swap3A_2320 = arith.constant 4 : i32
    %swap3A_2321 = arith.index_cast %swap3A_2320 : i32 to index
    %swap3A_2322 = arith.index_cast %mul3A_2283 : i32 to index
    %swap3A_2323 = tpu.vector_load %arg12[%swap3A_2321, %swap3A_2322] {strides = array<i32>} : memref<8x64xf32, #tpu.memory_space<vmem>>, vector<16xf32>,
    tpu.vector_store %arg12[%swap3A_2321, %swap3A_2322], %broadcast_in_dim3A_0 {strides = array<i32>} : memref<8x64xf32, #tpu.memory_space<vmem>>, vector<16xf32>,
    %swap3A_2324 = arith.constant 5 : i32
    %swap3A_2325 = arith.index_cast %swap3A_2324 : i32 to index
    %swap3A_2326 = arith.index_cast %mul3A_2283 : i32 to index
    %swap3A_2327 = tpu.vector_load %arg11[%swap3A_2325, %swap3A_2326] {strides = array<i32>} : memref<8x64xf32, #tpu.memory_space<vmem>>, vector<16xf32>,
    tpu.vector_store %arg11[%swap3A_2325, %swap3A_2326], %broadcast_in_dim3A_0 {strides = array<i32>} : memref<8x64xf32, #tpu.memory_space<vmem>>, vector<16xf32>,
    %swap3A_2328 = arith.constant 5 : i32
    %swap3A_2329 = arith.index_cast %swap3A_2328 : i32 to index
    %swap3A_2330 = arith.index_cast %mul3A_2283 : i32 to index
    %swap3A_2331 = tpu.vector_load %arg12[%swap3A_2329, %swap3A_2330] {strides = array<i32>} : memref<8x64xf32, #tpu.memory_space<vmem>>, vector<16xf32>,
    tpu.vector_store %arg12[%swap3A_2329, %swap3A_2330], %broadcast_in_dim3A_0 {strides = array<i32>} : memref<8x64xf32, #tpu.memory_space<vmem>>, vector<16xf32>,
    %swap3A_2332 = arith.constant 6 : i32
    %swap3A_2333 = arith.index_cast %swap3A_2332 : i32 to index
    %swap3A_2334 = arith.index_cast %mul3A_2283 : i32 to index
    %swap3A_2335 = tpu.vector_load %arg11[%swap3A_2333, %swap3A_2334] {strides = array<i32>} : memref<8x64xf32, #tpu.memory_space<vmem>>, vector<16xf32>,
    tpu.vector_store %arg11[%swap3A_2333, %swap3A_2334], %broadcast_in_dim3A_0 {strides = array<i32>} : memref<8x64xf32, #tpu.memory_space<vmem>>, vector<16xf32>,
    %swap3A_2336 = arith.constant 6 : i32
    %swap3A_2337 = arith.index_cast %swap3A_2336 : i32 to index
    %swap3A_2338 = arith.index_cast %mul3A_2283 : i32 to index
    %swap3A_2339 = tpu.vector_load %arg12[%swap3A_2337, %swap3A_2338] {strides = array<i32>} : memref<8x64xf32, #tpu.memory_space<vmem>>, vector<16xf32>,
    tpu.vector_store %arg12[%swap3A_2337, %swap3A_2338], %broadcast_in_dim3A_0 {strides = array<i32>} : memref<8x64xf32, #tpu.memory_space<vmem>>, vector<16xf32>,
    %swap3A_2340 = arith.constant 7 : i32
    %swap3A_2341 = arith.index_cast %swap3A_2340 : i32 to index
    %swap3A_2342 = arith.index_cast %mul3A_2283 : i32 to index
    %swap3A_2343 = tpu.vector_load %arg11[%swap3A_2341, %swap3A_2342] {strides = array<i32>} : memref<8x64xf32, #tpu.memory_space<vmem>>, vector<16xf32>,
    tpu.vector_store %arg11[%swap3A_2341, %swap3A_2342], %broadcast_in_dim3A_0 {strides = array<i32>} : memref<8x64xf32, #tpu.memory_space<vmem>>, vector<16xf32>,
    %swap3A_2344 = arith.constant 7 : i32
    %swap3A_2345 = arith.index_cast %swap3A_2344 : i32 to index
    %swap3A_2346 = arith.index_cast %mul3A_2283 : i32 to index
    %swap3A_2347 = tpu.vector_load %arg12[%swap3A_2345, %swap3A_2346] {strides = array<i32>} : memref<8x64xf32, #tpu.memory_space<vmem>>, vector<16xf32>,
    tpu.vector_store %arg12[%swap3A_2345, %swap3A_2346], %broadcast_in_dim3A_0 {strides = array<i32>} : memref<8x64xf32, #tpu.memory_space<vmem>>, vector<16xf32>,
    %scan3A_2348 = arith.constant 0 : i32
    %scan3A_2349 = arith.constant 3 : i32
    %mul3A_2350 = arith.constant 16 : i32
    %mul3A_2351 = arith.muli %scan3A_2349, %mul3A_2350 : i32
    %swap3A_2352 = arith.constant 0 : i32
    %swap3A_2353 = arith.index_cast %swap3A_2352 : i32 to index
    %swap3A_2354 = arith.index_cast %mul3A_2351 : i32 to index
    %swap3A_2355 = tpu.vector_load %arg11[%swap3A_2353, %swap3A_2354] {strides = array<i32>} : memref<8x64xf32, #tpu.memory_space<vmem>>, vector<16xf32>,
    tpu.vector_store %arg11[%swap3A_2353, %swap3A_2354], %broadcast_in_dim3A_0 {strides = array<i32>} : memref<8x64xf32, #tpu.memory_space<vmem>>, vector<16xf32>,
    %swap3A_2356 = arith.constant 0 : i32
    %swap3A_2357 = arith.index_cast %swap3A_2356 : i32 to index
    %swap3A_2358 = arith.index_cast %mul3A_2351 : i32 to index
    %swap3A_2359 = tpu.vector_load %arg12[%swap3A_2357, %swap3A_2358] {strides = array<i32>} : memref<8x64xf32, #tpu.memory_space<vmem>>, vector<16xf32>,
    tpu.vector_store %arg12[%swap3A_2357, %swap3A_2358], %broadcast_in_dim3A_0 {strides = array<i32>} : memref<8x64xf32, #tpu.memory_space<vmem>>, vector<16xf32>,
    %swap3A_2360 = arith.constant 1 : i32
    %swap3A_2361 = arith.index_cast %swap3A_2360 : i32 to index
    %swap3A_2362 = arith.index_cast %mul3A_2351 : i32 to index
    %swap3A_2363 = tpu.vector_load %arg11[%swap3A_2361, %swap3A_2362] {strides = array<i32>} : memref<8x64xf32, #tpu.memory_space<vmem>>, vector<16xf32>,
    tpu.vector_store %arg11[%swap3A_2361, %swap3A_2362], %broadcast_in_dim3A_0 {strides = array<i32>} : memref<8x64xf32, #tpu.memory_space<vmem>>, vector<16xf32>,
    %swap3A_2364 = arith.constant 1 : i32
    %swap3A_2365 = arith.index_cast %swap3A_2364 : i32 to index
    %swap3A_2366 = arith.index_cast %mul3A_2351 : i32 to index
    %swap3A_2367 = tpu.vector_load %arg12[%swap3A_2365, %swap3A_2366] {strides = array<i32>} : memref<8x64xf32, #tpu.memory_space<vmem>>, vector<16xf32>,
    tpu.vector_store %arg12[%swap3A_2365, %swap3A_2366], %broadcast_in_dim3A_0 {strides = array<i32>} : memref<8x64xf32, #tpu.memory_space<vmem>>, vector<16xf32>,
    %swap3A_2368 = arith.constant 2 : i32
    %swap3A_2369 = arith.index_cast %swap3A_2368 : i32 to index
    %swap3A_2370 = arith.index_cast %mul3A_2351 : i32 to index
    %swap3A_2371 = tpu.vector_load %arg11[%swap3A_2369, %swap3A_2370] {strides = array<i32>} : memref<8x64xf32, #tpu.memory_space<vmem>>, vector<16xf32>,
    tpu.vector_store %arg11[%swap3A_2369, %swap3A_2370], %broadcast_in_dim3A_0 {strides = array<i32>} : memref<8x64xf32, #tpu.memory_space<vmem>>, vector<16xf32>,
    %swap3A_2372 = arith.constant 2 : i32
    %swap3A_2373 = arith.index_cast %swap3A_2372 : i32 to index
    %swap3A_2374 = arith.index_cast %mul3A_2351 : i32 to index
    %swap3A_2375 = tpu.vector_load %arg12[%swap3A_2373, %swap3A_2374] {strides = array<i32>} : memref<8x64xf32, #tpu.memory_space<vmem>>, vector<16xf32>,
    tpu.vector_store %arg12[%swap3A_2373, %swap3A_2374], %broadcast_in_dim3A_0 {strides = array<i32>} : memref<8x64xf32, #tpu.memory_space<vmem>>, vector<16xf32>,
    %swap3A_2376 = arith.constant 3 : i32
    %swap3A_2377 = arith.index_cast %swap3A_2376 : i32 to index
    %swap3A_2378 = arith.index_cast %mul3A_2351 : i32 to index
    %swap3A_2379 = tpu.vector_load %arg11[%swap3A_2377, %swap3A_2378] {strides = array<i32>} : memref<8x64xf32, #tpu.memory_space<vmem>>, vector<16xf32>,
    tpu.vector_store %arg11[%swap3A_2377, %swap3A_2378], %broadcast_in_dim3A_0 {strides = array<i32>} : memref<8x64xf32, #tpu.memory_space<vmem>>, vector<16xf32>,
    %swap3A_2380 = arith.constant 3 : i32
    %swap3A_2381 = arith.index_cast %swap3A_2380 : i32 to index
    %swap3A_2382 = arith.index_cast %mul3A_2351 : i32 to index
    %swap3A_2383 = tpu.vector_load %arg12[%swap3A_2381, %swap3A_2382] {strides = array<i32>} : memref<8x64xf32, #tpu.memory_space<vmem>>, vector<16xf32>,
    tpu.vector_store %arg12[%swap3A_2381, %swap3A_2382], %broadcast_in_dim3A_0 {strides = array<i32>} : memref<8x64xf32, #tpu.memory_space<vmem>>, vector<16xf32>,
    %swap3A_2384 = arith.constant 4 : i32
    %swap3A_2385 = arith.index_cast %swap3A_2384 : i32 to index
    %swap3A_2386 = arith.index_cast %mul3A_2351 : i32 to index
    %swap3A_2387 = tpu.vector_load %arg11[%swap3A_2385, %swap3A_2386] {strides = array<i32>} : memref<8x64xf32, #tpu.memory_space<vmem>>, vector<16xf32>,
    tpu.vector_store %arg11[%swap3A_2385, %swap3A_2386], %broadcast_in_dim3A_0 {strides = array<i32>} : memref<8x64xf32, #tpu.memory_space<vmem>>, vector<16xf32>,
    %swap3A_2388 = arith.constant 4 : i32
    %swap3A_2389 = arith.index_cast %swap3A_2388 : i32 to index
    %swap3A_2390 = arith.index_cast %mul3A_2351 : i32 to index
    %swap3A_2391 = tpu.vector_load %arg12[%swap3A_2389, %swap3A_2390] {strides = array<i32>} : memref<8x64xf32, #tpu.memory_space<vmem>>, vector<16xf32>,
    tpu.vector_store %arg12[%swap3A_2389, %swap3A_2390], %broadcast_in_dim3A_0 {strides = array<i32>} : memref<8x64xf32, #tpu.memory_space<vmem>>, vector<16xf32>,
    %swap3A_2392 = arith.constant 5 : i32
    %swap3A_2393 = arith.index_cast %swap3A_2392 : i32 to index
    %swap3A_2394 = arith.index_cast %mul3A_2351 : i32 to index
    %swap3A_2395 = tpu.vector_load %arg11[%swap3A_2393, %swap3A_2394] {strides = array<i32>} : memref<8x64xf32, #tpu.memory_space<vmem>>, vector<16xf32>,
    tpu.vector_store %arg11[%swap3A_2393, %swap3A_2394], %broadcast_in_dim3A_0 {strides = array<i32>} : memref<8x64xf32, #tpu.memory_space<vmem>>, vector<16xf32>,
    %swap3A_2396 = arith.constant 5 : i32
    %swap3A_2397 = arith.index_cast %swap3A_2396 : i32 to index
    %swap3A_2398 = arith.index_cast %mul3A_2351 : i32 to index
    %swap3A_2399 = tpu.vector_load %arg12[%swap3A_2397, %swap3A_2398] {strides = array<i32>} : memref<8x64xf32, #tpu.memory_space<vmem>>, vector<16xf32>,
    tpu.vector_store %arg12[%swap3A_2397, %swap3A_2398], %broadcast_in_dim3A_0 {strides = array<i32>} : memref<8x64xf32, #tpu.memory_space<vmem>>, vector<16xf32>,
    %swap3A_2400 = arith.constant 6 : i32
    %swap3A_2401 = arith.index_cast %swap3A_2400 : i32 to index
    %swap3A_2402 = arith.index_cast %mul3A_2351 : i32 to index
    %swap3A_2403 = tpu.vector_load %arg11[%swap3A_2401, %swap3A_2402] {strides = array<i32>} : memref<8x64xf32, #tpu.memory_space<vmem>>, vector<16xf32>,
    tpu.vector_store %arg11[%swap3A_2401, %swap3A_2402], %broadcast_in_dim3A_0 {strides = array<i32>} : memref<8x64xf32, #tpu.memory_space<vmem>>, vector<16xf32>,
    %swap3A_2404 = arith.constant 6 : i32
    %swap3A_2405 = arith.index_cast %swap3A_2404 : i32 to index
    %swap3A_2406 = arith.index_cast %mul3A_2351 : i32 to index
    %swap3A_2407 = tpu.vector_load %arg12[%swap3A_2405, %swap3A_2406] {strides = array<i32>} : memref<8x64xf32, #tpu.memory_space<vmem>>, vector<16xf32>,
    tpu.vector_store %arg12[%swap3A_2405, %swap3A_2406], %broadcast_in_dim3A_0 {strides = array<i32>} : memref<8x64xf32, #tpu.memory_space<vmem>>, vector<16xf32>,
    %swap3A_2408 = arith.constant 7 : i32
    %swap3A_2409 = arith.index_cast %swap3A_2408 : i32 to index
    %swap3A_2410 = arith.index_cast %mul3A_2351 : i32 to index
    %swap3A_2411 = tpu.vector_load %arg11[%swap3A_2409, %swap3A_2410] {strides = array<i32>} : memref<8x64xf32, #tpu.memory_space<vmem>>, vector<16xf32>,
    tpu.vector_store %arg11[%swap3A_2409, %swap3A_2410], %broadcast_in_dim3A_0 {strides = array<i32>} : memref<8x64xf32, #tpu.memory_space<vmem>>, vector<16xf32>,
    %swap3A_2412 = arith.constant 7 : i32
    %swap3A_2413 = arith.index_cast %swap3A_2412 : i32 to index
    %swap3A_2414 = arith.index_cast %mul3A_2351 : i32 to index
    %swap3A_2415 = tpu.vector_load %arg12[%swap3A_2413, %swap3A_2414] {strides = array<i32>} : memref<8x64xf32, #tpu.memory_space<vmem>>, vector<16xf32>,
    tpu.vector_store %arg12[%swap3A_2413, %swap3A_2414], %broadcast_in_dim3A_0 {strides = array<i32>} : memref<8x64xf32, #tpu.memory_space<vmem>>, vector<16xf32>,
    %scan3A_2416 = arith.constant 0 : i32
    %scan3A_2417 = arith.constant 4 : i32
    %mul3A_2418 = arith.constant 64 : i32
    %mul3A_2419 = arith.muli %arg1, %mul3A_2418 : i32
    %scan3A_2420 = arith.constant 0 : i32
    %scan3A_2421 = arith.constant 0 : i32
    %scan3A_2422 = arith.constant 16 : i32
    %scan3A_2423 = arith.addi %scan3A_2421, %scan3A_2422 : i32
    %scan3A_2424 = arith.constant 1 : i32
    %scan3A_2425 = scf.for %scan3A_3082 = %scan3A_2421 to %scan3A_2423 step %scan3A_2424 iter_args(%scan3A_3083 = %scan3A_2420) -> (i32)  : i32 {
      "tpu.region"() ({
        %run_scoped3A_3917 = tpu.sem_alloc : memref<!tpu.dma_semaphore, #tpu.memory_space<semaphore_mem>>
        %dma_start3A_3918 = arith.constant 0 : i32
        %dma_start3A_3919 = tpu.memref_slice %arg14[%scan3A_3082, %dma_start3A_3918, %mul3A_2419] : memref<16x8x1024xf32, #tpu.memory_space<vmem_shared>> -> memref<1x8x64xf32, #tpu.memory_space<vmem_shared>>
        %dma_start3A_3920 = tpu.memref_squeeze %dma_start3A_3919 : memref<1x8x64xf32, #tpu.memory_space<vmem_shared>> -> memref<8x64xf32, #tpu.memory_space<vmem_shared>>
        %dma_start3A_3921 = arith.constant 0 : i32
        %dma_start3A_3922 = tpu.memref_slice %arg14[%scan3A_3082, %dma_start3A_3921, %mul3A_2419] : memref<16x8x1024xf32, #tpu.memory_space<vmem_shared>> -> memref<1x8x64xf32, #tpu.memory_space<vmem_shared>>
        %dma_start3A_3923 = tpu.memref_squeeze %dma_start3A_3922 : memref<1x8x64xf32, #tpu.memory_space<vmem_shared>> -> memref<8x64xf32, #tpu.memory_space<vmem_shared>>
        tpu.enqueue_dma source(%dma_start3A_3923 : memref<8x64xf32, #tpu.memory_space<vmem_shared>>) target(%arg13 : memref<8x64xf32, #tpu.memory_space<vmem>>) target_semaphore(%run_scoped3A_3917 : memref<!tpu.dma_semaphore, #tpu.memory_space<semaphore_mem>>)
        %dma_wait3A_3924 = arith.constant 0 : i32
        %dma_wait3A_3925 = tpu.memref_slice %arg14[%scan3A_3082, %dma_wait3A_3924, %mul3A_2419] : memref<16x8x1024xf32, #tpu.memory_space<vmem_shared>> -> memref<1x8x64xf32, #tpu.memory_space<vmem_shared>>
        %dma_wait3A_3926 = tpu.memref_squeeze %dma_wait3A_3925 : memref<1x8x64xf32, #tpu.memory_space<vmem_shared>> -> memref<8x64xf32, #tpu.memory_space<vmem_shared>>
        %dma_wait3A_3927 = arith.constant 0 : i32
        %dma_wait3A_3928 = tpu.memref_slice %arg14[%scan3A_3082, %dma_wait3A_3927, %mul3A_2419] : memref<16x8x1024xf32, #tpu.memory_space<vmem_shared>> -> memref<1x8x64xf32, #tpu.memory_space<vmem_shared>>
        %dma_wait3A_3929 = tpu.memref_squeeze %dma_wait3A_3928 : memref<1x8x64xf32, #tpu.memory_space<vmem_shared>> -> memref<8x64xf32, #tpu.memory_space<vmem_shared>>
        tpu.wait_dma2 semaphore(%run_scoped3A_3917 : memref<!tpu.dma_semaphore, #tpu.memory_space<semaphore_mem>>) src(%dma_wait3A_3929 : memref<8x64xf32, #tpu.memory_space<vmem_shared>>) dst(%arg13 : memref<8x64xf32, #tpu.memory_space<vmem>>)
        tpu.yield
      }) : () -> ()
      %get3A_3084 = arith.constant 0 : i32
      %get3A_3085 = arith.index_cast %get3A_3084 : i32 to index
      %get3A_3086 = arith.constant 0 : index
      %get3A_3087 = tpu.vector_load %arg11[%get3A_3085, %get3A_3086] {strides = array<i32>} : memref<8x64xf32, #tpu.memory_space<vmem>>, vector<16xf32>,
      %get3A_3088 = arith.constant 0 : i32
      %get3A_3089 = arith.index_cast %get3A_3088 : i32 to index
      %get3A_3090 = arith.constant 0 : index
      %get3A_3091 = tpu.vector_load %arg13[%get3A_3089, %get3A_3090] {strides = array<i32>} : memref<8x64xf32, #tpu.memory_space<vmem>>, vector<16xf32>,
      %add3A_3092 = arith.addf %get3A_3087, %get3A_3091 : vector<16xf32>
      %swap3A_3093 = arith.constant 0 : i32
      %swap3A_3094 = arith.index_cast %swap3A_3093 : i32 to index
      %swap3A_3095 = arith.constant 0 : index
      %swap3A_3096 = tpu.vector_load %arg11[%swap3A_3094, %swap3A_3095] {strides = array<i32>} : memref<8x64xf32, #tpu.memory_space<vmem>>, vector<16xf32>,
      tpu.vector_store %arg11[%swap3A_3094, %swap3A_3095], %add3A_3092 {strides = array<i32>} : memref<8x64xf32, #tpu.memory_space<vmem>>, vector<16xf32>,
      %get3A_3097 = arith.constant 0 : i32
      %get3A_3098 = arith.index_cast %get3A_3097 : i32 to index
      %get3A_3099 = arith.constant 16 : index
      %get3A_3100 = tpu.vector_load %arg11[%get3A_3098, %get3A_3099] {strides = array<i32>} : memref<8x64xf32, #tpu.memory_space<vmem>>, vector<16xf32>,
      %get3A_3101 = arith.constant 0 : i32
      %get3A_3102 = arith.index_cast %get3A_3101 : i32 to index
      %get3A_3103 = arith.constant 16 : index
      %get3A_3104 = tpu.vector_load %arg13[%get3A_3102, %get3A_3103] {strides = array<i32>} : memref<8x64xf32, #tpu.memory_space<vmem>>, vector<16xf32>,
      %add3A_3105 = arith.addf %get3A_3100, %get3A_3104 : vector<16xf32>
      %swap3A_3106 = arith.constant 0 : i32
      %swap3A_3107 = arith.index_cast %swap3A_3106 : i32 to index
      %swap3A_3108 = arith.constant 16 : index
      %swap3A_3109 = tpu.vector_load %arg11[%swap3A_3107, %swap3A_3108] {strides = array<i32>} : memref<8x64xf32, #tpu.memory_space<vmem>>, vector<16xf32>,
      tpu.vector_store %arg11[%swap3A_3107, %swap3A_3108], %add3A_3105 {strides = array<i32>} : memref<8x64xf32, #tpu.memory_space<vmem>>, vector<16xf32>,
      %get3A_3110 = arith.constant 0 : i32
      %get3A_3111 = arith.index_cast %get3A_3110 : i32 to index
      %get3A_3112 = arith.constant 32 : index
      %get3A_3113 = tpu.vector_load %arg11[%get3A_3111, %get3A_3112] {strides = array<i32>} : memref<8x64xf32, #tpu.memory_space<vmem>>, vector<16xf32>,
      %get3A_3114 = arith.constant 0 : i32
      %get3A_3115 = arith.index_cast %get3A_3114 : i32 to index
      %get3A_3116 = arith.constant 32 : index
      %get3A_3117 = tpu.vector_load %arg13[%get3A_3115, %get3A_3116] {strides = array<i32>} : memref<8x64xf32, #tpu.memory_space<vmem>>, vector<16xf32>,
      %add3A_3118 = arith.addf %get3A_3113, %get3A_3117 : vector<16xf32>
      %swap3A_3119 = arith.constant 0 : i32
      %swap3A_3120 = arith.index_cast %swap3A_3119 : i32 to index
      %swap3A_3121 = arith.constant 32 : index
      %swap3A_3122 = tpu.vector_load %arg11[%swap3A_3120, %swap3A_3121] {strides = array<i32>} : memref<8x64xf32, #tpu.memory_space<vmem>>, vector<16xf32>,
      tpu.vector_store %arg11[%swap3A_3120, %swap3A_3121], %add3A_3118 {strides = array<i32>} : memref<8x64xf32, #tpu.memory_space<vmem>>, vector<16xf32>,
      %get3A_3123 = arith.constant 0 : i32
      %get3A_3124 = arith.index_cast %get3A_3123 : i32 to index
      %get3A_3125 = arith.constant 48 : index
      %get3A_3126 = tpu.vector_load %arg11[%get3A_3124, %get3A_3125] {strides = array<i32>} : memref<8x64xf32, #tpu.memory_space<vmem>>, vector<16xf32>,
      %get3A_3127 = arith.constant 0 : i32
      %get3A_3128 = arith.index_cast %get3A_3127 : i32 to index
      %get3A_3129 = arith.constant 48 : index
      %get3A_3130 = tpu.vector_load %arg13[%get3A_3128, %get3A_3129] {strides = array<i32>} : memref<8x64xf32, #tpu.memory_space<vmem>>, vector<16xf32>,
      %add3A_3131 = arith.addf %get3A_3126, %get3A_3130 : vector<16xf32>
      %swap3A_3132 = arith.constant 0 : i32
      %swap3A_3133 = arith.index_cast %swap3A_3132 : i32 to index
      %swap3A_3134 = arith.constant 48 : index
      %swap3A_3135 = tpu.vector_load %arg11[%swap3A_3133, %swap3A_3134] {strides = array<i32>} : memref<8x64xf32, #tpu.memory_space<vmem>>, vector<16xf32>,
      tpu.vector_store %arg11[%swap3A_3133, %swap3A_3134], %add3A_3131 {strides = array<i32>} : memref<8x64xf32, #tpu.memory_space<vmem>>, vector<16xf32>,
      %get3A_3136 = arith.constant 1 : i32
      %get3A_3137 = arith.index_cast %get3A_3136 : i32 to index
      %get3A_3138 = arith.constant 0 : index
      %get3A_3139 = tpu.vector_load %arg11[%get3A_3137, %get3A_3138] {strides = array<i32>} : memref<8x64xf32, #tpu.memory_space<vmem>>, vector<16xf32>,
      %get3A_3140 = arith.constant 1 : i32
      %get3A_3141 = arith.index_cast %get3A_3140 : i32 to index
      %get3A_3142 = arith.constant 0 : index
      %get3A_3143 = tpu.vector_load %arg13[%get3A_3141, %get3A_3142] {strides = array<i32>} : memref<8x64xf32, #tpu.memory_space<vmem>>, vector<16xf32>,
      %add3A_3144 = arith.addf %get3A_3139, %get3A_3143 : vector<16xf32>
      %swap3A_3145 = arith.constant 1 : i32
      %swap3A_3146 = arith.index_cast %swap3A_3145 : i32 to index
      %swap3A_3147 = arith.constant 0 : index
      %swap3A_3148 = tpu.vector_load %arg11[%swap3A_3146, %swap3A_3147] {strides = array<i32>} : memref<8x64xf32, #tpu.memory_space<vmem>>, vector<16xf32>,
      tpu.vector_store %arg11[%swap3A_3146, %swap3A_3147], %add3A_3144 {strides = array<i32>} : memref<8x64xf32, #tpu.memory_space<vmem>>, vector<16xf32>,
      %get3A_3149 = arith.constant 1 : i32
      %get3A_3150 = arith.index_cast %get3A_3149 : i32 to index
      %get3A_3151 = arith.constant 16 : index
      %get3A_3152 = tpu.vector_load %arg11[%get3A_3150, %get3A_3151] {strides = array<i32>} : memref<8x64xf32, #tpu.memory_space<vmem>>, vector<16xf32>,
      %get3A_3153 = arith.constant 1 : i32
      %get3A_3154 = arith.index_cast %get3A_3153 : i32 to index
      %get3A_3155 = arith.constant 16 : index
      %get3A_3156 = tpu.vector_load %arg13[%get3A_3154, %get3A_3155] {strides = array<i32>} : memref<8x64xf32, #tpu.memory_space<vmem>>, vector<16xf32>,
      %add3A_3157 = arith.addf %get3A_3152, %get3A_3156 : vector<16xf32>
      %swap3A_3158 = arith.constant 1 : i32
      %swap3A_3159 = arith.index_cast %swap3A_3158 : i32 to index
      %swap3A_3160 = arith.constant 16 : index
      %swap3A_3161 = tpu.vector_load %arg11[%swap3A_3159, %swap3A_3160] {strides = array<i32>} : memref<8x64xf32, #tpu.memory_space<vmem>>, vector<16xf32>,
      tpu.vector_store %arg11[%swap3A_3159, %swap3A_3160], %add3A_3157 {strides = array<i32>} : memref<8x64xf32, #tpu.memory_space<vmem>>, vector<16xf32>,
      %get3A_3162 = arith.constant 1 : i32
      %get3A_3163 = arith.index_cast %get3A_3162 : i32 to index
      %get3A_3164 = arith.constant 32 : index
      %get3A_3165 = tpu.vector_load %arg11[%get3A_3163, %get3A_3164] {strides = array<i32>} : memref<8x64xf32, #tpu.memory_space<vmem>>, vector<16xf32>,
      %get3A_3166 = arith.constant 1 : i32
      %get3A_3167 = arith.index_cast %get3A_3166 : i32 to index
      %get3A_3168 = arith.constant 32 : index
      %get3A_3169 = tpu.vector_load %arg13[%get3A_3167, %get3A_3168] {strides = array<i32>} : memref<8x64xf32, #tpu.memory_space<vmem>>, vector<16xf32>,
      %add3A_3170 = arith.addf %get3A_3165, %get3A_3169 : vector<16xf32>
      %swap3A_3171 = arith.constant 1 : i32
      %swap3A_3172 = arith.index_cast %swap3A_3171 : i32 to index
      %swap3A_3173 = arith.constant 32 : index
      %swap3A_3174 = tpu.vector_load %arg11[%swap3A_3172, %swap3A_3173] {strides = array<i32>} : memref<8x64xf32, #tpu.memory_space<vmem>>, vector<16xf32>,
      tpu.vector_store %arg11[%swap3A_3172, %swap3A_3173], %add3A_3170 {strides = array<i32>} : memref<8x64xf32, #tpu.memory_space<vmem>>, vector<16xf32>,
      %get3A_3175 = arith.constant 1 : i32
      %get3A_3176 = arith.index_cast %get3A_3175 : i32 to index
      %get3A_3177 = arith.constant 48 : index
      %get3A_3178 = tpu.vector_load %arg11[%get3A_3176, %get3A_3177] {strides = array<i32>} : memref<8x64xf32, #tpu.memory_space<vmem>>, vector<16xf32>,
      %get3A_3179 = arith.constant 1 : i32
      %get3A_3180 = arith.index_cast %get3A_3179 : i32 to index
      %get3A_3181 = arith.constant 48 : index
      %get3A_3182 = tpu.vector_load %arg13[%get3A_3180, %get3A_3181] {strides = array<i32>} : memref<8x64xf32, #tpu.memory_space<vmem>>, vector<16xf32>,
      %add3A_3183 = arith.addf %get3A_3178, %get3A_3182 : vector<16xf32>
      %swap3A_3184 = arith.constant 1 : i32
      %swap3A_3185 = arith.index_cast %swap3A_3184 : i32 to index
      %swap3A_3186 = arith.constant 48 : index
      %swap3A_3187 = tpu.vector_load %arg11[%swap3A_3185, %swap3A_3186] {strides = array<i32>} : memref<8x64xf32, #tpu.memory_space<vmem>>, vector<16xf32>,
      tpu.vector_store %arg11[%swap3A_3185, %swap3A_3186], %add3A_3183 {strides = array<i32>} : memref<8x64xf32, #tpu.memory_space<vmem>>, vector<16xf32>,
      %get3A_3188 = arith.constant 2 : i32
      %get3A_3189 = arith.index_cast %get3A_3188 : i32 to index
      %get3A_3190 = arith.constant 0 : index
      %get3A_3191 = tpu.vector_load %arg11[%get3A_3189, %get3A_3190] {strides = array<i32>} : memref<8x64xf32, #tpu.memory_space<vmem>>, vector<16xf32>,
      %get3A_3192 = arith.constant 2 : i32
      %get3A_3193 = arith.index_cast %get3A_3192 : i32 to index
      %get3A_3194 = arith.constant 0 : index
      %get3A_3195 = tpu.vector_load %arg13[%get3A_3193, %get3A_3194] {strides = array<i32>} : memref<8x64xf32, #tpu.memory_space<vmem>>, vector<16xf32>,
      %add3A_3196 = arith.addf %get3A_3191, %get3A_3195 : vector<16xf32>
      %swap3A_3197 = arith.constant 2 : i32
      %swap3A_3198 = arith.index_cast %swap3A_3197 : i32 to index
      %swap3A_3199 = arith.constant 0 : index
      %swap3A_3200 = tpu.vector_load %arg11[%swap3A_3198, %swap3A_3199] {strides = array<i32>} : memref<8x64xf32, #tpu.memory_space<vmem>>, vector<16xf32>,
      tpu.vector_store %arg11[%swap3A_3198, %swap3A_3199], %add3A_3196 {strides = array<i32>} : memref<8x64xf32, #tpu.memory_space<vmem>>, vector<16xf32>,
      %get3A_3201 = arith.constant 2 : i32
      %get3A_3202 = arith.index_cast %get3A_3201 : i32 to index
      %get3A_3203 = arith.constant 16 : index
      %get3A_3204 = tpu.vector_load %arg11[%get3A_3202, %get3A_3203] {strides = array<i32>} : memref<8x64xf32, #tpu.memory_space<vmem>>, vector<16xf32>,
      %get3A_3205 = arith.constant 2 : i32
      %get3A_3206 = arith.index_cast %get3A_3205 : i32 to index
      %get3A_3207 = arith.constant 16 : index
      %get3A_3208 = tpu.vector_load %arg13[%get3A_3206, %get3A_3207] {strides = array<i32>} : memref<8x64xf32, #tpu.memory_space<vmem>>, vector<16xf32>,
      %add3A_3209 = arith.addf %get3A_3204, %get3A_3208 : vector<16xf32>
      %swap3A_3210 = arith.constant 2 : i32
      %swap3A_3211 = arith.index_cast %swap3A_3210 : i32 to index
      %swap3A_3212 = arith.constant 16 : index
      %swap3A_3213 = tpu.vector_load %arg11[%swap3A_3211, %swap3A_3212] {strides = array<i32>} : memref<8x64xf32, #tpu.memory_space<vmem>>, vector<16xf32>,
      tpu.vector_store %arg11[%swap3A_3211, %swap3A_3212], %add3A_3209 {strides = array<i32>} : memref<8x64xf32, #tpu.memory_space<vmem>>, vector<16xf32>,
      %get3A_3214 = arith.constant 2 : i32
      %get3A_3215 = arith.index_cast %get3A_3214 : i32 to index
      %get3A_3216 = arith.constant 32 : index
      %get3A_3217 = tpu.vector_load %arg11[%get3A_3215, %get3A_3216] {strides = array<i32>} : memref<8x64xf32, #tpu.memory_space<vmem>>, vector<16xf32>,
      %get3A_3218 = arith.constant 2 : i32
      %get3A_3219 = arith.index_cast %get3A_3218 : i32 to index
      %get3A_3220 = arith.constant 32 : index
      %get3A_3221 = tpu.vector_load %arg13[%get3A_3219, %get3A_3220] {strides = array<i32>} : memref<8x64xf32, #tpu.memory_space<vmem>>, vector<16xf32>,
      %add3A_3222 = arith.addf %get3A_3217, %get3A_3221 : vector<16xf32>
      %swap3A_3223 = arith.constant 2 : i32
      %swap3A_3224 = arith.index_cast %swap3A_3223 : i32 to index
      %swap3A_3225 = arith.constant 32 : index
      %swap3A_3226 = tpu.vector_load %arg11[%swap3A_3224, %swap3A_3225] {strides = array<i32>} : memref<8x64xf32, #tpu.memory_space<vmem>>, vector<16xf32>,
      tpu.vector_store %arg11[%swap3A_3224, %swap3A_3225], %add3A_3222 {strides = array<i32>} : memref<8x64xf32, #tpu.memory_space<vmem>>, vector<16xf32>,
      %get3A_3227 = arith.constant 2 : i32
      %get3A_3228 = arith.index_cast %get3A_3227 : i32 to index
      %get3A_3229 = arith.constant 48 : index
      %get3A_3230 = tpu.vector_load %arg11[%get3A_3228, %get3A_3229] {strides = array<i32>} : memref<8x64xf32, #tpu.memory_space<vmem>>, vector<16xf32>,
      %get3A_3231 = arith.constant 2 : i32
      %get3A_3232 = arith.index_cast %get3A_3231 : i32 to index
      %get3A_3233 = arith.constant 48 : index
      %get3A_3234 = tpu.vector_load %arg13[%get3A_3232, %get3A_3233] {strides = array<i32>} : memref<8x64xf32, #tpu.memory_space<vmem>>, vector<16xf32>,
      %add3A_3235 = arith.addf %get3A_3230, %get3A_3234 : vector<16xf32>
      %swap3A_3236 = arith.constant 2 : i32
      %swap3A_3237 = arith.index_cast %swap3A_3236 : i32 to index
      %swap3A_3238 = arith.constant 48 : index
      %swap3A_3239 = tpu.vector_load %arg11[%swap3A_3237, %swap3A_3238] {strides = array<i32>} : memref<8x64xf32, #tpu.memory_space<vmem>>, vector<16xf32>,
      tpu.vector_store %arg11[%swap3A_3237, %swap3A_3238], %add3A_3235 {strides = array<i32>} : memref<8x64xf32, #tpu.memory_space<vmem>>, vector<16xf32>,
      %get3A_3240 = arith.constant 3 : i32
      %get3A_3241 = arith.index_cast %get3A_3240 : i32 to index
      %get3A_3242 = arith.constant 0 : index
      %get3A_3243 = tpu.vector_load %arg11[%get3A_3241, %get3A_3242] {strides = array<i32>} : memref<8x64xf32, #tpu.memory_space<vmem>>, vector<16xf32>,
      %get3A_3244 = arith.constant 3 : i32
      %get3A_3245 = arith.index_cast %get3A_3244 : i32 to index
      %get3A_3246 = arith.constant 0 : index
      %get3A_3247 = tpu.vector_load %arg13[%get3A_3245, %get3A_3246] {strides = array<i32>} : memref<8x64xf32, #tpu.memory_space<vmem>>, vector<16xf32>,
      %add3A_3248 = arith.addf %get3A_3243, %get3A_3247 : vector<16xf32>
      %swap3A_3249 = arith.constant 3 : i32
      %swap3A_3250 = arith.index_cast %swap3A_3249 : i32 to index
      %swap3A_3251 = arith.constant 0 : index
      %swap3A_3252 = tpu.vector_load %arg11[%swap3A_3250, %swap3A_3251] {strides = array<i32>} : memref<8x64xf32, #tpu.memory_space<vmem>>, vector<16xf32>,
      tpu.vector_store %arg11[%swap3A_3250, %swap3A_3251], %add3A_3248 {strides = array<i32>} : memref<8x64xf32, #tpu.memory_space<vmem>>, vector<16xf32>,
      %get3A_3253 = arith.constant 3 : i32
      %get3A_3254 = arith.index_cast %get3A_3253 : i32 to index
      %get3A_3255 = arith.constant 16 : index
      %get3A_3256 = tpu.vector_load %arg11[%get3A_3254, %get3A_3255] {strides = array<i32>} : memref<8x64xf32, #tpu.memory_space<vmem>>, vector<16xf32>,
      %get3A_3257 = arith.constant 3 : i32
      %get3A_3258 = arith.index_cast %get3A_3257 : i32 to index
      %get3A_3259 = arith.constant 16 : index
      %get3A_3260 = tpu.vector_load %arg13[%get3A_3258, %get3A_3259] {strides = array<i32>} : memref<8x64xf32, #tpu.memory_space<vmem>>, vector<16xf32>,
      %add3A_3261 = arith.addf %get3A_3256, %get3A_3260 : vector<16xf32>
      %swap3A_3262 = arith.constant 3 : i32
      %swap3A_3263 = arith.index_cast %swap3A_3262 : i32 to index
      %swap3A_3264 = arith.constant 16 : index
      %swap3A_3265 = tpu.vector_load %arg11[%swap3A_3263, %swap3A_3264] {strides = array<i32>} : memref<8x64xf32, #tpu.memory_space<vmem>>, vector<16xf32>,
      tpu.vector_store %arg11[%swap3A_3263, %swap3A_3264], %add3A_3261 {strides = array<i32>} : memref<8x64xf32, #tpu.memory_space<vmem>>, vector<16xf32>,
      %get3A_3266 = arith.constant 3 : i32
      %get3A_3267 = arith.index_cast %get3A_3266 : i32 to index
      %get3A_3268 = arith.constant 32 : index
      %get3A_3269 = tpu.vector_load %arg11[%get3A_3267, %get3A_3268] {strides = array<i32>} : memref<8x64xf32, #tpu.memory_space<vmem>>, vector<16xf32>,
      %get3A_3270 = arith.constant 3 : i32
      %get3A_3271 = arith.index_cast %get3A_3270 : i32 to index
      %get3A_3272 = arith.constant 32 : index
      %get3A_3273 = tpu.vector_load %arg13[%get3A_3271, %get3A_3272] {strides = array<i32>} : memref<8x64xf32, #tpu.memory_space<vmem>>, vector<16xf32>,
      %add3A_3274 = arith.addf %get3A_3269, %get3A_3273 : vector<16xf32>
      %swap3A_3275 = arith.constant 3 : i32
      %swap3A_3276 = arith.index_cast %swap3A_3275 : i32 to index
      %swap3A_3277 = arith.constant 32 : index
      %swap3A_3278 = tpu.vector_load %arg11[%swap3A_3276, %swap3A_3277] {strides = array<i32>} : memref<8x64xf32, #tpu.memory_space<vmem>>, vector<16xf32>,
      tpu.vector_store %arg11[%swap3A_3276, %swap3A_3277], %add3A_3274 {strides = array<i32>} : memref<8x64xf32, #tpu.memory_space<vmem>>, vector<16xf32>,
      %get3A_3279 = arith.constant 3 : i32
      %get3A_3280 = arith.index_cast %get3A_3279 : i32 to index
      %get3A_3281 = arith.constant 48 : index
      %get3A_3282 = tpu.vector_load %arg11[%get3A_3280, %get3A_3281] {strides = array<i32>} : memref<8x64xf32, #tpu.memory_space<vmem>>, vector<16xf32>,
      %get3A_3283 = arith.constant 3 : i32
      %get3A_3284 = arith.index_cast %get3A_3283 : i32 to index
      %get3A_3285 = arith.constant 48 : index
      %get3A_3286 = tpu.vector_load %arg13[%get3A_3284, %get3A_3285] {strides = array<i32>} : memref<8x64xf32, #tpu.memory_space<vmem>>, vector<16xf32>,
      %add3A_3287 = arith.addf %get3A_3282, %get3A_3286 : vector<16xf32>
      %swap3A_3288 = arith.constant 3 : i32
      %swap3A_3289 = arith.index_cast %swap3A_3288 : i32 to index
      %swap3A_3290 = arith.constant 48 : index
      %swap3A_3291 = tpu.vector_load %arg11[%swap3A_3289, %swap3A_3290] {strides = array<i32>} : memref<8x64xf32, #tpu.memory_space<vmem>>, vector<16xf32>,
      tpu.vector_store %arg11[%swap3A_3289, %swap3A_3290], %add3A_3287 {strides = array<i32>} : memref<8x64xf32, #tpu.memory_space<vmem>>, vector<16xf32>,
      %get3A_3292 = arith.constant 4 : i32
      %get3A_3293 = arith.index_cast %get3A_3292 : i32 to index
      %get3A_3294 = arith.constant 0 : index
      %get3A_3295 = tpu.vector_load %arg11[%get3A_3293, %get3A_3294] {strides = array<i32>} : memref<8x64xf32, #tpu.memory_space<vmem>>, vector<16xf32>,
      %get3A_3296 = arith.constant 4 : i32
      %get3A_3297 = arith.index_cast %get3A_3296 : i32 to index
      %get3A_3298 = arith.constant 0 : index
      %get3A_3299 = tpu.vector_load %arg13[%get3A_3297, %get3A_3298] {strides = array<i32>} : memref<8x64xf32, #tpu.memory_space<vmem>>, vector<16xf32>,
      %add3A_3300 = arith.addf %get3A_3295, %get3A_3299 : vector<16xf32>
      %swap3A_3301 = arith.constant 4 : i32
      %swap3A_3302 = arith.index_cast %swap3A_3301 : i32 to index
      %swap3A_3303 = arith.constant 0 : index
      %swap3A_3304 = tpu.vector_load %arg11[%swap3A_3302, %swap3A_3303] {strides = array<i32>} : memref<8x64xf32, #tpu.memory_space<vmem>>, vector<16xf32>,
      tpu.vector_store %arg11[%swap3A_3302, %swap3A_3303], %add3A_3300 {strides = array<i32>} : memref<8x64xf32, #tpu.memory_space<vmem>>, vector<16xf32>,
      %get3A_3305 = arith.constant 4 : i32
      %get3A_3306 = arith.index_cast %get3A_3305 : i32 to index
      %get3A_3307 = arith.constant 16 : index
      %get3A_3308 = tpu.vector_load %arg11[%get3A_3306, %get3A_3307] {strides = array<i32>} : memref<8x64xf32, #tpu.memory_space<vmem>>, vector<16xf32>,
      %get3A_3309 = arith.constant 4 : i32
      %get3A_3310 = arith.index_cast %get3A_3309 : i32 to index
      %get3A_3311 = arith.constant 16 : index
      %get3A_3312 = tpu.vector_load %arg13[%get3A_3310, %get3A_3311] {strides = array<i32>} : memref<8x64xf32, #tpu.memory_space<vmem>>, vector<16xf32>,
      %add3A_3313 = arith.addf %get3A_3308, %get3A_3312 : vector<16xf32>
      %swap3A_3314 = arith.constant 4 : i32
      %swap3A_3315 = arith.index_cast %swap3A_3314 : i32 to index
      %swap3A_3316 = arith.constant 16 : index
      %swap3A_3317 = tpu.vector_load %arg11[%swap3A_3315, %swap3A_3316] {strides = array<i32>} : memref<8x64xf32, #tpu.memory_space<vmem>>, vector<16xf32>,
      tpu.vector_store %arg11[%swap3A_3315, %swap3A_3316], %add3A_3313 {strides = array<i32>} : memref<8x64xf32, #tpu.memory_space<vmem>>, vector<16xf32>,
      %get3A_3318 = arith.constant 4 : i32
      %get3A_3319 = arith.index_cast %get3A_3318 : i32 to index
      %get3A_3320 = arith.constant 32 : index
      %get3A_3321 = tpu.vector_load %arg11[%get3A_3319, %get3A_3320] {strides = array<i32>} : memref<8x64xf32, #tpu.memory_space<vmem>>, vector<16xf32>,
      %get3A_3322 = arith.constant 4 : i32
      %get3A_3323 = arith.index_cast %get3A_3322 : i32 to index
      %get3A_3324 = arith.constant 32 : index
      %get3A_3325 = tpu.vector_load %arg13[%get3A_3323, %get3A_3324] {strides = array<i32>} : memref<8x64xf32, #tpu.memory_space<vmem>>, vector<16xf32>,
      %add3A_3326 = arith.addf %get3A_3321, %get3A_3325 : vector<16xf32>
      %swap3A_3327 = arith.constant 4 : i32
      %swap3A_3328 = arith.index_cast %swap3A_3327 : i32 to index
      %swap3A_3329 = arith.constant 32 : index
      %swap3A_3330 = tpu.vector_load %arg11[%swap3A_3328, %swap3A_3329] {strides = array<i32>} : memref<8x64xf32, #tpu.memory_space<vmem>>, vector<16xf32>,
      tpu.vector_store %arg11[%swap3A_3328, %swap3A_3329], %add3A_3326 {strides = array<i32>} : memref<8x64xf32, #tpu.memory_space<vmem>>, vector<16xf32>,
      %get3A_3331 = arith.constant 4 : i32
      %get3A_3332 = arith.index_cast %get3A_3331 : i32 to index
      %get3A_3333 = arith.constant 48 : index
      %get3A_3334 = tpu.vector_load %arg11[%get3A_3332, %get3A_3333] {strides = array<i32>} : memref<8x64xf32, #tpu.memory_space<vmem>>, vector<16xf32>,
      %get3A_3335 = arith.constant 4 : i32
      %get3A_3336 = arith.index_cast %get3A_3335 : i32 to index
      %get3A_3337 = arith.constant 48 : index
      %get3A_3338 = tpu.vector_load %arg13[%get3A_3336, %get3A_3337] {strides = array<i32>} : memref<8x64xf32, #tpu.memory_space<vmem>>, vector<16xf32>,
      %add3A_3339 = arith.addf %get3A_3334, %get3A_3338 : vector<16xf32>
      %swap3A_3340 = arith.constant 4 : i32
      %swap3A_3341 = arith.index_cast %swap3A_3340 : i32 to index
      %swap3A_3342 = arith.constant 48 : index
      %swap3A_3343 = tpu.vector_load %arg11[%swap3A_3341, %swap3A_3342] {strides = array<i32>} : memref<8x64xf32, #tpu.memory_space<vmem>>, vector<16xf32>,
      tpu.vector_store %arg11[%swap3A_3341, %swap3A_3342], %add3A_3339 {strides = array<i32>} : memref<8x64xf32, #tpu.memory_space<vmem>>, vector<16xf32>,
      %get3A_3344 = arith.constant 5 : i32
      %get3A_3345 = arith.index_cast %get3A_3344 : i32 to index
      %get3A_3346 = arith.constant 0 : index
      %get3A_3347 = tpu.vector_load %arg11[%get3A_3345, %get3A_3346] {strides = array<i32>} : memref<8x64xf32, #tpu.memory_space<vmem>>, vector<16xf32>,
      %get3A_3348 = arith.constant 5 : i32
      %get3A_3349 = arith.index_cast %get3A_3348 : i32 to index
      %get3A_3350 = arith.constant 0 : index
      %get3A_3351 = tpu.vector_load %arg13[%get3A_3349, %get3A_3350] {strides = array<i32>} : memref<8x64xf32, #tpu.memory_space<vmem>>, vector<16xf32>,
      %add3A_3352 = arith.addf %get3A_3347, %get3A_3351 : vector<16xf32>
      %swap3A_3353 = arith.constant 5 : i32
      %swap3A_3354 = arith.index_cast %swap3A_3353 : i32 to index
      %swap3A_3355 = arith.constant 0 : index
      %swap3A_3356 = tpu.vector_load %arg11[%swap3A_3354, %swap3A_3355] {strides = array<i32>} : memref<8x64xf32, #tpu.memory_space<vmem>>, vector<16xf32>,
      tpu.vector_store %arg11[%swap3A_3354, %swap3A_3355], %add3A_3352 {strides = array<i32>} : memref<8x64xf32, #tpu.memory_space<vmem>>, vector<16xf32>,
      %get3A_3357 = arith.constant 5 : i32
      %get3A_3358 = arith.index_cast %get3A_3357 : i32 to index
      %get3A_3359 = arith.constant 16 : index
      %get3A_3360 = tpu.vector_load %arg11[%get3A_3358, %get3A_3359] {strides = array<i32>} : memref<8x64xf32, #tpu.memory_space<vmem>>, vector<16xf32>,
      %get3A_3361 = arith.constant 5 : i32
      %get3A_3362 = arith.index_cast %get3A_3361 : i32 to index
      %get3A_3363 = arith.constant 16 : index
      %get3A_3364 = tpu.vector_load %arg13[%get3A_3362, %get3A_3363] {strides = array<i32>} : memref<8x64xf32, #tpu.memory_space<vmem>>, vector<16xf32>,
      %add3A_3365 = arith.addf %get3A_3360, %get3A_3364 : vector<16xf32>
      %swap3A_3366 = arith.constant 5 : i32
      %swap3A_3367 = arith.index_cast %swap3A_3366 : i32 to index
      %swap3A_3368 = arith.constant 16 : index
      %swap3A_3369 = tpu.vector_load %arg11[%swap3A_3367, %swap3A_3368] {strides = array<i32>} : memref<8x64xf32, #tpu.memory_space<vmem>>, vector<16xf32>,
      tpu.vector_store %arg11[%swap3A_3367, %swap3A_3368], %add3A_3365 {strides = array<i32>} : memref<8x64xf32, #tpu.memory_space<vmem>>, vector<16xf32>,
      %get3A_3370 = arith.constant 5 : i32
      %get3A_3371 = arith.index_cast %get3A_3370 : i32 to index
      %get3A_3372 = arith.constant 32 : index
      %get3A_3373 = tpu.vector_load %arg11[%get3A_3371, %get3A_3372] {strides = array<i32>} : memref<8x64xf32, #tpu.memory_space<vmem>>, vector<16xf32>,
      %get3A_3374 = arith.constant 5 : i32
      %get3A_3375 = arith.index_cast %get3A_3374 : i32 to index
      %get3A_3376 = arith.constant 32 : index
      %get3A_3377 = tpu.vector_load %arg13[%get3A_3375, %get3A_3376] {strides = array<i32>} : memref<8x64xf32, #tpu.memory_space<vmem>>, vector<16xf32>,
      %add3A_3378 = arith.addf %get3A_3373, %get3A_3377 : vector<16xf32>
      %swap3A_3379 = arith.constant 5 : i32
      %swap3A_3380 = arith.index_cast %swap3A_3379 : i32 to index
      %swap3A_3381 = arith.constant 32 : index
      %swap3A_3382 = tpu.vector_load %arg11[%swap3A_3380, %swap3A_3381] {strides = array<i32>} : memref<8x64xf32, #tpu.memory_space<vmem>>, vector<16xf32>,
      tpu.vector_store %arg11[%swap3A_3380, %swap3A_3381], %add3A_3378 {strides = array<i32>} : memref<8x64xf32, #tpu.memory_space<vmem>>, vector<16xf32>,
      %get3A_3383 = arith.constant 5 : i32
      %get3A_3384 = arith.index_cast %get3A_3383 : i32 to index
      %get3A_3385 = arith.constant 48 : index
      %get3A_3386 = tpu.vector_load %arg11[%get3A_3384, %get3A_3385] {strides = array<i32>} : memref<8x64xf32, #tpu.memory_space<vmem>>, vector<16xf32>,
      %get3A_3387 = arith.constant 5 : i32
      %get3A_3388 = arith.index_cast %get3A_3387 : i32 to index
      %get3A_3389 = arith.constant 48 : index
      %get3A_3390 = tpu.vector_load %arg13[%get3A_3388, %get3A_3389] {strides = array<i32>} : memref<8x64xf32, #tpu.memory_space<vmem>>, vector<16xf32>,
      %add3A_3391 = arith.addf %get3A_3386, %get3A_3390 : vector<16xf32>
      %swap3A_3392 = arith.constant 5 : i32
      %swap3A_3393 = arith.index_cast %swap3A_3392 : i32 to index
      %swap3A_3394 = arith.constant 48 : index
      %swap3A_3395 = tpu.vector_load %arg11[%swap3A_3393, %swap3A_3394] {strides = array<i32>} : memref<8x64xf32, #tpu.memory_space<vmem>>, vector<16xf32>,
      tpu.vector_store %arg11[%swap3A_3393, %swap3A_3394], %add3A_3391 {strides = array<i32>} : memref<8x64xf32, #tpu.memory_space<vmem>>, vector<16xf32>,
      %get3A_3396 = arith.constant 6 : i32
      %get3A_3397 = arith.index_cast %get3A_3396 : i32 to index
      %get3A_3398 = arith.constant 0 : index
      %get3A_3399 = tpu.vector_load %arg11[%get3A_3397, %get3A_3398] {strides = array<i32>} : memref<8x64xf32, #tpu.memory_space<vmem>>, vector<16xf32>,
      %get3A_3400 = arith.constant 6 : i32
      %get3A_3401 = arith.index_cast %get3A_3400 : i32 to index
      %get3A_3402 = arith.constant 0 : index
      %get3A_3403 = tpu.vector_load %arg13[%get3A_3401, %get3A_3402] {strides = array<i32>} : memref<8x64xf32, #tpu.memory_space<vmem>>, vector<16xf32>,
      %add3A_3404 = arith.addf %get3A_3399, %get3A_3403 : vector<16xf32>
      %swap3A_3405 = arith.constant 6 : i32
      %swap3A_3406 = arith.index_cast %swap3A_3405 : i32 to index
      %swap3A_3407 = arith.constant 0 : index
      %swap3A_3408 = tpu.vector_load %arg11[%swap3A_3406, %swap3A_3407] {strides = array<i32>} : memref<8x64xf32, #tpu.memory_space<vmem>>, vector<16xf32>,
      tpu.vector_store %arg11[%swap3A_3406, %swap3A_3407], %add3A_3404 {strides = array<i32>} : memref<8x64xf32, #tpu.memory_space<vmem>>, vector<16xf32>,
      %get3A_3409 = arith.constant 6 : i32
      %get3A_3410 = arith.index_cast %get3A_3409 : i32 to index
      %get3A_3411 = arith.constant 16 : index
      %get3A_3412 = tpu.vector_load %arg11[%get3A_3410, %get3A_3411] {strides = array<i32>} : memref<8x64xf32, #tpu.memory_space<vmem>>, vector<16xf32>,
      %get3A_3413 = arith.constant 6 : i32
      %get3A_3414 = arith.index_cast %get3A_3413 : i32 to index
      %get3A_3415 = arith.constant 16 : index
      %get3A_3416 = tpu.vector_load %arg13[%get3A_3414, %get3A_3415] {strides = array<i32>} : memref<8x64xf32, #tpu.memory_space<vmem>>, vector<16xf32>,
      %add3A_3417 = arith.addf %get3A_3412, %get3A_3416 : vector<16xf32>
      %swap3A_3418 = arith.constant 6 : i32
      %swap3A_3419 = arith.index_cast %swap3A_3418 : i32 to index
      %swap3A_3420 = arith.constant 16 : index
      %swap3A_3421 = tpu.vector_load %arg11[%swap3A_3419, %swap3A_3420] {strides = array<i32>} : memref<8x64xf32, #tpu.memory_space<vmem>>, vector<16xf32>,
      tpu.vector_store %arg11[%swap3A_3419, %swap3A_3420], %add3A_3417 {strides = array<i32>} : memref<8x64xf32, #tpu.memory_space<vmem>>, vector<16xf32>,
      %get3A_3422 = arith.constant 6 : i32
      %get3A_3423 = arith.index_cast %get3A_3422 : i32 to index
      %get3A_3424 = arith.constant 32 : index
      %get3A_3425 = tpu.vector_load %arg11[%get3A_3423, %get3A_3424] {strides = array<i32>} : memref<8x64xf32, #tpu.memory_space<vmem>>, vector<16xf32>,
      %get3A_3426 = arith.constant 6 : i32
      %get3A_3427 = arith.index_cast %get3A_3426 : i32 to index
      %get3A_3428 = arith.constant 32 : index
      %get3A_3429 = tpu.vector_load %arg13[%get3A_3427, %get3A_3428] {strides = array<i32>} : memref<8x64xf32, #tpu.memory_space<vmem>>, vector<16xf32>,
      %add3A_3430 = arith.addf %get3A_3425, %get3A_3429 : vector<16xf32>
      %swap3A_3431 = arith.constant 6 : i32
      %swap3A_3432 = arith.index_cast %swap3A_3431 : i32 to index
      %swap3A_3433 = arith.constant 32 : index
      %swap3A_3434 = tpu.vector_load %arg11[%swap3A_3432, %swap3A_3433] {strides = array<i32>} : memref<8x64xf32, #tpu.memory_space<vmem>>, vector<16xf32>,
      tpu.vector_store %arg11[%swap3A_3432, %swap3A_3433], %add3A_3430 {strides = array<i32>} : memref<8x64xf32, #tpu.memory_space<vmem>>, vector<16xf32>,
      %get3A_3435 = arith.constant 6 : i32
      %get3A_3436 = arith.index_cast %get3A_3435 : i32 to index
      %get3A_3437 = arith.constant 48 : index
      %get3A_3438 = tpu.vector_load %arg11[%get3A_3436, %get3A_3437] {strides = array<i32>} : memref<8x64xf32, #tpu.memory_space<vmem>>, vector<16xf32>,
      %get3A_3439 = arith.constant 6 : i32
      %get3A_3440 = arith.index_cast %get3A_3439 : i32 to index
      %get3A_3441 = arith.constant 48 : index
      %get3A_3442 = tpu.vector_load %arg13[%get3A_3440, %get3A_3441] {strides = array<i32>} : memref<8x64xf32, #tpu.memory_space<vmem>>, vector<16xf32>,
      %add3A_3443 = arith.addf %get3A_3438, %get3A_3442 : vector<16xf32>
      %swap3A_3444 = arith.constant 6 : i32
      %swap3A_3445 = arith.index_cast %swap3A_3444 : i32 to index
      %swap3A_3446 = arith.constant 48 : index
      %swap3A_3447 = tpu.vector_load %arg11[%swap3A_3445, %swap3A_3446] {strides = array<i32>} : memref<8x64xf32, #tpu.memory_space<vmem>>, vector<16xf32>,
      tpu.vector_store %arg11[%swap3A_3445, %swap3A_3446], %add3A_3443 {strides = array<i32>} : memref<8x64xf32, #tpu.memory_space<vmem>>, vector<16xf32>,
      %get3A_3448 = arith.constant 7 : i32
      %get3A_3449 = arith.index_cast %get3A_3448 : i32 to index
      %get3A_3450 = arith.constant 0 : index
      %get3A_3451 = tpu.vector_load %arg11[%get3A_3449, %get3A_3450] {strides = array<i32>} : memref<8x64xf32, #tpu.memory_space<vmem>>, vector<16xf32>,
      %get3A_3452 = arith.constant 7 : i32
      %get3A_3453 = arith.index_cast %get3A_3452 : i32 to index
      %get3A_3454 = arith.constant 0 : index
      %get3A_3455 = tpu.vector_load %arg13[%get3A_3453, %get3A_3454] {strides = array<i32>} : memref<8x64xf32, #tpu.memory_space<vmem>>, vector<16xf32>,
      %add3A_3456 = arith.addf %get3A_3451, %get3A_3455 : vector<16xf32>
      %swap3A_3457 = arith.constant 7 : i32
      %swap3A_3458 = arith.index_cast %swap3A_3457 : i32 to index
      %swap3A_3459 = arith.constant 0 : index
      %swap3A_3460 = tpu.vector_load %arg11[%swap3A_3458, %swap3A_3459] {strides = array<i32>} : memref<8x64xf32, #tpu.memory_space<vmem>>, vector<16xf32>,
      tpu.vector_store %arg11[%swap3A_3458, %swap3A_3459], %add3A_3456 {strides = array<i32>} : memref<8x64xf32, #tpu.memory_space<vmem>>, vector<16xf32>,
      %get3A_3461 = arith.constant 7 : i32
      %get3A_3462 = arith.index_cast %get3A_3461 : i32 to index
      %get3A_3463 = arith.constant 16 : index
      %get3A_3464 = tpu.vector_load %arg11[%get3A_3462, %get3A_3463] {strides = array<i32>} : memref<8x64xf32, #tpu.memory_space<vmem>>, vector<16xf32>,
      %get3A_3465 = arith.constant 7 : i32
      %get3A_3466 = arith.index_cast %get3A_3465 : i32 to index
      %get3A_3467 = arith.constant 16 : index
      %get3A_3468 = tpu.vector_load %arg13[%get3A_3466, %get3A_3467] {strides = array<i32>} : memref<8x64xf32, #tpu.memory_space<vmem>>, vector<16xf32>,
      %add3A_3469 = arith.addf %get3A_3464, %get3A_3468 : vector<16xf32>
      %swap3A_3470 = arith.constant 7 : i32
      %swap3A_3471 = arith.index_cast %swap3A_3470 : i32 to index
      %swap3A_3472 = arith.constant 16 : index
      %swap3A_3473 = tpu.vector_load %arg11[%swap3A_3471, %swap3A_3472] {strides = array<i32>} : memref<8x64xf32, #tpu.memory_space<vmem>>, vector<16xf32>,
      tpu.vector_store %arg11[%swap3A_3471, %swap3A_3472], %add3A_3469 {strides = array<i32>} : memref<8x64xf32, #tpu.memory_space<vmem>>, vector<16xf32>,
      %get3A_3474 = arith.constant 7 : i32
      %get3A_3475 = arith.index_cast %get3A_3474 : i32 to index
      %get3A_3476 = arith.constant 32 : index
      %get3A_3477 = tpu.vector_load %arg11[%get3A_3475, %get3A_3476] {strides = array<i32>} : memref<8x64xf32, #tpu.memory_space<vmem>>, vector<16xf32>,
      %get3A_3478 = arith.constant 7 : i32
      %get3A_3479 = arith.index_cast %get3A_3478 : i32 to index
      %get3A_3480 = arith.constant 32 : index
      %get3A_3481 = tpu.vector_load %arg13[%get3A_3479, %get3A_3480] {strides = array<i32>} : memref<8x64xf32, #tpu.memory_space<vmem>>, vector<16xf32>,
      %add3A_3482 = arith.addf %get3A_3477, %get3A_3481 : vector<16xf32>
      %swap3A_3483 = arith.constant 7 : i32
      %swap3A_3484 = arith.index_cast %swap3A_3483 : i32 to index
      %swap3A_3485 = arith.constant 32 : index
      %swap3A_3486 = tpu.vector_load %arg11[%swap3A_3484, %swap3A_3485] {strides = array<i32>} : memref<8x64xf32, #tpu.memory_space<vmem>>, vector<16xf32>,
      tpu.vector_store %arg11[%swap3A_3484, %swap3A_3485], %add3A_3482 {strides = array<i32>} : memref<8x64xf32, #tpu.memory_space<vmem>>, vector<16xf32>,
      %get3A_3487 = arith.constant 7 : i32
      %get3A_3488 = arith.index_cast %get3A_3487 : i32 to index
      %get3A_3489 = arith.constant 48 : index
      %get3A_3490 = tpu.vector_load %arg11[%get3A_3488, %get3A_3489] {strides = array<i32>} : memref<8x64xf32, #tpu.memory_space<vmem>>, vector<16xf32>,
      %get3A_3491 = arith.constant 7 : i32
      %get3A_3492 = arith.index_cast %get3A_3491 : i32 to index
      %get3A_3493 = arith.constant 48 : index
      %get3A_3494 = tpu.vector_load %arg13[%get3A_3492, %get3A_3493] {strides = array<i32>} : memref<8x64xf32, #tpu.memory_space<vmem>>, vector<16xf32>,
      %add3A_3495 = arith.addf %get3A_3490, %get3A_3494 : vector<16xf32>
      %swap3A_3496 = arith.constant 7 : i32
      %swap3A_3497 = arith.index_cast %swap3A_3496 : i32 to index
      %swap3A_3498 = arith.constant 48 : index
      %swap3A_3499 = tpu.vector_load %arg11[%swap3A_3497, %swap3A_3498] {strides = array<i32>} : memref<8x64xf32, #tpu.memory_space<vmem>>, vector<16xf32>,
      tpu.vector_store %arg11[%swap3A_3497, %swap3A_3498], %add3A_3495 {strides = array<i32>} : memref<8x64xf32, #tpu.memory_space<vmem>>, vector<16xf32>,
      "tpu.region"() ({
        %run_scoped3A_3917 = tpu.sem_alloc : memref<!tpu.dma_semaphore, #tpu.memory_space<semaphore_mem>>
        %dma_start3A_3918 = arith.constant 0 : i32
        %dma_start3A_3919 = tpu.memref_slice %arg15[%scan3A_3082, %dma_start3A_3918, %mul3A_2419] : memref<16x8x1024xf32, #tpu.memory_space<vmem_shared>> -> memref<1x8x64xf32, #tpu.memory_space<vmem_shared>>
        %dma_start3A_3920 = tpu.memref_squeeze %dma_start3A_3919 : memref<1x8x64xf32, #tpu.memory_space<vmem_shared>> -> memref<8x64xf32, #tpu.memory_space<vmem_shared>>
        %dma_start3A_3921 = arith.constant 0 : i32
        %dma_start3A_3922 = tpu.memref_slice %arg15[%scan3A_3082, %dma_start3A_3921, %mul3A_2419] : memref<16x8x1024xf32, #tpu.memory_space<vmem_shared>> -> memref<1x8x64xf32, #tpu.memory_space<vmem_shared>>
        %dma_start3A_3923 = tpu.memref_squeeze %dma_start3A_3922 : memref<1x8x64xf32, #tpu.memory_space<vmem_shared>> -> memref<8x64xf32, #tpu.memory_space<vmem_shared>>
        tpu.enqueue_dma source(%dma_start3A_3923 : memref<8x64xf32, #tpu.memory_space<vmem_shared>>) target(%arg13 : memref<8x64xf32, #tpu.memory_space<vmem>>) target_semaphore(%run_scoped3A_3917 : memref<!tpu.dma_semaphore, #tpu.memory_space<semaphore_mem>>)
        %dma_wait3A_3924 = arith.constant 0 : i32
        %dma_wait3A_3925 = tpu.memref_slice %arg15[%scan3A_3082, %dma_wait3A_3924, %mul3A_2419] : memref<16x8x1024xf32, #tpu.memory_space<vmem_shared>> -> memref<1x8x64xf32, #tpu.memory_space<vmem_shared>>
        %dma_wait3A_3926 = tpu.memref_squeeze %dma_wait3A_3925 : memref<1x8x64xf32, #tpu.memory_space<vmem_shared>> -> memref<8x64xf32, #tpu.memory_space<vmem_shared>>
        %dma_wait3A_3927 = arith.constant 0 : i32
        %dma_wait3A_3928 = tpu.memref_slice %arg15[%scan3A_3082, %dma_wait3A_3927, %mul3A_2419] : memref<16x8x1024xf32, #tpu.memory_space<vmem_shared>> -> memref<1x8x64xf32, #tpu.memory_space<vmem_shared>>
        %dma_wait3A_3929 = tpu.memref_squeeze %dma_wait3A_3928 : memref<1x8x64xf32, #tpu.memory_space<vmem_shared>> -> memref<8x64xf32, #tpu.memory_space<vmem_shared>>
        tpu.wait_dma2 semaphore(%run_scoped3A_3917 : memref<!tpu.dma_semaphore, #tpu.memory_space<semaphore_mem>>) src(%dma_wait3A_3929 : memref<8x64xf32, #tpu.memory_space<vmem_shared>>) dst(%arg13 : memref<8x64xf32, #tpu.memory_space<vmem>>)
        tpu.yield
      }) : () -> ()
      %get3A_3500 = arith.constant 0 : i32
      %get3A_3501 = arith.index_cast %get3A_3500 : i32 to index
      %get3A_3502 = arith.constant 0 : index
      %get3A_3503 = tpu.vector_load %arg12[%get3A_3501, %get3A_3502] {strides = array<i32>} : memref<8x64xf32, #tpu.memory_space<vmem>>, vector<16xf32>,
      %get3A_3504 = arith.constant 0 : i32
      %get3A_3505 = arith.index_cast %get3A_3504 : i32 to index
      %get3A_3506 = arith.constant 0 : index
      %get3A_3507 = tpu.vector_load %arg13[%get3A_3505, %get3A_3506] {strides = array<i32>} : memref<8x64xf32, #tpu.memory_space<vmem>>, vector<16xf32>,
      %add3A_3508 = arith.addf %get3A_3503, %get3A_3507 : vector<16xf32>
      %swap3A_3509 = arith.constant 0 : i32
      %swap3A_3510 = arith.index_cast %swap3A_3509 : i32 to index
      %swap3A_3511 = arith.constant 0 : index
      %swap3A_3512 = tpu.vector_load %arg12[%swap3A_3510, %swap3A_3511] {strides = array<i32>} : memref<8x64xf32, #tpu.memory_space<vmem>>, vector<16xf32>,
      tpu.vector_store %arg12[%swap3A_3510, %swap3A_3511], %add3A_3508 {strides = array<i32>} : memref<8x64xf32, #tpu.memory_space<vmem>>, vector<16xf32>,
      %get3A_3513 = arith.constant 0 : i32
      %get3A_3514 = arith.index_cast %get3A_3513 : i32 to index
      %get3A_3515 = arith.constant 16 : index
      %get3A_3516 = tpu.vector_load %arg12[%get3A_3514, %get3A_3515] {strides = array<i32>} : memref<8x64xf32, #tpu.memory_space<vmem>>, vector<16xf32>,
      %get3A_3517 = arith.constant 0 : i32
      %get3A_3518 = arith.index_cast %get3A_3517 : i32 to index
      %get3A_3519 = arith.constant 16 : index
      %get3A_3520 = tpu.vector_load %arg13[%get3A_3518, %get3A_3519] {strides = array<i32>} : memref<8x64xf32, #tpu.memory_space<vmem>>, vector<16xf32>,
      %add3A_3521 = arith.addf %get3A_3516, %get3A_3520 : vector<16xf32>
      %swap3A_3522 = arith.constant 0 : i32
      %swap3A_3523 = arith.index_cast %swap3A_3522 : i32 to index
      %swap3A_3524 = arith.constant 16 : index
      %swap3A_3525 = tpu.vector_load %arg12[%swap3A_3523, %swap3A_3524] {strides = array<i32>} : memref<8x64xf32, #tpu.memory_space<vmem>>, vector<16xf32>,
      tpu.vector_store %arg12[%swap3A_3523, %swap3A_3524], %add3A_3521 {strides = array<i32>} : memref<8x64xf32, #tpu.memory_space<vmem>>, vector<16xf32>,
      %get3A_3526 = arith.constant 0 : i32
      %get3A_3527 = arith.index_cast %get3A_3526 : i32 to index
      %get3A_3528 = arith.constant 32 : index
      %get3A_3529 = tpu.vector_load %arg12[%get3A_3527, %get3A_3528] {strides = array<i32>} : memref<8x64xf32, #tpu.memory_space<vmem>>, vector<16xf32>,
      %get3A_3530 = arith.constant 0 : i32
      %get3A_3531 = arith.index_cast %get3A_3530 : i32 to index
      %get3A_3532 = arith.constant 32 : index
      %get3A_3533 = tpu.vector_load %arg13[%get3A_3531, %get3A_3532] {strides = array<i32>} : memref<8x64xf32, #tpu.memory_space<vmem>>, vector<16xf32>,
      %add3A_3534 = arith.addf %get3A_3529, %get3A_3533 : vector<16xf32>
      %swap3A_3535 = arith.constant 0 : i32
      %swap3A_3536 = arith.index_cast %swap3A_3535 : i32 to index
      %swap3A_3537 = arith.constant 32 : index
      %swap3A_3538 = tpu.vector_load %arg12[%swap3A_3536, %swap3A_3537] {strides = array<i32>} : memref<8x64xf32, #tpu.memory_space<vmem>>, vector<16xf32>,
      tpu.vector_store %arg12[%swap3A_3536, %swap3A_3537], %add3A_3534 {strides = array<i32>} : memref<8x64xf32, #tpu.memory_space<vmem>>, vector<16xf32>,
      %get3A_3539 = arith.constant 0 : i32
      %get3A_3540 = arith.index_cast %get3A_3539 : i32 to index
      %get3A_3541 = arith.constant 48 : index
      %get3A_3542 = tpu.vector_load %arg12[%get3A_3540, %get3A_3541] {strides = array<i32>} : memref<8x64xf32, #tpu.memory_space<vmem>>, vector<16xf32>,
      %get3A_3543 = arith.constant 0 : i32
      %get3A_3544 = arith.index_cast %get3A_3543 : i32 to index
      %get3A_3545 = arith.constant 48 : index
      %get3A_3546 = tpu.vector_load %arg13[%get3A_3544, %get3A_3545] {strides = array<i32>} : memref<8x64xf32, #tpu.memory_space<vmem>>, vector<16xf32>,
      %add3A_3547 = arith.addf %get3A_3542, %get3A_3546 : vector<16xf32>
      %swap3A_3548 = arith.constant 0 : i32
      %swap3A_3549 = arith.index_cast %swap3A_3548 : i32 to index
      %swap3A_3550 = arith.constant 48 : index
      %swap3A_3551 = tpu.vector_load %arg12[%swap3A_3549, %swap3A_3550] {strides = array<i32>} : memref<8x64xf32, #tpu.memory_space<vmem>>, vector<16xf32>,
      tpu.vector_store %arg12[%swap3A_3549, %swap3A_3550], %add3A_3547 {strides = array<i32>} : memref<8x64xf32, #tpu.memory_space<vmem>>, vector<16xf32>,
      %get3A_3552 = arith.constant 1 : i32
      %get3A_3553 = arith.index_cast %get3A_3552 : i32 to index
      %get3A_3554 = arith.constant 0 : index
      %get3A_3555 = tpu.vector_load %arg12[%get3A_3553, %get3A_3554] {strides = array<i32>} : memref<8x64xf32, #tpu.memory_space<vmem>>, vector<16xf32>,
      %get3A_3556 = arith.constant 1 : i32
      %get3A_3557 = arith.index_cast %get3A_3556 : i32 to index
      %get3A_3558 = arith.constant 0 : index
      %get3A_3559 = tpu.vector_load %arg13[%get3A_3557, %get3A_3558] {strides = array<i32>} : memref<8x64xf32, #tpu.memory_space<vmem>>, vector<16xf32>,
      %add3A_3560 = arith.addf %get3A_3555, %get3A_3559 : vector<16xf32>
      %swap3A_3561 = arith.constant 1 : i32
      %swap3A_3562 = arith.index_cast %swap3A_3561 : i32 to index
      %swap3A_3563 = arith.constant 0 : index
      %swap3A_3564 = tpu.vector_load %arg12[%swap3A_3562, %swap3A_3563] {strides = array<i32>} : memref<8x64xf32, #tpu.memory_space<vmem>>, vector<16xf32>,
      tpu.vector_store %arg12[%swap3A_3562, %swap3A_3563], %add3A_3560 {strides = array<i32>} : memref<8x64xf32, #tpu.memory_space<vmem>>, vector<16xf32>,
      %get3A_3565 = arith.constant 1 : i32
      %get3A_3566 = arith.index_cast %get3A_3565 : i32 to index
      %get3A_3567 = arith.constant 16 : index
      %get3A_3568 = tpu.vector_load %arg12[%get3A_3566, %get3A_3567] {strides = array<i32>} : memref<8x64xf32, #tpu.memory_space<vmem>>, vector<16xf32>,
      %get3A_3569 = arith.constant 1 : i32
      %get3A_3570 = arith.index_cast %get3A_3569 : i32 to index
      %get3A_3571 = arith.constant 16 : index
      %get3A_3572 = tpu.vector_load %arg13[%get3A_3570, %get3A_3571] {strides = array<i32>} : memref<8x64xf32, #tpu.memory_space<vmem>>, vector<16xf32>,
      %add3A_3573 = arith.addf %get3A_3568, %get3A_3572 : vector<16xf32>
      %swap3A_3574 = arith.constant 1 : i32
      %swap3A_3575 = arith.index_cast %swap3A_3574 : i32 to index
      %swap3A_3576 = arith.constant 16 : index
      %swap3A_3577 = tpu.vector_load %arg12[%swap3A_3575, %swap3A_3576] {strides = array<i32>} : memref<8x64xf32, #tpu.memory_space<vmem>>, vector<16xf32>,
      tpu.vector_store %arg12[%swap3A_3575, %swap3A_3576], %add3A_3573 {strides = array<i32>} : memref<8x64xf32, #tpu.memory_space<vmem>>, vector<16xf32>,
      %get3A_3578 = arith.constant 1 : i32
      %get3A_3579 = arith.index_cast %get3A_3578 : i32 to index
      %get3A_3580 = arith.constant 32 : index
      %get3A_3581 = tpu.vector_load %arg12[%get3A_3579, %get3A_3580] {strides = array<i32>} : memref<8x64xf32, #tpu.memory_space<vmem>>, vector<16xf32>,
      %get3A_3582 = arith.constant 1 : i32
      %get3A_3583 = arith.index_cast %get3A_3582 : i32 to index
      %get3A_3584 = arith.constant 32 : index
      %get3A_3585 = tpu.vector_load %arg13[%get3A_3583, %get3A_3584] {strides = array<i32>} : memref<8x64xf32, #tpu.memory_space<vmem>>, vector<16xf32>,
      %add3A_3586 = arith.addf %get3A_3581, %get3A_3585 : vector<16xf32>
      %swap3A_3587 = arith.constant 1 : i32
      %swap3A_3588 = arith.index_cast %swap3A_3587 : i32 to index
      %swap3A_3589 = arith.constant 32 : index
      %swap3A_3590 = tpu.vector_load %arg12[%swap3A_3588, %swap3A_3589] {strides = array<i32>} : memref<8x64xf32, #tpu.memory_space<vmem>>, vector<16xf32>,
      tpu.vector_store %arg12[%swap3A_3588, %swap3A_3589], %add3A_3586 {strides = array<i32>} : memref<8x64xf32, #tpu.memory_space<vmem>>, vector<16xf32>,
      %get3A_3591 = arith.constant 1 : i32
      %get3A_3592 = arith.index_cast %get3A_3591 : i32 to index
      %get3A_3593 = arith.constant 48 : index
      %get3A_3594 = tpu.vector_load %arg12[%get3A_3592, %get3A_3593] {strides = array<i32>} : memref<8x64xf32, #tpu.memory_space<vmem>>, vector<16xf32>,
      %get3A_3595 = arith.constant 1 : i32
      %get3A_3596 = arith.index_cast %get3A_3595 : i32 to index
      %get3A_3597 = arith.constant 48 : index
      %get3A_3598 = tpu.vector_load %arg13[%get3A_3596, %get3A_3597] {strides = array<i32>} : memref<8x64xf32, #tpu.memory_space<vmem>>, vector<16xf32>,
      %add3A_3599 = arith.addf %get3A_3594, %get3A_3598 : vector<16xf32>
      %swap3A_3600 = arith.constant 1 : i32
      %swap3A_3601 = arith.index_cast %swap3A_3600 : i32 to index
      %swap3A_3602 = arith.constant 48 : index
      %swap3A_3603 = tpu.vector_load %arg12[%swap3A_3601, %swap3A_3602] {strides = array<i32>} : memref<8x64xf32, #tpu.memory_space<vmem>>, vector<16xf32>,
      tpu.vector_store %arg12[%swap3A_3601, %swap3A_3602], %add3A_3599 {strides = array<i32>} : memref<8x64xf32, #tpu.memory_space<vmem>>, vector<16xf32>,
      %get3A_3604 = arith.constant 2 : i32
      %get3A_3605 = arith.index_cast %get3A_3604 : i32 to index
      %get3A_3606 = arith.constant 0 : index
      %get3A_3607 = tpu.vector_load %arg12[%get3A_3605, %get3A_3606] {strides = array<i32>} : memref<8x64xf32, #tpu.memory_space<vmem>>, vector<16xf32>,
      %get3A_3608 = arith.constant 2 : i32
      %get3A_3609 = arith.index_cast %get3A_3608 : i32 to index
      %get3A_3610 = arith.constant 0 : index
      %get3A_3611 = tpu.vector_load %arg13[%get3A_3609, %get3A_3610] {strides = array<i32>} : memref<8x64xf32, #tpu.memory_space<vmem>>, vector<16xf32>,
      %add3A_3612 = arith.addf %get3A_3607, %get3A_3611 : vector<16xf32>
      %swap3A_3613 = arith.constant 2 : i32
      %swap3A_3614 = arith.index_cast %swap3A_3613 : i32 to index
      %swap3A_3615 = arith.constant 0 : index
      %swap3A_3616 = tpu.vector_load %arg12[%swap3A_3614, %swap3A_3615] {strides = array<i32>} : memref<8x64xf32, #tpu.memory_space<vmem>>, vector<16xf32>,
      tpu.vector_store %arg12[%swap3A_3614, %swap3A_3615], %add3A_3612 {strides = array<i32>} : memref<8x64xf32, #tpu.memory_space<vmem>>, vector<16xf32>,
      %get3A_3617 = arith.constant 2 : i32
      %get3A_3618 = arith.index_cast %get3A_3617 : i32 to index
      %get3A_3619 = arith.constant 16 : index
      %get3A_3620 = tpu.vector_load %arg12[%get3A_3618, %get3A_3619] {strides = array<i32>} : memref<8x64xf32, #tpu.memory_space<vmem>>, vector<16xf32>,
      %get3A_3621 = arith.constant 2 : i32
      %get3A_3622 = arith.index_cast %get3A_3621 : i32 to index
      %get3A_3623 = arith.constant 16 : index
      %get3A_3624 = tpu.vector_load %arg13[%get3A_3622, %get3A_3623] {strides = array<i32>} : memref<8x64xf32, #tpu.memory_space<vmem>>, vector<16xf32>,
      %add3A_3625 = arith.addf %get3A_3620, %get3A_3624 : vector<16xf32>
      %swap3A_3626 = arith.constant 2 : i32
      %swap3A_3627 = arith.index_cast %swap3A_3626 : i32 to index
      %swap3A_3628 = arith.constant 16 : index
      %swap3A_3629 = tpu.vector_load %arg12[%swap3A_3627, %swap3A_3628] {strides = array<i32>} : memref<8x64xf32, #tpu.memory_space<vmem>>, vector<16xf32>,
      tpu.vector_store %arg12[%swap3A_3627, %swap3A_3628], %add3A_3625 {strides = array<i32>} : memref<8x64xf32, #tpu.memory_space<vmem>>, vector<16xf32>,
      %get3A_3630 = arith.constant 2 : i32
      %get3A_3631 = arith.index_cast %get3A_3630 : i32 to index
      %get3A_3632 = arith.constant 32 : index
      %get3A_3633 = tpu.vector_load %arg12[%get3A_3631, %get3A_3632] {strides = array<i32>} : memref<8x64xf32, #tpu.memory_space<vmem>>, vector<16xf32>,
      %get3A_3634 = arith.constant 2 : i32
      %get3A_3635 = arith.index_cast %get3A_3634 : i32 to index
      %get3A_3636 = arith.constant 32 : index
      %get3A_3637 = tpu.vector_load %arg13[%get3A_3635, %get3A_3636] {strides = array<i32>} : memref<8x64xf32, #tpu.memory_space<vmem>>, vector<16xf32>,
      %add3A_3638 = arith.addf %get3A_3633, %get3A_3637 : vector<16xf32>
      %swap3A_3639 = arith.constant 2 : i32
      %swap3A_3640 = arith.index_cast %swap3A_3639 : i32 to index
      %swap3A_3641 = arith.constant 32 : index
      %swap3A_3642 = tpu.vector_load %arg12[%swap3A_3640, %swap3A_3641] {strides = array<i32>} : memref<8x64xf32, #tpu.memory_space<vmem>>, vector<16xf32>,
      tpu.vector_store %arg12[%swap3A_3640, %swap3A_3641], %add3A_3638 {strides = array<i32>} : memref<8x64xf32, #tpu.memory_space<vmem>>, vector<16xf32>,
      %get3A_3643 = arith.constant 2 : i32
      %get3A_3644 = arith.index_cast %get3A_3643 : i32 to index
      %get3A_3645 = arith.constant 48 : index
      %get3A_3646 = tpu.vector_load %arg12[%get3A_3644, %get3A_3645] {strides = array<i32>} : memref<8x64xf32, #tpu.memory_space<vmem>>, vector<16xf32>,
      %get3A_3647 = arith.constant 2 : i32
      %get3A_3648 = arith.index_cast %get3A_3647 : i32 to index
      %get3A_3649 = arith.constant 48 : index
      %get3A_3650 = tpu.vector_load %arg13[%get3A_3648, %get3A_3649] {strides = array<i32>} : memref<8x64xf32, #tpu.memory_space<vmem>>, vector<16xf32>,
      %add3A_3651 = arith.addf %get3A_3646, %get3A_3650 : vector<16xf32>
      %swap3A_3652 = arith.constant 2 : i32
      %swap3A_3653 = arith.index_cast %swap3A_3652 : i32 to index
      %swap3A_3654 = arith.constant 48 : index
      %swap3A_3655 = tpu.vector_load %arg12[%swap3A_3653, %swap3A_3654] {strides = array<i32>} : memref<8x64xf32, #tpu.memory_space<vmem>>, vector<16xf32>,
      tpu.vector_store %arg12[%swap3A_3653, %swap3A_3654], %add3A_3651 {strides = array<i32>} : memref<8x64xf32, #tpu.memory_space<vmem>>, vector<16xf32>,
      %get3A_3656 = arith.constant 3 : i32
      %get3A_3657 = arith.index_cast %get3A_3656 : i32 to index
      %get3A_3658 = arith.constant 0 : index
      %get3A_3659 = tpu.vector_load %arg12[%get3A_3657, %get3A_3658] {strides = array<i32>} : memref<8x64xf32, #tpu.memory_space<vmem>>, vector<16xf32>,
      %get3A_3660 = arith.constant 3 : i32
      %get3A_3661 = arith.index_cast %get3A_3660 : i32 to index
      %get3A_3662 = arith.constant 0 : index
      %get3A_3663 = tpu.vector_load %arg13[%get3A_3661, %get3A_3662] {strides = array<i32>} : memref<8x64xf32, #tpu.memory_space<vmem>>, vector<16xf32>,
      %add3A_3664 = arith.addf %get3A_3659, %get3A_3663 : vector<16xf32>
      %swap3A_3665 = arith.constant 3 : i32
      %swap3A_3666 = arith.index_cast %swap3A_3665 : i32 to index
      %swap3A_3667 = arith.constant 0 : index
      %swap3A_3668 = tpu.vector_load %arg12[%swap3A_3666, %swap3A_3667] {strides = array<i32>} : memref<8x64xf32, #tpu.memory_space<vmem>>, vector<16xf32>,
      tpu.vector_store %arg12[%swap3A_3666, %swap3A_3667], %add3A_3664 {strides = array<i32>} : memref<8x64xf32, #tpu.memory_space<vmem>>, vector<16xf32>,
      %get3A_3669 = arith.constant 3 : i32
      %get3A_3670 = arith.index_cast %get3A_3669 : i32 to index
      %get3A_3671 = arith.constant 16 : index
      %get3A_3672 = tpu.vector_load %arg12[%get3A_3670, %get3A_3671] {strides = array<i32>} : memref<8x64xf32, #tpu.memory_space<vmem>>, vector<16xf32>,
      %get3A_3673 = arith.constant 3 : i32
      %get3A_3674 = arith.index_cast %get3A_3673 : i32 to index
      %get3A_3675 = arith.constant 16 : index
      %get3A_3676 = tpu.vector_load %arg13[%get3A_3674, %get3A_3675] {strides = array<i32>} : memref<8x64xf32, #tpu.memory_space<vmem>>, vector<16xf32>,
      %add3A_3677 = arith.addf %get3A_3672, %get3A_3676 : vector<16xf32>
      %swap3A_3678 = arith.constant 3 : i32
      %swap3A_3679 = arith.index_cast %swap3A_3678 : i32 to index
      %swap3A_3680 = arith.constant 16 : index
      %swap3A_3681 = tpu.vector_load %arg12[%swap3A_3679, %swap3A_3680] {strides = array<i32>} : memref<8x64xf32, #tpu.memory_space<vmem>>, vector<16xf32>,
      tpu.vector_store %arg12[%swap3A_3679, %swap3A_3680], %add3A_3677 {strides = array<i32>} : memref<8x64xf32, #tpu.memory_space<vmem>>, vector<16xf32>,
      %get3A_3682 = arith.constant 3 : i32
      %get3A_3683 = arith.index_cast %get3A_3682 : i32 to index
      %get3A_3684 = arith.constant 32 : index
      %get3A_3685 = tpu.vector_load %arg12[%get3A_3683, %get3A_3684] {strides = array<i32>} : memref<8x64xf32, #tpu.memory_space<vmem>>, vector<16xf32>,
      %get3A_3686 = arith.constant 3 : i32
      %get3A_3687 = arith.index_cast %get3A_3686 : i32 to index
      %get3A_3688 = arith.constant 32 : index
      %get3A_3689 = tpu.vector_load %arg13[%get3A_3687, %get3A_3688] {strides = array<i32>} : memref<8x64xf32, #tpu.memory_space<vmem>>, vector<16xf32>,
      %add3A_3690 = arith.addf %get3A_3685, %get3A_3689 : vector<16xf32>
      %swap3A_3691 = arith.constant 3 : i32
      %swap3A_3692 = arith.index_cast %swap3A_3691 : i32 to index
      %swap3A_3693 = arith.constant 32 : index
      %swap3A_3694 = tpu.vector_load %arg12[%swap3A_3692, %swap3A_3693] {strides = array<i32>} : memref<8x64xf32, #tpu.memory_space<vmem>>, vector<16xf32>,
      tpu.vector_store %arg12[%swap3A_3692, %swap3A_3693], %add3A_3690 {strides = array<i32>} : memref<8x64xf32, #tpu.memory_space<vmem>>, vector<16xf32>,
      %get3A_3695 = arith.constant 3 : i32
      %get3A_3696 = arith.index_cast %get3A_3695 : i32 to index
      %get3A_3697 = arith.constant 48 : index
      %get3A_3698 = tpu.vector_load %arg12[%get3A_3696, %get3A_3697] {strides = array<i32>} : memref<8x64xf32, #tpu.memory_space<vmem>>, vector<16xf32>,
      %get3A_3699 = arith.constant 3 : i32
      %get3A_3700 = arith.index_cast %get3A_3699 : i32 to index
      %get3A_3701 = arith.constant 48 : index
      %get3A_3702 = tpu.vector_load %arg13[%get3A_3700, %get3A_3701] {strides = array<i32>} : memref<8x64xf32, #tpu.memory_space<vmem>>, vector<16xf32>,
      %add3A_3703 = arith.addf %get3A_3698, %get3A_3702 : vector<16xf32>
      %swap3A_3704 = arith.constant 3 : i32
      %swap3A_3705 = arith.index_cast %swap3A_3704 : i32 to index
      %swap3A_3706 = arith.constant 48 : index
      %swap3A_3707 = tpu.vector_load %arg12[%swap3A_3705, %swap3A_3706] {strides = array<i32>} : memref<8x64xf32, #tpu.memory_space<vmem>>, vector<16xf32>,
      tpu.vector_store %arg12[%swap3A_3705, %swap3A_3706], %add3A_3703 {strides = array<i32>} : memref<8x64xf32, #tpu.memory_space<vmem>>, vector<16xf32>,
      %get3A_3708 = arith.constant 4 : i32
      %get3A_3709 = arith.index_cast %get3A_3708 : i32 to index
      %get3A_3710 = arith.constant 0 : index
      %get3A_3711 = tpu.vector_load %arg12[%get3A_3709, %get3A_3710] {strides = array<i32>} : memref<8x64xf32, #tpu.memory_space<vmem>>, vector<16xf32>,
      %get3A_3712 = arith.constant 4 : i32
      %get3A_3713 = arith.index_cast %get3A_3712 : i32 to index
      %get3A_3714 = arith.constant 0 : index
      %get3A_3715 = tpu.vector_load %arg13[%get3A_3713, %get3A_3714] {strides = array<i32>} : memref<8x64xf32, #tpu.memory_space<vmem>>, vector<16xf32>,
      %add3A_3716 = arith.addf %get3A_3711, %get3A_3715 : vector<16xf32>
      %swap3A_3717 = arith.constant 4 : i32
      %swap3A_3718 = arith.index_cast %swap3A_3717 : i32 to index
      %swap3A_3719 = arith.constant 0 : index
      %swap3A_3720 = tpu.vector_load %arg12[%swap3A_3718, %swap3A_3719] {strides = array<i32>} : memref<8x64xf32, #tpu.memory_space<vmem>>, vector<16xf32>,
      tpu.vector_store %arg12[%swap3A_3718, %swap3A_3719], %add3A_3716 {strides = array<i32>} : memref<8x64xf32, #tpu.memory_space<vmem>>, vector<16xf32>,
      %get3A_3721 = arith.constant 4 : i32
      %get3A_3722 = arith.index_cast %get3A_3721 : i32 to index
      %get3A_3723 = arith.constant 16 : index
      %get3A_3724 = tpu.vector_load %arg12[%get3A_3722, %get3A_3723] {strides = array<i32>} : memref<8x64xf32, #tpu.memory_space<vmem>>, vector<16xf32>,
      %get3A_3725 = arith.constant 4 : i32
      %get3A_3726 = arith.index_cast %get3A_3725 : i32 to index
      %get3A_3727 = arith.constant 16 : index
      %get3A_3728 = tpu.vector_load %arg13[%get3A_3726, %get3A_3727] {strides = array<i32>} : memref<8x64xf32, #tpu.memory_space<vmem>>, vector<16xf32>,
      %add3A_3729 = arith.addf %get3A_3724, %get3A_3728 : vector<16xf32>
      %swap3A_3730 = arith.constant 4 : i32
      %swap3A_3731 = arith.index_cast %swap3A_3730 : i32 to index
      %swap3A_3732 = arith.constant 16 : index
      %swap3A_3733 = tpu.vector_load %arg12[%swap3A_3731, %swap3A_3732] {strides = array<i32>} : memref<8x64xf32, #tpu.memory_space<vmem>>, vector<16xf32>,
      tpu.vector_store %arg12[%swap3A_3731, %swap3A_3732], %add3A_3729 {strides = array<i32>} : memref<8x64xf32, #tpu.memory_space<vmem>>, vector<16xf32>,
      %get3A_3734 = arith.constant 4 : i32
      %get3A_3735 = arith.index_cast %get3A_3734 : i32 to index
      %get3A_3736 = arith.constant 32 : index
      %get3A_3737 = tpu.vector_load %arg12[%get3A_3735, %get3A_3736] {strides = array<i32>} : memref<8x64xf32, #tpu.memory_space<vmem>>, vector<16xf32>,
      %get3A_3738 = arith.constant 4 : i32
      %get3A_3739 = arith.index_cast %get3A_3738 : i32 to index
      %get3A_3740 = arith.constant 32 : index
      %get3A_3741 = tpu.vector_load %arg13[%get3A_3739, %get3A_3740] {strides = array<i32>} : memref<8x64xf32, #tpu.memory_space<vmem>>, vector<16xf32>,
      %add3A_3742 = arith.addf %get3A_3737, %get3A_3741 : vector<16xf32>
      %swap3A_3743 = arith.constant 4 : i32
      %swap3A_3744 = arith.index_cast %swap3A_3743 : i32 to index
      %swap3A_3745 = arith.constant 32 : index
      %swap3A_3746 = tpu.vector_load %arg12[%swap3A_3744, %swap3A_3745] {strides = array<i32>} : memref<8x64xf32, #tpu.memory_space<vmem>>, vector<16xf32>,
      tpu.vector_store %arg12[%swap3A_3744, %swap3A_3745], %add3A_3742 {strides = array<i32>} : memref<8x64xf32, #tpu.memory_space<vmem>>, vector<16xf32>,
      %get3A_3747 = arith.constant 4 : i32
      %get3A_3748 = arith.index_cast %get3A_3747 : i32 to index
      %get3A_3749 = arith.constant 48 : index
      %get3A_3750 = tpu.vector_load %arg12[%get3A_3748, %get3A_3749] {strides = array<i32>} : memref<8x64xf32, #tpu.memory_space<vmem>>, vector<16xf32>,
      %get3A_3751 = arith.constant 4 : i32
      %get3A_3752 = arith.index_cast %get3A_3751 : i32 to index
      %get3A_3753 = arith.constant 48 : index
      %get3A_3754 = tpu.vector_load %arg13[%get3A_3752, %get3A_3753] {strides = array<i32>} : memref<8x64xf32, #tpu.memory_space<vmem>>, vector<16xf32>,
      %add3A_3755 = arith.addf %get3A_3750, %get3A_3754 : vector<16xf32>
      %swap3A_3756 = arith.constant 4 : i32
      %swap3A_3757 = arith.index_cast %swap3A_3756 : i32 to index
      %swap3A_3758 = arith.constant 48 : index
      %swap3A_3759 = tpu.vector_load %arg12[%swap3A_3757, %swap3A_3758] {strides = array<i32>} : memref<8x64xf32, #tpu.memory_space<vmem>>, vector<16xf32>,
      tpu.vector_store %arg12[%swap3A_3757, %swap3A_3758], %add3A_3755 {strides = array<i32>} : memref<8x64xf32, #tpu.memory_space<vmem>>, vector<16xf32>,
      %get3A_3760 = arith.constant 5 : i32
      %get3A_3761 = arith.index_cast %get3A_3760 : i32 to index
      %get3A_3762 = arith.constant 0 : index
      %get3A_3763 = tpu.vector_load %arg12[%get3A_3761, %get3A_3762] {strides = array<i32>} : memref<8x64xf32, #tpu.memory_space<vmem>>, vector<16xf32>,
      %get3A_3764 = arith.constant 5 : i32
      %get3A_3765 = arith.index_cast %get3A_3764 : i32 to index
      %get3A_3766 = arith.constant 0 : index
      %get3A_3767 = tpu.vector_load %arg13[%get3A_3765, %get3A_3766] {strides = array<i32>} : memref<8x64xf32, #tpu.memory_space<vmem>>, vector<16xf32>,
      %add3A_3768 = arith.addf %get3A_3763, %get3A_3767 : vector<16xf32>
      %swap3A_3769 = arith.constant 5 : i32
      %swap3A_3770 = arith.index_cast %swap3A_3769 : i32 to index
      %swap3A_3771 = arith.constant 0 : index
      %swap3A_3772 = tpu.vector_load %arg12[%swap3A_3770, %swap3A_3771] {strides = array<i32>} : memref<8x64xf32, #tpu.memory_space<vmem>>, vector<16xf32>,
      tpu.vector_store %arg12[%swap3A_3770, %swap3A_3771], %add3A_3768 {strides = array<i32>} : memref<8x64xf32, #tpu.memory_space<vmem>>, vector<16xf32>,
      %get3A_3773 = arith.constant 5 : i32
      %get3A_3774 = arith.index_cast %get3A_3773 : i32 to index
      %get3A_3775 = arith.constant 16 : index
      %get3A_3776 = tpu.vector_load %arg12[%get3A_3774, %get3A_3775] {strides = array<i32>} : memref<8x64xf32, #tpu.memory_space<vmem>>, vector<16xf32>,
      %get3A_3777 = arith.constant 5 : i32
      %get3A_3778 = arith.index_cast %get3A_3777 : i32 to index
      %get3A_3779 = arith.constant 16 : index
      %get3A_3780 = tpu.vector_load %arg13[%get3A_3778, %get3A_3779] {strides = array<i32>} : memref<8x64xf32, #tpu.memory_space<vmem>>, vector<16xf32>,
      %add3A_3781 = arith.addf %get3A_3776, %get3A_3780 : vector<16xf32>
      %swap3A_3782 = arith.constant 5 : i32
      %swap3A_3783 = arith.index_cast %swap3A_3782 : i32 to index
      %swap3A_3784 = arith.constant 16 : index
      %swap3A_3785 = tpu.vector_load %arg12[%swap3A_3783, %swap3A_3784] {strides = array<i32>} : memref<8x64xf32, #tpu.memory_space<vmem>>, vector<16xf32>,
      tpu.vector_store %arg12[%swap3A_3783, %swap3A_3784], %add3A_3781 {strides = array<i32>} : memref<8x64xf32, #tpu.memory_space<vmem>>, vector<16xf32>,
      %get3A_3786 = arith.constant 5 : i32
      %get3A_3787 = arith.index_cast %get3A_3786 : i32 to index
      %get3A_3788 = arith.constant 32 : index
      %get3A_3789 = tpu.vector_load %arg12[%get3A_3787, %get3A_3788] {strides = array<i32>} : memref<8x64xf32, #tpu.memory_space<vmem>>, vector<16xf32>,
      %get3A_3790 = arith.constant 5 : i32
      %get3A_3791 = arith.index_cast %get3A_3790 : i32 to index
      %get3A_3792 = arith.constant 32 : index
      %get3A_3793 = tpu.vector_load %arg13[%get3A_3791, %get3A_3792] {strides = array<i32>} : memref<8x64xf32, #tpu.memory_space<vmem>>, vector<16xf32>,
      %add3A_3794 = arith.addf %get3A_3789, %get3A_3793 : vector<16xf32>
      %swap3A_3795 = arith.constant 5 : i32
      %swap3A_3796 = arith.index_cast %swap3A_3795 : i32 to index
      %swap3A_3797 = arith.constant 32 : index
      %swap3A_3798 = tpu.vector_load %arg12[%swap3A_3796, %swap3A_3797] {strides = array<i32>} : memref<8x64xf32, #tpu.memory_space<vmem>>, vector<16xf32>,
      tpu.vector_store %arg12[%swap3A_3796, %swap3A_3797], %add3A_3794 {strides = array<i32>} : memref<8x64xf32, #tpu.memory_space<vmem>>, vector<16xf32>,
      %get3A_3799 = arith.constant 5 : i32
      %get3A_3800 = arith.index_cast %get3A_3799 : i32 to index
      %get3A_3801 = arith.constant 48 : index
      %get3A_3802 = tpu.vector_load %arg12[%get3A_3800, %get3A_3801] {strides = array<i32>} : memref<8x64xf32, #tpu.memory_space<vmem>>, vector<16xf32>,
      %get3A_3803 = arith.constant 5 : i32
      %get3A_3804 = arith.index_cast %get3A_3803 : i32 to index
      %get3A_3805 = arith.constant 48 : index
      %get3A_3806 = tpu.vector_load %arg13[%get3A_3804, %get3A_3805] {strides = array<i32>} : memref<8x64xf32, #tpu.memory_space<vmem>>, vector<16xf32>,
      %add3A_3807 = arith.addf %get3A_3802, %get3A_3806 : vector<16xf32>
      %swap3A_3808 = arith.constant 5 : i32
      %swap3A_3809 = arith.index_cast %swap3A_3808 : i32 to index
      %swap3A_3810 = arith.constant 48 : index
      %swap3A_3811 = tpu.vector_load %arg12[%swap3A_3809, %swap3A_3810] {strides = array<i32>} : memref<8x64xf32, #tpu.memory_space<vmem>>, vector<16xf32>,
      tpu.vector_store %arg12[%swap3A_3809, %swap3A_3810], %add3A_3807 {strides = array<i32>} : memref<8x64xf32, #tpu.memory_space<vmem>>, vector<16xf32>,
      %get3A_3812 = arith.constant 6 : i32
      %get3A_3813 = arith.index_cast %get3A_3812 : i32 to index
      %get3A_3814 = arith.constant 0 : index
      %get3A_3815 = tpu.vector_load %arg12[%get3A_3813, %get3A_3814] {strides = array<i32>} : memref<8x64xf32, #tpu.memory_space<vmem>>, vector<16xf32>,
      %get3A_3816 = arith.constant 6 : i32
      %get3A_3817 = arith.index_cast %get3A_3816 : i32 to index
      %get3A_3818 = arith.constant 0 : index
      %get3A_3819 = tpu.vector_load %arg13[%get3A_3817, %get3A_3818] {strides = array<i32>} : memref<8x64xf32, #tpu.memory_space<vmem>>, vector<16xf32>,
      %add3A_3820 = arith.addf %get3A_3815, %get3A_3819 : vector<16xf32>
      %swap3A_3821 = arith.constant 6 : i32
      %swap3A_3822 = arith.index_cast %swap3A_3821 : i32 to index
      %swap3A_3823 = arith.constant 0 : index
      %swap3A_3824 = tpu.vector_load %arg12[%swap3A_3822, %swap3A_3823] {strides = array<i32>} : memref<8x64xf32, #tpu.memory_space<vmem>>, vector<16xf32>,
      tpu.vector_store %arg12[%swap3A_3822, %swap3A_3823], %add3A_3820 {strides = array<i32>} : memref<8x64xf32, #tpu.memory_space<vmem>>, vector<16xf32>,
      %get3A_3825 = arith.constant 6 : i32
      %get3A_3826 = arith.index_cast %get3A_3825 : i32 to index
      %get3A_3827 = arith.constant 16 : index
      %get3A_3828 = tpu.vector_load %arg12[%get3A_3826, %get3A_3827] {strides = array<i32>} : memref<8x64xf32, #tpu.memory_space<vmem>>, vector<16xf32>,
      %get3A_3829 = arith.constant 6 : i32
      %get3A_3830 = arith.index_cast %get3A_3829 : i32 to index
      %get3A_3831 = arith.constant 16 : index
      %get3A_3832 = tpu.vector_load %arg13[%get3A_3830, %get3A_3831] {strides = array<i32>} : memref<8x64xf32, #tpu.memory_space<vmem>>, vector<16xf32>,
      %add3A_3833 = arith.addf %get3A_3828, %get3A_3832 : vector<16xf32>
      %swap3A_3834 = arith.constant 6 : i32
      %swap3A_3835 = arith.index_cast %swap3A_3834 : i32 to index
      %swap3A_3836 = arith.constant 16 : index
      %swap3A_3837 = tpu.vector_load %arg12[%swap3A_3835, %swap3A_3836] {strides = array<i32>} : memref<8x64xf32, #tpu.memory_space<vmem>>, vector<16xf32>,
      tpu.vector_store %arg12[%swap3A_3835, %swap3A_3836], %add3A_3833 {strides = array<i32>} : memref<8x64xf32, #tpu.memory_space<vmem>>, vector<16xf32>,
      %get3A_3838 = arith.constant 6 : i32
      %get3A_3839 = arith.index_cast %get3A_3838 : i32 to index
      %get3A_3840 = arith.constant 32 : index
      %get3A_3841 = tpu.vector_load %arg12[%get3A_3839, %get3A_3840] {strides = array<i32>} : memref<8x64xf32, #tpu.memory_space<vmem>>, vector<16xf32>,
      %get3A_3842 = arith.constant 6 : i32
      %get3A_3843 = arith.index_cast %get3A_3842 : i32 to index
      %get3A_3844 = arith.constant 32 : index
      %get3A_3845 = tpu.vector_load %arg13[%get3A_3843, %get3A_3844] {strides = array<i32>} : memref<8x64xf32, #tpu.memory_space<vmem>>, vector<16xf32>,
      %add3A_3846 = arith.addf %get3A_3841, %get3A_3845 : vector<16xf32>
      %swap3A_3847 = arith.constant 6 : i32
      %swap3A_3848 = arith.index_cast %swap3A_3847 : i32 to index
      %swap3A_3849 = arith.constant 32 : index
      %swap3A_3850 = tpu.vector_load %arg12[%swap3A_3848, %swap3A_3849] {strides = array<i32>} : memref<8x64xf32, #tpu.memory_space<vmem>>, vector<16xf32>,
      tpu.vector_store %arg12[%swap3A_3848, %swap3A_3849], %add3A_3846 {strides = array<i32>} : memref<8x64xf32, #tpu.memory_space<vmem>>, vector<16xf32>,
      %get3A_3851 = arith.constant 6 : i32
      %get3A_3852 = arith.index_cast %get3A_3851 : i32 to index
      %get3A_3853 = arith.constant 48 : index
      %get3A_3854 = tpu.vector_load %arg12[%get3A_3852, %get3A_3853] {strides = array<i32>} : memref<8x64xf32, #tpu.memory_space<vmem>>, vector<16xf32>,
      %get3A_3855 = arith.constant 6 : i32
      %get3A_3856 = arith.index_cast %get3A_3855 : i32 to index
      %get3A_3857 = arith.constant 48 : index
      %get3A_3858 = tpu.vector_load %arg13[%get3A_3856, %get3A_3857] {strides = array<i32>} : memref<8x64xf32, #tpu.memory_space<vmem>>, vector<16xf32>,
      %add3A_3859 = arith.addf %get3A_3854, %get3A_3858 : vector<16xf32>
      %swap3A_3860 = arith.constant 6 : i32
      %swap3A_3861 = arith.index_cast %swap3A_3860 : i32 to index
      %swap3A_3862 = arith.constant 48 : index
      %swap3A_3863 = tpu.vector_load %arg12[%swap3A_3861, %swap3A_3862] {strides = array<i32>} : memref<8x64xf32, #tpu.memory_space<vmem>>, vector<16xf32>,
      tpu.vector_store %arg12[%swap3A_3861, %swap3A_3862], %add3A_3859 {strides = array<i32>} : memref<8x64xf32, #tpu.memory_space<vmem>>, vector<16xf32>,
      %get3A_3864 = arith.constant 7 : i32
      %get3A_3865 = arith.index_cast %get3A_3864 : i32 to index
      %get3A_3866 = arith.constant 0 : index
      %get3A_3867 = tpu.vector_load %arg12[%get3A_3865, %get3A_3866] {strides = array<i32>} : memref<8x64xf32, #tpu.memory_space<vmem>>, vector<16xf32>,
      %get3A_3868 = arith.constant 7 : i32
      %get3A_3869 = arith.index_cast %get3A_3868 : i32 to index
      %get3A_3870 = arith.constant 0 : index
      %get3A_3871 = tpu.vector_load %arg13[%get3A_3869, %get3A_3870] {strides = array<i32>} : memref<8x64xf32, #tpu.memory_space<vmem>>, vector<16xf32>,
      %add3A_3872 = arith.addf %get3A_3867, %get3A_3871 : vector<16xf32>
      %swap3A_3873 = arith.constant 7 : i32
      %swap3A_3874 = arith.index_cast %swap3A_3873 : i32 to index
      %swap3A_3875 = arith.constant 0 : index
      %swap3A_3876 = tpu.vector_load %arg12[%swap3A_3874, %swap3A_3875] {strides = array<i32>} : memref<8x64xf32, #tpu.memory_space<vmem>>, vector<16xf32>,
      tpu.vector_store %arg12[%swap3A_3874, %swap3A_3875], %add3A_3872 {strides = array<i32>} : memref<8x64xf32, #tpu.memory_space<vmem>>, vector<16xf32>,
      %get3A_3877 = arith.constant 7 : i32
      %get3A_3878 = arith.index_cast %get3A_3877 : i32 to index
      %get3A_3879 = arith.constant 16 : index
      %get3A_3880 = tpu.vector_load %arg12[%get3A_3878, %get3A_3879] {strides = array<i32>} : memref<8x64xf32, #tpu.memory_space<vmem>>, vector<16xf32>,
      %get3A_3881 = arith.constant 7 : i32
      %get3A_3882 = arith.index_cast %get3A_3881 : i32 to index
      %get3A_3883 = arith.constant 16 : index
      %get3A_3884 = tpu.vector_load %arg13[%get3A_3882, %get3A_3883] {strides = array<i32>} : memref<8x64xf32, #tpu.memory_space<vmem>>, vector<16xf32>,
      %add3A_3885 = arith.addf %get3A_3880, %get3A_3884 : vector<16xf32>
      %swap3A_3886 = arith.constant 7 : i32
      %swap3A_3887 = arith.index_cast %swap3A_3886 : i32 to index
      %swap3A_3888 = arith.constant 16 : index
      %swap3A_3889 = tpu.vector_load %arg12[%swap3A_3887, %swap3A_3888] {strides = array<i32>} : memref<8x64xf32, #tpu.memory_space<vmem>>, vector<16xf32>,
      tpu.vector_store %arg12[%swap3A_3887, %swap3A_3888], %add3A_3885 {strides = array<i32>} : memref<8x64xf32, #tpu.memory_space<vmem>>, vector<16xf32>,
      %get3A_3890 = arith.constant 7 : i32
      %get3A_3891 = arith.index_cast %get3A_3890 : i32 to index
      %get3A_3892 = arith.constant 32 : index
      %get3A_3893 = tpu.vector_load %arg12[%get3A_3891, %get3A_3892] {strides = array<i32>} : memref<8x64xf32, #tpu.memory_space<vmem>>, vector<16xf32>,
      %get3A_3894 = arith.constant 7 : i32
      %get3A_3895 = arith.index_cast %get3A_3894 : i32 to index
      %get3A_3896 = arith.constant 32 : index
      %get3A_3897 = tpu.vector_load %arg13[%get3A_3895, %get3A_3896] {strides = array<i32>} : memref<8x64xf32, #tpu.memory_space<vmem>>, vector<16xf32>,
      %add3A_3898 = arith.addf %get3A_3893, %get3A_3897 : vector<16xf32>
      %swap3A_3899 = arith.constant 7 : i32
      %swap3A_3900 = arith.index_cast %swap3A_3899 : i32 to index
      %swap3A_3901 = arith.constant 32 : index
      %swap3A_3902 = tpu.vector_load %arg12[%swap3A_3900, %swap3A_3901] {strides = array<i32>} : memref<8x64xf32, #tpu.memory_space<vmem>>, vector<16xf32>,
      tpu.vector_store %arg12[%swap3A_3900, %swap3A_3901], %add3A_3898 {strides = array<i32>} : memref<8x64xf32, #tpu.memory_space<vmem>>, vector<16xf32>,
      %get3A_3903 = arith.constant 7 : i32
      %get3A_3904 = arith.index_cast %get3A_3903 : i32 to index
      %get3A_3905 = arith.constant 48 : index
      %get3A_3906 = tpu.vector_load %arg12[%get3A_3904, %get3A_3905] {strides = array<i32>} : memref<8x64xf32, #tpu.memory_space<vmem>>, vector<16xf32>,
      %get3A_3907 = arith.constant 7 : i32
      %get3A_3908 = arith.index_cast %get3A_3907 : i32 to index
      %get3A_3909 = arith.constant 48 : index
      %get3A_3910 = tpu.vector_load %arg13[%get3A_3908, %get3A_3909] {strides = array<i32>} : memref<8x64xf32, #tpu.memory_space<vmem>>, vector<16xf32>,
      %add3A_3911 = arith.addf %get3A_3906, %get3A_3910 : vector<16xf32>
      %swap3A_3912 = arith.constant 7 : i32
      %swap3A_3913 = arith.index_cast %swap3A_3912 : i32 to index
      %swap3A_3914 = arith.constant 48 : index
      %swap3A_3915 = tpu.vector_load %arg12[%swap3A_3913, %swap3A_3914] {strides = array<i32>} : memref<8x64xf32, #tpu.memory_space<vmem>>, vector<16xf32>,
      tpu.vector_store %arg12[%swap3A_3913, %swap3A_3914], %add3A_3911 {strides = array<i32>} : memref<8x64xf32, #tpu.memory_space<vmem>>, vector<16xf32>,
      %scan3A_3916 = arith.constant 0 : i32
      scf.yield %scan3A_3916 : i32
    }
    %scan3A_2426 = arith.constant 16 : i32
    %get3A = arith.constant 0 : i32
    %get3A_2427 = arith.index_cast %get3A : i32 to index
    %get3A_2428 = arith.constant 0 : index
    %get3A_2429 = tpu.vector_load %arg11[%get3A_2427, %get3A_2428] {strides = array<i32>} : memref<8x64xf32, #tpu.memory_space<vmem>>, vector<16xf32>,
    %get3A_2430 = arith.constant 0 : i32
    %get3A_2431 = arith.index_cast %get3A_2430 : i32 to index
    %get3A_2432 = arith.constant 0 : index
    %get3A_2433 = tpu.vector_load %arg12[%get3A_2431, %get3A_2432] {strides = array<i32>} : memref<8x64xf32, #tpu.memory_space<vmem>>, vector<16xf32>,
    %mul3A_2434 = arith.mulf %get3A_2429, %get3A_2429 : vector<16xf32>
    %sub3A_2435 = arith.subf %mul3A_2434, %get3A_2433 : vector<16xf32>
    %swap3A_2436 = arith.constant 0 : i32
    %swap3A_2437 = arith.index_cast %swap3A_2436 : i32 to index
    %swap3A_2438 = arith.constant 0 : index
    %swap3A_2439 = tpu.vector_load %arg13[%swap3A_2437, %swap3A_2438] {strides = array<i32>} : memref<8x64xf32, #tpu.memory_space<vmem>>, vector<16xf32>,
    tpu.vector_store %arg13[%swap3A_2437, %swap3A_2438], %sub3A_2435 {strides = array<i32>} : memref<8x64xf32, #tpu.memory_space<vmem>>, vector<16xf32>,
    %get3A_2440 = arith.constant 0 : i32
    %get3A_2441 = arith.index_cast %get3A_2440 : i32 to index
    %get3A_2442 = arith.constant 16 : index
    %get3A_2443 = tpu.vector_load %arg11[%get3A_2441, %get3A_2442] {strides = array<i32>} : memref<8x64xf32, #tpu.memory_space<vmem>>, vector<16xf32>,
    %get3A_2444 = arith.constant 0 : i32
    %get3A_2445 = arith.index_cast %get3A_2444 : i32 to index
    %get3A_2446 = arith.constant 16 : index
    %get3A_2447 = tpu.vector_load %arg12[%get3A_2445, %get3A_2446] {strides = array<i32>} : memref<8x64xf32, #tpu.memory_space<vmem>>, vector<16xf32>,
    %mul3A_2448 = arith.mulf %get3A_2443, %get3A_2443 : vector<16xf32>
    %sub3A_2449 = arith.subf %mul3A_2448, %get3A_2447 : vector<16xf32>
    %swap3A_2450 = arith.constant 0 : i32
    %swap3A_2451 = arith.index_cast %swap3A_2450 : i32 to index
    %swap3A_2452 = arith.constant 16 : index
    %swap3A_2453 = tpu.vector_load %arg13[%swap3A_2451, %swap3A_2452] {strides = array<i32>} : memref<8x64xf32, #tpu.memory_space<vmem>>, vector<16xf32>,
    tpu.vector_store %arg13[%swap3A_2451, %swap3A_2452], %sub3A_2449 {strides = array<i32>} : memref<8x64xf32, #tpu.memory_space<vmem>>, vector<16xf32>,
    %get3A_2454 = arith.constant 0 : i32
    %get3A_2455 = arith.index_cast %get3A_2454 : i32 to index
    %get3A_2456 = arith.constant 32 : index
    %get3A_2457 = tpu.vector_load %arg11[%get3A_2455, %get3A_2456] {strides = array<i32>} : memref<8x64xf32, #tpu.memory_space<vmem>>, vector<16xf32>,
    %get3A_2458 = arith.constant 0 : i32
    %get3A_2459 = arith.index_cast %get3A_2458 : i32 to index
    %get3A_2460 = arith.constant 32 : index
    %get3A_2461 = tpu.vector_load %arg12[%get3A_2459, %get3A_2460] {strides = array<i32>} : memref<8x64xf32, #tpu.memory_space<vmem>>, vector<16xf32>,
    %mul3A_2462 = arith.mulf %get3A_2457, %get3A_2457 : vector<16xf32>
    %sub3A_2463 = arith.subf %mul3A_2462, %get3A_2461 : vector<16xf32>
    %swap3A_2464 = arith.constant 0 : i32
    %swap3A_2465 = arith.index_cast %swap3A_2464 : i32 to index
    %swap3A_2466 = arith.constant 32 : index
    %swap3A_2467 = tpu.vector_load %arg13[%swap3A_2465, %swap3A_2466] {strides = array<i32>} : memref<8x64xf32, #tpu.memory_space<vmem>>, vector<16xf32>,
    tpu.vector_store %arg13[%swap3A_2465, %swap3A_2466], %sub3A_2463 {strides = array<i32>} : memref<8x64xf32, #tpu.memory_space<vmem>>, vector<16xf32>,
    %get3A_2468 = arith.constant 0 : i32
    %get3A_2469 = arith.index_cast %get3A_2468 : i32 to index
    %get3A_2470 = arith.constant 48 : index
    %get3A_2471 = tpu.vector_load %arg11[%get3A_2469, %get3A_2470] {strides = array<i32>} : memref<8x64xf32, #tpu.memory_space<vmem>>, vector<16xf32>,
    %get3A_2472 = arith.constant 0 : i32
    %get3A_2473 = arith.index_cast %get3A_2472 : i32 to index
    %get3A_2474 = arith.constant 48 : index
    %get3A_2475 = tpu.vector_load %arg12[%get3A_2473, %get3A_2474] {strides = array<i32>} : memref<8x64xf32, #tpu.memory_space<vmem>>, vector<16xf32>,
    %mul3A_2476 = arith.mulf %get3A_2471, %get3A_2471 : vector<16xf32>
    %sub3A_2477 = arith.subf %mul3A_2476, %get3A_2475 : vector<16xf32>
    %swap3A_2478 = arith.constant 0 : i32
    %swap3A_2479 = arith.index_cast %swap3A_2478 : i32 to index
    %swap3A_2480 = arith.constant 48 : index
    %swap3A_2481 = tpu.vector_load %arg13[%swap3A_2479, %swap3A_2480] {strides = array<i32>} : memref<8x64xf32, #tpu.memory_space<vmem>>, vector<16xf32>,
    tpu.vector_store %arg13[%swap3A_2479, %swap3A_2480], %sub3A_2477 {strides = array<i32>} : memref<8x64xf32, #tpu.memory_space<vmem>>, vector<16xf32>,
    %get3A_2482 = arith.constant 1 : i32
    %get3A_2483 = arith.index_cast %get3A_2482 : i32 to index
    %get3A_2484 = arith.constant 0 : index
    %get3A_2485 = tpu.vector_load %arg11[%get3A_2483, %get3A_2484] {strides = array<i32>} : memref<8x64xf32, #tpu.memory_space<vmem>>, vector<16xf32>,
    %get3A_2486 = arith.constant 1 : i32
    %get3A_2487 = arith.index_cast %get3A_2486 : i32 to index
    %get3A_2488 = arith.constant 0 : index
    %get3A_2489 = tpu.vector_load %arg12[%get3A_2487, %get3A_2488] {strides = array<i32>} : memref<8x64xf32, #tpu.memory_space<vmem>>, vector<16xf32>,
    %mul3A_2490 = arith.mulf %get3A_2485, %get3A_2485 : vector<16xf32>
    %sub3A_2491 = arith.subf %mul3A_2490, %get3A_2489 : vector<16xf32>
    %swap3A_2492 = arith.constant 1 : i32
    %swap3A_2493 = arith.index_cast %swap3A_2492 : i32 to index
    %swap3A_2494 = arith.constant 0 : index
    %swap3A_2495 = tpu.vector_load %arg13[%swap3A_2493, %swap3A_2494] {strides = array<i32>} : memref<8x64xf32, #tpu.memory_space<vmem>>, vector<16xf32>,
    tpu.vector_store %arg13[%swap3A_2493, %swap3A_2494], %sub3A_2491 {strides = array<i32>} : memref<8x64xf32, #tpu.memory_space<vmem>>, vector<16xf32>,
    %get3A_2496 = arith.constant 1 : i32
    %get3A_2497 = arith.index_cast %get3A_2496 : i32 to index
    %get3A_2498 = arith.constant 16 : index
    %get3A_2499 = tpu.vector_load %arg11[%get3A_2497, %get3A_2498] {strides = array<i32>} : memref<8x64xf32, #tpu.memory_space<vmem>>, vector<16xf32>,
    %get3A_2500 = arith.constant 1 : i32
    %get3A_2501 = arith.index_cast %get3A_2500 : i32 to index
    %get3A_2502 = arith.constant 16 : index
    %get3A_2503 = tpu.vector_load %arg12[%get3A_2501, %get3A_2502] {strides = array<i32>} : memref<8x64xf32, #tpu.memory_space<vmem>>, vector<16xf32>,
    %mul3A_2504 = arith.mulf %get3A_2499, %get3A_2499 : vector<16xf32>
    %sub3A_2505 = arith.subf %mul3A_2504, %get3A_2503 : vector<16xf32>
    %swap3A_2506 = arith.constant 1 : i32
    %swap3A_2507 = arith.index_cast %swap3A_2506 : i32 to index
    %swap3A_2508 = arith.constant 16 : index
    %swap3A_2509 = tpu.vector_load %arg13[%swap3A_2507, %swap3A_2508] {strides = array<i32>} : memref<8x64xf32, #tpu.memory_space<vmem>>, vector<16xf32>,
    tpu.vector_store %arg13[%swap3A_2507, %swap3A_2508], %sub3A_2505 {strides = array<i32>} : memref<8x64xf32, #tpu.memory_space<vmem>>, vector<16xf32>,
    %get3A_2510 = arith.constant 1 : i32
    %get3A_2511 = arith.index_cast %get3A_2510 : i32 to index
    %get3A_2512 = arith.constant 32 : index
    %get3A_2513 = tpu.vector_load %arg11[%get3A_2511, %get3A_2512] {strides = array<i32>} : memref<8x64xf32, #tpu.memory_space<vmem>>, vector<16xf32>,
    %get3A_2514 = arith.constant 1 : i32
    %get3A_2515 = arith.index_cast %get3A_2514 : i32 to index
    %get3A_2516 = arith.constant 32 : index
    %get3A_2517 = tpu.vector_load %arg12[%get3A_2515, %get3A_2516] {strides = array<i32>} : memref<8x64xf32, #tpu.memory_space<vmem>>, vector<16xf32>,
    %mul3A_2518 = arith.mulf %get3A_2513, %get3A_2513 : vector<16xf32>
    %sub3A_2519 = arith.subf %mul3A_2518, %get3A_2517 : vector<16xf32>
    %swap3A_2520 = arith.constant 1 : i32
    %swap3A_2521 = arith.index_cast %swap3A_2520 : i32 to index
    %swap3A_2522 = arith.constant 32 : index
    %swap3A_2523 = tpu.vector_load %arg13[%swap3A_2521, %swap3A_2522] {strides = array<i32>} : memref<8x64xf32, #tpu.memory_space<vmem>>, vector<16xf32>,
    tpu.vector_store %arg13[%swap3A_2521, %swap3A_2522], %sub3A_2519 {strides = array<i32>} : memref<8x64xf32, #tpu.memory_space<vmem>>, vector<16xf32>,
    %get3A_2524 = arith.constant 1 : i32
    %get3A_2525 = arith.index_cast %get3A_2524 : i32 to index
    %get3A_2526 = arith.constant 48 : index
    %get3A_2527 = tpu.vector_load %arg11[%get3A_2525, %get3A_2526] {strides = array<i32>} : memref<8x64xf32, #tpu.memory_space<vmem>>, vector<16xf32>,
    %get3A_2528 = arith.constant 1 : i32
    %get3A_2529 = arith.index_cast %get3A_2528 : i32 to index
    %get3A_2530 = arith.constant 48 : index
    %get3A_2531 = tpu.vector_load %arg12[%get3A_2529, %get3A_2530] {strides = array<i32>} : memref<8x64xf32, #tpu.memory_space<vmem>>, vector<16xf32>,
    %mul3A_2532 = arith.mulf %get3A_2527, %get3A_2527 : vector<16xf32>
    %sub3A_2533 = arith.subf %mul3A_2532, %get3A_2531 : vector<16xf32>
    %swap3A_2534 = arith.constant 1 : i32
    %swap3A_2535 = arith.index_cast %swap3A_2534 : i32 to index
    %swap3A_2536 = arith.constant 48 : index
    %swap3A_2537 = tpu.vector_load %arg13[%swap3A_2535, %swap3A_2536] {strides = array<i32>} : memref<8x64xf32, #tpu.memory_space<vmem>>, vector<16xf32>,
    tpu.vector_store %arg13[%swap3A_2535, %swap3A_2536], %sub3A_2533 {strides = array<i32>} : memref<8x64xf32, #tpu.memory_space<vmem>>, vector<16xf32>,
    %get3A_2538 = arith.constant 2 : i32
    %get3A_2539 = arith.index_cast %get3A_2538 : i32 to index
    %get3A_2540 = arith.constant 0 : index
    %get3A_2541 = tpu.vector_load %arg11[%get3A_2539, %get3A_2540] {strides = array<i32>} : memref<8x64xf32, #tpu.memory_space<vmem>>, vector<16xf32>,
    %get3A_2542 = arith.constant 2 : i32
    %get3A_2543 = arith.index_cast %get3A_2542 : i32 to index
    %get3A_2544 = arith.constant 0 : index
    %get3A_2545 = tpu.vector_load %arg12[%get3A_2543, %get3A_2544] {strides = array<i32>} : memref<8x64xf32, #tpu.memory_space<vmem>>, vector<16xf32>,
    %mul3A_2546 = arith.mulf %get3A_2541, %get3A_2541 : vector<16xf32>
    %sub3A_2547 = arith.subf %mul3A_2546, %get3A_2545 : vector<16xf32>
    %swap3A_2548 = arith.constant 2 : i32
    %swap3A_2549 = arith.index_cast %swap3A_2548 : i32 to index
    %swap3A_2550 = arith.constant 0 : index
    %swap3A_2551 = tpu.vector_load %arg13[%swap3A_2549, %swap3A_2550] {strides = array<i32>} : memref<8x64xf32, #tpu.memory_space<vmem>>, vector<16xf32>,
    tpu.vector_store %arg13[%swap3A_2549, %swap3A_2550], %sub3A_2547 {strides = array<i32>} : memref<8x64xf32, #tpu.memory_space<vmem>>, vector<16xf32>,
    %get3A_2552 = arith.constant 2 : i32
    %get3A_2553 = arith.index_cast %get3A_2552 : i32 to index
    %get3A_2554 = arith.constant 16 : index
    %get3A_2555 = tpu.vector_load %arg11[%get3A_2553, %get3A_2554] {strides = array<i32>} : memref<8x64xf32, #tpu.memory_space<vmem>>, vector<16xf32>,
    %get3A_2556 = arith.constant 2 : i32
    %get3A_2557 = arith.index_cast %get3A_2556 : i32 to index
    %get3A_2558 = arith.constant 16 : index
    %get3A_2559 = tpu.vector_load %arg12[%get3A_2557, %get3A_2558] {strides = array<i32>} : memref<8x64xf32, #tpu.memory_space<vmem>>, vector<16xf32>,
    %mul3A_2560 = arith.mulf %get3A_2555, %get3A_2555 : vector<16xf32>
    %sub3A_2561 = arith.subf %mul3A_2560, %get3A_2559 : vector<16xf32>
    %swap3A_2562 = arith.constant 2 : i32
    %swap3A_2563 = arith.index_cast %swap3A_2562 : i32 to index
    %swap3A_2564 = arith.constant 16 : index
    %swap3A_2565 = tpu.vector_load %arg13[%swap3A_2563, %swap3A_2564] {strides = array<i32>} : memref<8x64xf32, #tpu.memory_space<vmem>>, vector<16xf32>,
    tpu.vector_store %arg13[%swap3A_2563, %swap3A_2564], %sub3A_2561 {strides = array<i32>} : memref<8x64xf32, #tpu.memory_space<vmem>>, vector<16xf32>,
    %get3A_2566 = arith.constant 2 : i32
    %get3A_2567 = arith.index_cast %get3A_2566 : i32 to index
    %get3A_2568 = arith.constant 32 : index
    %get3A_2569 = tpu.vector_load %arg11[%get3A_2567, %get3A_2568] {strides = array<i32>} : memref<8x64xf32, #tpu.memory_space<vmem>>, vector<16xf32>,
    %get3A_2570 = arith.constant 2 : i32
    %get3A_2571 = arith.index_cast %get3A_2570 : i32 to index
    %get3A_2572 = arith.constant 32 : index
    %get3A_2573 = tpu.vector_load %arg12[%get3A_2571, %get3A_2572] {strides = array<i32>} : memref<8x64xf32, #tpu.memory_space<vmem>>, vector<16xf32>,
    %mul3A_2574 = arith.mulf %get3A_2569, %get3A_2569 : vector<16xf32>
    %sub3A_2575 = arith.subf %mul3A_2574, %get3A_2573 : vector<16xf32>
    %swap3A_2576 = arith.constant 2 : i32
    %swap3A_2577 = arith.index_cast %swap3A_2576 : i32 to index
    %swap3A_2578 = arith.constant 32 : index
    %swap3A_2579 = tpu.vector_load %arg13[%swap3A_2577, %swap3A_2578] {strides = array<i32>} : memref<8x64xf32, #tpu.memory_space<vmem>>, vector<16xf32>,
    tpu.vector_store %arg13[%swap3A_2577, %swap3A_2578], %sub3A_2575 {strides = array<i32>} : memref<8x64xf32, #tpu.memory_space<vmem>>, vector<16xf32>,
    %get3A_2580 = arith.constant 2 : i32
    %get3A_2581 = arith.index_cast %get3A_2580 : i32 to index
    %get3A_2582 = arith.constant 48 : index
    %get3A_2583 = tpu.vector_load %arg11[%get3A_2581, %get3A_2582] {strides = array<i32>} : memref<8x64xf32, #tpu.memory_space<vmem>>, vector<16xf32>,
    %get3A_2584 = arith.constant 2 : i32
    %get3A_2585 = arith.index_cast %get3A_2584 : i32 to index
    %get3A_2586 = arith.constant 48 : index
    %get3A_2587 = tpu.vector_load %arg12[%get3A_2585, %get3A_2586] {strides = array<i32>} : memref<8x64xf32, #tpu.memory_space<vmem>>, vector<16xf32>,
    %mul3A_2588 = arith.mulf %get3A_2583, %get3A_2583 : vector<16xf32>
    %sub3A_2589 = arith.subf %mul3A_2588, %get3A_2587 : vector<16xf32>
    %swap3A_2590 = arith.constant 2 : i32
    %swap3A_2591 = arith.index_cast %swap3A_2590 : i32 to index
    %swap3A_2592 = arith.constant 48 : index
    %swap3A_2593 = tpu.vector_load %arg13[%swap3A_2591, %swap3A_2592] {strides = array<i32>} : memref<8x64xf32, #tpu.memory_space<vmem>>, vector<16xf32>,
    tpu.vector_store %arg13[%swap3A_2591, %swap3A_2592], %sub3A_2589 {strides = array<i32>} : memref<8x64xf32, #tpu.memory_space<vmem>>, vector<16xf32>,
    %get3A_2594 = arith.constant 3 : i32
    %get3A_2595 = arith.index_cast %get3A_2594 : i32 to index
    %get3A_2596 = arith.constant 0 : index
    %get3A_2597 = tpu.vector_load %arg11[%get3A_2595, %get3A_2596] {strides = array<i32>} : memref<8x64xf32, #tpu.memory_space<vmem>>, vector<16xf32>,
    %get3A_2598 = arith.constant 3 : i32
    %get3A_2599 = arith.index_cast %get3A_2598 : i32 to index
    %get3A_2600 = arith.constant 0 : index
    %get3A_2601 = tpu.vector_load %arg12[%get3A_2599, %get3A_2600] {strides = array<i32>} : memref<8x64xf32, #tpu.memory_space<vmem>>, vector<16xf32>,
    %mul3A_2602 = arith.mulf %get3A_2597, %get3A_2597 : vector<16xf32>
    %sub3A_2603 = arith.subf %mul3A_2602, %get3A_2601 : vector<16xf32>
    %swap3A_2604 = arith.constant 3 : i32
    %swap3A_2605 = arith.index_cast %swap3A_2604 : i32 to index
    %swap3A_2606 = arith.constant 0 : index
    %swap3A_2607 = tpu.vector_load %arg13[%swap3A_2605, %swap3A_2606] {strides = array<i32>} : memref<8x64xf32, #tpu.memory_space<vmem>>, vector<16xf32>,
    tpu.vector_store %arg13[%swap3A_2605, %swap3A_2606], %sub3A_2603 {strides = array<i32>} : memref<8x64xf32, #tpu.memory_space<vmem>>, vector<16xf32>,
    %get3A_2608 = arith.constant 3 : i32
    %get3A_2609 = arith.index_cast %get3A_2608 : i32 to index
    %get3A_2610 = arith.constant 16 : index
    %get3A_2611 = tpu.vector_load %arg11[%get3A_2609, %get3A_2610] {strides = array<i32>} : memref<8x64xf32, #tpu.memory_space<vmem>>, vector<16xf32>,
    %get3A_2612 = arith.constant 3 : i32
    %get3A_2613 = arith.index_cast %get3A_2612 : i32 to index
    %get3A_2614 = arith.constant 16 : index
    %get3A_2615 = tpu.vector_load %arg12[%get3A_2613, %get3A_2614] {strides = array<i32>} : memref<8x64xf32, #tpu.memory_space<vmem>>, vector<16xf32>,
    %mul3A_2616 = arith.mulf %get3A_2611, %get3A_2611 : vector<16xf32>
    %sub3A_2617 = arith.subf %mul3A_2616, %get3A_2615 : vector<16xf32>
    %swap3A_2618 = arith.constant 3 : i32
    %swap3A_2619 = arith.index_cast %swap3A_2618 : i32 to index
    %swap3A_2620 = arith.constant 16 : index
    %swap3A_2621 = tpu.vector_load %arg13[%swap3A_2619, %swap3A_2620] {strides = array<i32>} : memref<8x64xf32, #tpu.memory_space<vmem>>, vector<16xf32>,
    tpu.vector_store %arg13[%swap3A_2619, %swap3A_2620], %sub3A_2617 {strides = array<i32>} : memref<8x64xf32, #tpu.memory_space<vmem>>, vector<16xf32>,
    %get3A_2622 = arith.constant 3 : i32
    %get3A_2623 = arith.index_cast %get3A_2622 : i32 to index
    %get3A_2624 = arith.constant 32 : index
    %get3A_2625 = tpu.vector_load %arg11[%get3A_2623, %get3A_2624] {strides = array<i32>} : memref<8x64xf32, #tpu.memory_space<vmem>>, vector<16xf32>,
    %get3A_2626 = arith.constant 3 : i32
    %get3A_2627 = arith.index_cast %get3A_2626 : i32 to index
    %get3A_2628 = arith.constant 32 : index
    %get3A_2629 = tpu.vector_load %arg12[%get3A_2627, %get3A_2628] {strides = array<i32>} : memref<8x64xf32, #tpu.memory_space<vmem>>, vector<16xf32>,
    %mul3A_2630 = arith.mulf %get3A_2625, %get3A_2625 : vector<16xf32>
    %sub3A_2631 = arith.subf %mul3A_2630, %get3A_2629 : vector<16xf32>
    %swap3A_2632 = arith.constant 3 : i32
    %swap3A_2633 = arith.index_cast %swap3A_2632 : i32 to index
    %swap3A_2634 = arith.constant 32 : index
    %swap3A_2635 = tpu.vector_load %arg13[%swap3A_2633, %swap3A_2634] {strides = array<i32>} : memref<8x64xf32, #tpu.memory_space<vmem>>, vector<16xf32>,
    tpu.vector_store %arg13[%swap3A_2633, %swap3A_2634], %sub3A_2631 {strides = array<i32>} : memref<8x64xf32, #tpu.memory_space<vmem>>, vector<16xf32>,
    %get3A_2636 = arith.constant 3 : i32
    %get3A_2637 = arith.index_cast %get3A_2636 : i32 to index
    %get3A_2638 = arith.constant 48 : index
    %get3A_2639 = tpu.vector_load %arg11[%get3A_2637, %get3A_2638] {strides = array<i32>} : memref<8x64xf32, #tpu.memory_space<vmem>>, vector<16xf32>,
    %get3A_2640 = arith.constant 3 : i32
    %get3A_2641 = arith.index_cast %get3A_2640 : i32 to index
    %get3A_2642 = arith.constant 48 : index
    %get3A_2643 = tpu.vector_load %arg12[%get3A_2641, %get3A_2642] {strides = array<i32>} : memref<8x64xf32, #tpu.memory_space<vmem>>, vector<16xf32>,
    %mul3A_2644 = arith.mulf %get3A_2639, %get3A_2639 : vector<16xf32>
    %sub3A_2645 = arith.subf %mul3A_2644, %get3A_2643 : vector<16xf32>
    %swap3A_2646 = arith.constant 3 : i32
    %swap3A_2647 = arith.index_cast %swap3A_2646 : i32 to index
    %swap3A_2648 = arith.constant 48 : index
    %swap3A_2649 = tpu.vector_load %arg13[%swap3A_2647, %swap3A_2648] {strides = array<i32>} : memref<8x64xf32, #tpu.memory_space<vmem>>, vector<16xf32>,
    tpu.vector_store %arg13[%swap3A_2647, %swap3A_2648], %sub3A_2645 {strides = array<i32>} : memref<8x64xf32, #tpu.memory_space<vmem>>, vector<16xf32>,
    %get3A_2650 = arith.constant 4 : i32
    %get3A_2651 = arith.index_cast %get3A_2650 : i32 to index
    %get3A_2652 = arith.constant 0 : index
    %get3A_2653 = tpu.vector_load %arg11[%get3A_2651, %get3A_2652] {strides = array<i32>} : memref<8x64xf32, #tpu.memory_space<vmem>>, vector<16xf32>,
    %get3A_2654 = arith.constant 4 : i32
    %get3A_2655 = arith.index_cast %get3A_2654 : i32 to index
    %get3A_2656 = arith.constant 0 : index
    %get3A_2657 = tpu.vector_load %arg12[%get3A_2655, %get3A_2656] {strides = array<i32>} : memref<8x64xf32, #tpu.memory_space<vmem>>, vector<16xf32>,
    %mul3A_2658 = arith.mulf %get3A_2653, %get3A_2653 : vector<16xf32>
    %sub3A_2659 = arith.subf %mul3A_2658, %get3A_2657 : vector<16xf32>
    %swap3A_2660 = arith.constant 4 : i32
    %swap3A_2661 = arith.index_cast %swap3A_2660 : i32 to index
    %swap3A_2662 = arith.constant 0 : index
    %swap3A_2663 = tpu.vector_load %arg13[%swap3A_2661, %swap3A_2662] {strides = array<i32>} : memref<8x64xf32, #tpu.memory_space<vmem>>, vector<16xf32>,
    tpu.vector_store %arg13[%swap3A_2661, %swap3A_2662], %sub3A_2659 {strides = array<i32>} : memref<8x64xf32, #tpu.memory_space<vmem>>, vector<16xf32>,
    %get3A_2664 = arith.constant 4 : i32
    %get3A_2665 = arith.index_cast %get3A_2664 : i32 to index
    %get3A_2666 = arith.constant 16 : index
    %get3A_2667 = tpu.vector_load %arg11[%get3A_2665, %get3A_2666] {strides = array<i32>} : memref<8x64xf32, #tpu.memory_space<vmem>>, vector<16xf32>,
    %get3A_2668 = arith.constant 4 : i32
    %get3A_2669 = arith.index_cast %get3A_2668 : i32 to index
    %get3A_2670 = arith.constant 16 : index
    %get3A_2671 = tpu.vector_load %arg12[%get3A_2669, %get3A_2670] {strides = array<i32>} : memref<8x64xf32, #tpu.memory_space<vmem>>, vector<16xf32>,
    %mul3A_2672 = arith.mulf %get3A_2667, %get3A_2667 : vector<16xf32>
    %sub3A_2673 = arith.subf %mul3A_2672, %get3A_2671 : vector<16xf32>
    %swap3A_2674 = arith.constant 4 : i32
    %swap3A_2675 = arith.index_cast %swap3A_2674 : i32 to index
    %swap3A_2676 = arith.constant 16 : index
    %swap3A_2677 = tpu.vector_load %arg13[%swap3A_2675, %swap3A_2676] {strides = array<i32>} : memref<8x64xf32, #tpu.memory_space<vmem>>, vector<16xf32>,
    tpu.vector_store %arg13[%swap3A_2675, %swap3A_2676], %sub3A_2673 {strides = array<i32>} : memref<8x64xf32, #tpu.memory_space<vmem>>, vector<16xf32>,
    %get3A_2678 = arith.constant 4 : i32
    %get3A_2679 = arith.index_cast %get3A_2678 : i32 to index
    %get3A_2680 = arith.constant 32 : index
    %get3A_2681 = tpu.vector_load %arg11[%get3A_2679, %get3A_2680] {strides = array<i32>} : memref<8x64xf32, #tpu.memory_space<vmem>>, vector<16xf32>,
    %get3A_2682 = arith.constant 4 : i32
    %get3A_2683 = arith.index_cast %get3A_2682 : i32 to index
    %get3A_2684 = arith.constant 32 : index
    %get3A_2685 = tpu.vector_load %arg12[%get3A_2683, %get3A_2684] {strides = array<i32>} : memref<8x64xf32, #tpu.memory_space<vmem>>, vector<16xf32>,
    %mul3A_2686 = arith.mulf %get3A_2681, %get3A_2681 : vector<16xf32>
    %sub3A_2687 = arith.subf %mul3A_2686, %get3A_2685 : vector<16xf32>
    %swap3A_2688 = arith.constant 4 : i32
    %swap3A_2689 = arith.index_cast %swap3A_2688 : i32 to index
    %swap3A_2690 = arith.constant 32 : index
    %swap3A_2691 = tpu.vector_load %arg13[%swap3A_2689, %swap3A_2690] {strides = array<i32>} : memref<8x64xf32, #tpu.memory_space<vmem>>, vector<16xf32>,
    tpu.vector_store %arg13[%swap3A_2689, %swap3A_2690], %sub3A_2687 {strides = array<i32>} : memref<8x64xf32, #tpu.memory_space<vmem>>, vector<16xf32>,
    %get3A_2692 = arith.constant 4 : i32
    %get3A_2693 = arith.index_cast %get3A_2692 : i32 to index
    %get3A_2694 = arith.constant 48 : index
    %get3A_2695 = tpu.vector_load %arg11[%get3A_2693, %get3A_2694] {strides = array<i32>} : memref<8x64xf32, #tpu.memory_space<vmem>>, vector<16xf32>,
    %get3A_2696 = arith.constant 4 : i32
    %get3A_2697 = arith.index_cast %get3A_2696 : i32 to index
    %get3A_2698 = arith.constant 48 : index
    %get3A_2699 = tpu.vector_load %arg12[%get3A_2697, %get3A_2698] {strides = array<i32>} : memref<8x64xf32, #tpu.memory_space<vmem>>, vector<16xf32>,
    %mul3A_2700 = arith.mulf %get3A_2695, %get3A_2695 : vector<16xf32>
    %sub3A_2701 = arith.subf %mul3A_2700, %get3A_2699 : vector<16xf32>
    %swap3A_2702 = arith.constant 4 : i32
    %swap3A_2703 = arith.index_cast %swap3A_2702 : i32 to index
    %swap3A_2704 = arith.constant 48 : index
    %swap3A_2705 = tpu.vector_load %arg13[%swap3A_2703, %swap3A_2704] {strides = array<i32>} : memref<8x64xf32, #tpu.memory_space<vmem>>, vector<16xf32>,
    tpu.vector_store %arg13[%swap3A_2703, %swap3A_2704], %sub3A_2701 {strides = array<i32>} : memref<8x64xf32, #tpu.memory_space<vmem>>, vector<16xf32>,
    %get3A_2706 = arith.constant 5 : i32
    %get3A_2707 = arith.index_cast %get3A_2706 : i32 to index
    %get3A_2708 = arith.constant 0 : index
    %get3A_2709 = tpu.vector_load %arg11[%get3A_2707, %get3A_2708] {strides = array<i32>} : memref<8x64xf32, #tpu.memory_space<vmem>>, vector<16xf32>,
    %get3A_2710 = arith.constant 5 : i32
    %get3A_2711 = arith.index_cast %get3A_2710 : i32 to index
    %get3A_2712 = arith.constant 0 : index
    %get3A_2713 = tpu.vector_load %arg12[%get3A_2711, %get3A_2712] {strides = array<i32>} : memref<8x64xf32, #tpu.memory_space<vmem>>, vector<16xf32>,
    %mul3A_2714 = arith.mulf %get3A_2709, %get3A_2709 : vector<16xf32>
    %sub3A_2715 = arith.subf %mul3A_2714, %get3A_2713 : vector<16xf32>
    %swap3A_2716 = arith.constant 5 : i32
    %swap3A_2717 = arith.index_cast %swap3A_2716 : i32 to index
    %swap3A_2718 = arith.constant 0 : index
    %swap3A_2719 = tpu.vector_load %arg13[%swap3A_2717, %swap3A_2718] {strides = array<i32>} : memref<8x64xf32, #tpu.memory_space<vmem>>, vector<16xf32>,
    tpu.vector_store %arg13[%swap3A_2717, %swap3A_2718], %sub3A_2715 {strides = array<i32>} : memref<8x64xf32, #tpu.memory_space<vmem>>, vector<16xf32>,
    %get3A_2720 = arith.constant 5 : i32
    %get3A_2721 = arith.index_cast %get3A_2720 : i32 to index
    %get3A_2722 = arith.constant 16 : index
    %get3A_2723 = tpu.vector_load %arg11[%get3A_2721, %get3A_2722] {strides = array<i32>} : memref<8x64xf32, #tpu.memory_space<vmem>>, vector<16xf32>,
    %get3A_2724 = arith.constant 5 : i32
    %get3A_2725 = arith.index_cast %get3A_2724 : i32 to index
    %get3A_2726 = arith.constant 16 : index
    %get3A_2727 = tpu.vector_load %arg12[%get3A_2725, %get3A_2726] {strides = array<i32>} : memref<8x64xf32, #tpu.memory_space<vmem>>, vector<16xf32>,
    %mul3A_2728 = arith.mulf %get3A_2723, %get3A_2723 : vector<16xf32>
    %sub3A_2729 = arith.subf %mul3A_2728, %get3A_2727 : vector<16xf32>
    %swap3A_2730 = arith.constant 5 : i32
    %swap3A_2731 = arith.index_cast %swap3A_2730 : i32 to index
    %swap3A_2732 = arith.constant 16 : index
    %swap3A_2733 = tpu.vector_load %arg13[%swap3A_2731, %swap3A_2732] {strides = array<i32>} : memref<8x64xf32, #tpu.memory_space<vmem>>, vector<16xf32>,
    tpu.vector_store %arg13[%swap3A_2731, %swap3A_2732], %sub3A_2729 {strides = array<i32>} : memref<8x64xf32, #tpu.memory_space<vmem>>, vector<16xf32>,
    %get3A_2734 = arith.constant 5 : i32
    %get3A_2735 = arith.index_cast %get3A_2734 : i32 to index
    %get3A_2736 = arith.constant 32 : index
    %get3A_2737 = tpu.vector_load %arg11[%get3A_2735, %get3A_2736] {strides = array<i32>} : memref<8x64xf32, #tpu.memory_space<vmem>>, vector<16xf32>,
    %get3A_2738 = arith.constant 5 : i32
    %get3A_2739 = arith.index_cast %get3A_2738 : i32 to index
    %get3A_2740 = arith.constant 32 : index
    %get3A_2741 = tpu.vector_load %arg12[%get3A_2739, %get3A_2740] {strides = array<i32>} : memref<8x64xf32, #tpu.memory_space<vmem>>, vector<16xf32>,
    %mul3A_2742 = arith.mulf %get3A_2737, %get3A_2737 : vector<16xf32>
    %sub3A_2743 = arith.subf %mul3A_2742, %get3A_2741 : vector<16xf32>
    %swap3A_2744 = arith.constant 5 : i32
    %swap3A_2745 = arith.index_cast %swap3A_2744 : i32 to index
    %swap3A_2746 = arith.constant 32 : index
    %swap3A_2747 = tpu.vector_load %arg13[%swap3A_2745, %swap3A_2746] {strides = array<i32>} : memref<8x64xf32, #tpu.memory_space<vmem>>, vector<16xf32>,
    tpu.vector_store %arg13[%swap3A_2745, %swap3A_2746], %sub3A_2743 {strides = array<i32>} : memref<8x64xf32, #tpu.memory_space<vmem>>, vector<16xf32>,
    %get3A_2748 = arith.constant 5 : i32
    %get3A_2749 = arith.index_cast %get3A_2748 : i32 to index
    %get3A_2750 = arith.constant 48 : index
    %get3A_2751 = tpu.vector_load %arg11[%get3A_2749, %get3A_2750] {strides = array<i32>} : memref<8x64xf32, #tpu.memory_space<vmem>>, vector<16xf32>,
    %get3A_2752 = arith.constant 5 : i32
    %get3A_2753 = arith.index_cast %get3A_2752 : i32 to index
    %get3A_2754 = arith.constant 48 : index
    %get3A_2755 = tpu.vector_load %arg12[%get3A_2753, %get3A_2754] {strides = array<i32>} : memref<8x64xf32, #tpu.memory_space<vmem>>, vector<16xf32>,
    %mul3A_2756 = arith.mulf %get3A_2751, %get3A_2751 : vector<16xf32>
    %sub3A_2757 = arith.subf %mul3A_2756, %get3A_2755 : vector<16xf32>
    %swap3A_2758 = arith.constant 5 : i32
    %swap3A_2759 = arith.index_cast %swap3A_2758 : i32 to index
    %swap3A_2760 = arith.constant 48 : index
    %swap3A_2761 = tpu.vector_load %arg13[%swap3A_2759, %swap3A_2760] {strides = array<i32>} : memref<8x64xf32, #tpu.memory_space<vmem>>, vector<16xf32>,
    tpu.vector_store %arg13[%swap3A_2759, %swap3A_2760], %sub3A_2757 {strides = array<i32>} : memref<8x64xf32, #tpu.memory_space<vmem>>, vector<16xf32>,
    %get3A_2762 = arith.constant 6 : i32
    %get3A_2763 = arith.index_cast %get3A_2762 : i32 to index
    %get3A_2764 = arith.constant 0 : index
    %get3A_2765 = tpu.vector_load %arg11[%get3A_2763, %get3A_2764] {strides = array<i32>} : memref<8x64xf32, #tpu.memory_space<vmem>>, vector<16xf32>,
    %get3A_2766 = arith.constant 6 : i32
    %get3A_2767 = arith.index_cast %get3A_2766 : i32 to index
    %get3A_2768 = arith.constant 0 : index
    %get3A_2769 = tpu.vector_load %arg12[%get3A_2767, %get3A_2768] {strides = array<i32>} : memref<8x64xf32, #tpu.memory_space<vmem>>, vector<16xf32>,
    %mul3A_2770 = arith.mulf %get3A_2765, %get3A_2765 : vector<16xf32>
    %sub3A_2771 = arith.subf %mul3A_2770, %get3A_2769 : vector<16xf32>
    %swap3A_2772 = arith.constant 6 : i32
    %swap3A_2773 = arith.index_cast %swap3A_2772 : i32 to index
    %swap3A_2774 = arith.constant 0 : index
    %swap3A_2775 = tpu.vector_load %arg13[%swap3A_2773, %swap3A_2774] {strides = array<i32>} : memref<8x64xf32, #tpu.memory_space<vmem>>, vector<16xf32>,
    tpu.vector_store %arg13[%swap3A_2773, %swap3A_2774], %sub3A_2771 {strides = array<i32>} : memref<8x64xf32, #tpu.memory_space<vmem>>, vector<16xf32>,
    %get3A_2776 = arith.constant 6 : i32
    %get3A_2777 = arith.index_cast %get3A_2776 : i32 to index
    %get3A_2778 = arith.constant 16 : index
    %get3A_2779 = tpu.vector_load %arg11[%get3A_2777, %get3A_2778] {strides = array<i32>} : memref<8x64xf32, #tpu.memory_space<vmem>>, vector<16xf32>,
    %get3A_2780 = arith.constant 6 : i32
    %get3A_2781 = arith.index_cast %get3A_2780 : i32 to index
    %get3A_2782 = arith.constant 16 : index
    %get3A_2783 = tpu.vector_load %arg12[%get3A_2781, %get3A_2782] {strides = array<i32>} : memref<8x64xf32, #tpu.memory_space<vmem>>, vector<16xf32>,
    %mul3A_2784 = arith.mulf %get3A_2779, %get3A_2779 : vector<16xf32>
    %sub3A_2785 = arith.subf %mul3A_2784, %get3A_2783 : vector<16xf32>
    %swap3A_2786 = arith.constant 6 : i32
    %swap3A_2787 = arith.index_cast %swap3A_2786 : i32 to index
    %swap3A_2788 = arith.constant 16 : index
    %swap3A_2789 = tpu.vector_load %arg13[%swap3A_2787, %swap3A_2788] {strides = array<i32>} : memref<8x64xf32, #tpu.memory_space<vmem>>, vector<16xf32>,
    tpu.vector_store %arg13[%swap3A_2787, %swap3A_2788], %sub3A_2785 {strides = array<i32>} : memref<8x64xf32, #tpu.memory_space<vmem>>, vector<16xf32>,
    %get3A_2790 = arith.constant 6 : i32
    %get3A_2791 = arith.index_cast %get3A_2790 : i32 to index
    %get3A_2792 = arith.constant 32 : index
    %get3A_2793 = tpu.vector_load %arg11[%get3A_2791, %get3A_2792] {strides = array<i32>} : memref<8x64xf32, #tpu.memory_space<vmem>>, vector<16xf32>,
    %get3A_2794 = arith.constant 6 : i32
    %get3A_2795 = arith.index_cast %get3A_2794 : i32 to index
    %get3A_2796 = arith.constant 32 : index
    %get3A_2797 = tpu.vector_load %arg12[%get3A_2795, %get3A_2796] {strides = array<i32>} : memref<8x64xf32, #tpu.memory_space<vmem>>, vector<16xf32>,
    %mul3A_2798 = arith.mulf %get3A_2793, %get3A_2793 : vector<16xf32>
    %sub3A_2799 = arith.subf %mul3A_2798, %get3A_2797 : vector<16xf32>
    %swap3A_2800 = arith.constant 6 : i32
    %swap3A_2801 = arith.index_cast %swap3A_2800 : i32 to index
    %swap3A_2802 = arith.constant 32 : index
    %swap3A_2803 = tpu.vector_load %arg13[%swap3A_2801, %swap3A_2802] {strides = array<i32>} : memref<8x64xf32, #tpu.memory_space<vmem>>, vector<16xf32>,
    tpu.vector_store %arg13[%swap3A_2801, %swap3A_2802], %sub3A_2799 {strides = array<i32>} : memref<8x64xf32, #tpu.memory_space<vmem>>, vector<16xf32>,
    %get3A_2804 = arith.constant 6 : i32
    %get3A_2805 = arith.index_cast %get3A_2804 : i32 to index
    %get3A_2806 = arith.constant 48 : index
    %get3A_2807 = tpu.vector_load %arg11[%get3A_2805, %get3A_2806] {strides = array<i32>} : memref<8x64xf32, #tpu.memory_space<vmem>>, vector<16xf32>,
    %get3A_2808 = arith.constant 6 : i32
    %get3A_2809 = arith.index_cast %get3A_2808 : i32 to index
    %get3A_2810 = arith.constant 48 : index
    %get3A_2811 = tpu.vector_load %arg12[%get3A_2809, %get3A_2810] {strides = array<i32>} : memref<8x64xf32, #tpu.memory_space<vmem>>, vector<16xf32>,
    %mul3A_2812 = arith.mulf %get3A_2807, %get3A_2807 : vector<16xf32>
    %sub3A_2813 = arith.subf %mul3A_2812, %get3A_2811 : vector<16xf32>
    %swap3A_2814 = arith.constant 6 : i32
    %swap3A_2815 = arith.index_cast %swap3A_2814 : i32 to index
    %swap3A_2816 = arith.constant 48 : index
    %swap3A_2817 = tpu.vector_load %arg13[%swap3A_2815, %swap3A_2816] {strides = array<i32>} : memref<8x64xf32, #tpu.memory_space<vmem>>, vector<16xf32>,
    tpu.vector_store %arg13[%swap3A_2815, %swap3A_2816], %sub3A_2813 {strides = array<i32>} : memref<8x64xf32, #tpu.memory_space<vmem>>, vector<16xf32>,
    %get3A_2818 = arith.constant 7 : i32
    %get3A_2819 = arith.index_cast %get3A_2818 : i32 to index
    %get3A_2820 = arith.constant 0 : index
    %get3A_2821 = tpu.vector_load %arg11[%get3A_2819, %get3A_2820] {strides = array<i32>} : memref<8x64xf32, #tpu.memory_space<vmem>>, vector<16xf32>,
    %get3A_2822 = arith.constant 7 : i32
    %get3A_2823 = arith.index_cast %get3A_2822 : i32 to index
    %get3A_2824 = arith.constant 0 : index
    %get3A_2825 = tpu.vector_load %arg12[%get3A_2823, %get3A_2824] {strides = array<i32>} : memref<8x64xf32, #tpu.memory_space<vmem>>, vector<16xf32>,
    %mul3A_2826 = arith.mulf %get3A_2821, %get3A_2821 : vector<16xf32>
    %sub3A_2827 = arith.subf %mul3A_2826, %get3A_2825 : vector<16xf32>
    %swap3A_2828 = arith.constant 7 : i32
    %swap3A_2829 = arith.index_cast %swap3A_2828 : i32 to index
    %swap3A_2830 = arith.constant 0 : index
    %swap3A_2831 = tpu.vector_load %arg13[%swap3A_2829, %swap3A_2830] {strides = array<i32>} : memref<8x64xf32, #tpu.memory_space<vmem>>, vector<16xf32>,
    tpu.vector_store %arg13[%swap3A_2829, %swap3A_2830], %sub3A_2827 {strides = array<i32>} : memref<8x64xf32, #tpu.memory_space<vmem>>, vector<16xf32>,
    %get3A_2832 = arith.constant 7 : i32
    %get3A_2833 = arith.index_cast %get3A_2832 : i32 to index
    %get3A_2834 = arith.constant 16 : index
    %get3A_2835 = tpu.vector_load %arg11[%get3A_2833, %get3A_2834] {strides = array<i32>} : memref<8x64xf32, #tpu.memory_space<vmem>>, vector<16xf32>,
    %get3A_2836 = arith.constant 7 : i32
    %get3A_2837 = arith.index_cast %get3A_2836 : i32 to index
    %get3A_2838 = arith.constant 16 : index
    %get3A_2839 = tpu.vector_load %arg12[%get3A_2837, %get3A_2838] {strides = array<i32>} : memref<8x64xf32, #tpu.memory_space<vmem>>, vector<16xf32>,
    %mul3A_2840 = arith.mulf %get3A_2835, %get3A_2835 : vector<16xf32>
    %sub3A_2841 = arith.subf %mul3A_2840, %get3A_2839 : vector<16xf32>
    %swap3A_2842 = arith.constant 7 : i32
    %swap3A_2843 = arith.index_cast %swap3A_2842 : i32 to index
    %swap3A_2844 = arith.constant 16 : index
    %swap3A_2845 = tpu.vector_load %arg13[%swap3A_2843, %swap3A_2844] {strides = array<i32>} : memref<8x64xf32, #tpu.memory_space<vmem>>, vector<16xf32>,
    tpu.vector_store %arg13[%swap3A_2843, %swap3A_2844], %sub3A_2841 {strides = array<i32>} : memref<8x64xf32, #tpu.memory_space<vmem>>, vector<16xf32>,
    %get3A_2846 = arith.constant 7 : i32
    %get3A_2847 = arith.index_cast %get3A_2846 : i32 to index
    %get3A_2848 = arith.constant 32 : index
    %get3A_2849 = tpu.vector_load %arg11[%get3A_2847, %get3A_2848] {strides = array<i32>} : memref<8x64xf32, #tpu.memory_space<vmem>>, vector<16xf32>,
    %get3A_2850 = arith.constant 7 : i32
    %get3A_2851 = arith.index_cast %get3A_2850 : i32 to index
    %get3A_2852 = arith.constant 32 : index
    %get3A_2853 = tpu.vector_load %arg12[%get3A_2851, %get3A_2852] {strides = array<i32>} : memref<8x64xf32, #tpu.memory_space<vmem>>, vector<16xf32>,
    %mul3A_2854 = arith.mulf %get3A_2849, %get3A_2849 : vector<16xf32>
    %sub3A_2855 = arith.subf %mul3A_2854, %get3A_2853 : vector<16xf32>
    %swap3A_2856 = arith.constant 7 : i32
    %swap3A_2857 = arith.index_cast %swap3A_2856 : i32 to index
    %swap3A_2858 = arith.constant 32 : index
    %swap3A_2859 = tpu.vector_load %arg13[%swap3A_2857, %swap3A_2858] {strides = array<i32>} : memref<8x64xf32, #tpu.memory_space<vmem>>, vector<16xf32>,
    tpu.vector_store %arg13[%swap3A_2857, %swap3A_2858], %sub3A_2855 {strides = array<i32>} : memref<8x64xf32, #tpu.memory_space<vmem>>, vector<16xf32>,
    %get3A_2860 = arith.constant 7 : i32
    %get3A_2861 = arith.index_cast %get3A_2860 : i32 to index
    %get3A_2862 = arith.constant 48 : index
    %get3A_2863 = tpu.vector_load %arg11[%get3A_2861, %get3A_2862] {strides = array<i32>} : memref<8x64xf32, #tpu.memory_space<vmem>>, vector<16xf32>,
    %get3A_2864 = arith.constant 7 : i32
    %get3A_2865 = arith.index_cast %get3A_2864 : i32 to index
    %get3A_2866 = arith.constant 48 : index
    %get3A_2867 = tpu.vector_load %arg12[%get3A_2865, %get3A_2866] {strides = array<i32>} : memref<8x64xf32, #tpu.memory_space<vmem>>, vector<16xf32>,
    %mul3A_2868 = arith.mulf %get3A_2863, %get3A_2863 : vector<16xf32>
    %sub3A_2869 = arith.subf %mul3A_2868, %get3A_2867 : vector<16xf32>
    %swap3A_2870 = arith.constant 7 : i32
    %swap3A_2871 = arith.index_cast %swap3A_2870 : i32 to index
    %swap3A_2872 = arith.constant 48 : index
    %swap3A_2873 = tpu.vector_load %arg13[%swap3A_2871, %swap3A_2872] {strides = array<i32>} : memref<8x64xf32, #tpu.memory_space<vmem>>, vector<16xf32>,
    tpu.vector_store %arg13[%swap3A_2871, %swap3A_2872], %sub3A_2869 {strides = array<i32>} : memref<8x64xf32, #tpu.memory_space<vmem>>, vector<16xf32>,
    %mul3A_2874 = arith.constant 8 : i32
    %mul3A_2875 = arith.muli %arg0, %mul3A_2874 : i32
    %add3A_2876 = arith.constant 0 : i32
    %add3A_2877 = arith.addi %mul3A_2875, %add3A_2876 : i32
    %run_scoped3A = arith.constant 0 : i32
    "tpu.region"() ({
      %run_scoped3A_3082 = tpu.sem_alloc : memref<!tpu.dma_semaphore, #tpu.memory_space<semaphore_mem>>
      %dma_start3A_3083 = arith.constant 0 : i32
      %dma_start3A_3084 = tpu.memref_slice %arg13[%run_scoped3A, %dma_start3A_3083] : memref<8x64xf32, #tpu.memory_space<vmem>> -> memref<1x64xf32, #tpu.memory_space<vmem>>
      %dma_start3A_3085 = tpu.memref_squeeze %dma_start3A_3084 : memref<1x64xf32, #tpu.memory_space<vmem>> -> memref<64xf32, #tpu.memory_space<vmem>>
      %dma_start3A_3086 = tpu.memref_slice %arg5[%add3A_2877, %mul3A_2419] : memref<16x1024xf32, #tpu.memory_space<hbm>> -> memref<1x64xf32, #tpu.memory_space<hbm>>
      %dma_start3A_3087 = tpu.memref_squeeze %dma_start3A_3086 : memref<1x64xf32, #tpu.memory_space<hbm>> -> memref<64xf32, #tpu.memory_space<hbm>>
      %dma_start3A_3088 = tpu.memref_slice %arg5[%add3A_2877, %mul3A_2419] : memref<16x1024xf32, #tpu.memory_space<hbm>> -> memref<1x64xf32, #tpu.memory_space<hbm>>
      %dma_start3A_3089 = tpu.memref_squeeze %dma_start3A_3088 : memref<1x64xf32, #tpu.memory_space<hbm>> -> memref<64xf32, #tpu.memory_space<hbm>>
      %dma_start3A_3090 = arith.constant 0 : i32
      %dma_start3A_3091 = tpu.memref_slice %arg13[%run_scoped3A, %dma_start3A_3090] : memref<8x64xf32, #tpu.memory_space<vmem>> -> memref<1x64xf32, #tpu.memory_space<vmem>>
      %dma_start3A_3092 = tpu.memref_squeeze %dma_start3A_3091 : memref<1x64xf32, #tpu.memory_space<vmem>> -> memref<64xf32, #tpu.memory_space<vmem>>
      tpu.enqueue_dma source(%dma_start3A_3092 : memref<64xf32, #tpu.memory_space<vmem>>) target(%dma_start3A_3089 : memref<64xf32, #tpu.memory_space<hbm>>) target_semaphore(%run_scoped3A_3082 : memref<!tpu.dma_semaphore, #tpu.memory_space<semaphore_mem>>)
      %dma_wait3A_3093 = arith.constant 0 : i32
      %dma_wait3A_3094 = tpu.memref_slice %arg13[%run_scoped3A, %dma_wait3A_3093] : memref<8x64xf32, #tpu.memory_space<vmem>> -> memref<1x64xf32, #tpu.memory_space<vmem>>
      %dma_wait3A_3095 = tpu.memref_squeeze %dma_wait3A_3094 : memref<1x64xf32, #tpu.memory_space<vmem>> -> memref<64xf32, #tpu.memory_space<vmem>>
      %dma_wait3A_3096 = tpu.memref_slice %arg5[%add3A_2877, %mul3A_2419] : memref<16x1024xf32, #tpu.memory_space<hbm>> -> memref<1x64xf32, #tpu.memory_space<hbm>>
      %dma_wait3A_3097 = tpu.memref_squeeze %dma_wait3A_3096 : memref<1x64xf32, #tpu.memory_space<hbm>> -> memref<64xf32, #tpu.memory_space<hbm>>
      %dma_wait3A_3098 = tpu.memref_slice %arg5[%add3A_2877, %mul3A_2419] : memref<16x1024xf32, #tpu.memory_space<hbm>> -> memref<1x64xf32, #tpu.memory_space<hbm>>
      %dma_wait3A_3099 = tpu.memref_squeeze %dma_wait3A_3098 : memref<1x64xf32, #tpu.memory_space<hbm>> -> memref<64xf32, #tpu.memory_space<hbm>>
      %dma_wait3A_3100 = arith.constant 0 : i32
      %dma_wait3A_3101 = tpu.memref_slice %arg13[%run_scoped3A, %dma_wait3A_3100] : memref<8x64xf32, #tpu.memory_space<vmem>> -> memref<1x64xf32, #tpu.memory_space<vmem>>
      %dma_wait3A_3102 = tpu.memref_squeeze %dma_wait3A_3101 : memref<1x64xf32, #tpu.memory_space<vmem>> -> memref<64xf32, #tpu.memory_space<vmem>>
      tpu.wait_dma2 semaphore(%run_scoped3A_3082 : memref<!tpu.dma_semaphore, #tpu.memory_space<semaphore_mem>>) src(%dma_wait3A_3102 : memref<64xf32, #tpu.memory_space<vmem>>) dst(%dma_wait3A_3099 : memref<64xf32, #tpu.memory_space<hbm>>)
      tpu.yield
    }) : () -> ()
    %mul3A_2878 = arith.constant 8 : i32
    %mul3A_2879 = arith.muli %arg0, %mul3A_2878 : i32
    %add3A_2880 = arith.constant 1 : i32
    %add3A_2881 = arith.addi %mul3A_2879, %add3A_2880 : i32
    %run_scoped3A_2882 = arith.constant 1 : i32
    "tpu.region"() ({
      %run_scoped3A_3082 = tpu.sem_alloc : memref<!tpu.dma_semaphore, #tpu.memory_space<semaphore_mem>>
      %dma_start3A_3083 = arith.constant 0 : i32
      %dma_start3A_3084 = tpu.memref_slice %arg13[%run_scoped3A_2882, %dma_start3A_3083] : memref<8x64xf32, #tpu.memory_space<vmem>> -> memref<1x64xf32, #tpu.memory_space<vmem>>
      %dma_start3A_3085 = tpu.memref_squeeze %dma_start3A_3084 : memref<1x64xf32, #tpu.memory_space<vmem>> -> memref<64xf32, #tpu.memory_space<vmem>>
      %dma_start3A_3086 = tpu.memref_slice %arg5[%add3A_2881, %mul3A_2419] : memref<16x1024xf32, #tpu.memory_space<hbm>> -> memref<1x64xf32, #tpu.memory_space<hbm>>
      %dma_start3A_3087 = tpu.memref_squeeze %dma_start3A_3086 : memref<1x64xf32, #tpu.memory_space<hbm>> -> memref<64xf32, #tpu.memory_space<hbm>>
      %dma_start3A_3088 = tpu.memref_slice %arg5[%add3A_2881, %mul3A_2419] : memref<16x1024xf32, #tpu.memory_space<hbm>> -> memref<1x64xf32, #tpu.memory_space<hbm>>
      %dma_start3A_3089 = tpu.memref_squeeze %dma_start3A_3088 : memref<1x64xf32, #tpu.memory_space<hbm>> -> memref<64xf32, #tpu.memory_space<hbm>>
      %dma_start3A_3090 = arith.constant 0 : i32
      %dma_start3A_3091 = tpu.memref_slice %arg13[%run_scoped3A_2882, %dma_start3A_3090] : memref<8x64xf32, #tpu.memory_space<vmem>> -> memref<1x64xf32, #tpu.memory_space<vmem>>
      %dma_start3A_3092 = tpu.memref_squeeze %dma_start3A_3091 : memref<1x64xf32, #tpu.memory_space<vmem>> -> memref<64xf32, #tpu.memory_space<vmem>>
      tpu.enqueue_dma source(%dma_start3A_3092 : memref<64xf32, #tpu.memory_space<vmem>>) target(%dma_start3A_3089 : memref<64xf32, #tpu.memory_space<hbm>>) target_semaphore(%run_scoped3A_3082 : memref<!tpu.dma_semaphore, #tpu.memory_space<semaphore_mem>>)
      %dma_wait3A_3093 = arith.constant 0 : i32
      %dma_wait3A_3094 = tpu.memref_slice %arg13[%run_scoped3A_2882, %dma_wait3A_3093] : memref<8x64xf32, #tpu.memory_space<vmem>> -> memref<1x64xf32, #tpu.memory_space<vmem>>
      %dma_wait3A_3095 = tpu.memref_squeeze %dma_wait3A_3094 : memref<1x64xf32, #tpu.memory_space<vmem>> -> memref<64xf32, #tpu.memory_space<vmem>>
      %dma_wait3A_3096 = tpu.memref_slice %arg5[%add3A_2881, %mul3A_2419] : memref<16x1024xf32, #tpu.memory_space<hbm>> -> memref<1x64xf32, #tpu.memory_space<hbm>>
      %dma_wait3A_3097 = tpu.memref_squeeze %dma_wait3A_3096 : memref<1x64xf32, #tpu.memory_space<hbm>> -> memref<64xf32, #tpu.memory_space<hbm>>
      %dma_wait3A_3098 = tpu.memref_slice %arg5[%add3A_2881, %mul3A_2419] : memref<16x1024xf32, #tpu.memory_space<hbm>> -> memref<1x64xf32, #tpu.memory_space<hbm>>
      %dma_wait3A_3099 = tpu.memref_squeeze %dma_wait3A_3098 : memref<1x64xf32, #tpu.memory_space<hbm>> -> memref<64xf32, #tpu.memory_space<hbm>>
      %dma_wait3A_3100 = arith.constant 0 : i32
      %dma_wait3A_3101 = tpu.memref_slice %arg13[%run_scoped3A_2882, %dma_wait3A_3100] : memref<8x64xf32, #tpu.memory_space<vmem>> -> memref<1x64xf32, #tpu.memory_space<vmem>>
      %dma_wait3A_3102 = tpu.memref_squeeze %dma_wait3A_3101 : memref<1x64xf32, #tpu.memory_space<vmem>> -> memref<64xf32, #tpu.memory_space<vmem>>
      tpu.wait_dma2 semaphore(%run_scoped3A_3082 : memref<!tpu.dma_semaphore, #tpu.memory_space<semaphore_mem>>) src(%dma_wait3A_3102 : memref<64xf32, #tpu.memory_space<vmem>>) dst(%dma_wait3A_3099 : memref<64xf32, #tpu.memory_space<hbm>>)
      tpu.yield
    }) : () -> ()
    %mul3A_2883 = arith.constant 8 : i32
    %mul3A_2884 = arith.muli %arg0, %mul3A_2883 : i32
    %add3A_2885 = arith.constant 2 : i32
    %add3A_2886 = arith.addi %mul3A_2884, %add3A_2885 : i32
    %run_scoped3A_2887 = arith.constant 2 : i32
    "tpu.region"() ({
      %run_scoped3A_3082 = tpu.sem_alloc : memref<!tpu.dma_semaphore, #tpu.memory_space<semaphore_mem>>
      %dma_start3A_3083 = arith.constant 0 : i32
      %dma_start3A_3084 = tpu.memref_slice %arg13[%run_scoped3A_2887, %dma_start3A_3083] : memref<8x64xf32, #tpu.memory_space<vmem>> -> memref<1x64xf32, #tpu.memory_space<vmem>>
      %dma_start3A_3085 = tpu.memref_squeeze %dma_start3A_3084 : memref<1x64xf32, #tpu.memory_space<vmem>> -> memref<64xf32, #tpu.memory_space<vmem>>
      %dma_start3A_3086 = tpu.memref_slice %arg5[%add3A_2886, %mul3A_2419] : memref<16x1024xf32, #tpu.memory_space<hbm>> -> memref<1x64xf32, #tpu.memory_space<hbm>>
      %dma_start3A_3087 = tpu.memref_squeeze %dma_start3A_3086 : memref<1x64xf32, #tpu.memory_space<hbm>> -> memref<64xf32, #tpu.memory_space<hbm>>
      %dma_start3A_3088 = tpu.memref_slice %arg5[%add3A_2886, %mul3A_2419] : memref<16x1024xf32, #tpu.memory_space<hbm>> -> memref<1x64xf32, #tpu.memory_space<hbm>>
      %dma_start3A_3089 = tpu.memref_squeeze %dma_start3A_3088 : memref<1x64xf32, #tpu.memory_space<hbm>> -> memref<64xf32, #tpu.memory_space<hbm>>
      %dma_start3A_3090 = arith.constant 0 : i32
      %dma_start3A_3091 = tpu.memref_slice %arg13[%run_scoped3A_2887, %dma_start3A_3090] : memref<8x64xf32, #tpu.memory_space<vmem>> -> memref<1x64xf32, #tpu.memory_space<vmem>>
      %dma_start3A_3092 = tpu.memref_squeeze %dma_start3A_3091 : memref<1x64xf32, #tpu.memory_space<vmem>> -> memref<64xf32, #tpu.memory_space<vmem>>
      tpu.enqueue_dma source(%dma_start3A_3092 : memref<64xf32, #tpu.memory_space<vmem>>) target(%dma_start3A_3089 : memref<64xf32, #tpu.memory_space<hbm>>) target_semaphore(%run_scoped3A_3082 : memref<!tpu.dma_semaphore, #tpu.memory_space<semaphore_mem>>)
      %dma_wait3A_3093 = arith.constant 0 : i32
      %dma_wait3A_3094 = tpu.memref_slice %arg13[%run_scoped3A_2887, %dma_wait3A_3093] : memref<8x64xf32, #tpu.memory_space<vmem>> -> memref<1x64xf32, #tpu.memory_space<vmem>>
      %dma_wait3A_3095 = tpu.memref_squeeze %dma_wait3A_3094 : memref<1x64xf32, #tpu.memory_space<vmem>> -> memref<64xf32, #tpu.memory_space<vmem>>
      %dma_wait3A_3096 = tpu.memref_slice %arg5[%add3A_2886, %mul3A_2419] : memref<16x1024xf32, #tpu.memory_space<hbm>> -> memref<1x64xf32, #tpu.memory_space<hbm>>
      %dma_wait3A_3097 = tpu.memref_squeeze %dma_wait3A_3096 : memref<1x64xf32, #tpu.memory_space<hbm>> -> memref<64xf32, #tpu.memory_space<hbm>>
      %dma_wait3A_3098 = tpu.memref_slice %arg5[%add3A_2886, %mul3A_2419] : memref<16x1024xf32, #tpu.memory_space<hbm>> -> memref<1x64xf32, #tpu.memory_space<hbm>>
      %dma_wait3A_3099 = tpu.memref_squeeze %dma_wait3A_3098 : memref<1x64xf32, #tpu.memory_space<hbm>> -> memref<64xf32, #tpu.memory_space<hbm>>
      %dma_wait3A_3100 = arith.constant 0 : i32
      %dma_wait3A_3101 = tpu.memref_slice %arg13[%run_scoped3A_2887, %dma_wait3A_3100] : memref<8x64xf32, #tpu.memory_space<vmem>> -> memref<1x64xf32, #tpu.memory_space<vmem>>
      %dma_wait3A_3102 = tpu.memref_squeeze %dma_wait3A_3101 : memref<1x64xf32, #tpu.memory_space<vmem>> -> memref<64xf32, #tpu.memory_space<vmem>>
      tpu.wait_dma2 semaphore(%run_scoped3A_3082 : memref<!tpu.dma_semaphore, #tpu.memory_space<semaphore_mem>>) src(%dma_wait3A_3102 : memref<64xf32, #tpu.memory_space<vmem>>) dst(%dma_wait3A_3099 : memref<64xf32, #tpu.memory_space<hbm>>)
      tpu.yield
    }) : () -> ()
    %mul3A_2888 = arith.constant 8 : i32
    %mul3A_2889 = arith.muli %arg0, %mul3A_2888 : i32
    %add3A_2890 = arith.constant 3 : i32
    %add3A_2891 = arith.addi %mul3A_2889, %add3A_2890 : i32
    %run_scoped3A_2892 = arith.constant 3 : i32
    "tpu.region"() ({
      %run_scoped3A_3082 = tpu.sem_alloc : memref<!tpu.dma_semaphore, #tpu.memory_space<semaphore_mem>>
      %dma_start3A_3083 = arith.constant 0 : i32
      %dma_start3A_3084 = tpu.memref_slice %arg13[%run_scoped3A_2892, %dma_start3A_3083] : memref<8x64xf32, #tpu.memory_space<vmem>> -> memref<1x64xf32, #tpu.memory_space<vmem>>
      %dma_start3A_3085 = tpu.memref_squeeze %dma_start3A_3084 : memref<1x64xf32, #tpu.memory_space<vmem>> -> memref<64xf32, #tpu.memory_space<vmem>>
      %dma_start3A_3086 = tpu.memref_slice %arg5[%add3A_2891, %mul3A_2419] : memref<16x1024xf32, #tpu.memory_space<hbm>> -> memref<1x64xf32, #tpu.memory_space<hbm>>
      %dma_start3A_3087 = tpu.memref_squeeze %dma_start3A_3086 : memref<1x64xf32, #tpu.memory_space<hbm>> -> memref<64xf32, #tpu.memory_space<hbm>>
      %dma_start3A_3088 = tpu.memref_slice %arg5[%add3A_2891, %mul3A_2419] : memref<16x1024xf32, #tpu.memory_space<hbm>> -> memref<1x64xf32, #tpu.memory_space<hbm>>
      %dma_start3A_3089 = tpu.memref_squeeze %dma_start3A_3088 : memref<1x64xf32, #tpu.memory_space<hbm>> -> memref<64xf32, #tpu.memory_space<hbm>>
      %dma_start3A_3090 = arith.constant 0 : i32
      %dma_start3A_3091 = tpu.memref_slice %arg13[%run_scoped3A_2892, %dma_start3A_3090] : memref<8x64xf32, #tpu.memory_space<vmem>> -> memref<1x64xf32, #tpu.memory_space<vmem>>
      %dma_start3A_3092 = tpu.memref_squeeze %dma_start3A_3091 : memref<1x64xf32, #tpu.memory_space<vmem>> -> memref<64xf32, #tpu.memory_space<vmem>>
      tpu.enqueue_dma source(%dma_start3A_3092 : memref<64xf32, #tpu.memory_space<vmem>>) target(%dma_start3A_3089 : memref<64xf32, #tpu.memory_space<hbm>>) target_semaphore(%run_scoped3A_3082 : memref<!tpu.dma_semaphore, #tpu.memory_space<semaphore_mem>>)
      %dma_wait3A_3093 = arith.constant 0 : i32
      %dma_wait3A_3094 = tpu.memref_slice %arg13[%run_scoped3A_2892, %dma_wait3A_3093] : memref<8x64xf32, #tpu.memory_space<vmem>> -> memref<1x64xf32, #tpu.memory_space<vmem>>
      %dma_wait3A_3095 = tpu.memref_squeeze %dma_wait3A_3094 : memref<1x64xf32, #tpu.memory_space<vmem>> -> memref<64xf32, #tpu.memory_space<vmem>>
      %dma_wait3A_3096 = tpu.memref_slice %arg5[%add3A_2891, %mul3A_2419] : memref<16x1024xf32, #tpu.memory_space<hbm>> -> memref<1x64xf32, #tpu.memory_space<hbm>>
      %dma_wait3A_3097 = tpu.memref_squeeze %dma_wait3A_3096 : memref<1x64xf32, #tpu.memory_space<hbm>> -> memref<64xf32, #tpu.memory_space<hbm>>
      %dma_wait3A_3098 = tpu.memref_slice %arg5[%add3A_2891, %mul3A_2419] : memref<16x1024xf32, #tpu.memory_space<hbm>> -> memref<1x64xf32, #tpu.memory_space<hbm>>
      %dma_wait3A_3099 = tpu.memref_squeeze %dma_wait3A_3098 : memref<1x64xf32, #tpu.memory_space<hbm>> -> memref<64xf32, #tpu.memory_space<hbm>>
      %dma_wait3A_3100 = arith.constant 0 : i32
      %dma_wait3A_3101 = tpu.memref_slice %arg13[%run_scoped3A_2892, %dma_wait3A_3100] : memref<8x64xf32, #tpu.memory_space<vmem>> -> memref<1x64xf32, #tpu.memory_space<vmem>>
      %dma_wait3A_3102 = tpu.memref_squeeze %dma_wait3A_3101 : memref<1x64xf32, #tpu.memory_space<vmem>> -> memref<64xf32, #tpu.memory_space<vmem>>
      tpu.wait_dma2 semaphore(%run_scoped3A_3082 : memref<!tpu.dma_semaphore, #tpu.memory_space<semaphore_mem>>) src(%dma_wait3A_3102 : memref<64xf32, #tpu.memory_space<vmem>>) dst(%dma_wait3A_3099 : memref<64xf32, #tpu.memory_space<hbm>>)
      tpu.yield
    }) : () -> ()
    %mul3A_2893 = arith.constant 8 : i32
    %mul3A_2894 = arith.muli %arg0, %mul3A_2893 : i32
    %add3A_2895 = arith.constant 4 : i32
    %add3A_2896 = arith.addi %mul3A_2894, %add3A_2895 : i32
    %run_scoped3A_2897 = arith.constant 4 : i32
    "tpu.region"() ({
      %run_scoped3A_3082 = tpu.sem_alloc : memref<!tpu.dma_semaphore, #tpu.memory_space<semaphore_mem>>
      %dma_start3A_3083 = arith.constant 0 : i32
      %dma_start3A_3084 = tpu.memref_slice %arg13[%run_scoped3A_2897, %dma_start3A_3083] : memref<8x64xf32, #tpu.memory_space<vmem>> -> memref<1x64xf32, #tpu.memory_space<vmem>>
      %dma_start3A_3085 = tpu.memref_squeeze %dma_start3A_3084 : memref<1x64xf32, #tpu.memory_space<vmem>> -> memref<64xf32, #tpu.memory_space<vmem>>
      %dma_start3A_3086 = tpu.memref_slice %arg5[%add3A_2896, %mul3A_2419] : memref<16x1024xf32, #tpu.memory_space<hbm>> -> memref<1x64xf32, #tpu.memory_space<hbm>>
      %dma_start3A_3087 = tpu.memref_squeeze %dma_start3A_3086 : memref<1x64xf32, #tpu.memory_space<hbm>> -> memref<64xf32, #tpu.memory_space<hbm>>
      %dma_start3A_3088 = tpu.memref_slice %arg5[%add3A_2896, %mul3A_2419] : memref<16x1024xf32, #tpu.memory_space<hbm>> -> memref<1x64xf32, #tpu.memory_space<hbm>>
      %dma_start3A_3089 = tpu.memref_squeeze %dma_start3A_3088 : memref<1x64xf32, #tpu.memory_space<hbm>> -> memref<64xf32, #tpu.memory_space<hbm>>
      %dma_start3A_3090 = arith.constant 0 : i32
      %dma_start3A_3091 = tpu.memref_slice %arg13[%run_scoped3A_2897, %dma_start3A_3090] : memref<8x64xf32, #tpu.memory_space<vmem>> -> memref<1x64xf32, #tpu.memory_space<vmem>>
      %dma_start3A_3092 = tpu.memref_squeeze %dma_start3A_3091 : memref<1x64xf32, #tpu.memory_space<vmem>> -> memref<64xf32, #tpu.memory_space<vmem>>
      tpu.enqueue_dma source(%dma_start3A_3092 : memref<64xf32, #tpu.memory_space<vmem>>) target(%dma_start3A_3089 : memref<64xf32, #tpu.memory_space<hbm>>) target_semaphore(%run_scoped3A_3082 : memref<!tpu.dma_semaphore, #tpu.memory_space<semaphore_mem>>)
      %dma_wait3A_3093 = arith.constant 0 : i32
      %dma_wait3A_3094 = tpu.memref_slice %arg13[%run_scoped3A_2897, %dma_wait3A_3093] : memref<8x64xf32, #tpu.memory_space<vmem>> -> memref<1x64xf32, #tpu.memory_space<vmem>>
      %dma_wait3A_3095 = tpu.memref_squeeze %dma_wait3A_3094 : memref<1x64xf32, #tpu.memory_space<vmem>> -> memref<64xf32, #tpu.memory_space<vmem>>
      %dma_wait3A_3096 = tpu.memref_slice %arg5[%add3A_2896, %mul3A_2419] : memref<16x1024xf32, #tpu.memory_space<hbm>> -> memref<1x64xf32, #tpu.memory_space<hbm>>
      %dma_wait3A_3097 = tpu.memref_squeeze %dma_wait3A_3096 : memref<1x64xf32, #tpu.memory_space<hbm>> -> memref<64xf32, #tpu.memory_space<hbm>>
      %dma_wait3A_3098 = tpu.memref_slice %arg5[%add3A_2896, %mul3A_2419] : memref<16x1024xf32, #tpu.memory_space<hbm>> -> memref<1x64xf32, #tpu.memory_space<hbm>>
      %dma_wait3A_3099 = tpu.memref_squeeze %dma_wait3A_3098 : memref<1x64xf32, #tpu.memory_space<hbm>> -> memref<64xf32, #tpu.memory_space<hbm>>
      %dma_wait3A_3100 = arith.constant 0 : i32
      %dma_wait3A_3101 = tpu.memref_slice %arg13[%run_scoped3A_2897, %dma_wait3A_3100] : memref<8x64xf32, #tpu.memory_space<vmem>> -> memref<1x64xf32, #tpu.memory_space<vmem>>
      %dma_wait3A_3102 = tpu.memref_squeeze %dma_wait3A_3101 : memref<1x64xf32, #tpu.memory_space<vmem>> -> memref<64xf32, #tpu.memory_space<vmem>>
      tpu.wait_dma2 semaphore(%run_scoped3A_3082 : memref<!tpu.dma_semaphore, #tpu.memory_space<semaphore_mem>>) src(%dma_wait3A_3102 : memref<64xf32, #tpu.memory_space<vmem>>) dst(%dma_wait3A_3099 : memref<64xf32, #tpu.memory_space<hbm>>)
      tpu.yield
    }) : () -> ()
    %mul3A_2898 = arith.constant 8 : i32
    %mul3A_2899 = arith.muli %arg0, %mul3A_2898 : i32
    %add3A_2900 = arith.constant 5 : i32
    %add3A_2901 = arith.addi %mul3A_2899, %add3A_2900 : i32
    %run_scoped3A_2902 = arith.constant 5 : i32
    "tpu.region"() ({
      %run_scoped3A_3082 = tpu.sem_alloc : memref<!tpu.dma_semaphore, #tpu.memory_space<semaphore_mem>>
      %dma_start3A_3083 = arith.constant 0 : i32
      %dma_start3A_3084 = tpu.memref_slice %arg13[%run_scoped3A_2902, %dma_start3A_3083] : memref<8x64xf32, #tpu.memory_space<vmem>> -> memref<1x64xf32, #tpu.memory_space<vmem>>
      %dma_start3A_3085 = tpu.memref_squeeze %dma_start3A_3084 : memref<1x64xf32, #tpu.memory_space<vmem>> -> memref<64xf32, #tpu.memory_space<vmem>>
      %dma_start3A_3086 = tpu.memref_slice %arg5[%add3A_2901, %mul3A_2419] : memref<16x1024xf32, #tpu.memory_space<hbm>> -> memref<1x64xf32, #tpu.memory_space<hbm>>
      %dma_start3A_3087 = tpu.memref_squeeze %dma_start3A_3086 : memref<1x64xf32, #tpu.memory_space<hbm>> -> memref<64xf32, #tpu.memory_space<hbm>>
      %dma_start3A_3088 = tpu.memref_slice %arg5[%add3A_2901, %mul3A_2419] : memref<16x1024xf32, #tpu.memory_space<hbm>> -> memref<1x64xf32, #tpu.memory_space<hbm>>
      %dma_start3A_3089 = tpu.memref_squeeze %dma_start3A_3088 : memref<1x64xf32, #tpu.memory_space<hbm>> -> memref<64xf32, #tpu.memory_space<hbm>>
      %dma_start3A_3090 = arith.constant 0 : i32
      %dma_start3A_3091 = tpu.memref_slice %arg13[%run_scoped3A_2902, %dma_start3A_3090] : memref<8x64xf32, #tpu.memory_space<vmem>> -> memref<1x64xf32, #tpu.memory_space<vmem>>
      %dma_start3A_3092 = tpu.memref_squeeze %dma_start3A_3091 : memref<1x64xf32, #tpu.memory_space<vmem>> -> memref<64xf32, #tpu.memory_space<vmem>>
      tpu.enqueue_dma source(%dma_start3A_3092 : memref<64xf32, #tpu.memory_space<vmem>>) target(%dma_start3A_3089 : memref<64xf32, #tpu.memory_space<hbm>>) target_semaphore(%run_scoped3A_3082 : memref<!tpu.dma_semaphore, #tpu.memory_space<semaphore_mem>>)
      %dma_wait3A_3093 = arith.constant 0 : i32
      %dma_wait3A_3094 = tpu.memref_slice %arg13[%run_scoped3A_2902, %dma_wait3A_3093] : memref<8x64xf32, #tpu.memory_space<vmem>> -> memref<1x64xf32, #tpu.memory_space<vmem>>
      %dma_wait3A_3095 = tpu.memref_squeeze %dma_wait3A_3094 : memref<1x64xf32, #tpu.memory_space<vmem>> -> memref<64xf32, #tpu.memory_space<vmem>>
      %dma_wait3A_3096 = tpu.memref_slice %arg5[%add3A_2901, %mul3A_2419] : memref<16x1024xf32, #tpu.memory_space<hbm>> -> memref<1x64xf32, #tpu.memory_space<hbm>>
      %dma_wait3A_3097 = tpu.memref_squeeze %dma_wait3A_3096 : memref<1x64xf32, #tpu.memory_space<hbm>> -> memref<64xf32, #tpu.memory_space<hbm>>
      %dma_wait3A_3098 = tpu.memref_slice %arg5[%add3A_2901, %mul3A_2419] : memref<16x1024xf32, #tpu.memory_space<hbm>> -> memref<1x64xf32, #tpu.memory_space<hbm>>
      %dma_wait3A_3099 = tpu.memref_squeeze %dma_wait3A_3098 : memref<1x64xf32, #tpu.memory_space<hbm>> -> memref<64xf32, #tpu.memory_space<hbm>>
      %dma_wait3A_3100 = arith.constant 0 : i32
      %dma_wait3A_3101 = tpu.memref_slice %arg13[%run_scoped3A_2902, %dma_wait3A_3100] : memref<8x64xf32, #tpu.memory_space<vmem>> -> memref<1x64xf32, #tpu.memory_space<vmem>>
      %dma_wait3A_3102 = tpu.memref_squeeze %dma_wait3A_3101 : memref<1x64xf32, #tpu.memory_space<vmem>> -> memref<64xf32, #tpu.memory_space<vmem>>
      tpu.wait_dma2 semaphore(%run_scoped3A_3082 : memref<!tpu.dma_semaphore, #tpu.memory_space<semaphore_mem>>) src(%dma_wait3A_3102 : memref<64xf32, #tpu.memory_space<vmem>>) dst(%dma_wait3A_3099 : memref<64xf32, #tpu.memory_space<hbm>>)
      tpu.yield
    }) : () -> ()
    %mul3A_2903 = arith.constant 8 : i32
    %mul3A_2904 = arith.muli %arg0, %mul3A_2903 : i32
    %add3A_2905 = arith.constant 6 : i32
    %add3A_2906 = arith.addi %mul3A_2904, %add3A_2905 : i32
    %run_scoped3A_2907 = arith.constant 6 : i32
    "tpu.region"() ({
      %run_scoped3A_3082 = tpu.sem_alloc : memref<!tpu.dma_semaphore, #tpu.memory_space<semaphore_mem>>
      %dma_start3A_3083 = arith.constant 0 : i32
      %dma_start3A_3084 = tpu.memref_slice %arg13[%run_scoped3A_2907, %dma_start3A_3083] : memref<8x64xf32, #tpu.memory_space<vmem>> -> memref<1x64xf32, #tpu.memory_space<vmem>>
      %dma_start3A_3085 = tpu.memref_squeeze %dma_start3A_3084 : memref<1x64xf32, #tpu.memory_space<vmem>> -> memref<64xf32, #tpu.memory_space<vmem>>
      %dma_start3A_3086 = tpu.memref_slice %arg5[%add3A_2906, %mul3A_2419] : memref<16x1024xf32, #tpu.memory_space<hbm>> -> memref<1x64xf32, #tpu.memory_space<hbm>>
      %dma_start3A_3087 = tpu.memref_squeeze %dma_start3A_3086 : memref<1x64xf32, #tpu.memory_space<hbm>> -> memref<64xf32, #tpu.memory_space<hbm>>
      %dma_start3A_3088 = tpu.memref_slice %arg5[%add3A_2906, %mul3A_2419] : memref<16x1024xf32, #tpu.memory_space<hbm>> -> memref<1x64xf32, #tpu.memory_space<hbm>>
      %dma_start3A_3089 = tpu.memref_squeeze %dma_start3A_3088 : memref<1x64xf32, #tpu.memory_space<hbm>> -> memref<64xf32, #tpu.memory_space<hbm>>
      %dma_start3A_3090 = arith.constant 0 : i32
      %dma_start3A_3091 = tpu.memref_slice %arg13[%run_scoped3A_2907, %dma_start3A_3090] : memref<8x64xf32, #tpu.memory_space<vmem>> -> memref<1x64xf32, #tpu.memory_space<vmem>>
      %dma_start3A_3092 = tpu.memref_squeeze %dma_start3A_3091 : memref<1x64xf32, #tpu.memory_space<vmem>> -> memref<64xf32, #tpu.memory_space<vmem>>
      tpu.enqueue_dma source(%dma_start3A_3092 : memref<64xf32, #tpu.memory_space<vmem>>) target(%dma_start3A_3089 : memref<64xf32, #tpu.memory_space<hbm>>) target_semaphore(%run_scoped3A_3082 : memref<!tpu.dma_semaphore, #tpu.memory_space<semaphore_mem>>)
      %dma_wait3A_3093 = arith.constant 0 : i32
      %dma_wait3A_3094 = tpu.memref_slice %arg13[%run_scoped3A_2907, %dma_wait3A_3093] : memref<8x64xf32, #tpu.memory_space<vmem>> -> memref<1x64xf32, #tpu.memory_space<vmem>>
      %dma_wait3A_3095 = tpu.memref_squeeze %dma_wait3A_3094 : memref<1x64xf32, #tpu.memory_space<vmem>> -> memref<64xf32, #tpu.memory_space<vmem>>
      %dma_wait3A_3096 = tpu.memref_slice %arg5[%add3A_2906, %mul3A_2419] : memref<16x1024xf32, #tpu.memory_space<hbm>> -> memref<1x64xf32, #tpu.memory_space<hbm>>
      %dma_wait3A_3097 = tpu.memref_squeeze %dma_wait3A_3096 : memref<1x64xf32, #tpu.memory_space<hbm>> -> memref<64xf32, #tpu.memory_space<hbm>>
      %dma_wait3A_3098 = tpu.memref_slice %arg5[%add3A_2906, %mul3A_2419] : memref<16x1024xf32, #tpu.memory_space<hbm>> -> memref<1x64xf32, #tpu.memory_space<hbm>>
      %dma_wait3A_3099 = tpu.memref_squeeze %dma_wait3A_3098 : memref<1x64xf32, #tpu.memory_space<hbm>> -> memref<64xf32, #tpu.memory_space<hbm>>
      %dma_wait3A_3100 = arith.constant 0 : i32
      %dma_wait3A_3101 = tpu.memref_slice %arg13[%run_scoped3A_2907, %dma_wait3A_3100] : memref<8x64xf32, #tpu.memory_space<vmem>> -> memref<1x64xf32, #tpu.memory_space<vmem>>
      %dma_wait3A_3102 = tpu.memref_squeeze %dma_wait3A_3101 : memref<1x64xf32, #tpu.memory_space<vmem>> -> memref<64xf32, #tpu.memory_space<vmem>>
      tpu.wait_dma2 semaphore(%run_scoped3A_3082 : memref<!tpu.dma_semaphore, #tpu.memory_space<semaphore_mem>>) src(%dma_wait3A_3102 : memref<64xf32, #tpu.memory_space<vmem>>) dst(%dma_wait3A_3099 : memref<64xf32, #tpu.memory_space<hbm>>)
      tpu.yield
    }) : () -> ()
    %mul3A_2908 = arith.constant 8 : i32
    %mul3A_2909 = arith.muli %arg0, %mul3A_2908 : i32
    %add3A_2910 = arith.constant 7 : i32
    %add3A_2911 = arith.addi %mul3A_2909, %add3A_2910 : i32
    %run_scoped3A_2912 = arith.constant 7 : i32
    "tpu.region"() ({
      %run_scoped3A_3082 = tpu.sem_alloc : memref<!tpu.dma_semaphore, #tpu.memory_space<semaphore_mem>>
      %dma_start3A_3083 = arith.constant 0 : i32
      %dma_start3A_3084 = tpu.memref_slice %arg13[%run_scoped3A_2912, %dma_start3A_3083] : memref<8x64xf32, #tpu.memory_space<vmem>> -> memref<1x64xf32, #tpu.memory_space<vmem>>
      %dma_start3A_3085 = tpu.memref_squeeze %dma_start3A_3084 : memref<1x64xf32, #tpu.memory_space<vmem>> -> memref<64xf32, #tpu.memory_space<vmem>>
      %dma_start3A_3086 = tpu.memref_slice %arg5[%add3A_2911, %mul3A_2419] : memref<16x1024xf32, #tpu.memory_space<hbm>> -> memref<1x64xf32, #tpu.memory_space<hbm>>
      %dma_start3A_3087 = tpu.memref_squeeze %dma_start3A_3086 : memref<1x64xf32, #tpu.memory_space<hbm>> -> memref<64xf32, #tpu.memory_space<hbm>>
      %dma_start3A_3088 = tpu.memref_slice %arg5[%add3A_2911, %mul3A_2419] : memref<16x1024xf32, #tpu.memory_space<hbm>> -> memref<1x64xf32, #tpu.memory_space<hbm>>
      %dma_start3A_3089 = tpu.memref_squeeze %dma_start3A_3088 : memref<1x64xf32, #tpu.memory_space<hbm>> -> memref<64xf32, #tpu.memory_space<hbm>>
      %dma_start3A_3090 = arith.constant 0 : i32
      %dma_start3A_3091 = tpu.memref_slice %arg13[%run_scoped3A_2912, %dma_start3A_3090] : memref<8x64xf32, #tpu.memory_space<vmem>> -> memref<1x64xf32, #tpu.memory_space<vmem>>
      %dma_start3A_3092 = tpu.memref_squeeze %dma_start3A_3091 : memref<1x64xf32, #tpu.memory_space<vmem>> -> memref<64xf32, #tpu.memory_space<vmem>>
      tpu.enqueue_dma source(%dma_start3A_3092 : memref<64xf32, #tpu.memory_space<vmem>>) target(%dma_start3A_3089 : memref<64xf32, #tpu.memory_space<hbm>>) target_semaphore(%run_scoped3A_3082 : memref<!tpu.dma_semaphore, #tpu.memory_space<semaphore_mem>>)
      %dma_wait3A_3093 = arith.constant 0 : i32
      %dma_wait3A_3094 = tpu.memref_slice %arg13[%run_scoped3A_2912, %dma_wait3A_3093] : memref<8x64xf32, #tpu.memory_space<vmem>> -> memref<1x64xf32, #tpu.memory_space<vmem>>
      %dma_wait3A_3095 = tpu.memref_squeeze %dma_wait3A_3094 : memref<1x64xf32, #tpu.memory_space<vmem>> -> memref<64xf32, #tpu.memory_space<vmem>>
      %dma_wait3A_3096 = tpu.memref_slice %arg5[%add3A_2911, %mul3A_2419] : memref<16x1024xf32, #tpu.memory_space<hbm>> -> memref<1x64xf32, #tpu.memory_space<hbm>>
      %dma_wait3A_3097 = tpu.memref_squeeze %dma_wait3A_3096 : memref<1x64xf32, #tpu.memory_space<hbm>> -> memref<64xf32, #tpu.memory_space<hbm>>
      %dma_wait3A_3098 = tpu.memref_slice %arg5[%add3A_2911, %mul3A_2419] : memref<16x1024xf32, #tpu.memory_space<hbm>> -> memref<1x64xf32, #tpu.memory_space<hbm>>
      %dma_wait3A_3099 = tpu.memref_squeeze %dma_wait3A_3098 : memref<1x64xf32, #tpu.memory_space<hbm>> -> memref<64xf32, #tpu.memory_space<hbm>>
      %dma_wait3A_3100 = arith.constant 0 : i32
      %dma_wait3A_3101 = tpu.memref_slice %arg13[%run_scoped3A_2912, %dma_wait3A_3100] : memref<8x64xf32, #tpu.memory_space<vmem>> -> memref<1x64xf32, #tpu.memory_space<vmem>>
      %dma_wait3A_3102 = tpu.memref_squeeze %dma_wait3A_3101 : memref<1x64xf32, #tpu.memory_space<vmem>> -> memref<64xf32, #tpu.memory_space<vmem>>
      tpu.wait_dma2 semaphore(%run_scoped3A_3082 : memref<!tpu.dma_semaphore, #tpu.memory_space<semaphore_mem>>) src(%dma_wait3A_3102 : memref<64xf32, #tpu.memory_space<vmem>>) dst(%dma_wait3A_3099 : memref<64xf32, #tpu.memory_space<hbm>>)
      tpu.yield
    }) : () -> ()
    %dma_wait3A_2913 = arith.constant 0 : i32
    %dma_wait3A_2914 = arith.constant 0 : i32
    %dma_wait3A_2915 = tpu.memref_slice %arg8[%dma_wait3A_2913, %dma_wait3A_2914] : memref<13x1024xf32, #tpu.memory_space<vmem>> -> memref<1x1024xf32, #tpu.memory_space<vmem>>
    %dma_wait3A_2916 = tpu.memref_squeeze %dma_wait3A_2915 : memref<1x1024xf32, #tpu.memory_space<vmem>> -> memref<1024xf32, #tpu.memory_space<vmem>>
    %dma_wait3A_2917 = arith.constant 0 : i32
    %dma_wait3A_2918 = tpu.memref_slice %arg4[%add3A_1375, %dma_wait3A_2917] : memref<416x1024xf32, #tpu.memory_space<hbm>> -> memref<1x1024xf32, #tpu.memory_space<hbm>>
    %dma_wait3A_2919 = tpu.memref_squeeze %dma_wait3A_2918 : memref<1x1024xf32, #tpu.memory_space<hbm>> -> memref<1024xf32, #tpu.memory_space<hbm>>
    %dma_wait3A_2920 = arith.constant 0 : i32
    %dma_wait3A_2921 = tpu.memref_slice %arg4[%add3A_1375, %dma_wait3A_2920] : memref<416x1024xf32, #tpu.memory_space<hbm>> -> memref<1x1024xf32, #tpu.memory_space<hbm>>
    %dma_wait3A_2922 = tpu.memref_squeeze %dma_wait3A_2921 : memref<1x1024xf32, #tpu.memory_space<hbm>> -> memref<1024xf32, #tpu.memory_space<hbm>>
    %dma_wait3A_2923 = arith.constant 0 : i32
    %dma_wait3A_2924 = tpu.memref_slice %arg8[%dma_wait3A_2913, %dma_wait3A_2923] : memref<13x1024xf32, #tpu.memory_space<vmem>> -> memref<1x1024xf32, #tpu.memory_space<vmem>>
    %dma_wait3A_2925 = tpu.memref_squeeze %dma_wait3A_2924 : memref<1x1024xf32, #tpu.memory_space<vmem>> -> memref<1024xf32, #tpu.memory_space<vmem>>
    tpu.wait_dma2 semaphore(%arg16 : memref<!tpu.dma_semaphore, #tpu.memory_space<semaphore_mem>>) src(%dma_wait3A_2925 : memref<1024xf32, #tpu.memory_space<vmem>>) dst(%dma_wait3A_2922 : memref<1024xf32, #tpu.memory_space<hbm>>)
    %dma_wait3A_2926 = arith.constant 1 : i32
    %dma_wait3A_2927 = arith.constant 0 : i32
    %dma_wait3A_2928 = tpu.memref_slice %arg8[%dma_wait3A_2926, %dma_wait3A_2927] : memref<13x1024xf32, #tpu.memory_space<vmem>> -> memref<1x1024xf32, #tpu.memory_space<vmem>>
    %dma_wait3A_2929 = tpu.memref_squeeze %dma_wait3A_2928 : memref<1x1024xf32, #tpu.memory_space<vmem>> -> memref<1024xf32, #tpu.memory_space<vmem>>
    %dma_wait3A_2930 = arith.constant 0 : i32
    %dma_wait3A_2931 = tpu.memref_slice %arg4[%add3A_1438, %dma_wait3A_2930] : memref<416x1024xf32, #tpu.memory_space<hbm>> -> memref<1x1024xf32, #tpu.memory_space<hbm>>
    %dma_wait3A_2932 = tpu.memref_squeeze %dma_wait3A_2931 : memref<1x1024xf32, #tpu.memory_space<hbm>> -> memref<1024xf32, #tpu.memory_space<hbm>>
    %dma_wait3A_2933 = arith.constant 0 : i32
    %dma_wait3A_2934 = tpu.memref_slice %arg4[%add3A_1438, %dma_wait3A_2933] : memref<416x1024xf32, #tpu.memory_space<hbm>> -> memref<1x1024xf32, #tpu.memory_space<hbm>>
    %dma_wait3A_2935 = tpu.memref_squeeze %dma_wait3A_2934 : memref<1x1024xf32, #tpu.memory_space<hbm>> -> memref<1024xf32, #tpu.memory_space<hbm>>
    %dma_wait3A_2936 = arith.constant 0 : i32
    %dma_wait3A_2937 = tpu.memref_slice %arg8[%dma_wait3A_2926, %dma_wait3A_2936] : memref<13x1024xf32, #tpu.memory_space<vmem>> -> memref<1x1024xf32, #tpu.memory_space<vmem>>
    %dma_wait3A_2938 = tpu.memref_squeeze %dma_wait3A_2937 : memref<1x1024xf32, #tpu.memory_space<vmem>> -> memref<1024xf32, #tpu.memory_space<vmem>>
    tpu.wait_dma2 semaphore(%arg16 : memref<!tpu.dma_semaphore, #tpu.memory_space<semaphore_mem>>) src(%dma_wait3A_2938 : memref<1024xf32, #tpu.memory_space<vmem>>) dst(%dma_wait3A_2935 : memref<1024xf32, #tpu.memory_space<hbm>>)
    %dma_wait3A_2939 = arith.constant 2 : i32
    %dma_wait3A_2940 = arith.constant 0 : i32
    %dma_wait3A_2941 = tpu.memref_slice %arg8[%dma_wait3A_2939, %dma_wait3A_2940] : memref<13x1024xf32, #tpu.memory_space<vmem>> -> memref<1x1024xf32, #tpu.memory_space<vmem>>
    %dma_wait3A_2942 = tpu.memref_squeeze %dma_wait3A_2941 : memref<1x1024xf32, #tpu.memory_space<vmem>> -> memref<1024xf32, #tpu.memory_space<vmem>>
    %dma_wait3A_2943 = arith.constant 0 : i32
    %dma_wait3A_2944 = tpu.memref_slice %arg4[%add3A_1501, %dma_wait3A_2943] : memref<416x1024xf32, #tpu.memory_space<hbm>> -> memref<1x1024xf32, #tpu.memory_space<hbm>>
    %dma_wait3A_2945 = tpu.memref_squeeze %dma_wait3A_2944 : memref<1x1024xf32, #tpu.memory_space<hbm>> -> memref<1024xf32, #tpu.memory_space<hbm>>
    %dma_wait3A_2946 = arith.constant 0 : i32
    %dma_wait3A_2947 = tpu.memref_slice %arg4[%add3A_1501, %dma_wait3A_2946] : memref<416x1024xf32, #tpu.memory_space<hbm>> -> memref<1x1024xf32, #tpu.memory_space<hbm>>
    %dma_wait3A_2948 = tpu.memref_squeeze %dma_wait3A_2947 : memref<1x1024xf32, #tpu.memory_space<hbm>> -> memref<1024xf32, #tpu.memory_space<hbm>>
    %dma_wait3A_2949 = arith.constant 0 : i32
    %dma_wait3A_2950 = tpu.memref_slice %arg8[%dma_wait3A_2939, %dma_wait3A_2949] : memref<13x1024xf32, #tpu.memory_space<vmem>> -> memref<1x1024xf32, #tpu.memory_space<vmem>>
    %dma_wait3A_2951 = tpu.memref_squeeze %dma_wait3A_2950 : memref<1x1024xf32, #tpu.memory_space<vmem>> -> memref<1024xf32, #tpu.memory_space<vmem>>
    tpu.wait_dma2 semaphore(%arg16 : memref<!tpu.dma_semaphore, #tpu.memory_space<semaphore_mem>>) src(%dma_wait3A_2951 : memref<1024xf32, #tpu.memory_space<vmem>>) dst(%dma_wait3A_2948 : memref<1024xf32, #tpu.memory_space<hbm>>)
    %dma_wait3A_2952 = arith.constant 3 : i32
    %dma_wait3A_2953 = arith.constant 0 : i32
    %dma_wait3A_2954 = tpu.memref_slice %arg8[%dma_wait3A_2952, %dma_wait3A_2953] : memref<13x1024xf32, #tpu.memory_space<vmem>> -> memref<1x1024xf32, #tpu.memory_space<vmem>>
    %dma_wait3A_2955 = tpu.memref_squeeze %dma_wait3A_2954 : memref<1x1024xf32, #tpu.memory_space<vmem>> -> memref<1024xf32, #tpu.memory_space<vmem>>
    %dma_wait3A_2956 = arith.constant 0 : i32
    %dma_wait3A_2957 = tpu.memref_slice %arg4[%add3A_1564, %dma_wait3A_2956] : memref<416x1024xf32, #tpu.memory_space<hbm>> -> memref<1x1024xf32, #tpu.memory_space<hbm>>
    %dma_wait3A_2958 = tpu.memref_squeeze %dma_wait3A_2957 : memref<1x1024xf32, #tpu.memory_space<hbm>> -> memref<1024xf32, #tpu.memory_space<hbm>>
    %dma_wait3A_2959 = arith.constant 0 : i32
    %dma_wait3A_2960 = tpu.memref_slice %arg4[%add3A_1564, %dma_wait3A_2959] : memref<416x1024xf32, #tpu.memory_space<hbm>> -> memref<1x1024xf32, #tpu.memory_space<hbm>>
    %dma_wait3A_2961 = tpu.memref_squeeze %dma_wait3A_2960 : memref<1x1024xf32, #tpu.memory_space<hbm>> -> memref<1024xf32, #tpu.memory_space<hbm>>
    %dma_wait3A_2962 = arith.constant 0 : i32
    %dma_wait3A_2963 = tpu.memref_slice %arg8[%dma_wait3A_2952, %dma_wait3A_2962] : memref<13x1024xf32, #tpu.memory_space<vmem>> -> memref<1x1024xf32, #tpu.memory_space<vmem>>
    %dma_wait3A_2964 = tpu.memref_squeeze %dma_wait3A_2963 : memref<1x1024xf32, #tpu.memory_space<vmem>> -> memref<1024xf32, #tpu.memory_space<vmem>>
    tpu.wait_dma2 semaphore(%arg16 : memref<!tpu.dma_semaphore, #tpu.memory_space<semaphore_mem>>) src(%dma_wait3A_2964 : memref<1024xf32, #tpu.memory_space<vmem>>) dst(%dma_wait3A_2961 : memref<1024xf32, #tpu.memory_space<hbm>>)
    %dma_wait3A_2965 = arith.constant 4 : i32
    %dma_wait3A_2966 = arith.constant 0 : i32
    %dma_wait3A_2967 = tpu.memref_slice %arg8[%dma_wait3A_2965, %dma_wait3A_2966] : memref<13x1024xf32, #tpu.memory_space<vmem>> -> memref<1x1024xf32, #tpu.memory_space<vmem>>
    %dma_wait3A_2968 = tpu.memref_squeeze %dma_wait3A_2967 : memref<1x1024xf32, #tpu.memory_space<vmem>> -> memref<1024xf32, #tpu.memory_space<vmem>>
    %dma_wait3A_2969 = arith.constant 0 : i32
    %dma_wait3A_2970 = tpu.memref_slice %arg4[%add3A_1627, %dma_wait3A_2969] : memref<416x1024xf32, #tpu.memory_space<hbm>> -> memref<1x1024xf32, #tpu.memory_space<hbm>>
    %dma_wait3A_2971 = tpu.memref_squeeze %dma_wait3A_2970 : memref<1x1024xf32, #tpu.memory_space<hbm>> -> memref<1024xf32, #tpu.memory_space<hbm>>
    %dma_wait3A_2972 = arith.constant 0 : i32
    %dma_wait3A_2973 = tpu.memref_slice %arg4[%add3A_1627, %dma_wait3A_2972] : memref<416x1024xf32, #tpu.memory_space<hbm>> -> memref<1x1024xf32, #tpu.memory_space<hbm>>
    %dma_wait3A_2974 = tpu.memref_squeeze %dma_wait3A_2973 : memref<1x1024xf32, #tpu.memory_space<hbm>> -> memref<1024xf32, #tpu.memory_space<hbm>>
    %dma_wait3A_2975 = arith.constant 0 : i32
    %dma_wait3A_2976 = tpu.memref_slice %arg8[%dma_wait3A_2965, %dma_wait3A_2975] : memref<13x1024xf32, #tpu.memory_space<vmem>> -> memref<1x1024xf32, #tpu.memory_space<vmem>>
    %dma_wait3A_2977 = tpu.memref_squeeze %dma_wait3A_2976 : memref<1x1024xf32, #tpu.memory_space<vmem>> -> memref<1024xf32, #tpu.memory_space<vmem>>
    tpu.wait_dma2 semaphore(%arg16 : memref<!tpu.dma_semaphore, #tpu.memory_space<semaphore_mem>>) src(%dma_wait3A_2977 : memref<1024xf32, #tpu.memory_space<vmem>>) dst(%dma_wait3A_2974 : memref<1024xf32, #tpu.memory_space<hbm>>)
    %dma_wait3A_2978 = arith.constant 5 : i32
    %dma_wait3A_2979 = arith.constant 0 : i32
    %dma_wait3A_2980 = tpu.memref_slice %arg8[%dma_wait3A_2978, %dma_wait3A_2979] : memref<13x1024xf32, #tpu.memory_space<vmem>> -> memref<1x1024xf32, #tpu.memory_space<vmem>>
    %dma_wait3A_2981 = tpu.memref_squeeze %dma_wait3A_2980 : memref<1x1024xf32, #tpu.memory_space<vmem>> -> memref<1024xf32, #tpu.memory_space<vmem>>
    %dma_wait3A_2982 = arith.constant 0 : i32
    %dma_wait3A_2983 = tpu.memref_slice %arg4[%add3A_1690, %dma_wait3A_2982] : memref<416x1024xf32, #tpu.memory_space<hbm>> -> memref<1x1024xf32, #tpu.memory_space<hbm>>
    %dma_wait3A_2984 = tpu.memref_squeeze %dma_wait3A_2983 : memref<1x1024xf32, #tpu.memory_space<hbm>> -> memref<1024xf32, #tpu.memory_space<hbm>>
    %dma_wait3A_2985 = arith.constant 0 : i32
    %dma_wait3A_2986 = tpu.memref_slice %arg4[%add3A_1690, %dma_wait3A_2985] : memref<416x1024xf32, #tpu.memory_space<hbm>> -> memref<1x1024xf32, #tpu.memory_space<hbm>>
    %dma_wait3A_2987 = tpu.memref_squeeze %dma_wait3A_2986 : memref<1x1024xf32, #tpu.memory_space<hbm>> -> memref<1024xf32, #tpu.memory_space<hbm>>
    %dma_wait3A_2988 = arith.constant 0 : i32
    %dma_wait3A_2989 = tpu.memref_slice %arg8[%dma_wait3A_2978, %dma_wait3A_2988] : memref<13x1024xf32, #tpu.memory_space<vmem>> -> memref<1x1024xf32, #tpu.memory_space<vmem>>
    %dma_wait3A_2990 = tpu.memref_squeeze %dma_wait3A_2989 : memref<1x1024xf32, #tpu.memory_space<vmem>> -> memref<1024xf32, #tpu.memory_space<vmem>>
    tpu.wait_dma2 semaphore(%arg16 : memref<!tpu.dma_semaphore, #tpu.memory_space<semaphore_mem>>) src(%dma_wait3A_2990 : memref<1024xf32, #tpu.memory_space<vmem>>) dst(%dma_wait3A_2987 : memref<1024xf32, #tpu.memory_space<hbm>>)
    %dma_wait3A_2991 = arith.constant 6 : i32
    %dma_wait3A_2992 = arith.constant 0 : i32
    %dma_wait3A_2993 = tpu.memref_slice %arg8[%dma_wait3A_2991, %dma_wait3A_2992] : memref<13x1024xf32, #tpu.memory_space<vmem>> -> memref<1x1024xf32, #tpu.memory_space<vmem>>
    %dma_wait3A_2994 = tpu.memref_squeeze %dma_wait3A_2993 : memref<1x1024xf32, #tpu.memory_space<vmem>> -> memref<1024xf32, #tpu.memory_space<vmem>>
    %dma_wait3A_2995 = arith.constant 0 : i32
    %dma_wait3A_2996 = tpu.memref_slice %arg4[%add3A_1753, %dma_wait3A_2995] : memref<416x1024xf32, #tpu.memory_space<hbm>> -> memref<1x1024xf32, #tpu.memory_space<hbm>>
    %dma_wait3A_2997 = tpu.memref_squeeze %dma_wait3A_2996 : memref<1x1024xf32, #tpu.memory_space<hbm>> -> memref<1024xf32, #tpu.memory_space<hbm>>
    %dma_wait3A_2998 = arith.constant 0 : i32
    %dma_wait3A_2999 = tpu.memref_slice %arg4[%add3A_1753, %dma_wait3A_2998] : memref<416x1024xf32, #tpu.memory_space<hbm>> -> memref<1x1024xf32, #tpu.memory_space<hbm>>
    %dma_wait3A_3000 = tpu.memref_squeeze %dma_wait3A_2999 : memref<1x1024xf32, #tpu.memory_space<hbm>> -> memref<1024xf32, #tpu.memory_space<hbm>>
    %dma_wait3A_3001 = arith.constant 0 : i32
    %dma_wait3A_3002 = tpu.memref_slice %arg8[%dma_wait3A_2991, %dma_wait3A_3001] : memref<13x1024xf32, #tpu.memory_space<vmem>> -> memref<1x1024xf32, #tpu.memory_space<vmem>>
    %dma_wait3A_3003 = tpu.memref_squeeze %dma_wait3A_3002 : memref<1x1024xf32, #tpu.memory_space<vmem>> -> memref<1024xf32, #tpu.memory_space<vmem>>
    tpu.wait_dma2 semaphore(%arg16 : memref<!tpu.dma_semaphore, #tpu.memory_space<semaphore_mem>>) src(%dma_wait3A_3003 : memref<1024xf32, #tpu.memory_space<vmem>>) dst(%dma_wait3A_3000 : memref<1024xf32, #tpu.memory_space<hbm>>)
    %dma_wait3A_3004 = arith.constant 7 : i32
    %dma_wait3A_3005 = arith.constant 0 : i32
    %dma_wait3A_3006 = tpu.memref_slice %arg8[%dma_wait3A_3004, %dma_wait3A_3005] : memref<13x1024xf32, #tpu.memory_space<vmem>> -> memref<1x1024xf32, #tpu.memory_space<vmem>>
    %dma_wait3A_3007 = tpu.memref_squeeze %dma_wait3A_3006 : memref<1x1024xf32, #tpu.memory_space<vmem>> -> memref<1024xf32, #tpu.memory_space<vmem>>
    %dma_wait3A_3008 = arith.constant 0 : i32
    %dma_wait3A_3009 = tpu.memref_slice %arg4[%add3A_1816, %dma_wait3A_3008] : memref<416x1024xf32, #tpu.memory_space<hbm>> -> memref<1x1024xf32, #tpu.memory_space<hbm>>
    %dma_wait3A_3010 = tpu.memref_squeeze %dma_wait3A_3009 : memref<1x1024xf32, #tpu.memory_space<hbm>> -> memref<1024xf32, #tpu.memory_space<hbm>>
    %dma_wait3A_3011 = arith.constant 0 : i32
    %dma_wait3A_3012 = tpu.memref_slice %arg4[%add3A_1816, %dma_wait3A_3011] : memref<416x1024xf32, #tpu.memory_space<hbm>> -> memref<1x1024xf32, #tpu.memory_space<hbm>>
    %dma_wait3A_3013 = tpu.memref_squeeze %dma_wait3A_3012 : memref<1x1024xf32, #tpu.memory_space<hbm>> -> memref<1024xf32, #tpu.memory_space<hbm>>
    %dma_wait3A_3014 = arith.constant 0 : i32
    %dma_wait3A_3015 = tpu.memref_slice %arg8[%dma_wait3A_3004, %dma_wait3A_3014] : memref<13x1024xf32, #tpu.memory_space<vmem>> -> memref<1x1024xf32, #tpu.memory_space<vmem>>
    %dma_wait3A_3016 = tpu.memref_squeeze %dma_wait3A_3015 : memref<1x1024xf32, #tpu.memory_space<vmem>> -> memref<1024xf32, #tpu.memory_space<vmem>>
    tpu.wait_dma2 semaphore(%arg16 : memref<!tpu.dma_semaphore, #tpu.memory_space<semaphore_mem>>) src(%dma_wait3A_3016 : memref<1024xf32, #tpu.memory_space<vmem>>) dst(%dma_wait3A_3013 : memref<1024xf32, #tpu.memory_space<hbm>>)
    %dma_wait3A_3017 = arith.constant 8 : i32
    %dma_wait3A_3018 = arith.constant 0 : i32
    %dma_wait3A_3019 = tpu.memref_slice %arg8[%dma_wait3A_3017, %dma_wait3A_3018] : memref<13x1024xf32, #tpu.memory_space<vmem>> -> memref<1x1024xf32, #tpu.memory_space<vmem>>
    %dma_wait3A_3020 = tpu.memref_squeeze %dma_wait3A_3019 : memref<1x1024xf32, #tpu.memory_space<vmem>> -> memref<1024xf32, #tpu.memory_space<vmem>>
    %dma_wait3A_3021 = arith.constant 0 : i32
    %dma_wait3A_3022 = tpu.memref_slice %arg4[%add3A_1879, %dma_wait3A_3021] : memref<416x1024xf32, #tpu.memory_space<hbm>> -> memref<1x1024xf32, #tpu.memory_space<hbm>>
    %dma_wait3A_3023 = tpu.memref_squeeze %dma_wait3A_3022 : memref<1x1024xf32, #tpu.memory_space<hbm>> -> memref<1024xf32, #tpu.memory_space<hbm>>
    %dma_wait3A_3024 = arith.constant 0 : i32
    %dma_wait3A_3025 = tpu.memref_slice %arg4[%add3A_1879, %dma_wait3A_3024] : memref<416x1024xf32, #tpu.memory_space<hbm>> -> memref<1x1024xf32, #tpu.memory_space<hbm>>
    %dma_wait3A_3026 = tpu.memref_squeeze %dma_wait3A_3025 : memref<1x1024xf32, #tpu.memory_space<hbm>> -> memref<1024xf32, #tpu.memory_space<hbm>>
    %dma_wait3A_3027 = arith.constant 0 : i32
    %dma_wait3A_3028 = tpu.memref_slice %arg8[%dma_wait3A_3017, %dma_wait3A_3027] : memref<13x1024xf32, #tpu.memory_space<vmem>> -> memref<1x1024xf32, #tpu.memory_space<vmem>>
    %dma_wait3A_3029 = tpu.memref_squeeze %dma_wait3A_3028 : memref<1x1024xf32, #tpu.memory_space<vmem>> -> memref<1024xf32, #tpu.memory_space<vmem>>
    tpu.wait_dma2 semaphore(%arg16 : memref<!tpu.dma_semaphore, #tpu.memory_space<semaphore_mem>>) src(%dma_wait3A_3029 : memref<1024xf32, #tpu.memory_space<vmem>>) dst(%dma_wait3A_3026 : memref<1024xf32, #tpu.memory_space<hbm>>)
    %dma_wait3A_3030 = arith.constant 9 : i32
    %dma_wait3A_3031 = arith.constant 0 : i32
    %dma_wait3A_3032 = tpu.memref_slice %arg8[%dma_wait3A_3030, %dma_wait3A_3031] : memref<13x1024xf32, #tpu.memory_space<vmem>> -> memref<1x1024xf32, #tpu.memory_space<vmem>>
    %dma_wait3A_3033 = tpu.memref_squeeze %dma_wait3A_3032 : memref<1x1024xf32, #tpu.memory_space<vmem>> -> memref<1024xf32, #tpu.memory_space<vmem>>
    %dma_wait3A_3034 = arith.constant 0 : i32
    %dma_wait3A_3035 = tpu.memref_slice %arg4[%add3A_1942, %dma_wait3A_3034] : memref<416x1024xf32, #tpu.memory_space<hbm>> -> memref<1x1024xf32, #tpu.memory_space<hbm>>
    %dma_wait3A_3036 = tpu.memref_squeeze %dma_wait3A_3035 : memref<1x1024xf32, #tpu.memory_space<hbm>> -> memref<1024xf32, #tpu.memory_space<hbm>>
    %dma_wait3A_3037 = arith.constant 0 : i32
    %dma_wait3A_3038 = tpu.memref_slice %arg4[%add3A_1942, %dma_wait3A_3037] : memref<416x1024xf32, #tpu.memory_space<hbm>> -> memref<1x1024xf32, #tpu.memory_space<hbm>>
    %dma_wait3A_3039 = tpu.memref_squeeze %dma_wait3A_3038 : memref<1x1024xf32, #tpu.memory_space<hbm>> -> memref<1024xf32, #tpu.memory_space<hbm>>
    %dma_wait3A_3040 = arith.constant 0 : i32
    %dma_wait3A_3041 = tpu.memref_slice %arg8[%dma_wait3A_3030, %dma_wait3A_3040] : memref<13x1024xf32, #tpu.memory_space<vmem>> -> memref<1x1024xf32, #tpu.memory_space<vmem>>
    %dma_wait3A_3042 = tpu.memref_squeeze %dma_wait3A_3041 : memref<1x1024xf32, #tpu.memory_space<vmem>> -> memref<1024xf32, #tpu.memory_space<vmem>>
    tpu.wait_dma2 semaphore(%arg16 : memref<!tpu.dma_semaphore, #tpu.memory_space<semaphore_mem>>) src(%dma_wait3A_3042 : memref<1024xf32, #tpu.memory_space<vmem>>) dst(%dma_wait3A_3039 : memref<1024xf32, #tpu.memory_space<hbm>>)
    %dma_wait3A_3043 = arith.constant 10 : i32
    %dma_wait3A_3044 = arith.constant 0 : i32
    %dma_wait3A_3045 = tpu.memref_slice %arg8[%dma_wait3A_3043, %dma_wait3A_3044] : memref<13x1024xf32, #tpu.memory_space<vmem>> -> memref<1x1024xf32, #tpu.memory_space<vmem>>
    %dma_wait3A_3046 = tpu.memref_squeeze %dma_wait3A_3045 : memref<1x1024xf32, #tpu.memory_space<vmem>> -> memref<1024xf32, #tpu.memory_space<vmem>>
    %dma_wait3A_3047 = arith.constant 0 : i32
    %dma_wait3A_3048 = tpu.memref_slice %arg4[%add3A_2005, %dma_wait3A_3047] : memref<416x1024xf32, #tpu.memory_space<hbm>> -> memref<1x1024xf32, #tpu.memory_space<hbm>>
    %dma_wait3A_3049 = tpu.memref_squeeze %dma_wait3A_3048 : memref<1x1024xf32, #tpu.memory_space<hbm>> -> memref<1024xf32, #tpu.memory_space<hbm>>
    %dma_wait3A_3050 = arith.constant 0 : i32
    %dma_wait3A_3051 = tpu.memref_slice %arg4[%add3A_2005, %dma_wait3A_3050] : memref<416x1024xf32, #tpu.memory_space<hbm>> -> memref<1x1024xf32, #tpu.memory_space<hbm>>
    %dma_wait3A_3052 = tpu.memref_squeeze %dma_wait3A_3051 : memref<1x1024xf32, #tpu.memory_space<hbm>> -> memref<1024xf32, #tpu.memory_space<hbm>>
    %dma_wait3A_3053 = arith.constant 0 : i32
    %dma_wait3A_3054 = tpu.memref_slice %arg8[%dma_wait3A_3043, %dma_wait3A_3053] : memref<13x1024xf32, #tpu.memory_space<vmem>> -> memref<1x1024xf32, #tpu.memory_space<vmem>>
    %dma_wait3A_3055 = tpu.memref_squeeze %dma_wait3A_3054 : memref<1x1024xf32, #tpu.memory_space<vmem>> -> memref<1024xf32, #tpu.memory_space<vmem>>
    tpu.wait_dma2 semaphore(%arg16 : memref<!tpu.dma_semaphore, #tpu.memory_space<semaphore_mem>>) src(%dma_wait3A_3055 : memref<1024xf32, #tpu.memory_space<vmem>>) dst(%dma_wait3A_3052 : memref<1024xf32, #tpu.memory_space<hbm>>)
    %dma_wait3A_3056 = arith.constant 11 : i32
    %dma_wait3A_3057 = arith.constant 0 : i32
    %dma_wait3A_3058 = tpu.memref_slice %arg8[%dma_wait3A_3056, %dma_wait3A_3057] : memref<13x1024xf32, #tpu.memory_space<vmem>> -> memref<1x1024xf32, #tpu.memory_space<vmem>>
    %dma_wait3A_3059 = tpu.memref_squeeze %dma_wait3A_3058 : memref<1x1024xf32, #tpu.memory_space<vmem>> -> memref<1024xf32, #tpu.memory_space<vmem>>
    %dma_wait3A_3060 = arith.constant 0 : i32
    %dma_wait3A_3061 = tpu.memref_slice %arg4[%add3A_2068, %dma_wait3A_3060] : memref<416x1024xf32, #tpu.memory_space<hbm>> -> memref<1x1024xf32, #tpu.memory_space<hbm>>
    %dma_wait3A_3062 = tpu.memref_squeeze %dma_wait3A_3061 : memref<1x1024xf32, #tpu.memory_space<hbm>> -> memref<1024xf32, #tpu.memory_space<hbm>>
    %dma_wait3A_3063 = arith.constant 0 : i32
    %dma_wait3A_3064 = tpu.memref_slice %arg4[%add3A_2068, %dma_wait3A_3063] : memref<416x1024xf32, #tpu.memory_space<hbm>> -> memref<1x1024xf32, #tpu.memory_space<hbm>>
    %dma_wait3A_3065 = tpu.memref_squeeze %dma_wait3A_3064 : memref<1x1024xf32, #tpu.memory_space<hbm>> -> memref<1024xf32, #tpu.memory_space<hbm>>
    %dma_wait3A_3066 = arith.constant 0 : i32
    %dma_wait3A_3067 = tpu.memref_slice %arg8[%dma_wait3A_3056, %dma_wait3A_3066] : memref<13x1024xf32, #tpu.memory_space<vmem>> -> memref<1x1024xf32, #tpu.memory_space<vmem>>
    %dma_wait3A_3068 = tpu.memref_squeeze %dma_wait3A_3067 : memref<1x1024xf32, #tpu.memory_space<vmem>> -> memref<1024xf32, #tpu.memory_space<vmem>>
    tpu.wait_dma2 semaphore(%arg16 : memref<!tpu.dma_semaphore, #tpu.memory_space<semaphore_mem>>) src(%dma_wait3A_3068 : memref<1024xf32, #tpu.memory_space<vmem>>) dst(%dma_wait3A_3065 : memref<1024xf32, #tpu.memory_space<hbm>>)
    %dma_wait3A_3069 = arith.constant 12 : i32
    %dma_wait3A_3070 = arith.constant 0 : i32
    %dma_wait3A_3071 = tpu.memref_slice %arg8[%dma_wait3A_3069, %dma_wait3A_3070] : memref<13x1024xf32, #tpu.memory_space<vmem>> -> memref<1x1024xf32, #tpu.memory_space<vmem>>
    %dma_wait3A_3072 = tpu.memref_squeeze %dma_wait3A_3071 : memref<1x1024xf32, #tpu.memory_space<vmem>> -> memref<1024xf32, #tpu.memory_space<vmem>>
    %dma_wait3A_3073 = arith.constant 0 : i32
    %dma_wait3A_3074 = tpu.memref_slice %arg4[%add3A_2131, %dma_wait3A_3073] : memref<416x1024xf32, #tpu.memory_space<hbm>> -> memref<1x1024xf32, #tpu.memory_space<hbm>>
    %dma_wait3A_3075 = tpu.memref_squeeze %dma_wait3A_3074 : memref<1x1024xf32, #tpu.memory_space<hbm>> -> memref<1024xf32, #tpu.memory_space<hbm>>
    %dma_wait3A_3076 = arith.constant 0 : i32
    %dma_wait3A_3077 = tpu.memref_slice %arg4[%add3A_2131, %dma_wait3A_3076] : memref<416x1024xf32, #tpu.memory_space<hbm>> -> memref<1x1024xf32, #tpu.memory_space<hbm>>
    %dma_wait3A_3078 = tpu.memref_squeeze %dma_wait3A_3077 : memref<1x1024xf32, #tpu.memory_space<hbm>> -> memref<1024xf32, #tpu.memory_space<hbm>>
    %dma_wait3A_3079 = arith.constant 0 : i32
    %dma_wait3A_3080 = tpu.memref_slice %arg8[%dma_wait3A_3069, %dma_wait3A_3079] : memref<13x1024xf32, #tpu.memory_space<vmem>> -> memref<1x1024xf32, #tpu.memory_space<vmem>>
    %dma_wait3A_3081 = tpu.memref_squeeze %dma_wait3A_3080 : memref<1x1024xf32, #tpu.memory_space<vmem>> -> memref<1024xf32, #tpu.memory_space<vmem>>
    tpu.wait_dma2 semaphore(%arg16 : memref<!tpu.dma_semaphore, #tpu.memory_space<semaphore_mem>>) src(%dma_wait3A_3081 : memref<1024xf32, #tpu.memory_space<vmem>>) dst(%dma_wait3A_3078 : memref<1024xf32, #tpu.memory_space<hbm>>)
    return
  }
}

module attributes {stable_mosaic.version = 14 : i64} {
  func.func @_lin_body(%arg0: i32, %arg1: memref<2000x1024xi32, #tpu.memory_space<vmem>>, %arg2: memref<1x1x2000xf32, #tpu.memory_space<vmem>>, %arg3: memref<1x1024xf32, #tpu.memory_space<vmem>>) attributes {dimension_semantics = [#tpu.dimension_semantics<arbitrary>], iteration_bounds = array<i64: 13>, scalar_prefetch = 0 : i64, scratch_operands = 0 : i64, tpu.core_type = #tpu.core_type<tc>, window_params = [{transform_indices = @transform_0, window_bounds = array<i64: 2000, 1024>}, {transform_indices = @transform_1, window_bounds = array<i64: 1, 1, 2000>}, {pipeline_mode = #tpu.pipeline_mode<synchronous>, transform_indices = @transform_2, window_bounds = array<i64: 1, 1024>}]} {
    %get3A = arith.constant 0 : index
    %get3A_0 = arith.constant 0 : index
    %get3A_1 = vector.load %arg1[%get3A, %get3A_0] : memref<2000x1024xi32, #tpu.memory_space<vmem>>, vector<2000x1024xi32>
    %convert_element_type3A = arith.sitofp %get3A_1 : vector<2000x1024xi32> to vector<2000x1024xf32>
    %get3A_2 = arith.constant 0 : index
    %get3A_3 = arith.constant 0 : index
    %get3A_4 = arith.constant 0 : index
    %get3A_5 = vector.load %arg2[%get3A_2, %get3A_3, %get3A_4] : memref<1x1x2000xf32, #tpu.memory_space<vmem>>, vector<1x1x2000xf32>
    %get3A_6 = vector.shape_cast %get3A_5 : vector<1x1x2000xf32> to vector<1x2000xf32>
    %transpose3A = tpu.transpose %get3A_6, [1, 0] : vector<1x2000xf32> -> vector<2000x1xf32>
    %mul3A = vector.broadcast %transpose3A : vector<2000x1xf32> to vector<2000x1024xf32>
    %mul3A_7 = arith.mulf %convert_element_type3A, %mul3A : vector<2000x1024xf32>
    %reduce_sum3A = arith.constant dense<0.000000e+00> : vector<1024xf32>
    %reduce_sum3A_8 = vector.multi_reduction <add>, %mul3A_7, %reduce_sum3A [0] : vector<2000x1024xf32> to vector<1024xf32>
    %broadcast_in_dim3A = vector.shape_cast %reduce_sum3A_8 : vector<1024xf32> to vector<1x1024xf32>
    %eq3A = arith.constant 0 : i32
    %eq3A_9 = arith.cmpi eq, %arg0, %eq3A : i32
    %convert_element_type3A_10 = arith.extui %eq3A_9 : i1 to i32
    %cond3A = arith.constant 0 : i32
    %cond3A_11 = arith.cmpi ne, %convert_element_type3A_10, %cond3A : i32
    scf.if %cond3A_11 {
      %swap3A = arith.constant 0 : index
      %swap3A_16 = arith.constant 0 : index
      %swap3A_17 = vector.load %arg3[%swap3A, %swap3A_16] : memref<1x1024xf32, #tpu.memory_space<vmem>>, vector<1x1024xf32>
      tpu.vector_store %arg3[%swap3A, %swap3A_16], %broadcast_in_dim3A {strides = array<i32>} : memref<1x1024xf32, #tpu.memory_space<vmem>>, vector<1x1024xf32>,
    } else {
    }
    %ne3A = arith.constant 0 : i32
    %ne3A_12 = arith.cmpi ne, %arg0, %ne3A : i32
    %convert_element_type3A_13 = arith.extui %ne3A_12 : i1 to i32
    %cond3A_14 = arith.constant 0 : i32
    %cond3A_15 = arith.cmpi ne, %convert_element_type3A_13, %cond3A_14 : i32
    scf.if %cond3A_15 {
      %get3A_16 = arith.constant 0 : index
      %get3A_17 = arith.constant 0 : index
      %get3A_18 = vector.load %arg3[%get3A_16, %get3A_17] : memref<1x1024xf32, #tpu.memory_space<vmem>>, vector<1x1024xf32>
      %add3A = arith.addf %get3A_18, %broadcast_in_dim3A : vector<1x1024xf32>
      %swap3A = arith.constant 0 : index
      %swap3A_19 = arith.constant 0 : index
      %swap3A_20 = vector.load %arg3[%swap3A, %swap3A_19] : memref<1x1024xf32, #tpu.memory_space<vmem>>, vector<1x1024xf32>
      tpu.vector_store %arg3[%swap3A, %swap3A_19], %add3A {strides = array<i32>} : memref<1x1024xf32, #tpu.memory_space<vmem>>, vector<1x1024xf32>,
    } else {
    }
    return
  }
  func.func @transform_0(%arg0: i32) -> (i32, i32) {
    %c0_i32 = arith.constant 0 : i32
    %c0_i32_0 = arith.constant 0 : i32
    return %arg0, %c0_i32 : i32, i32
  }
  func.func @transform_1(%arg0: i32) -> (i32, i32, i32) {
    %c0_i32 = arith.constant 0 : i32
    %c0_i32_0 = arith.constant 0 : i32
    %c0_i32_1 = arith.constant 0 : i32
    return %arg0, %c0_i32, %c0_i32_0 : i32, i32, i32
  }
  func.func @transform_2(%arg0: i32) -> (i32, i32) {
    %c0_i32 = arith.constant 0 : i32
    %c0_i32_0 = arith.constant 0 : i32
    %c0_i32_1 = arith.constant 0 : i32
    return %c0_i32, %c0_i32_0 : i32, i32
  }
}

module attributes {stable_mosaic.version = 14 : i64} {
  func.func @_comb_body(%arg0: memref<1x1024xf32, #tpu.memory_space<vmem>>, %arg1: memref<16x1024xf32, #tpu.memory_space<vmem>>, %arg2: memref<1x1xf32, #tpu.memory_space<smem>>, %arg3: memref<1x1024xf32, #tpu.memory_space<vmem>>) attributes {dimension_semantics = [], scalar_prefetch = 0 : i64, scratch_operands = 0 : i64, tpu.core_type = #tpu.core_type<tc>} {
    %get3A = arith.constant 0 : index
    %get3A_0 = arith.constant 0 : index
    %get3A_1 = vector.load %arg1[%get3A, %get3A_0] : memref<16x1024xf32, #tpu.memory_space<vmem>>, vector<16x1024xf32>
    %reduce_sum3A = arith.constant dense<0.000000e+00> : vector<1024xf32>
    %reduce_sum3A_2 = vector.multi_reduction <add>, %get3A_1, %reduce_sum3A [0] : vector<16x1024xf32> to vector<1024xf32>
    %broadcast_in_dim3A = vector.shape_cast %reduce_sum3A_2 : vector<1024xf32> to vector<1x1024xf32>
    %mul3A = arith.constant 5.000000e-01 : f32
    %mul3A_3 = vector.broadcast %mul3A : f32 to vector<1x1024xf32>
    %mul3A_4 = arith.mulf %mul3A_3, %broadcast_in_dim3A : vector<1x1024xf32>
    %get3A_5 = arith.constant 0 : index
    %get3A_6 = arith.constant 0 : index
    %get3A_7 = vector.load %arg0[%get3A_5, %get3A_6] : memref<1x1024xf32, #tpu.memory_space<vmem>>, vector<1x1024xf32>
    %add3A = arith.addf %get3A_7, %mul3A_4 : vector<1x1024xf32>
    %get3A_8 = arith.constant 0 : index
    %get3A_9 = arith.constant 0 : index
    %get3A_10 = memref.load %arg2[%get3A_8, %get3A_9] : memref<1x1xf32, #tpu.memory_space<smem>>
    %add3A_11 = vector.broadcast %get3A_10 : f32 to vector<1x1024xf32>
    %add3A_12 = arith.addf %add3A, %add3A_11 : vector<1x1024xf32>
    %swap3A = arith.constant 0 : index
    %swap3A_13 = arith.constant 0 : index
    %swap3A_14 = vector.load %arg3[%swap3A, %swap3A_13] : memref<1x1024xf32, #tpu.memory_space<vmem>>, vector<1x1024xf32>
    tpu.vector_store %arg3[%swap3A, %swap3A_13], %add3A_12 {strides = array<i32>} : memref<1x1024xf32, #tpu.memory_space<vmem>>, vector<1x1024xf32>,
    return
  }
}

</mosaic_0001>

<sc_bundles>
// kernel: kernel.5.cloned.1.call-start
scs
__scs_entry_jumppad:
0x0: {  	(pc) =	sbr.rel $0x88, $3  }
0x1: {  	(tag) =	ssettag $0x0;
	lr =	simm.s32 $0x1  }
0x2: {  	[smem:$0x3F9D] =	sst lr;
	_ =	strace $0xD0000000  }
0x3: {  	_ = 	snop  }
0x4: {  	_ = 	snop  }
0x5: {  	_ = 	snop  }
0x6: {  	_ = 	snop  }
0x7: {  	_ = 	snop  }
__scs_overlays_trampoline_lowered:
0x8: {  	[smem:$0x3FAC] =	sst s0  }
0x9: {  	[smem:$0x3FAD] =	sst s1  }
0xa: {  	[smem:$0x3FAE] =	sst s2  }
0xb: {  	[smem:$0x3FAF] =	sst s3  }
0xc: {  	[smem:$0x3FB0] =	sst s4  }
0xd: {  	[smem:$0x3FB1] =	sst s5  }
0xe: {  	[smem:$0x3FB2] =	sst s6  }
0xf: {  	[smem:$0x3FB3] =	sst s7  }
0x10: {  	[smem:$0x3FB4] =	sst s8  }
0x11: {  	[smem:$0x3FB5] =	sst s9;
	s0 =	simm.s32 @!p0 $0x0  }
0x12: {  	s1 =	sld [smem:$0x3F9B];
	s0 =	simm.s32 @p0 $0x1  }
0x13: {  	[smem:$0x3FB6] =	sst s0;
	s0 =	simm.s32 @!p1 $0x0  }
0x14: {  	s2 =	sld [smem:$0x3F9A];
	s0 =	simm.s32 @p1 $0x1  }
0x15: {  	[smem:$0x3FB7] =	sst s0;
	s0 =	simm.s32 @!p2 $0x0  }
0x16: {  	s3 =	sld [smem:$0x3FDB];
	s0 =	simm.s32 @p2 $0x1  }
0x17: {  	s4 =	simm.s32 $0x1BF5;
	[smem:$0x3FB9] =	sst s0  }
0x18: {  	s0 =	sld [smem:$0x3F9C];
	_ =	swait.ge [sflag:s4], $0x0  }
0x19: {  	s7 =	sld [smem:$0x3F9D]  }
0x1a: {  	s8 =	sadd.s32 $0xFFFFE003, lr  }
0x1b: {  	s9 =	sadd.s32 $0xFFFFFEF7, lr;
	s5 =	simm.s32 $0xFFFFFFFF;
	p2 =	slt.u32 s8, $0xFFFFF086  }
0x1c: {  	p1 =	slt.u32 s9, $0xF7A;
	s5 =	simm.s32 @!p2 $0x0  }
0x1d: {  	s5 =	simm.s32 @p1 $0x1;
	p0 =	seq.s32 s7, s2  }
0x1e: {  	s7 =	smul.u32 @!p0 $0xF7A, s2;
	p2 =	seq.s32 @!p0 s5, $0x0  }
0x1f: {  	s9 =	smul.u32 $0xF7A, s1;
	s8 =	simm.s32 @!p0 $0x1BF5;
	p2 =	por !p2, p0  }
0x20: {  	[sflag:s8] =	ssyncset.s32 @!p0 $0xFFFFF086;
	s6 =	sadd.s32 @!p0 s3, s7;
	s7 =	simm.s32 @!p0 $0x108  }
0x21: {  	s3 =	sadd.s32 s3, s9;
	s6 =	sadd.s32 @!p0 $0x88, s6;
	s7 =	simm.s32 @p2 $0x1082  }
0x22: {  	[simem:s7], [sflag:s8] =	dma.local @!p0 [hbm:s6], $0xF7A  }
0x23: {  	s9 =	sor.u32 $0xD0000000, s2;
	s6 =	simm.s32 $0x108;
	_ =	swait.ge @!p0 [sflag:s8], $0x0  }
0x24: {  	s3 =	sadd.s32 $0x88, s3;
	s6 =	simm.s32 @!p1 $0x1082;
	[sflag:s4] =	ssyncset.s32 $0xFFFFF086  }
0x25: {  	[simem:s6], [sflag:s4] =	dma.local [hbm:s3], $0xF7A  }
0x26: {  	[smem:$0x3F9D] =	sst s1;
	(tag) =	ssettag s2;
	_ =	strace s9  }
0x27: {  	s1 =	sld [smem:$0x3FAD]  }
0x28: {  	s2 =	sld [smem:$0x3FAE]  }
0x29: {  	s4 =	sld [smem:$0x3FB0]  }
0x2a: {  	p0 =	seq.s32 s5, $0x0;
	s5 =	sld [smem:$0x3FB1]  }
0x2b: {  	s6 =	sld [smem:$0x3FB2]  }
0x2c: {  	s7 =	sld [smem:$0x3FB3]  }
0x2d: {  	s3 =	simm.s32 $0x108;
	s8 =	sld [smem:$0x3FB4]  }
0x2e: {  	s3 =	simm.s32 @!p0 $0x1082;
	s9 =	sld [smem:$0x3FB5]  }
0x2f: {  	lr =	sadd.s32 s0, s3;
	s0 =	sld [smem:$0x3FAC]  }
0x30: {  	s3 =	sld [smem:$0x3FAF]  }
0x31: {  	[smem:$0x3FB8] =	sst s10  }
0x32: {  	s10 =	sld [smem:$0x3FB6];
	_ =	sdelay $0x3  }
0x33: {  	p0 =	seq.s32 s10, $0x1;
	s10 =	sld [smem:$0x3FB8];
	_ =	sdelay $0x3  }
0x34: {  	[smem:$0x3FB8] =	sst s10  }
0x35: {  	s10 =	sld [smem:$0x3FB7];
	_ =	sdelay $0x3  }
0x36: {  	p1 =	seq.s32 s10, $0x1;
	s10 =	sld [smem:$0x3FB8];
	_ =	sdelay $0x3  }
0x37: {  	[smem:$0x3FB8] =	sst s10  }
0x38: {  	s10 =	sld [smem:$0x3FB9]  }
0x39: {  	_ = 	snop;
	(pc) =	sbr.ind lr, $3  }
0x3a: {  	_ = 	snop  }
0x3b: {  	_ = 	snop  }
0x3c: {  	p2 =	seq.s32 s10, $0x1;
	s10 =	sld [smem:$0x3FB8]  }
0x3d: {  	_ =	shalt  }
0x3e: {  	_ =	shalt  }
0x3f: {  	_ =	shalt  }
0x40: {  	_ =	shalt  }
0x41: {  	_ =	shalt  }
0x42: {  	_ =	shalt  }
0x43: {  	_ =	shalt  }
0x44: {  	_ =	shalt  }
0x45: {  	_ =	shalt  }
0x46: {  	_ =	shalt  }
0x47: {  	_ =	shalt  }
0x48: {  	_ =	shalt  }
0x49: {  	_ =	shalt  }
0x4a: {  	_ =	shalt  }
0x4b: {  	_ =	shalt  }
0x4c: {  	_ =	shalt  }
0x4d: {  	_ =	shalt  }
0x4e: {  	_ =	shalt  }
0x4f: {  	_ =	shalt  }
0x50: {  	_ =	shalt  }
0x51: {  	_ =	shalt  }
0x52: {  	_ =	shalt  }
0x53: {  	_ =	shalt  }
0x54: {  	_ =	shalt  }
0x55: {  	_ =	shalt  }
0x56: {  	_ =	shalt  }
0x57: {  	_ =	shalt  }
0x58: {  	_ =	shalt  }
0x59: {  	_ =	shalt  }
0x5a: {  	_ =	shalt  }
0x5b: {  	_ =	shalt  }
0x5c: {  	_ =	shalt  }
0x5d: {  	_ =	shalt  }
0x5e: {  	_ =	shalt  }
0x5f: {  	_ =	shalt  }
0x60: {  	_ =	shalt  }
0x61: {  	_ =	shalt  }
0x62: {  	_ =	shalt  }
0x63: {  	_ =	shalt  }
0x64: {  	_ =	shalt  }
0x65: {  	_ =	shalt  }
0x66: {  	_ =	shalt  }
0x67: {  	_ =	shalt  }
0x68: {  	_ =	shalt  }
0x69: {  	_ =	shalt  }
0x6a: {  	_ =	shalt  }
0x6b: {  	_ =	shalt  }
0x6c: {  	_ =	shalt  }
0x6d: {  	_ =	shalt  }
0x6e: {  	_ =	shalt  }
0x6f: {  	_ =	shalt  }
0x70: {  	_ =	shalt  }
0x71: {  	_ =	shalt  }
0x72: {  	_ =	shalt  }
0x73: {  	_ =	shalt  }
0x74: {  	_ =	shalt  }
0x75: {  	_ =	shalt  }
0x76: {  	_ =	shalt  }
0x77: {  	_ =	shalt  }
0x78: {  	_ =	shalt  }
0x79: {  	_ =	shalt  }
0x7a: {  	_ =	shalt  }
0x7b: {  	_ =	shalt  }
0x7c: {  	_ =	shalt  }
0x7d: {  	_ =	shalt  }
0x7e: {  	_ =	shalt  }
0x7f: {  	_ =	shalt  }
0x80: {  	_ =	shalt  }
0x81: {  	_ =	shalt  }
0x82: {  	_ =	shalt  }
0x83: {  	_ =	shalt  }
0x84: {  	_ =	shalt  }
0x85: {  	_ =	shalt  }
0x86: {  	_ =	shalt  }
0x87: {  	_ =	shalt  }
.Lfunc_end0:
.L_simem_size_0:
called_computation_lowered:
.L_overlay_start_0:
0x88: {  	s2 =	sld [smem:$0x3FD9]  }
0x89: {  	s3 =	sld [smem:$0x3FFE];
	_ =	sdelay $0x1  }
0x8a: {  	s1 =	srdreg.scid  }
0x8b: {  	s0 =	sand.u32 $0x1, s1  }
0x8c: {  	s14 =	sshll.u32 s0, $0xA;
	s2 =	sadd.s32 s3, s2  }
0x8d: {  	s2 =	sadd.s32 s2, s14  }
0x8e: {  	[smem:$0x3FC4] =	sst s2  }
0x8f: {  	_ = 	snop  }
0x90: {  	s2 =	sld [smem:$0x3FD0];
	_ =	sdelay $0x2  }
0x91: {  	s15 =	simm.s32 $0xA;
	s4 =	simm.s32 $0x10  }
0x92: {  	[smem:s4], [sflag:s15] =	dma.local [hbm:s2], $0x1  }
0x93: {  	_ =	swait.eq [sflag:s15], $0x1  }
0x94: {  	[sflag:s15] =	ssyncset.done $0x0  }
0x95: {  	[sflag:s15] =	ssyncadd.s32 $0xFFFFFFFF  }
0x96: {  	s16 =	sld [smem:$0x11];
	(tm) =	ssettm $0x1  }
0x97: {  	s17 =	sld [smem:$0x3FFB];
	_ =	sdelay $0x3  }
0x98: {  	_ =	strace s17  }
0x99: {  	s3 =	sld [smem:$0x3FFC];
	_ =	sdelay $0x3  }
0x9a: {  	_ =	strace s3  }
0x9b: {  	s3 =	sld [smem:$0x3FFD];
	_ =	sdelay $0x3  }
0x9c: {  	_ =	strace s3  }
0x9d: {  	_ =	strace $0x8FFFFFFF  }
0x9e: {  	s18 =	sld [smem:$0x3FDB];
	_ =	sdelay $0x1  }
0x9f: {  	s19 =	simm.s32 $_scs_section_size  }
0xa0: {  	s5 =	simm.s32 $_size__tile_overlayer_lowered;
	s6 =	simm.s32 $_tile_overlayer_lowered  }
0xa1: {  	s22 =	simm.s32 $0x1BFF;
	s21 =	sshll.u32 s6, $0x1;
	s3 =	sadd.s32 s19, s18  }
0xa2: {  	s7 =	simm.s32 $0x0;
	s20 =	sshll.u32 s5, $0x1;
	s5 =	sadd.s32 s21, s3  }
0xa3: {  	[timem:s7], [sflag:s22] =	dma.local [hbm:s5], s20  }
0xa4: {  	_ =	swait.ge [sflag:s22], s20  }
0xa5: {  	s4 =	ssub.s32 $0x0, s20;
	[sflag:s22] =	ssyncset.done $0x0  }
0xa6: {  	[sflag:s22] =	ssyncadd.s32 s4;
	_ =	sdelay $0x1  }
0xa7: {  	s23 =	simm.s32 $0x1B8B  }
0xa8: {  	_ =	swait.ge [sflag:s23], $0x1  }
0xa9: {  	[sflag:s23] =	ssyncset.done $0x0  }
0xaa: {  	s25 =	simm.s32 $0x1B8E;
	s24 =	sld [smem:$0x3FFE];
	[sflag:s23] =	ssyncadd.s32 $0xFFFFFFFF  }
0xab: {  	s26 =	simm.s32 $execute0_lowered;
	[smem:$0x3FD2] =	sst s25  }
0xac: {  	s5 =	sshll.u32 s26, $0x1;
	_ =	strace $0x80000046;
	[dreg:$0x1] =	wrdreg $0xFFFFFFFF  }
0xad: {  	s28 =	simm.s32 $_size_execute0_lowered;
	s3 =	sadd.s32 s3, s5;
	[dreg:$0x0] =	wrdreg $0x0  }
0xae: {  	s5 =	sshll.u32 s28, $0x1;
	[dreg:$0x2] =	wrdreg s3  }
0xaf: {  	[dreg:$0x3] =	wrdreg s5  }
0xb0: {  	[dreg:$0x4] =	wrdreg $0xC0  }
0xb1: {  	_ =	task [dreg:s7], $0x5FFFF  }
0xb2: {  	[dreg:$0x1] =	wrdreg $0xFFFFFFFF  }
0xb3: {  	[dreg:$0x0] =	wrdreg $0x60  }
0xb4: {  	[dreg:$0x2] =	wrdreg s24  }
0xb5: {  	[dreg:$0x3] =	wrdreg s16  }
0xb6: {  	[dreg:$0x4] =	wrdreg $0xE0C80  }
0xb7: {  	[dreg:$0x5] =	wrdreg $0x100C80  }
0xb8: {  	[dreg:$0x6] =	wrdreg $0x9  }
0xb9: {  	_ =	task.clear_ibuf [dreg:s7], $0x7FFFF;
	_ =	strace $0x90000046  }
0xba: {  	s29 =	simm.s32 $0x9;
	_ =	strace $0x80000048  }
0xbb: {  	_ =	swait.ge [sflag:s29], $0x1  }
0xbc: {  	[sflag:s29] =	ssyncadd.s32 $0xFFFFFFFF  }
0xbd: {  	_ =	strace $0x90000048  }
0xbe: {  	_ =	sfence  }
0xbf: {  	s30 =	sld [smem:$0x0];
	_ =	sdelay $0x2  }
0xc0: {  	s31 =	sshll.u32 s1, $0xD;
	s1 =	sshrl.u32 s1, $0x2  }
0xc1: {  	s3 =	sand.u32 $0x4000, s31;
	s1 =	sadd.s32 s1, s30  }
0xc2: {  	s0 =	sor.u32 s3, s0;
	s1 =	sshll.u32 s1, $0x11  }
0xc3: {  	s0 =	sor.u32 s1, s0  }
0xc4: {  	s0 =	sadd.s32 $0x8F2B, s0  }
0xc5: {  	[sflag:s0] =	ssyncadd.remote.s32 $0x1  }
0xc6: {  	_ =	sfence.sel $0xFFFF  }
0xc7: {  	[dreg:$0x0] =	wrdreg $0xFFFFFFFF;
	(pc) =	sbr.abs _section_cstart, $3  }
0xc8: {  	[dreg:$0x1] =	wrdreg $0xFFFFFFFF  }
0xc9: {  	_ =	task.clear_ibuf [dreg:s7], $0x2FFFF;
	_ =	strace $0x9FFFFFFF  }
0xca: {  	(tm) =	ssettm $0x7FFFFFFF  }
0xcb: {  	_ =	shalt  }
tec
execute0_lowered:
.L_overlay_start_1:
0x0: {  	(tag) =	ssettag $0x1  }
0x1: {  	s1 =	stileid.u32  }
0x2: {  	s0 =	srdreg.scid;
	s11 =	smul.u32 $0xD, s1  }
0x3: {  	s18 =	sand.u32 $0x1, s0  }
0x4: {  	s0 =	ssub.s32 $0x2, s18;
	s12 =	sshll.u32 s18, $0x3;
	s2 =	sshrl.u32 s11, $0x3  }
0x5: {  	s26 =	sshrl.u32 s0, $0x1;
	s13 =	sand.u32 $0x7, s11;
	s6 =	sadd.s32 $0x1, s11  }
0x6: {  	s7 =	sadd.s32 $0x2, s11;
	s15 =	sadd.s32 $0x4, s11;
	s17 =	sadd.s32 $0x5, s11  }
0x7: {  	s20 =	sadd.s32 $0x6, s11;
	s22 =	sadd.s32 $0x7, s11;
	s24 =	sadd.s32 $0x8, s11  }
0x8: {  	[smem:$0x7E9] =	sst s2;
	s2 =	sshll.u32 s2, $0x4;
	s0 =	ssub.s32 s0, s26  }
0x9: {  	s3 =	sand.u32 $0x7, s6;
	s5 =	sshrl.u32 s7, $0x3;
	s8 =	sand.u32 $0x7, s7  }
0xa: {  	s19 =	sshrl.u32 s17, $0x3;
	s17 =	sand.u32 $0x7, s17;
	[smem:$0x7FD] =	sst s0  }
0xb: {  	s2 =	sor.u32 s12, s2;
	[smem:$0x7EB] =	sst s5;
	s9 =	sshll.u32 s5, $0x4  }
0xc: {  	[smem:$0x7EE] =	sst s19;
	s19 =	sshll.u32 s19, $0x4;
	s1 =	sor.u32 s13, s2  }
0xd: {  	s2 =	sshrl.u32 s6, $0x3;
	s6 =	sadd.s32 $0x3, s11;
	s16 =	sor.u32 s8, s9  }
0xe: {  	s23 =	sor.u32 s17, s19;
	s19 =	sshrl.u32 s22, $0x3;
	[smem:$0x7EF] =	sst s1  }
0xf: {  	s9 =	sadd.s32 $0xB, s11;
	[smem:$0x7EA] =	sst s2;
	s4 =	sshll.u32 s2, $0x4  }
0x10: {  	s7 =	sshrl.u32 s6, $0x3;
	s2 =	sand.u32 $0x7, s6;
	s26 =	sshll.u32 s19, $0x4  }
0x11: {  	s6 =	sadd.s32 $0xA, s11;
	s28 =	sshrl.u32 s9, $0x3;
	s31 =	smul.u32 $0x7D, s1  }
0x12: {  	s14 =	sor.u32 s3, s4;
	[smem:$0x7EC] =	sst s7;
	s10 =	sshll.u32 s7, $0x4  }
0x13: {  	s3 =	sshrl.u32 s15, $0x3;
	s7 =	sand.u32 $0x7, s6;
	s0 =	sor.u32 s2, s10  }
0x14: {  	[smem:$0x7ED] =	sst s3;
	s10 =	sand.u32 $0x7, s15;
	s15 =	sshll.u32 s3, $0x4  }
0x15: {  	s2 =	sand.u32 $0x7, s20;
	s15 =	sor.u32 s10, s15;
	s10 =	sshrl.u32 s20, $0x3  }
0x16: {  	s17 =	sor.u32 s12, s14;
	s14 =	sor.u32 s12, s23;
	s21 =	sshll.u32 s10, $0x4  }
0x17: {  	s20 =	sshrl.u32 s24, $0x3;
	s25 =	sor.u32 s2, s21;
	s2 =	sand.u32 $0x7, s22  }
0x18: {  	s21 =	sshll.u32 s20, $0x4;
	s22 =	sadd.s32 $0x9, s11;
	s11 =	sadd.s32 $0xC, s11  }
0x19: {  	s29 =	sor.u32 s2, s26;
	s3 =	sor.u32 s12, s21;
	s24 =	sshrl.u32 s22, $0x3  }
0x1a: {  	s4 =	sand.u32 $0x7, s22;
	s26 =	sshrl.u32 s6, $0x3;
	s21 =	sand.u32 $0x7, s9  }
0x1b: {  	s22 =	sshll.u32 s28, $0x4;
	s9 =	sor.u32 s12, s15;
	s15 =	sor.u32 s12, s25  }
0x1c: {  	s5 =	sshll.u32 s24, $0x4;
	s2 =	sor.u32 s13, s3;
	s25 =	smul.u32 $0x7D, s9  }
0x1d: {  	s8 =	sshll.u32 s26, $0x4;
	s3 =	smul.u32 $0x7D, s14;
	s23 =	sor.u32 s12, s29  }
0x1e: {  	s6 =	smul.u32 $0x7D, s15;
	[smem:$0x7F6] =	sst s2;
	s13 =	sor.u32 s4, s5  }
0x1f: {  	s30 =	sor.u32 s7, s8;
	s7 =	sor.u32 s21, s22;
	s22 =	sor.u32 s12, s16  }
0x20: {  	s5 =	smul.u32 $0x7D, s17;
	s21 =	sor.u32 s12, s0;
	s8 =	sshrl.u32 s11, $0x3  }
0x21: {  	s11 =	sand.u32 $0x7, s11;
	s0 =	rddreg [dreg:$0x1];
	s1 =	sshll.u32 s8, $0x4  }
0x22: {  	s16 =	smul.u32 $0x7D, s22;
	s3 =	sadd.s32 s0, s3;
	s11 =	sor.u32 s11, s1  }
0x23: {  	s1 =	smul.u32 $0x7D, s2;
	s2 =	sadd.s32 s0, s31;
	[dreg:$0xa] =	wrdreg s3  }
0x24: {  	s4 =	smul.u32 $0x7D, s21;
	s5 =	sadd.s32 s0, s5;
	[dreg:$0x5] =	wrdreg s2  }
0x25: {  	s29 =	sor.u32 s12, s13;
	s3 =	sadd.s32 s0, s6;
	[dreg:$0x6] =	wrdreg s5  }
0x26: {  	s13 =	sor.u32 s12, s30;
	s16 =	sadd.s32 s0, s16;
	[dreg:$0xb] =	wrdreg s3  }
0x27: {  	s30 =	smul.u32 $0x7D, s23;
	s4 =	sadd.s32 s0, s4;
	[dreg:$0x7] =	wrdreg s16  }
0x28: {  	s2 =	sadd.s32 s0, s25;
	[dreg:$0x8] =	wrdreg s4  }
0x29: {  	s6 =	sadd.s32 s0, s30;
	[dreg:$0x9] =	wrdreg s2  }
0x2a: {  	[dreg:$0xc] =	wrdreg s6  }
0x2b: {  	s7 =	sor.u32 s12, s7;
	s1 =	sadd.s32 s0, s1;
	s6 =	sld [smem:$0x7E9]  }
0x2c: {  	s12 =	sor.u32 s12, s11;
	s11 =	smul.u32 $0x7D, s29;
	[dreg:$0xd] =	wrdreg s1  }
0x2d: {  	s5 =	smul.u32 $0x7D, s13;
	s1 =	rddreg [dreg:$0x0]  }
0x2e: {  	s24 =	sshll.u32 s24, $0x7;
	s16 =	sadd.s32 s0, s11;
	s11 =	sld [smem:$0x7EA]  }
0x2f: {  	s4 =	smul.u32 $0x7D, s7;
	s25 =	sadd.s32 s0, s5;
	[dreg:$0xe] =	wrdreg s16  }
0x30: {  	s31 =	simm.s32 $0x0;
	s2 =	smul.u32 $0x7D, s12;
	[dreg:$0xf] =	wrdreg s25  }
0x31: {  	s30 =	simm.s32 $0xDEC8;
	s5 =	stileid.u32;
	s16 =	sld [smem:$0x7EB]  }
0x32: {  	s3 =	sadd.s32 s0, s4;
	s25 =	sshll.u32 s5, $0x6;
	s5 =	sld [smem:$0x7ED]  }
0x33: {  	s0 =	sadd.s32 s0, s2;
	s4 =	sshll.u32 s18, $0xD;
	[dreg:$0x10] =	wrdreg s3  }
0x34: {  	[dreg:$0x11] =	wrdreg s0;
	s2 =	sshll.u32 s6, $0x7;
	s3 =	sadd.s32 $0x800, s1  }
0x35: {  	s0 =	sor.u32 s25, s4;
	s6 =	sld [smem:$0x7EE];
	s2 =	sadd.s32 s3, s2  }
0x36: {  	s0 =	sshrl.u32 s0, $0x3;
	[dreg:$0x12] =	wrdreg s2;
	s2 =	sshll.u32 s11, $0x7  }
0x37: {  	s4 =	sshll.u32 s16, $0x7;
	s16 =	sshll.u32 s10, $0x7;
	s10 =	sshll.u32 s8, $0x7  }
0x38: {  	s2 =	sadd.s32 s3, s2;
	s18 =	sadd.s32 s3, s4;
	s4 =	sld [smem:$0x7EC]  }
0x39: {  	s0 =	sadd.s32 s0, s1;
	s1 =	sadd.s32 $0x1600, s1;
	[dreg:$0x13] =	wrdreg s2  }
0x3a: {  	[dreg:$0x14] =	wrdreg s18;
	s18 =	sshll.u32 s19, $0x7;
	s19 =	sshll.u32 s20, $0x7  }
0x3b: {  	s20 =	sadd.s32 s3, s19;
	s2 =	sshll.u32 s4, $0x7;
	s4 =	sshll.u32 s6, $0x7  }
0x3c: {  	[dreg:$0x1a] =	wrdreg s20;
	s20 =	sshll.u32 s21, $0x7;
	s2 =	sadd.s32 s3, s2  }
0x3d: {  	s11 =	sadd.s32 s3, s4;
	s4 =	sshll.u32 s26, $0x7;
	[dreg:$0x15] =	wrdreg s2  }
0x3e: {  	s21 =	sand.u32 $0x1FFFFF80, s20;
	s2 =	sshll.u32 s5, $0x7;
	[dreg:$0x17] =	wrdreg s11  }
0x3f: {  	s5 =	sshll.u32 s28, $0x7;
	s28 =	simm.s32 $0x0;
	s11 =	sld [smem:$0x7EF]  }
0x40: {  	s26 =	sshll.u32 s14, $0x7;
	s2 =	sadd.s32 s3, s2;
	[smem:$0x7FF] =	sst s28  }
0x41: {  	s6 =	sadd.s32 s3, s5;
	[dreg:$0x16] =	wrdreg s2;
	s2 =	sadd.s32 s3, s16  }
0x42: {  	[dreg:$0x1d] =	wrdreg s6;
	s16 =	sshll.u32 s17, $0x7;
	s6 =	sshll.u32 s23, $0x7  }
0x43: {  	s23 =	stileid.u32;
	[dreg:$0x18] =	wrdreg s2;
	s2 =	sadd.s32 s3, s18  }
0x44: {  	s18 =	sshll.u32 s22, $0x7;
	s22 =	sshll.u32 s9, $0x7;
	s9 =	sld [smem:$0x7F6]  }
0x45: {  	s17 =	sand.u32 $0x1FFFFF80, s16;
	[dreg:$0x19] =	wrdreg s2;
	s2 =	sadd.s32 s3, s24  }
0x46: {  	s8 =	sand.u32 $0x1FFFFF80, s6;
	[dreg:$0x1b] =	wrdreg s2;
	s2 =	sadd.s32 s3, s4  }
0x47: {  	s19 =	sand.u32 $0x1FFFFF80, s18;
	[dreg:$0x1c] =	wrdreg s2;
	s2 =	sadd.s32 s3, s10  }
0x48: {  	s24 =	sand.u32 $0x1FFFFF80, s22;
	[dreg:$0x1e] =	wrdreg s2;
	s2 =	sshll.u32 s11, $0x7  }
0x49: {  	s22 =	rddreg [dreg:$0x3];
	s4 =	sshll.u32 s15, $0x7;
	s2 =	sand.u32 $0x1FFFFF80, s2  }
0x4a: {  	s15 =	sshll.u32 s13, $0x7;
	s3 =	sand.u32 $0x1FFFFF80, s26;
	s2 =	sadd.s32 s1, s2  }
0x4b: {  	s5 =	sand.u32 $0x1FFFFF80, s4;
	[dreg:$0x1f] =	wrdreg s2;
	s2 =	sadd.s32 s1, s17  }
0x4c: {  	s16 =	sand.u32 $0x1FFFFF80, s15;
	[smem:$0x7F0] =	sst s2;
	s2 =	sadd.s32 s1, s19  }
0x4d: {  	s15 =	sadd.s32 $0xE680, s0;
	s11 =	sshll.u32 s29, $0x7;
	[smem:$0x7F1] =	sst s2  }
0x4e: {  	s29 =	simm.s32 $0x400;
	s2 =	sadd.s32 s1, s21;
	s21 =	rddreg [dreg:$0x2]  }
0x4f: {  	s14 =	sand.u32 $0x1FFFFF80, s11;
	[smem:$0x7F2] =	sst s2;
	s2 =	sadd.s32 s1, s24  }
0x50: {  	s17 =	sshll.u32 s7, $0x7;
	[smem:$0x7F3] =	sst s2;
	s2 =	sadd.s32 s1, s3  }
0x51: {  	s3 =	sshll.u32 s9, $0x7;
	[smem:$0x7F4] =	sst s2;
	s2 =	sadd.s32 s1, s5  }
0x52: {  	s10 =	sand.u32 $0x1FFFFF80, s3;
	[smem:$0x7F5] =	sst s2;
	s2 =	sadd.s32 s1, s8  }
0x53: {  	s18 =	sand.u32 $0x1FFFFF80, s17;
	[smem:$0x7F7] =	sst s2;
	s2 =	sadd.s32 s1, s10  }
0x54: {  	s19 =	sshll.u32 s12, $0x7;
	[smem:$0x7F8] =	sst s2;
	s2 =	sadd.s32 s1, s14  }
0x55: {  	s12 =	sadd.s32 s25, s22;
	[smem:$0x7F9] =	sst s2;
	s2 =	sadd.s32 s1, s16  }
0x56: {  	s20 =	sand.u32 $0x1FFFFF80, s19;
	[smem:$0x7FA] =	sst s2;
	s2 =	sadd.s32 s1, s18  }
0x57: {  	s17 =	sadd.s32 $0xE780, s0;
	s1 =	sadd.s32 s1, s20;
	[smem:$0x7FB] =	sst s2  }
0x58: {  	s19 =	sadd.s32 $0xE880, s0;
	s24 =	sshll.u32 s23, $0xD;
	[smem:$0x7FC] =	sst s1  }
0x59: {  	s13 =	sadd.s32 s25, s21;
	s25 =	simm.s32 $0x2;
	_ =	strace $0x80000047  }
0x5a: {  	s11 =	sadd.s32 s24, s22;
	s3 =	smul.u32 $0x5, s23;
	s26 =	sld [smem:$0x7FD]  }
0x5b: {  	s10 =	sadd.s32 s24, s21;
	s21 =	sadd.s32 $0xE980, s0;
	s24 =	simm.s32 $0x1  }
0x5c: {  	s14 =	sadd.s32 $0xE600, s0;
	s16 =	sadd.s32 $0xE700, s0;
	s18 =	sadd.s32 $0xE800, s0  }
0x5d: {  	v0 =	vimm.f32 $0.0e+00;
	s20 =	sadd.s32 $0xE900, s0;
	s22 =	smax.u32 s26, $0x1;
	s26 =	simm.s32 $0x40  }
.LBB2_1:
0x5e: {  	s0 =	rddreg [dreg:$0x5]  }
0x5f: {  	[tilespmem:s28], [sflag:$0x1] =	stream.linear.gather [hbm4b:s0+s28], $0x3E8, $0x38;
	[tilespmem:$0x120C8] =	vst v63  }
0x60: {  	s23 =	rddreg [dreg:$0x12];
	s1 =	simm.s32 $0x32C8  }
0x61: {  	[tilespmem:s1], [sflag:$0x1] =	stream.linear.gather [hbm4b:s23+s28], $0x400, $0x38;
	[tilespmem:$0x120C8] =	vst v63  }
0x62: {  	s2 =	rddreg [dreg:$0x6];
	s4 =	simm.s32 $0x3E8  }
0x63: {  	[tilespmem:s4], [sflag:$0x1] =	stream.linear.gather [hbm4b:s2+s28], $0x3E8, $0x38;
	[tilespmem:$0x120C8] =	vst v63  }
0x64: {  	s5 =	rddreg [dreg:$0x13];
	s6 =	simm.s32 $0x36C8  }
0x65: {  	[tilespmem:s6], [sflag:$0x1] =	stream.linear.gather [hbm4b:s5+s28], $0x400, $0x38;
	[tilespmem:$0x120C8] =	vst v63  }
0x66: {  	s7 =	rddreg [dreg:$0x7];
	s8 =	simm.s32 $0x7D0  }
0x67: {  	[tilespmem:s8], [sflag:$0x1] =	stream.linear.gather [hbm4b:s7+s28], $0x3E8, $0x38;
	[tilespmem:$0x120C8] =	vst v63  }
0x68: {  	s9 =	rddreg [dreg:$0x14];
	s23 =	simm.s32 $0x3AC8  }
0x69: {  	[tilespmem:s23], [sflag:$0x1] =	stream.linear.gather [hbm4b:s9+s28], $0x400, $0x38;
	[tilespmem:$0x120C8] =	vst v63  }
0x6a: {  	s2 =	rddreg [dreg:$0x8];
	s4 =	simm.s32 $0xBB8  }
0x6b: {  	[tilespmem:s4], [sflag:$0x1] =	stream.linear.gather [hbm4b:s2+s28], $0x3E8, $0x38;
	[tilespmem:$0x120C8] =	vst v63  }
0x6c: {  	s5 =	rddreg [dreg:$0x15];
	s6 =	simm.s32 $0x3EC8  }
0x6d: {  	[tilespmem:s6], [sflag:$0x1] =	stream.linear.gather [hbm4b:s5+s28], $0x400, $0x38;
	[tilespmem:$0x120C8] =	vst v63  }
0x6e: {  	s7 =	rddreg [dreg:$0x9];
	s8 =	simm.s32 $0xFA0  }
0x6f: {  	[tilespmem:s8], [sflag:$0x1] =	stream.linear.gather [hbm4b:s7+s28], $0x3E8, $0x38;
	[tilespmem:$0x120C8] =	vst v63  }
0x70: {  	s9 =	rddreg [dreg:$0x16];
	s23 =	simm.s32 $0x42C8  }
0x71: {  	[tilespmem:s23], [sflag:$0x1] =	stream.linear.gather [hbm4b:s9+s28], $0x400, $0x38;
	[tilespmem:$0x120C8] =	vst v63  }
0x72: {  	s2 =	rddreg [dreg:$0xa];
	s4 =	simm.s32 $0x1388  }
0x73: {  	[tilespmem:s4], [sflag:$0x1] =	stream.linear.gather [hbm4b:s2+s28], $0x3E8, $0x38;
	[tilespmem:$0x120C8] =	vst v63  }
0x74: {  	s5 =	rddreg [dreg:$0x17];
	s6 =	simm.s32 $0x46C8  }
0x75: {  	[tilespmem:s6], [sflag:$0x1] =	stream.linear.gather [hbm4b:s5+s28], $0x400, $0x38;
	[tilespmem:$0x120C8] =	vst v63  }
0x76: {  	s7 =	rddreg [dreg:$0xb];
	s8 =	simm.s32 $0x1770  }
0x77: {  	[tilespmem:s8], [sflag:$0x1] =	stream.linear.gather [hbm4b:s7+s28], $0x3E8, $0x38;
	[tilespmem:$0x120C8] =	vst v63  }
0x78: {  	s9 =	rddreg [dreg:$0x18];
	s23 =	simm.s32 $0x4AC8  }
0x79: {  	[tilespmem:s23], [sflag:$0x1] =	stream.linear.gather [hbm4b:s9+s28], $0x400, $0x38;
	[tilespmem:$0x120C8] =	vst v63  }
0x7a: {  	s2 =	rddreg [dreg:$0xc];
	s4 =	simm.s32 $0x1B58  }
0x7b: {  	[tilespmem:s4], [sflag:$0x1] =	stream.linear.gather [hbm4b:s2+s28], $0x3E8, $0x38;
	[tilespmem:$0x120C8] =	vst v63  }
0x7c: {  	s5 =	rddreg [dreg:$0x19];
	s6 =	simm.s32 $0x4EC8  }
0x7d: {  	[tilespmem:s6], [sflag:$0x1] =	stream.linear.gather [hbm4b:s5+s28], $0x400, $0x38;
	[tilespmem:$0x120C8] =	vst v63  }
0x7e: {  	s7 =	rddreg [dreg:$0xd];
	s8 =	simm.s32 $0x1F40  }
0x7f: {  	[tilespmem:s8], [sflag:$0x1] =	stream.linear.gather [hbm4b:s7+s28], $0x3E8, $0x38;
	[tilespmem:$0x120C8] =	vst v63  }
0x80: {  	s9 =	rddreg [dreg:$0x1a];
	s23 =	simm.s32 $0x52C8  }
0x81: {  	[tilespmem:s23], [sflag:$0x1] =	stream.linear.gather [hbm4b:s9+s28], $0x400, $0x38;
	[tilespmem:$0x120C8] =	vst v63  }
0x82: {  	s2 =	rddreg [dreg:$0xe];
	s4 =	simm.s32 $0x2328  }
0x83: {  	[tilespmem:s4], [sflag:$0x1] =	stream.linear.gather [hbm4b:s2+s28], $0x3E8, $0x38;
	[tilespmem:$0x120C8] =	vst v63  }
0x84: {  	s5 =	rddreg [dreg:$0x1b];
	s6 =	simm.s32 $0x56C8  }
0x85: {  	[tilespmem:s6], [sflag:$0x1] =	stream.linear.gather [hbm4b:s5+s28], $0x400, $0x38;
	[tilespmem:$0x120C8] =	vst v63  }
0x86: {  	s7 =	rddreg [dreg:$0xf];
	s8 =	simm.s32 $0x2710  }
0x87: {  	[tilespmem:s8], [sflag:$0x1] =	stream.linear.gather [hbm4b:s7+s28], $0x3E8, $0x38;
	[tilespmem:$0x120C8] =	vst v63  }
0x88: {  	s9 =	rddreg [dreg:$0x1c];
	s23 =	simm.s32 $0x5AC8  }
0x89: {  	[tilespmem:s23], [sflag:$0x1] =	stream.linear.gather [hbm4b:s9+s28], $0x400, $0x38;
	[tilespmem:$0x120C8] =	vst v63  }
0x8a: {  	s1 =	rddreg [dreg:$0x10];
	s2 =	simm.s32 $0x2AF8  }
0x8b: {  	[tilespmem:s2], [sflag:$0x1] =	stream.linear.gather [hbm4b:s1+s28], $0x3E8, $0x38;
	[tilespmem:$0x120C8] =	vst v63  }
0x8c: {  	s4 =	rddreg [dreg:$0x1d];
	s5 =	simm.s32 $0x5EC8  }
0x8d: {  	[tilespmem:s5], [sflag:$0x1] =	stream.linear.gather [hbm4b:s4+s28], $0x400, $0x38;
	[tilespmem:$0x120C8] =	vst v63  }
0x8e: {  	s6 =	rddreg [dreg:$0x11];
	s7 =	simm.s32 $0x2EE0  }
0x8f: {  	[tilespmem:s7], [sflag:$0x1] =	stream.linear.gather [hbm4b:s6+s28], $0x3E8, $0x38;
	[tilespmem:$0x120C8] =	vst v63  }
0x90: {  	s8 =	rddreg [dreg:$0x1e];
	s9 =	simm.s32 $0x62C8;
	s23 =	simm.s32 $0xAAC8  }
0x91: {  	[tilespmem:s9], [sflag:$0x1] =	stream.linear.gather [hbm4b:s8+s28], $0x400, $0x38;
	[tilespmem:$0x120C8] =	vst v63  }
0x92: {  	s0 =	simm.s32 $0xCAC8;
	[tilespmem:s23+$0xFFFFF000] =	vst v0  }
0x93: {  	[tilespmem:s0+$0xFFFFF000] =	vst v0  }
0x94: {  	[tilespmem:s23+$0xFFFFF400] =	vst v0  }
0x95: {  	[tilespmem:s0+$0xFFFFF400] =	vst v0  }
0x96: {  	[tilespmem:s23+$0xFFFFF800] =	vst v0  }
0x97: {  	[tilespmem:s0+$0xFFFFF800] =	vst v0  }
0x98: {  	[tilespmem:s23+$0xFFFFFC00] =	vst v0  }
0x99: {  	[tilespmem:s0+$0xFFFFFC00] =	vst v0  }
0x9a: {  	[tilespmem:s23+$0x0] =	vst v0  }
0x9b: {  	[tilespmem:s0+$0x0] =	vst v0  }
0x9c: {  	[tilespmem:s23+$0x400] =	vst v0  }
0x9d: {  	[tilespmem:s0+$0x400] =	vst v0  }
0x9e: {  	[tilespmem:s23+$0x800] =	vst v0  }
0x9f: {  	[tilespmem:s0+$0x800] =	vst v0  }
0xa0: {  	[tilespmem:s23+$0xC00] =	vst v0  }
0xa1: {  	[tilespmem:s0+$0xC00] =	vst v0  }
0xa2: {  	[tilespmem:s23+$0xFFFFF010] =	vst v0  }
0xa3: {  	[tilespmem:s0+$0xFFFFF010] =	vst v0  }
0xa4: {  	[tilespmem:s23+$0xFFFFF410] =	vst v0  }
0xa5: {  	[tilespmem:s0+$0xFFFFF410] =	vst v0  }
0xa6: {  	[tilespmem:s23+$0xFFFFF810] =	vst v0  }
0xa7: {  	[tilespmem:s0+$0xFFFFF810] =	vst v0  }
0xa8: {  	[tilespmem:s23+$0xFFFFFC10] =	vst v0  }
0xa9: {  	[tilespmem:s0+$0xFFFFFC10] =	vst v0  }
0xaa: {  	[tilespmem:s23+$0x10] =	vst v0  }
0xab: {  	[tilespmem:s0+$0x10] =	vst v0  }
0xac: {  	[tilespmem:s23+$0x410] =	vst v0  }
0xad: {  	[tilespmem:s0+$0x410] =	vst v0  }
0xae: {  	[tilespmem:s23+$0x810] =	vst v0  }
0xaf: {  	[tilespmem:s0+$0x810] =	vst v0  }
0xb0: {  	[tilespmem:s23+$0xC10] =	vst v0  }
0xb1: {  	[tilespmem:s0+$0xC10] =	vst v0  }
0xb2: {  	[tilespmem:s23+$0xFFFFF020] =	vst v0  }
0xb3: {  	[tilespmem:s0+$0xFFFFF020] =	vst v0  }
0xb4: {  	[tilespmem:s23+$0xFFFFF420] =	vst v0  }
0xb5: {  	[tilespmem:s0+$0xFFFFF420] =	vst v0  }
0xb6: {  	[tilespmem:s23+$0xFFFFF820] =	vst v0  }
0xb7: {  	[tilespmem:s0+$0xFFFFF820] =	vst v0  }
0xb8: {  	[tilespmem:s23+$0xFFFFFC20] =	vst v0  }
0xb9: {  	[tilespmem:s0+$0xFFFFFC20] =	vst v0  }
0xba: {  	[tilespmem:s23+$0x20] =	vst v0  }
0xbb: {  	[tilespmem:s0+$0x20] =	vst v0  }
0xbc: {  	[tilespmem:s23+$0x420] =	vst v0  }
0xbd: {  	[tilespmem:s0+$0x420] =	vst v0  }
0xbe: {  	[tilespmem:s23+$0x820] =	vst v0  }
0xbf: {  	[tilespmem:s0+$0x820] =	vst v0  }
0xc0: {  	[tilespmem:s23+$0xC20] =	vst v0  }
0xc1: {  	[tilespmem:s0+$0xC20] =	vst v0  }
0xc2: {  	[tilespmem:s23+$0xFFFFF030] =	vst v0  }
0xc3: {  	[tilespmem:s0+$0xFFFFF030] =	vst v0  }
0xc4: {  	[tilespmem:s23+$0xFFFFF430] =	vst v0  }
0xc5: {  	[tilespmem:s0+$0xFFFFF430] =	vst v0  }
0xc6: {  	[tilespmem:s23+$0xFFFFF830] =	vst v0  }
0xc7: {  	[tilespmem:s0+$0xFFFFF830] =	vst v0  }
0xc8: {  	[tilespmem:s23+$0xFFFFFC30] =	vst v0  }
0xc9: {  	[tilespmem:s0+$0xFFFFFC30] =	vst v0  }
0xca: {  	[tilespmem:s23+$0x30] =	vst v0  }
0xcb: {  	[tilespmem:s0+$0x30] =	vst v0  }
0xcc: {  	[tilespmem:s23+$0x430] =	vst v0  }
0xcd: {  	[tilespmem:s0+$0x430] =	vst v0  }
0xce: {  	[tilespmem:s23+$0x830] =	vst v0  }
0xcf: {  	[tilespmem:s0+$0x830] =	vst v0  }
0xd0: {  	[tilespmem:s23+$0xC30] =	vst v0  }
0xd1: {  	s1 =	simm.s32 $0x0;
	s2 =	simm.s32 $0xAB08;
	[tilespmem:s0+$0xC30] =	vst v0  }
.LBB2_2:
0xd2: {  	[tilespmem:s2+$0xFFFFF000] =	vst v0;
	s0 =	sadd.s32 $0x40, s0  }
0xd3: {  	[tilespmem:s0+$0xFFFFF000] =	vst v0  }
0xd4: {  	[tilespmem:s2+$0xFFFFF400] =	vst v0  }
0xd5: {  	[tilespmem:s0+$0xFFFFF400] =	vst v0  }
0xd6: {  	[tilespmem:s2+$0xFFFFF800] =	vst v0  }
0xd7: {  	[tilespmem:s0+$0xFFFFF800] =	vst v0  }
0xd8: {  	[tilespmem:s2+$0xFFFFFC00] =	vst v0  }
0xd9: {  	[tilespmem:s0+$0xFFFFFC00] =	vst v0  }
0xda: {  	[tilespmem:s2+$0x0] =	vst v0  }
0xdb: {  	[tilespmem:s0+$0x0] =	vst v0  }
0xdc: {  	[tilespmem:s2+$0x400] =	vst v0  }
0xdd: {  	[tilespmem:s0+$0x400] =	vst v0  }
0xde: {  	[tilespmem:s2+$0x800] =	vst v0  }
0xdf: {  	[tilespmem:s0+$0x800] =	vst v0  }
0xe0: {  	[tilespmem:s2+$0xC00] =	vst v0  }
0xe1: {  	[tilespmem:s0+$0xC00] =	vst v0  }
0xe2: {  	[tilespmem:s2+$0xFFFFF010] =	vst v0  }
0xe3: {  	[tilespmem:s0+$0xFFFFF010] =	vst v0  }
0xe4: {  	[tilespmem:s2+$0xFFFFF410] =	vst v0  }
0xe5: {  	[tilespmem:s0+$0xFFFFF410] =	vst v0  }
0xe6: {  	[tilespmem:s2+$0xFFFFF810] =	vst v0  }
0xe7: {  	[tilespmem:s0+$0xFFFFF810] =	vst v0  }
0xe8: {  	[tilespmem:s2+$0xFFFFFC10] =	vst v0  }
0xe9: {  	[tilespmem:s0+$0xFFFFFC10] =	vst v0  }
0xea: {  	[tilespmem:s2+$0x10] =	vst v0  }
0xeb: {  	[tilespmem:s0+$0x10] =	vst v0  }
0xec: {  	[tilespmem:s2+$0x410] =	vst v0  }
0xed: {  	[tilespmem:s0+$0x410] =	vst v0  }
0xee: {  	[tilespmem:s2+$0x810] =	vst v0  }
0xef: {  	[tilespmem:s0+$0x810] =	vst v0  }
0xf0: {  	[tilespmem:s2+$0xC10] =	vst v0  }
0xf1: {  	[tilespmem:s0+$0xC10] =	vst v0  }
0xf2: {  	[tilespmem:s2+$0xFFFFF020] =	vst v0  }
0xf3: {  	[tilespmem:s0+$0xFFFFF020] =	vst v0  }
0xf4: {  	[tilespmem:s2+$0xFFFFF420] =	vst v0  }
0xf5: {  	[tilespmem:s0+$0xFFFFF420] =	vst v0  }
0xf6: {  	[tilespmem:s2+$0xFFFFF820] =	vst v0  }
0xf7: {  	[tilespmem:s0+$0xFFFFF820] =	vst v0  }
0xf8: {  	[tilespmem:s2+$0xFFFFFC20] =	vst v0  }
0xf9: {  	[tilespmem:s0+$0xFFFFFC20] =	vst v0  }
0xfa: {  	[tilespmem:s2+$0x20] =	vst v0  }
0xfb: {  	[tilespmem:s0+$0x20] =	vst v0  }
0xfc: {  	[tilespmem:s2+$0x420] =	vst v0  }
0xfd: {  	[tilespmem:s0+$0x420] =	vst v0  }
0xfe: {  	[tilespmem:s2+$0x820] =	vst v0  }
0xff: {  	[tilespmem:s0+$0x820] =	vst v0  }
0x100: {  	[tilespmem:s2+$0xC20] =	vst v0  }
0x101: {  	[tilespmem:s0+$0xC20] =	vst v0  }
0x102: {  	[tilespmem:s2+$0xFFFFF030] =	vst v0  }
0x103: {  	[tilespmem:s0+$0xFFFFF030] =	vst v0  }
0x104: {  	[tilespmem:s2+$0xFFFFF430] =	vst v0  }
0x105: {  	[tilespmem:s0+$0xFFFFF430] =	vst v0  }
0x106: {  	[tilespmem:s2+$0xFFFFF830] =	vst v0  }
0x107: {  	[tilespmem:s0+$0xFFFFF830] =	vst v0  }
0x108: {  	[tilespmem:s2+$0xFFFFFC30] =	vst v0  }
0x109: {  	[tilespmem:s0+$0xFFFFFC30] =	vst v0  }
0x10a: {  	[tilespmem:s2+$0x30] =	vst v0  }
0x10b: {  	s1 =	sadd.s32 $0x4, s1;
	[tilespmem:s0+$0x30] =	vst v0  }
0x10c: {  	p0 =	slt.u32 s1, $0x3C;
	[tilespmem:s2+$0x430] =	vst v0  }
.Ltmp0:
0x10d: {  	[tilespmem:s0+$0x430] =	vst v0;
	(pc) =	sbr.rel @p0 .LBB2_2-.Ltmp0, $4  }
0x10e: {  	[tilespmem:s2+$0x830] =	vst v0  }
0x10f: {  	[tilespmem:s0+$0x830] =	vst v0  }
0x110: {  	[tilespmem:s2+$0xC30] =	vst v0  }
0x111: {  	s2 =	sadd.s32 $0x40, s2;
	[tilespmem:s0+$0xC30] =	vst v0  }
0x112: {  	_ =	swait.ge [sflag:s24], $0x3E8  }
0x113: {  	[sflag:s24] =	ssyncset.done $0x0  }
0x114: {  	[sflag:s24] =	ssyncadd.s32 $0xFFFFFC18  }
0x115: {  	_ =	swait.ge [sflag:s24], $0x400  }
0x116: {  	[sflag:s24] =	ssyncset.done $0x0  }
0x117: {  	[sflag:s24] =	ssyncadd.s32 $0xFFFFFC00  }
0x118: {  	_ =	swait.ge [sflag:s24], $0x3E8  }
0x119: {  	[sflag:s24] =	ssyncset.done $0x0  }
0x11a: {  	[sflag:s24] =	ssyncadd.s32 $0xFFFFFC18  }
0x11b: {  	_ =	swait.ge [sflag:s24], $0x400  }
0x11c: {  	[sflag:s24] =	ssyncset.done $0x0  }
0x11d: {  	[sflag:s24] =	ssyncadd.s32 $0xFFFFFC00  }
0x11e: {  	_ =	swait.ge [sflag:s24], $0x3E8  }
0x11f: {  	[sflag:s24] =	ssyncset.done $0x0  }
0x120: {  	[sflag:s24] =	ssyncadd.s32 $0xFFFFFC18  }
0x121: {  	_ =	swait.ge [sflag:s24], $0x400  }
0x122: {  	[sflag:s24] =	ssyncset.done $0x0  }
0x123: {  	[sflag:s24] =	ssyncadd.s32 $0xFFFFFC00  }
0x124: {  	_ =	swait.ge [sflag:s24], $0x3E8  }
0x125: {  	[sflag:s24] =	ssyncset.done $0x0  }
0x126: {  	[sflag:s24] =	ssyncadd.s32 $0xFFFFFC18  }
0x127: {  	_ =	swait.ge [sflag:s24], $0x400  }
0x128: {  	[sflag:s24] =	ssyncset.done $0x0  }
0x129: {  	[sflag:s24] =	ssyncadd.s32 $0xFFFFFC00  }
0x12a: {  	_ =	swait.ge [sflag:s24], $0x3E8  }
0x12b: {  	[sflag:s24] =	ssyncset.done $0x0  }
0x12c: {  	[sflag:s24] =	ssyncadd.s32 $0xFFFFFC18  }
0x12d: {  	_ =	swait.ge [sflag:s24], $0x400  }
0x12e: {  	[sflag:s24] =	ssyncset.done $0x0  }
0x12f: {  	[sflag:s24] =	ssyncadd.s32 $0xFFFFFC00  }
0x130: {  	_ =	swait.ge [sflag:s24], $0x3E8  }
0x131: {  	[sflag:s24] =	ssyncset.done $0x0  }
0x132: {  	[sflag:s24] =	ssyncadd.s32 $0xFFFFFC18  }
0x133: {  	_ =	swait.ge [sflag:s24], $0x400  }
0x134: {  	[sflag:s24] =	ssyncset.done $0x0  }
0x135: {  	[sflag:s24] =	ssyncadd.s32 $0xFFFFFC00  }
0x136: {  	_ =	swait.ge [sflag:s24], $0x3E8  }
0x137: {  	[sflag:s24] =	ssyncset.done $0x0  }
0x138: {  	[sflag:s24] =	ssyncadd.s32 $0xFFFFFC18  }
0x139: {  	_ =	swait.ge [sflag:s24], $0x400  }
0x13a: {  	[sflag:s24] =	ssyncset.done $0x0  }
0x13b: {  	[sflag:s24] =	ssyncadd.s32 $0xFFFFFC00  }
0x13c: {  	_ =	swait.ge [sflag:s24], $0x3E8  }
0x13d: {  	[sflag:s24] =	ssyncset.done $0x0  }
0x13e: {  	[sflag:s24] =	ssyncadd.s32 $0xFFFFFC18  }
0x13f: {  	_ =	swait.ge [sflag:s24], $0x400  }
0x140: {  	[sflag:s24] =	ssyncset.done $0x0  }
0x141: {  	[sflag:s24] =	ssyncadd.s32 $0xFFFFFC00  }
0x142: {  	_ =	swait.ge [sflag:s24], $0x3E8  }
0x143: {  	[sflag:s24] =	ssyncset.done $0x0  }
0x144: {  	[sflag:s24] =	ssyncadd.s32 $0xFFFFFC18  }
0x145: {  	_ =	swait.ge [sflag:s24], $0x400  }
0x146: {  	[sflag:s24] =	ssyncset.done $0x0  }
0x147: {  	[sflag:s24] =	ssyncadd.s32 $0xFFFFFC00  }
0x148: {  	_ =	swait.ge [sflag:s24], $0x3E8  }
0x149: {  	[sflag:s24] =	ssyncset.done $0x0  }
0x14a: {  	[sflag:s24] =	ssyncadd.s32 $0xFFFFFC18  }
0x14b: {  	_ =	swait.ge [sflag:s24], $0x400  }
0x14c: {  	[sflag:s24] =	ssyncset.done $0x0  }
0x14d: {  	[sflag:s24] =	ssyncadd.s32 $0xFFFFFC00  }
0x14e: {  	_ =	swait.ge [sflag:s24], $0x3E8  }
0x14f: {  	[sflag:s24] =	ssyncset.done $0x0  }
0x150: {  	[sflag:s24] =	ssyncadd.s32 $0xFFFFFC18  }
0x151: {  	_ =	swait.ge [sflag:s24], $0x400  }
0x152: {  	[sflag:s24] =	ssyncset.done $0x0  }
0x153: {  	[sflag:s24] =	ssyncadd.s32 $0xFFFFFC00  }
0x154: {  	_ =	swait.ge [sflag:s24], $0x3E8  }
0x155: {  	[sflag:s24] =	ssyncset.done $0x0  }
0x156: {  	[sflag:s24] =	ssyncadd.s32 $0xFFFFFC18  }
0x157: {  	_ =	swait.ge [sflag:s24], $0x400  }
0x158: {  	[sflag:s24] =	ssyncset.done $0x0  }
0x159: {  	[sflag:s24] =	ssyncadd.s32 $0xFFFFFC00  }
0x15a: {  	_ =	swait.ge [sflag:s24], $0x3E8  }
0x15b: {  	[sflag:s24] =	ssyncset.done $0x0  }
0x15c: {  	[sflag:s24] =	ssyncadd.s32 $0xFFFFFC18  }
0x15d: {  	_ =	swait.ge [sflag:s24], $0x400  }
0x15e: {  	s0 =	simm.s32 $0x0;
	s9 =	simm.s32 $0x66E8;
	[sflag:s24] =	ssyncset.done $0x0  }
0x15f: {  	s8 =	simm.s32 $0x32E8;
	s23 =	smov.u32 s3;
	[sflag:s24] =	ssyncadd.s32 $0xFFFFFC00  }
.LBB2_4:
0x160: {  	s1 =	sshll.u32 s23, $0xA  }
0x161: {  	s2 =	smul.u32 $0xFA0, s0;
	s1 =	sand.u32 $0x1C00, s1  }
0x162: {  	s7 =	simm.s32 $0xFFFFFFFC;
	s4 =	sadd.s32 $0xBAE8, s1;
	s5 =	sadd.s32 $0x9AE8, s1  }
0x163: {  	s6 =	sshra.s32 s2, $0x2;
	s2 =	smov.u32 s8;
	s1 =	smov.u32 s9  }
.LBB2_5:
0x164: {  	v1 =	vld [tilespmem:s2+$0xFFFFFFE0];
	_ =	sdelay $0x7  }
0x165: {  	v1 =	vld.idx.msk [tilespmem:v1+s6+$0x0], $0xffff;
	_ =	sdelay $0x4  }
0x166: {  	[tilespmem:s1+$0xFFFFFFE0] =	vst v1  }
0x167: {  	v2 =	vld [tilespmem:s5+$0xFFFFFFE0];
	_ =	sdelay $0x4  }
0x168: {  	v2 =	vadd.f32 v2, v1;
	_ =	sdelay $0x1  }
0x169: {  	[tilespmem:s5+$0xFFFFFFE0] =	vst v2  }
0x16a: {  	v2 =	vld [tilespmem:s4+$0xFFFFFFE0];
	_ =	sdelay $0x2  }
0x16b: {  	v1 =	vmul.f32 v1, v1;
	_ =	sdelay $0x1  }
0x16c: {  	v1 =	vadd.f32 v2, v1;
	_ =	sdelay $0x1  }
0x16d: {  	[tilespmem:s4+$0xFFFFFFE0] =	vst v1  }
0x16e: {  	v1 =	vld [tilespmem:s2+$0xFFFFFFF0];
	_ =	sdelay $0x7  }
0x16f: {  	v1 =	vld.idx.msk [tilespmem:v1+s6+$0x0], $0xffff;
	_ =	sdelay $0x4  }
0x170: {  	[tilespmem:s1+$0xFFFFFFF0] =	vst v1  }
0x171: {  	v2 =	vld [tilespmem:s5+$0xFFFFFFF0];
	_ =	sdelay $0x4  }
0x172: {  	v2 =	vadd.f32 v2, v1;
	_ =	sdelay $0x1  }
0x173: {  	[tilespmem:s5+$0xFFFFFFF0] =	vst v2  }
0x174: {  	v2 =	vld [tilespmem:s4+$0xFFFFFFF0];
	_ =	sdelay $0x2  }
0x175: {  	v1 =	vmul.f32 v1, v1;
	_ =	sdelay $0x1  }
0x176: {  	v1 =	vadd.f32 v2, v1;
	_ =	sdelay $0x1  }
0x177: {  	[tilespmem:s4+$0xFFFFFFF0] =	vst v1  }
0x178: {  	v1 =	vld [tilespmem:s2+$0x0];
	_ =	sdelay $0x7  }
0x179: {  	v1 =	vld.idx.msk [tilespmem:v1+s6+$0x0], $0xffff;
	_ =	sdelay $0x4  }
0x17a: {  	[tilespmem:s1+$0x0] =	vst v1  }
0x17b: {  	v2 =	vld [tilespmem:s5+$0x0];
	_ =	sdelay $0x4  }
0x17c: {  	v2 =	vadd.f32 v2, v1;
	_ =	sdelay $0x1  }
0x17d: {  	[tilespmem:s5+$0x0] =	vst v2  }
0x17e: {  	v2 =	vld [tilespmem:s4+$0x0];
	_ =	sdelay $0x2  }
0x17f: {  	v1 =	vmul.f32 v1, v1;
	_ =	sdelay $0x1  }
0x180: {  	v1 =	vadd.f32 v2, v1;
	_ =	sdelay $0x1  }
0x181: {  	[tilespmem:s4+$0x0] =	vst v1  }
0x182: {  	v1 =	vld [tilespmem:s2+$0x10];
	_ =	sdelay $0x7  }
0x183: {  	v1 =	vld.idx.msk [tilespmem:v1+s6+$0x0], $0xffff;
	_ =	sdelay $0x4  }
0x184: {  	[tilespmem:s1+$0x10] =	vst v1  }
0x185: {  	v2 =	vld [tilespmem:s5+$0x10];
	_ =	sdelay $0x4  }
0x186: {  	v2 =	vadd.f32 v2, v1;
	_ =	sdelay $0x1  }
0x187: {  	[tilespmem:s5+$0x10] =	vst v2  }
0x188: {  	v2 =	vld [tilespmem:s4+$0x10]  }
0x189: {  	s7 =	sadd.s32 $0x4, s7  }
0x18a: {  	p0 =	slt.u32 s7, $0x3C  }
.Ltmp1:
0x18b: {  	v1 =	vmul.f32 v1, v1;
	(pc) =	sbr.rel @p0 .LBB2_5-.Ltmp1, $4  }
0x18c: {  	_ = 	snop  }
0x18d: {  	v1 =	vadd.f32 v2, v1  }
0x18e: {  	s2 =	sadd.s32 $0x40, s2  }
0x18f: {  	s1 =	sadd.s32 $0x40, s1;
	s5 =	sadd.s32 $0x40, s5;
	[tilespmem:s4+$0x10] =	vst v1;
	s4 =	sadd.s32 $0x40, s4  }
0x190: {  	s0 =	sadd.s32 $0x1, s0  }
0x191: {  	p0 =	sne.s32 s0, $0xD  }
.Ltmp2:
0x192: {  	_ = 	snop;
	(pc) =	sbr.rel @p0 .LBB2_4-.Ltmp2, $2  }
0x193: {  	_ =	sdelay $0x2  }
0x194: {  	s23 =	sadd.s32 $0x1, s23;
	s9 =	sadd.s32 $0x400, s9;
	s8 =	sadd.s32 $0x400, s8  }
0x195: {  	s1 =	rddreg [dreg:$0x1f]  }
0x196: {  	s0 =	simm.s32 $0x0;
	s2 =	simm.s32 $0x66C8;
	s9 =	sld [smem:$0x7F0]  }
0x197: {  	[hbm4b:s1+s0] =	stream.linear.scatter [tilespmem:s2], [sflag:$0x1], $0x400, $0x38;
	[tilespmem:$0x120C8] =	vst v63  }
0x198: {  	s23 =	simm.s32 $0x6AC8;
	s2 =	sld [smem:$0x7F1]  }
0x199: {  	[hbm4b:s9+s0] =	stream.linear.scatter [tilespmem:s23], [sflag:$0x1], $0x400, $0x38;
	[tilespmem:$0x120C8] =	vst v63  }
0x19a: {  	s4 =	simm.s32 $0x6EC8;
	s5 =	sld [smem:$0x7F2]  }
0x19b: {  	[hbm4b:s2+s0] =	stream.linear.scatter [tilespmem:s4], [sflag:$0x1], $0x400, $0x38;
	[tilespmem:$0x120C8] =	vst v63  }
0x19c: {  	s6 =	simm.s32 $0x72C8;
	s7 =	sld [smem:$0x7F3]  }
0x19d: {  	[hbm4b:s5+s0] =	stream.linear.scatter [tilespmem:s6], [sflag:$0x1], $0x400, $0x38;
	[tilespmem:$0x120C8] =	vst v63  }
0x19e: {  	s8 =	simm.s32 $0x76C8;
	s9 =	sld [smem:$0x7F4]  }
0x19f: {  	[hbm4b:s7+s0] =	stream.linear.scatter [tilespmem:s8], [sflag:$0x1], $0x400, $0x38;
	[tilespmem:$0x120C8] =	vst v63  }
0x1a0: {  	s23 =	simm.s32 $0x7AC8;
	s2 =	sld [smem:$0x7F5]  }
0x1a1: {  	[hbm4b:s9+s0] =	stream.linear.scatter [tilespmem:s23], [sflag:$0x1], $0x400, $0x38;
	[tilespmem:$0x120C8] =	vst v63  }
0x1a2: {  	s4 =	simm.s32 $0x7EC8;
	s5 =	sld [smem:$0x7F7]  }
0x1a3: {  	[hbm4b:s2+s0] =	stream.linear.scatter [tilespmem:s4], [sflag:$0x1], $0x400, $0x38;
	[tilespmem:$0x120C8] =	vst v63  }
0x1a4: {  	s6 =	simm.s32 $0x82C8;
	s7 =	sld [smem:$0x7F8]  }
0x1a5: {  	[hbm4b:s5+s0] =	stream.linear.scatter [tilespmem:s6], [sflag:$0x1], $0x400, $0x38;
	[tilespmem:$0x120C8] =	vst v63  }
0x1a6: {  	s8 =	simm.s32 $0x86C8;
	s9 =	sld [smem:$0x7F9]  }
0x1a7: {  	[hbm4b:s7+s0] =	stream.linear.scatter [tilespmem:s8], [sflag:$0x1], $0x400, $0x38;
	[tilespmem:$0x120C8] =	vst v63  }
0x1a8: {  	s23 =	simm.s32 $0x8AC8;
	s2 =	sld [smem:$0x7FA]  }
0x1a9: {  	[hbm4b:s9+s0] =	stream.linear.scatter [tilespmem:s23], [sflag:$0x1], $0x400, $0x38;
	[tilespmem:$0x120C8] =	vst v63  }
0x1aa: {  	s4 =	simm.s32 $0x8EC8;
	s5 =	sld [smem:$0x7FB]  }
0x1ab: {  	[hbm4b:s2+s0] =	stream.linear.scatter [tilespmem:s4], [sflag:$0x1], $0x400, $0x38;
	[tilespmem:$0x120C8] =	vst v63  }
0x1ac: {  	s6 =	simm.s32 $0x92C8;
	s7 =	sld [smem:$0x7FC]  }
0x1ad: {  	[hbm4b:s5+s0] =	stream.linear.scatter [tilespmem:s6], [sflag:$0x1], $0x400, $0x38;
	[tilespmem:$0x120C8] =	vst v63  }
0x1ae: {  	s8 =	simm.s32 $0x96C8  }
0x1af: {  	[hbm4b:s7+s0] =	stream.linear.scatter [tilespmem:s8], [sflag:$0x1], $0x400, $0x38;
	[tilespmem:$0x120C8] =	vst v63  }
0x1b0: {  	s9 =	simm.s32 $0x9AC8  }
0x1b1: {  	[spmem:s10] =	stream.linear.scatter [tilespmem:s9], [sflag:$0x2], $0x2000, $0x38;
	[tilespmem:$0x120C8] =	vst v63  }
0x1b2: {  	_ =	swait.ge [sflag:s25], $0x2000  }
0x1b3: {  	[sflag:s25] =	ssyncset.done $0x0  }
0x1b4: {  	s23 =	simm.s32 $0xBAC8;
	[sflag:s25] =	ssyncadd.s32 $0xFFFFE000  }
0x1b5: {  	[spmem:s11] =	stream.linear.scatter [tilespmem:s23], [sflag:$0x2], $0x2000, $0x38;
	[tilespmem:$0x120C8] =	vst v63  }
0x1b6: {  	_ =	swait.ge [sflag:s25], $0x2000  }
0x1b7: {  	[sflag:s25] =	ssyncset.done $0x0  }
0x1b8: {  	[sflag:s25] =	ssyncadd.s32 $0xFFFFE000  }
0x1b9: {  	[bflag:$0x0] =	sbarrier.arrive $0xFFFF  }
0x1ba: {  	[tilespmem:$0xDAC8] =	vst v0  }
0x1bb: {  	[tilespmem:$0xDCC8] =	vst v0  }
0x1bc: {  	[tilespmem:$0xDB08] =	vst v0  }
0x1bd: {  	[tilespmem:$0xDD08] =	vst v0  }
0x1be: {  	[tilespmem:$0xDB48] =	vst v0  }
0x1bf: {  	[tilespmem:$0xDD48] =	vst v0  }
0x1c0: {  	[tilespmem:$0xDB88] =	vst v0  }
0x1c1: {  	[tilespmem:$0xDD88] =	vst v0  }
0x1c2: {  	[tilespmem:$0xDBC8] =	vst v0  }
0x1c3: {  	[tilespmem:$0xDDC8] =	vst v0  }
0x1c4: {  	[tilespmem:$0xDC08] =	vst v0  }
0x1c5: {  	[tilespmem:$0xDE08] =	vst v0  }
0x1c6: {  	[tilespmem:$0xDC48] =	vst v0  }
0x1c7: {  	[tilespmem:$0xDE48] =	vst v0  }
0x1c8: {  	[tilespmem:$0xDC88] =	vst v0  }
0x1c9: {  	[tilespmem:$0xDE88] =	vst v0  }
0x1ca: {  	[tilespmem:$0xDAD8] =	vst v0  }
0x1cb: {  	[tilespmem:$0xDCD8] =	vst v0  }
0x1cc: {  	[tilespmem:$0xDB18] =	vst v0  }
0x1cd: {  	[tilespmem:$0xDD18] =	vst v0  }
0x1ce: {  	[tilespmem:$0xDB58] =	vst v0  }
0x1cf: {  	[tilespmem:$0xDD58] =	vst v0  }
0x1d0: {  	[tilespmem:$0xDB98] =	vst v0  }
0x1d1: {  	[tilespmem:$0xDD98] =	vst v0  }
0x1d2: {  	[tilespmem:$0xDBD8] =	vst v0  }
0x1d3: {  	[tilespmem:$0xDDD8] =	vst v0  }
0x1d4: {  	[tilespmem:$0xDC18] =	vst v0  }
0x1d5: {  	[tilespmem:$0xDE18] =	vst v0  }
0x1d6: {  	[tilespmem:$0xDC58] =	vst v0  }
0x1d7: {  	[tilespmem:$0xDE58] =	vst v0  }
0x1d8: {  	[tilespmem:$0xDC98] =	vst v0  }
0x1d9: {  	[tilespmem:$0xDE98] =	vst v0  }
0x1da: {  	[tilespmem:$0xDAE8] =	vst v0  }
0x1db: {  	[tilespmem:$0xDCE8] =	vst v0  }
0x1dc: {  	[tilespmem:$0xDB28] =	vst v0  }
0x1dd: {  	[tilespmem:$0xDD28] =	vst v0  }
0x1de: {  	[tilespmem:$0xDB68] =	vst v0  }
0x1df: {  	[tilespmem:$0xDD68] =	vst v0  }
0x1e0: {  	[tilespmem:$0xDBA8] =	vst v0  }
0x1e1: {  	[tilespmem:$0xDDA8] =	vst v0  }
0x1e2: {  	[tilespmem:$0xDBE8] =	vst v0  }
0x1e3: {  	[tilespmem:$0xDDE8] =	vst v0  }
0x1e4: {  	[tilespmem:$0xDC28] =	vst v0  }
0x1e5: {  	[tilespmem:$0xDE28] =	vst v0  }
0x1e6: {  	[tilespmem:$0xDC68] =	vst v0  }
0x1e7: {  	[tilespmem:$0xDE68] =	vst v0  }
0x1e8: {  	[tilespmem:$0xDCA8] =	vst v0  }
0x1e9: {  	[tilespmem:$0xDEA8] =	vst v0  }
0x1ea: {  	[tilespmem:$0xDAF8] =	vst v0  }
0x1eb: {  	[tilespmem:$0xDCF8] =	vst v0  }
0x1ec: {  	[tilespmem:$0xDB38] =	vst v0  }
0x1ed: {  	[tilespmem:$0xDD38] =	vst v0  }
0x1ee: {  	[tilespmem:$0xDB78] =	vst v0  }
0x1ef: {  	[tilespmem:$0xDD78] =	vst v0  }
0x1f0: {  	[tilespmem:$0xDBB8] =	vst v0  }
0x1f1: {  	[tilespmem:$0xDDB8] =	vst v0  }
0x1f2: {  	[tilespmem:$0xDBF8] =	vst v0  }
0x1f3: {  	[tilespmem:$0xDDF8] =	vst v0  }
0x1f4: {  	[tilespmem:$0xDC38] =	vst v0  }
0x1f5: {  	[tilespmem:$0xDE38] =	vst v0  }
0x1f6: {  	[tilespmem:$0xDC78] =	vst v0  }
0x1f7: {  	[tilespmem:$0xDE78] =	vst v0  }
0x1f8: {  	[tilespmem:$0xDCB8] =	vst v0  }
0x1f9: {  	[tilespmem:$0xDEB8] =	vst v0  }
.LBB2_8:
0x1fa: {  	s1 =	sshra.s32 s0, $0x2  }
0x1fb: {  	s2 =	sadd.s32 s1, s13  }
0x1fc: {  	[tilespmem:s30], [sflag:$0x2] =	stream.strided.gather [spmem:s2], $0x200, s29, s26, $0x38;
	[tilespmem:$0x120C8] =	vst v63  }
0x1fd: {  	_ =	swait.ge [sflag:s25], $0x200  }
0x1fe: {  	[sflag:s25] =	ssyncset.done $0x0  }
0x1ff: {  	[sflag:s25] =	ssyncadd.s32 $0xFFFFFE00  }
0x200: {  	v1 =	vld [tilespmem:$0xDAC8]  }
0x201: {  	v2 =	vld [tilespmem:$0xDEC8]  }
0x202: {  	v3 =	vld [tilespmem:$0xDAD8]  }
0x203: {  	v4 =	vld [tilespmem:$0xDED8]  }
0x204: {  	v5 =	vld [tilespmem:$0xDAE8]  }
0x205: {  	v6 =	vld [tilespmem:$0xDEE8]  }
0x206: {  	v7 =	vld [tilespmem:$0xDAF8]  }
0x207: {  	v8 =	vld [tilespmem:$0xDEF8]  }
0x208: {  	v9 =	vld [tilespmem:$0xDB08]  }
0x209: {  	v10 =	vld [tilespmem:$0xDF08]  }
0x20a: {  	v11 =	vld [tilespmem:$0xDB18]  }
0x20b: {  	v12 =	vld [tilespmem:$0xDF18]  }
0x20c: {  	v13 =	vld [tilespmem:$0xDB28]  }
0x20d: {  	v14 =	vld [tilespmem:$0xDF28]  }
0x20e: {  	v15 =	vld [tilespmem:$0xDB38]  }
0x20f: {  	v16 =	vld [tilespmem:$0xDF38]  }
0x210: {  	v17 =	vld [tilespmem:$0xDB48]  }
0x211: {  	v18 =	vld [tilespmem:$0xDF48]  }
0x212: {  	v19 =	vld [tilespmem:$0xDB58]  }
0x213: {  	v20 =	vld [tilespmem:$0xDF58]  }
0x214: {  	v21 =	vld [tilespmem:$0xDB68]  }
0x215: {  	v22 =	vld [tilespmem:$0xDF68]  }
0x216: {  	v23 =	vld [tilespmem:$0xDB78]  }
0x217: {  	v24 =	vld [tilespmem:$0xDF78]  }
0x218: {  	v25 =	vld [tilespmem:$0xDB88]  }
0x219: {  	v26 =	vld [tilespmem:$0xDF88]  }
0x21a: {  	v27 =	vld [tilespmem:$0xDB98]  }
0x21b: {  	v28 =	vld [tilespmem:$0xDF98]  }
0x21c: {  	v29 =	vld [tilespmem:$0xDBA8]  }
0x21d: {  	v30 =	vld [tilespmem:$0xDFA8]  }
0x21e: {  	v31 =	vld [tilespmem:$0xDBB8]  }
0x21f: {  	v32 =	vld [tilespmem:$0xDFB8]  }
0x220: {  	v33 =	vld [tilespmem:$0xDBC8]  }
0x221: {  	v34 =	vld [tilespmem:$0xDFC8]  }
0x222: {  	v35 =	vld [tilespmem:$0xDBD8]  }
0x223: {  	v36 =	vld [tilespmem:$0xDFD8]  }
0x224: {  	v37 =	vld [tilespmem:$0xDBE8]  }
0x225: {  	v54 =	vld [tilespmem:$0xDBF8];
	v1 =	vadd.f32 v2, v1  }
0x226: {  	v55 =	vld [tilespmem:$0xDFF8];
	v3 =	vadd.f32 v4, v3  }
0x227: {  	v56 =	vld [tilespmem:$0xDC08];
	[tilespmem:$0xDAC8] =	vst v1;
	v1 =	vadd.f32 v6, v5  }
0x228: {  	v57 =	vld [tilespmem:$0xE008];
	[tilespmem:$0xDAD8] =	vst v3;
	v3 =	vadd.f32 v8, v7  }
0x229: {  	v58 =	vld [tilespmem:$0xDC18];
	[tilespmem:$0xDAE8] =	vst v1;
	v1 =	vadd.f32 v10, v9  }
0x22a: {  	v59 =	vld [tilespmem:$0xE018];
	[tilespmem:$0xDAF8] =	vst v3;
	v3 =	vadd.f32 v12, v11  }
0x22b: {  	v60 =	vld [tilespmem:$0xDC28];
	[tilespmem:$0xDB08] =	vst v1;
	v1 =	vadd.f32 v14, v13  }
0x22c: {  	v61 =	vld [tilespmem:$0xE028];
	[tilespmem:$0xDB18] =	vst v3;
	v3 =	vadd.f32 v16, v15  }
0x22d: {  	v62 =	vld [tilespmem:$0xDC38];
	[tilespmem:$0xDB28] =	vst v1;
	v1 =	vadd.f32 v18, v17  }
0x22e: {  	v63 =	vld [tilespmem:$0xE038];
	[tilespmem:$0xDB38] =	vst v3;
	v3 =	vadd.f32 v20, v19  }
0x22f: {  	v38 =	vld [tilespmem:$0xDCB8];
	[tilespmem:$0xDB48] =	vst v1;
	v1 =	vadd.f32 v22, v21  }
0x230: {  	v39 =	vld [tilespmem:$0xE0B8];
	[tilespmem:$0xDB58] =	vst v3;
	v3 =	vadd.f32 v24, v23  }
0x231: {  	v2 =	vld [tilespmem:$0xDFE8];
	[tilespmem:$0xDB68] =	vst v1;
	v1 =	vadd.f32 v26, v25  }
0x232: {  	v24 =	vld [tilespmem:$0xDC48];
	[tilespmem:$0xDB78] =	vst v3;
	v3 =	vadd.f32 v28, v27  }
0x233: {  	v26 =	vld [tilespmem:$0xE048];
	[tilespmem:$0xDB88] =	vst v1;
	v1 =	vadd.f32 v30, v29  }
0x234: {  	v27 =	vld [tilespmem:$0xDC58];
	[tilespmem:$0xDB98] =	vst v3;
	v3 =	vadd.f32 v32, v31  }
0x235: {  	v28 =	vld [tilespmem:$0xE058];
	[tilespmem:$0xDBA8] =	vst v1;
	v1 =	vadd.f32 v34, v33  }
0x236: {  	v29 =	vld [tilespmem:$0xDC68];
	[tilespmem:$0xDBB8] =	vst v3;
	v3 =	vadd.f32 v36, v35  }
0x237: {  	v31 =	vld [tilespmem:$0xDC78];
	[tilespmem:$0xDBC8] =	vst v1;
	v1 =	vadd.f32 v2, v37  }
0x238: {  	v2 =	vld [tilespmem:$0xE078];
	[tilespmem:$0xDBD8] =	vst v3;
	v3 =	vadd.f32 v55, v54  }
0x239: {  	v30 =	vld [tilespmem:$0xE068];
	[tilespmem:$0xDBE8] =	vst v1;
	v1 =	vadd.f32 v57, v56  }
0x23a: {  	v32 =	vld [tilespmem:$0xDC88];
	[tilespmem:$0xDBF8] =	vst v3;
	v3 =	vadd.f32 v59, v58  }
0x23b: {  	v34 =	vld [tilespmem:$0xDC98];
	[tilespmem:$0xDC08] =	vst v1;
	v1 =	vadd.f32 v61, v60  }
0x23c: {  	v35 =	vld [tilespmem:$0xE098];
	[tilespmem:$0xDC18] =	vst v3;
	v3 =	vadd.f32 v63, v62  }
0x23d: {  	v33 =	vld [tilespmem:$0xE088];
	v2 =	vadd.f32 v2, v31;
	[tilespmem:$0xDC28] =	vst v1  }
0x23e: {  	v36 =	vld [tilespmem:$0xDCA8];
	v1 =	vadd.f32 v26, v24;
	[tilespmem:$0xDC38] =	vst v3  }
0x23f: {  	v37 =	vld [tilespmem:$0xE0A8];
	v3 =	vadd.f32 v28, v27;
	[tilespmem:$0xDC78] =	vst v2  }
0x240: {  	[tilespmem:$0xDC48] =	vst v1;
	v1 =	vadd.f32 v30, v29  }
0x241: {  	v2 =	vadd.f32 v35, v34;
	[tilespmem:$0xDC58] =	vst v3  }
0x242: {  	[tilespmem:$0xDC68] =	vst v1;
	v1 =	vadd.f32 v33, v32  }
0x243: {  	[tilespmem:$0xDC98] =	vst v2;
	v2 =	vadd.f32 v39, v38  }
0x244: {  	[tilespmem:$0xDC88] =	vst v1;
	v1 =	vadd.f32 v37, v36  }
0x245: {  	[tilespmem:$0xDCB8] =	vst v2  }
0x246: {  	s1 =	sadd.s32 s1, s12;
	[tilespmem:$0xDCA8] =	vst v1  }
0x247: {  	[tilespmem:s30], [sflag:$0x2] =	stream.strided.gather [spmem:s1], $0x200, s29, s26, $0x38;
	[tilespmem:$0x120C8] =	vst v63  }
0x248: {  	_ =	swait.ge [sflag:s25], $0x200  }
0x249: {  	[sflag:s25] =	ssyncset.done $0x0  }
0x24a: {  	[sflag:s25] =	ssyncadd.s32 $0xFFFFFE00  }
0x24b: {  	v1 =	vld [tilespmem:$0xDCC8]  }
0x24c: {  	v2 =	vld [tilespmem:$0xDEC8]  }
0x24d: {  	v3 =	vld [tilespmem:$0xDCD8]  }
0x24e: {  	v4 =	vld [tilespmem:$0xDED8]  }
0x24f: {  	v5 =	vld [tilespmem:$0xDCE8]  }
0x250: {  	v40 =	vld [tilespmem:$0xDEE8]  }
0x251: {  	v7 =	vld [tilespmem:$0xDCF8]  }
0x252: {  	v41 =	vld [tilespmem:$0xDEF8]  }
0x253: {  	v9 =	vld [tilespmem:$0xDD08]  }
0x254: {  	v42 =	vld [tilespmem:$0xDF08]  }
0x255: {  	v11 =	vld [tilespmem:$0xDD18]  }
0x256: {  	v43 =	vld [tilespmem:$0xDF18]  }
0x257: {  	v13 =	vld [tilespmem:$0xDD28]  }
0x258: {  	v44 =	vld [tilespmem:$0xDF28]  }
0x259: {  	v15 =	vld [tilespmem:$0xDD38]  }
0x25a: {  	v45 =	vld [tilespmem:$0xDF38]  }
0x25b: {  	v17 =	vld [tilespmem:$0xDD48]  }
0x25c: {  	v46 =	vld [tilespmem:$0xDF48]  }
0x25d: {  	v19 =	vld [tilespmem:$0xDD58]  }
0x25e: {  	v47 =	vld [tilespmem:$0xDF58]  }
0x25f: {  	v21 =	vld [tilespmem:$0xDD68]  }
0x260: {  	v48 =	vld [tilespmem:$0xDF68]  }
0x261: {  	v49 =	vld [tilespmem:$0xDD78]  }
0x262: {  	v50 =	vld [tilespmem:$0xDF78]  }
0x263: {  	v51 =	vld [tilespmem:$0xDD88]  }
0x264: {  	v52 =	vld [tilespmem:$0xDF88]  }
0x265: {  	v53 =	vld [tilespmem:$0xDD98]  }
0x266: {  	v54 =	vld [tilespmem:$0xDF98]  }
0x267: {  	v55 =	vld [tilespmem:$0xDDA8]  }
0x268: {  	v56 =	vld [tilespmem:$0xDFA8]  }
0x269: {  	v57 =	vld [tilespmem:$0xDDB8]  }
0x26a: {  	v58 =	vld [tilespmem:$0xDFB8]  }
0x26b: {  	v59 =	vld [tilespmem:$0xDDC8]  }
0x26c: {  	v60 =	vld [tilespmem:$0xDFC8]  }
0x26d: {  	v61 =	vld [tilespmem:$0xDDD8]  }
0x26e: {  	v62 =	vld [tilespmem:$0xDFD8]  }
0x26f: {  	v63 =	vld [tilespmem:$0xDDE8]  }
0x270: {  	v39 =	vld [tilespmem:$0xDDF8];
	v1 =	vadd.f32 v2, v1  }
0x271: {  	v2 =	vld [tilespmem:$0xDFE8];
	v3 =	vadd.f32 v4, v3  }
0x272: {  	[tilespmem:$0xDCC8] =	vst v1;
	v1 =	vadd.f32 v40, v5;
	v40 =	vld [tilespmem:$0xDFF8]  }
0x273: {  	[tilespmem:$0xDCD8] =	vst v3;
	v3 =	vadd.f32 v41, v7;
	v41 =	vld [tilespmem:$0xDE08]  }
0x274: {  	[tilespmem:$0xDCE8] =	vst v1;
	v1 =	vadd.f32 v42, v9;
	v42 =	vld [tilespmem:$0xE008]  }
0x275: {  	[tilespmem:$0xDCF8] =	vst v3;
	v3 =	vadd.f32 v43, v11;
	v43 =	vld [tilespmem:$0xDE18]  }
0x276: {  	[tilespmem:$0xDD08] =	vst v1;
	v1 =	vadd.f32 v44, v13;
	v44 =	vld [tilespmem:$0xE018]  }
0x277: {  	[tilespmem:$0xDD18] =	vst v3;
	v3 =	vadd.f32 v45, v15;
	v45 =	vld [tilespmem:$0xDE28]  }
0x278: {  	[tilespmem:$0xDD28] =	vst v1;
	v1 =	vadd.f32 v46, v17;
	v46 =	vld [tilespmem:$0xE028]  }
0x279: {  	[tilespmem:$0xDD38] =	vst v3;
	v3 =	vadd.f32 v47, v19;
	v47 =	vld [tilespmem:$0xDE38]  }
0x27a: {  	[tilespmem:$0xDD48] =	vst v1;
	v1 =	vadd.f32 v48, v21;
	v48 =	vld [tilespmem:$0xE038]  }
0x27b: {  	[tilespmem:$0xDD58] =	vst v3;
	v3 =	vadd.f32 v50, v49;
	v49 =	vld [tilespmem:$0xDE48]  }
0x27c: {  	v50 =	vld [tilespmem:$0xE048];
	[tilespmem:$0xDD68] =	vst v1;
	v1 =	vadd.f32 v52, v51  }
0x27d: {  	[tilespmem:$0xDD78] =	vst v3;
	v3 =	vadd.f32 v54, v53;
	v51 =	vld [tilespmem:$0xDE58]  }
0x27e: {  	v52 =	vld [tilespmem:$0xE058];
	[tilespmem:$0xDD88] =	vst v1;
	v1 =	vadd.f32 v56, v55  }
0x27f: {  	v53 =	vld [tilespmem:$0xDE68];
	[tilespmem:$0xDD98] =	vst v3;
	v3 =	vadd.f32 v58, v57  }
0x280: {  	v54 =	vld [tilespmem:$0xE068];
	[tilespmem:$0xDDA8] =	vst v1;
	v1 =	vadd.f32 v60, v59  }
0x281: {  	v55 =	vld [tilespmem:$0xDE78];
	[tilespmem:$0xDDB8] =	vst v3;
	v3 =	vadd.f32 v62, v61  }
0x282: {  	v56 =	vld [tilespmem:$0xDE88];
	[tilespmem:$0xDDC8] =	vst v1;
	v1 =	vadd.f32 v2, v63  }
0x283: {  	v2 =	vld [tilespmem:$0xE078];
	[tilespmem:$0xDDD8] =	vst v3;
	v3 =	vadd.f32 v40, v39  }
0x284: {  	v57 =	vld [tilespmem:$0xE088];
	[tilespmem:$0xDDE8] =	vst v1;
	v1 =	vadd.f32 v42, v41  }
0x285: {  	v58 =	vld [tilespmem:$0xDE98];
	[tilespmem:$0xDDF8] =	vst v3;
	v3 =	vadd.f32 v44, v43  }
0x286: {  	v59 =	vld [tilespmem:$0xE098];
	[tilespmem:$0xDE08] =	vst v1;
	v1 =	vadd.f32 v46, v45  }
0x287: {  	v60 =	vld [tilespmem:$0xDEA8];
	[tilespmem:$0xDE18] =	vst v3;
	v3 =	vadd.f32 v48, v47  }
0x288: {  	v62 =	vld [tilespmem:$0xDEB8];
	v2 =	vadd.f32 v2, v55;
	[tilespmem:$0xDE28] =	vst v1  }
0x289: {  	v63 =	vld [tilespmem:$0xE0B8];
	v1 =	vadd.f32 v50, v49;
	[tilespmem:$0xDE38] =	vst v3  }
0x28a: {  	v61 =	vld [tilespmem:$0xE0A8];
	v3 =	vadd.f32 v52, v51;
	[tilespmem:$0xDE78] =	vst v2  }
0x28b: {  	[tilespmem:$0xDE48] =	vst v1;
	v1 =	vadd.f32 v54, v53  }
0x28c: {  	p0 =	sne.s32 s0, $0x78000;
	v2 =	vadd.f32 v59, v58;
	[tilespmem:$0xDE58] =	vst v3  }
.Ltmp3:
0x28d: {  	[tilespmem:$0xDE68] =	vst v1;
	v1 =	vadd.f32 v57, v56;
	(pc) =	sbr.rel @p0 .LBB2_8-.Ltmp3, $4  }
0x28e: {  	[tilespmem:$0xDE98] =	vst v2;
	v2 =	vadd.f32 v63, v62  }
0x28f: {  	[tilespmem:$0xDE88] =	vst v1;
	v1 =	vadd.f32 v61, v60  }
0x290: {  	[tilespmem:$0xDEB8] =	vst v2  }
0x291: {  	s0 =	sadd.s32 $0x8000, s0;
	[tilespmem:$0xDEA8] =	vst v1  }
0x292: {  	v1 =	vld [tilespmem:$0xDAC8]  }
0x293: {  	v2 =	vld [tilespmem:$0xDCC8]  }
0x294: {  	v3 =	vld [tilespmem:$0xDAD8]  }
0x295: {  	v4 =	vld [tilespmem:$0xDCD8]  }
0x296: {  	v5 =	vld [tilespmem:$0xDAE8]  }
0x297: {  	v6 =	vld [tilespmem:$0xDCE8]  }
0x298: {  	v7 =	vld [tilespmem:$0xDAF8]  }
0x299: {  	v8 =	vld [tilespmem:$0xDCF8]  }
0x29a: {  	v9 =	vld [tilespmem:$0xDB08]  }
0x29b: {  	v10 =	vld [tilespmem:$0xDD08]  }
0x29c: {  	v11 =	vld [tilespmem:$0xDB18]  }
0x29d: {  	v12 =	vld [tilespmem:$0xDD18]  }
0x29e: {  	v13 =	vld [tilespmem:$0xDB28]  }
0x29f: {  	v14 =	vld [tilespmem:$0xDD28]  }
0x2a0: {  	v15 =	vld [tilespmem:$0xDB38]  }
0x2a1: {  	v16 =	vld [tilespmem:$0xDD38]  }
0x2a2: {  	v17 =	vld [tilespmem:$0xDB48]  }
0x2a3: {  	v18 =	vld [tilespmem:$0xDD48]  }
0x2a4: {  	v19 =	vld [tilespmem:$0xDB58]  }
0x2a5: {  	v20 =	vld [tilespmem:$0xDD58]  }
0x2a6: {  	v21 =	vld [tilespmem:$0xDB68]  }
0x2a7: {  	v22 =	vld [tilespmem:$0xDD68]  }
0x2a8: {  	v23 =	vld [tilespmem:$0xDB78]  }
0x2a9: {  	v24 =	vld [tilespmem:$0xDD78]  }
0x2aa: {  	v25 =	vld [tilespmem:$0xDB88]  }
0x2ab: {  	v26 =	vld [tilespmem:$0xDD88]  }
0x2ac: {  	v27 =	vld [tilespmem:$0xDB98]  }
0x2ad: {  	v28 =	vld [tilespmem:$0xDD98]  }
0x2ae: {  	v29 =	vld [tilespmem:$0xDBA8]  }
0x2af: {  	v30 =	vld [tilespmem:$0xDDA8]  }
0x2b0: {  	v31 =	vld [tilespmem:$0xDBB8]  }
0x2b1: {  	v32 =	vld [tilespmem:$0xDDB8]  }
0x2b2: {  	v33 =	vld [tilespmem:$0xDBC8]  }
0x2b3: {  	v34 =	vld [tilespmem:$0xDDC8]  }
0x2b4: {  	v35 =	vld [tilespmem:$0xDBD8]  }
0x2b5: {  	v36 =	vld [tilespmem:$0xDDD8];
	v1 =	vmul.f32 v1, v1  }
0x2b6: {  	v37 =	vld [tilespmem:$0xDBE8];
	v3 =	vmul.f32 v3, v3  }
0x2b7: {  	v49 =	vld [tilespmem:$0xDDE8];
	v1 =	vsub.f32 v1, v2;
	v2 =	vmul.f32 v5, v5  }
0x2b8: {  	v51 =	vld [tilespmem:$0xDBF8];
	v50 =	vmul.f32 v7, v7;
	v3 =	vsub.f32 v3, v4  }
0x2b9: {  	v52 =	vld [tilespmem:$0xDDF8];
	[tilespmem:$0xDEC8] =	vst v1;
	v1 =	vsub.f32 v2, v6;
	v2 =	vmul.f32 v9, v9  }
0x2ba: {  	v54 =	vld [tilespmem:$0xDC08];
	v53 =	vmul.f32 v11, v11;
	[tilespmem:$0xDED8] =	vst v3;
	v3 =	vsub.f32 v50, v8  }
0x2bb: {  	v55 =	vld [tilespmem:$0xDE08];
	[tilespmem:$0xDEE8] =	vst v1;
	v1 =	vsub.f32 v2, v10;
	v2 =	vmul.f32 v13, v13  }
0x2bc: {  	v57 =	vld [tilespmem:$0xDC18];
	v56 =	vmul.f32 v15, v15;
	[tilespmem:$0xDEF8] =	vst v3;
	v3 =	vsub.f32 v53, v12  }
0x2bd: {  	v58 =	vld [tilespmem:$0xDE18];
	[tilespmem:$0xDF08] =	vst v1;
	v1 =	vsub.f32 v2, v14;
	v2 =	vmul.f32 v17, v17  }
0x2be: {  	v60 =	vld [tilespmem:$0xDC28];
	v59 =	vmul.f32 v19, v19;
	[tilespmem:$0xDF18] =	vst v3;
	v3 =	vsub.f32 v56, v16  }
0x2bf: {  	v61 =	vld [tilespmem:$0xDE28];
	[tilespmem:$0xDF28] =	vst v1;
	v1 =	vsub.f32 v2, v18;
	v2 =	vmul.f32 v21, v21  }
0x2c0: {  	v63 =	vld [tilespmem:$0xDC38];
	v62 =	vmul.f32 v23, v23;
	[tilespmem:$0xDF38] =	vst v3;
	v3 =	vsub.f32 v59, v20  }
0x2c1: {  	v39 =	vld [tilespmem:$0xDC48];
	[tilespmem:$0xDF48] =	vst v1;
	v1 =	vsub.f32 v2, v22;
	v2 =	vmul.f32 v25, v25  }
0x2c2: {  	v40 =	vld [tilespmem:$0xDE48];
	v38 =	vmul.f32 v27, v27;
	[tilespmem:$0xDF58] =	vst v3;
	v3 =	vsub.f32 v62, v24  }
0x2c3: {  	v42 =	vld [tilespmem:$0xDC58];
	[tilespmem:$0xDF68] =	vst v1;
	v1 =	vsub.f32 v2, v26;
	v2 =	vmul.f32 v29, v29  }
0x2c4: {  	v43 =	vld [tilespmem:$0xDE58];
	v41 =	vmul.f32 v31, v31;
	[tilespmem:$0xDF78] =	vst v3;
	v3 =	vsub.f32 v38, v28  }
0x2c5: {  	v45 =	vld [tilespmem:$0xDC68];
	[tilespmem:$0xDF88] =	vst v1;
	v1 =	vsub.f32 v2, v30;
	v2 =	vmul.f32 v33, v33  }
0x2c6: {  	v46 =	vld [tilespmem:$0xDE68];
	v44 =	vmul.f32 v35, v35;
	[tilespmem:$0xDF98] =	vst v3;
	v3 =	vsub.f32 v41, v32  }
0x2c7: {  	v48 =	vld [tilespmem:$0xDC78];
	[tilespmem:$0xDFA8] =	vst v1;
	v1 =	vsub.f32 v2, v34;
	v2 =	vmul.f32 v37, v37  }
0x2c8: {  	v47 =	vmul.f32 v51, v51;
	v51 =	vld [tilespmem:$0xDC88];
	[tilespmem:$0xDFB8] =	vst v3;
	v3 =	vsub.f32 v44, v36  }
0x2c9: {  	v25 =	vld [tilespmem:$0xDE38];
	[tilespmem:$0xDFC8] =	vst v1;
	v1 =	vsub.f32 v2, v49;
	v2 =	vmul.f32 v54, v54  }
0x2ca: {  	v50 =	vmul.f32 v57, v57;
	v57 =	vld [tilespmem:$0xDCA8];
	[tilespmem:$0xDFD8] =	vst v3;
	v3 =	vsub.f32 v47, v52  }
0x2cb: {  	v49 =	vld [tilespmem:$0xDE78];
	[tilespmem:$0xDFE8] =	vst v1;
	v1 =	vsub.f32 v2, v55;
	v2 =	vmul.f32 v60, v60  }
0x2cc: {  	v53 =	vmul.f32 v63, v63;
	v52 =	vld [tilespmem:$0xDE88];
	[tilespmem:$0xDFF8] =	vst v3;
	v3 =	vsub.f32 v50, v58  }
0x2cd: {  	v54 =	vld [tilespmem:$0xDC98];
	[tilespmem:$0xE008] =	vst v1;
	v1 =	vsub.f32 v2, v61;
	v2 =	vmul.f32 v39, v39  }
0x2ce: {  	v56 =	vmul.f32 v42, v42;
	v55 =	vld [tilespmem:$0xDE98];
	[tilespmem:$0xE018] =	vst v3;
	v3 =	vsub.f32 v53, v25  }
0x2cf: {  	v58 =	vld [tilespmem:$0xDCB8];
	[tilespmem:$0xE028] =	vst v1;
	v1 =	vsub.f32 v2, v40;
	v2 =	vmul.f32 v45, v45  }
0x2d0: {  	v59 =	vmul.f32 v48, v48;
	v60 =	vld [tilespmem:$0xDEA8];
	[tilespmem:$0xE038] =	vst v3;
	v3 =	vsub.f32 v56, v43  }
0x2d1: {  	v61 =	vld [tilespmem:$0xDEB8];
	[tilespmem:$0xE048] =	vst v1;
	v1 =	vsub.f32 v2, v46;
	v2 =	vmul.f32 v51, v51  }
0x2d2: {  	v62 =	vmul.f32 v54, v54;
	[tilespmem:$0xE058] =	vst v3;
	v3 =	vsub.f32 v59, v49  }
0x2d3: {  	[tilespmem:$0xE068] =	vst v1;
	v1 =	vsub.f32 v2, v52;
	v2 =	vmul.f32 v57, v57  }
0x2d4: {  	v63 =	vmul.f32 v58, v58;
	[tilespmem:$0xE078] =	vst v3;
	v3 =	vsub.f32 v62, v55  }
0x2d5: {  	[tilespmem:$0xE088] =	vst v1;
	v1 =	vsub.f32 v2, v60  }
0x2d6: {  	[tilespmem:$0xE098] =	vst v3;
	v2 =	vsub.f32 v63, v61  }
0x2d7: {  	[tilespmem:$0xE0A8] =	vst v1  }
0x2d8: {  	[tilespmem:$0xE0B8] =	vst v2  }
0x2d9: {  	[hbm4b:s14+s28] =	stream.linear.scatter [tilespmem:s30], [sflag:$0x2], $0x40, $0x38;
	[tilespmem:$0x120C8] =	vst v63  }
0x2da: {  	_ =	swait.ge [sflag:s25], $0x40  }
0x2db: {  	[sflag:s25] =	ssyncset.done $0x0  }
0x2dc: {  	s0 =	simm.s32 $0xDF08;
	[sflag:s25] =	ssyncadd.s32 $0xFFFFFFC0  }
0x2dd: {  	[hbm4b:s15+s28] =	stream.linear.scatter [tilespmem:s0], [sflag:$0x2], $0x40, $0x38;
	[tilespmem:$0x120C8] =	vst v63  }
0x2de: {  	_ =	swait.ge [sflag:s25], $0x40  }
0x2df: {  	[sflag:s25] =	ssyncset.done $0x0  }
0x2e0: {  	s5 =	simm.s32 $0xDF48;
	[sflag:s25] =	ssyncadd.s32 $0xFFFFFFC0  }
0x2e1: {  	[hbm4b:s16+s28] =	stream.linear.scatter [tilespmem:s5], [sflag:$0x2], $0x40, $0x38;
	[tilespmem:$0x120C8] =	vst v63  }
0x2e2: {  	_ =	swait.ge [sflag:s25], $0x40  }
0x2e3: {  	[sflag:s25] =	ssyncset.done $0x0  }
0x2e4: {  	s6 =	simm.s32 $0xDF88;
	[sflag:s25] =	ssyncadd.s32 $0xFFFFFFC0  }
0x2e5: {  	[hbm4b:s17+s28] =	stream.linear.scatter [tilespmem:s6], [sflag:$0x2], $0x40, $0x38;
	[tilespmem:$0x120C8] =	vst v63  }
0x2e6: {  	_ =	swait.ge [sflag:s25], $0x40  }
0x2e7: {  	[sflag:s25] =	ssyncset.done $0x0  }
0x2e8: {  	s7 =	simm.s32 $0xDFC8;
	[sflag:s25] =	ssyncadd.s32 $0xFFFFFFC0  }
0x2e9: {  	[hbm4b:s18+s28] =	stream.linear.scatter [tilespmem:s7], [sflag:$0x2], $0x40, $0x38;
	[tilespmem:$0x120C8] =	vst v63  }
0x2ea: {  	_ =	swait.ge [sflag:s25], $0x40  }
0x2eb: {  	[sflag:s25] =	ssyncset.done $0x0  }
0x2ec: {  	s8 =	simm.s32 $0xE008;
	[sflag:s25] =	ssyncadd.s32 $0xFFFFFFC0  }
0x2ed: {  	[hbm4b:s19+s28] =	stream.linear.scatter [tilespmem:s8], [sflag:$0x2], $0x40, $0x38;
	[tilespmem:$0x120C8] =	vst v63  }
0x2ee: {  	_ =	swait.ge [sflag:s25], $0x40  }
0x2ef: {  	[sflag:s25] =	ssyncset.done $0x0  }
0x2f0: {  	s9 =	simm.s32 $0xE048;
	[sflag:s25] =	ssyncadd.s32 $0xFFFFFFC0  }
0x2f1: {  	[hbm4b:s20+s28] =	stream.linear.scatter [tilespmem:s9], [sflag:$0x2], $0x40, $0x38;
	[tilespmem:$0x120C8] =	vst v63  }
0x2f2: {  	_ =	swait.ge [sflag:s25], $0x40  }
0x2f3: {  	[sflag:s25] =	ssyncset.done $0x0  }
0x2f4: {  	s23 =	simm.s32 $0xE088;
	[sflag:s25] =	ssyncadd.s32 $0xFFFFFFC0  }
0x2f5: {  	[hbm4b:s21+s28] =	stream.linear.scatter [tilespmem:s23], [sflag:$0x2], $0x40, $0x38;
	[tilespmem:$0x120C8] =	vst v63  }
0x2f6: {  	_ =	swait.ge [sflag:s25], $0x40  }
0x2f7: {  	[sflag:s25] =	ssyncset.done $0x0  }
0x2f8: {  	[sflag:s25] =	ssyncadd.s32 $0xFFFFFFC0  }
0x2f9: {  	_ =	swait.ge [sflag:s24], $0x400  }
0x2fa: {  	[sflag:s24] =	ssyncset.done $0x0  }
0x2fb: {  	[sflag:s24] =	ssyncadd.s32 $0xFFFFFC00  }
0x2fc: {  	_ =	swait.ge [sflag:s24], $0x400  }
0x2fd: {  	[sflag:s24] =	ssyncset.done $0x0  }
0x2fe: {  	[sflag:s24] =	ssyncadd.s32 $0xFFFFFC00  }
0x2ff: {  	_ =	swait.ge [sflag:s24], $0x400  }
0x300: {  	[sflag:s24] =	ssyncset.done $0x0  }
0x301: {  	[sflag:s24] =	ssyncadd.s32 $0xFFFFFC00  }
0x302: {  	_ =	swait.ge [sflag:s24], $0x400  }
0x303: {  	[sflag:s24] =	ssyncset.done $0x0  }
0x304: {  	[sflag:s24] =	ssyncadd.s32 $0xFFFFFC00  }
0x305: {  	_ =	swait.ge [sflag:s24], $0x400  }
0x306: {  	[sflag:s24] =	ssyncset.done $0x0  }
0x307: {  	[sflag:s24] =	ssyncadd.s32 $0xFFFFFC00  }
0x308: {  	_ =	swait.ge [sflag:s24], $0x400  }
0x309: {  	[sflag:s24] =	ssyncset.done $0x0  }
0x30a: {  	[sflag:s24] =	ssyncadd.s32 $0xFFFFFC00  }
0x30b: {  	_ =	swait.ge [sflag:s24], $0x400  }
0x30c: {  	[sflag:s24] =	ssyncset.done $0x0  }
0x30d: {  	[sflag:s24] =	ssyncadd.s32 $0xFFFFFC00  }
0x30e: {  	_ =	swait.ge [sflag:s24], $0x400  }
0x30f: {  	[sflag:s24] =	ssyncset.done $0x0  }
0x310: {  	[sflag:s24] =	ssyncadd.s32 $0xFFFFFC00  }
0x311: {  	_ =	swait.ge [sflag:s24], $0x400  }
0x312: {  	[sflag:s24] =	ssyncset.done $0x0  }
0x313: {  	[sflag:s24] =	ssyncadd.s32 $0xFFFFFC00  }
0x314: {  	_ =	swait.ge [sflag:s24], $0x400  }
0x315: {  	[sflag:s24] =	ssyncset.done $0x0  }
0x316: {  	[sflag:s24] =	ssyncadd.s32 $0xFFFFFC00  }
0x317: {  	_ =	swait.ge [sflag:s24], $0x400  }
0x318: {  	[sflag:s24] =	ssyncset.done $0x0  }
0x319: {  	s31 =	sadd.s32 $0x1, s31;
	[sflag:s24] =	ssyncadd.s32 $0xFFFFFC00  }
0x31a: {  	p0 =	sne.s32 s31, s22;
	_ =	swait.ge [sflag:s24], $0x400  }
.Ltmp4:
0x31b: {  	[sflag:s24] =	ssyncset.done $0x0;
	(pc) =	sbr.rel @p0 .LBB2_1-.Ltmp4, $4  }
0x31c: {  	[sflag:s24] =	ssyncadd.s32 $0xFFFFFC00  }
0x31d: {  	_ =	swait.ge [sflag:s24], $0x400  }
0x31e: {  	[sflag:s24] =	ssyncset.done $0x0  }
0x31f: {  	[sflag:s24] =	ssyncadd.s32 $0xFFFFFC00  }
0x320: {  	_ =	sfence.sel $0x180000  }
0x321: {  	[bflag:$0x0] =	sbarrier.arrive $0xFFFF  }
0x322: {  	_ =	strace $0x90000047  }
0x323: {  	s0 =	stileid.u32;
	[bflag:$0x2] =	sbarrier.arrive $0xFFFF  }
0x324: {  	p0 =	sne.s32 s0, $0x0;
	s0 =	rddreg [dreg:$0x4]  }
0x325: {  	s0 =	sadd.s32 @!p0 $0x100000, s0  }
0x326: {  	[sflag:s0] =	ssyncadd.tile.s32 @!p0 $0x1;
	_ =	shalt  }
.Lfunc_end2:
_tile_overlayer_lowered:
.L_overlay_start_2:
0x327: {  	(tag) =	ssettag $0x2  }
0x328: {  	s0 =	rddreg [dreg:$0x0];
	s2 =	stileid.u32  }
0x329: {  	s1 =	rddreg [dreg:$0x1];
	p0 =	sne.s32 s2, $0x0  }
0x32a: {  	s3 =	rddreg [dreg:$0x2];
	[bflag:$0x3] =	sbarrier.arrive $0xFFFF;
	s2 =	simm.s32 @!p0 $0x1C02  }
0x32b: {  	[timem:s3], [sflag:s2] =	dma.local @!p0 [hbm:s0], s1  }
0x32c: {  	s0 =	simm.s32 @!p0 $0x2  }
0x32d: {  	_ =	swait.ge @!p0 [sflag:s0], s1  }
0x32e: {  	s1 =	ssub.s32 @!p0 $0x0, s1;
	[sflag:s0] =	ssyncset.done @!p0 $0x0  }
0x32f: {  	[sflag:s0] =	ssyncadd.s32 @!p0 s1  }
0x330: {  	[bflag:$0x3] =	sbarrier.arrive $0xFFFF  }
0x331: {  	_ =	shalt  }

</sc_bundles>
